<compile_context>
chip_gen: v7x
topology: tpu7x:2x2x1
jax: 0.10.2.dev20260603
libtpu: 0.0.44.dev20260713+nightly
codegen_flags: <defaults>
</compile_context>

<pallas_src>
import functools

import jax
import jax.numpy as jnp
import numpy as np
from jax import lax
from jax.experimental import pallas as pl
from jax.experimental.pallas import tpu as pltpu
from jax.experimental.pallas import tpu_sc as plsc

_N = 10000
_E = 320000
_D = 128
_DE = 16
_H = 128
_NTILES = 32
_CH = 64
_NCH = 156
_NCHT = _E // _CH
_RPT = 632
_NP = 16 * _RPT
_BN = 632

_LOW = np.concatenate([32 * g + np.arange(16) for g in range(4)])
_HIGH = _LOW + 16
_PERM2 = np.concatenate([_LOW, _HIGH])



def _pack_bf16_pairs(v):
    lo = lax.bitcast_convert_type(v[:, :64].astype(jnp.bfloat16),
                                  jnp.uint16).astype(jnp.uint32)
    hi = lax.bitcast_convert_type(v[:, 64:].astype(jnp.bfloat16),
                                  jnp.uint16).astype(jnp.uint32)
    return lo | (hi << 16)


def _node_proj_body(x_ref, wq_ref, bq_ref, wk_ref, bk_ref, qk_ref):
    x = x_ref[...]
    dn = (((1,), (1,)), ((), ()))
    eq = lax.dot_general(x, wq_ref[...], dn,
                         preferred_element_type=jnp.float32) + bq_ref[...]
    ek = lax.dot_general(x, wk_ref[...], dn,
                         preferred_element_type=jnp.float32) + bk_ref[...]
    qk_ref[...] = jnp.concatenate(
        [_pack_bf16_pairs(eq), _pack_bf16_pairs(ek)], axis=1)


def _node_proj(x, wq, bq2, wk, bk2):
    return pl.pallas_call(
        _node_proj_body,
        grid=(pl.cdiv(_N, _BN),),
        in_specs=[
            pl.BlockSpec((_BN, _D), lambda i: (i, 0)),
            pl.BlockSpec((_H, _D), lambda i: (0, 0)),
            pl.BlockSpec((1, _H), lambda i: (0, 0)),
            pl.BlockSpec((_H, _D), lambda i: (0, 0)),
            pl.BlockSpec((1, _H), lambda i: (0, 0)),
        ],
        out_specs=pl.BlockSpec((_BN, _H), lambda i: (i, 0)),
        out_shape=jax.ShapeDtypeStruct((_N, _H), jnp.uint32),
    )(x, wq, bq2, wk, bk2)


def _edge_proj_body(ef_ref, wb_ref, bb_ref, e_ref):
    e = lax.dot_general(
        ef_ref[...], wb_ref[...], (((1,), (0,)), ((), ())),
        preferred_element_type=jnp.float32) + bb_ref[...]
    parts = [_pack_bf16_pairs(e[:, j * _H:(j + 1) * _H]) for j in range(8)]
    e_ref[...] = jnp.concatenate(parts, axis=1)


def _edge_proj(efr, wbig, bbig):
    blk = 400
    return pl.pallas_call(
        _edge_proj_body,
        grid=(_E // 8 // blk,),
        in_specs=[
            pl.BlockSpec((blk, 8 * _DE), lambda i: (i, 0)),
            pl.BlockSpec((8 * _DE, 8 * _H), lambda i: (0, 0)),
            pl.BlockSpec((1, 8 * _H), lambda i: (0, 0)),
        ],
        out_specs=pl.BlockSpec((blk, 4 * _H), lambda i: (i, 0)),
        out_shape=jax.ShapeDtypeStruct((_E // 8, 4 * _H), jnp.uint32),
    )(efr, wbig, bbig)


def _out_proj_body(a_ref, b_ref, wr_ref, br_ref, o_ref):
    acc = a_ref[...] + b_ref[...]
    o_ref[...] = lax.dot_general(
        acc, wr_ref[...], (((1,), (1,)), ((), ())),
        preferred_element_type=jnp.float32) + br_ref[...]


def _out_proj(ftp, wr, br2):
    nb = _NP // _BN
    return pl.pallas_call(
        _out_proj_body,
        grid=(nb,),
        in_specs=[
            pl.BlockSpec((_BN, _H), lambda i: (i, 0)),
            pl.BlockSpec((_BN, _H), lambda i, nb=nb: (i + nb, 0)),
            pl.BlockSpec((_H, _H), lambda i: (0, 0)),
            pl.BlockSpec((1, _H), lambda i: (0, 0)),
        ],
        out_specs=pl.BlockSpec((_BN, _H), lambda i: (i, 0)),
        out_shape=jax.ShapeDtypeStruct((_NP, _H), jnp.float32),
    )(ftp, ftp, wr, br2)



def _sc_edge_body(qk_hbm, e_hbm, ei_hbm, out_hbm,
                  a0, b0, is0, id0,
                  a1, b1, is1, id1,
                  eb, m, sd, ft_sh,
                  sem_ix0, sem_ld0, sem_ix1, sem_ld1, sem_e, sem_sc):
    c = lax.axis_index("c")
    s = lax.axis_index("s")
    wid = c * 16 + s
    sets = (
        dict(a=a0, b=b0, isrc=is0, idst=id0,
             sem_ix=sem_ix0, sem_ld=sem_ld0),
        dict(a=a1, b=b1, isrc=is1, idst=id1,
             sem_ix=sem_ix1, sem_ld=sem_ld1),
    )

    def _zero_row(r, carry):
        for j in range(8):
            m[r, pl.ds(j * 16, 16)] = jnp.zeros((16,), jnp.float32)
        return carry

    lax.fori_loop(0, _CH, _zero_row, 0)
    for t in range(9):
        pltpu.sync_copy(m, ft_sh.at[pl.ds(s * _RPT + t * _CH, _CH)])
    pltpu.sync_copy(m.at[pl.ds(0, _RPT - 9 * _CH)],
                    ft_sh.at[pl.ds(s * _RPT + 9 * _CH, _RPT - 9 * _CH)])
    plsc.subcore_barrier()

    def _issue_idx(g, S):
        pltpu.async_copy(ei_hbm.at[0, pl.ds(g * _CH, _CH)], S["isrc"],
                         S["sem_ix"])
        pltpu.async_copy(ei_hbm.at[1, pl.ds(g * _CH, _CH)], S["idst"],
                         S["sem_ix"])

    def _wait_idx(g, S):
        pltpu.make_async_copy(ei_hbm.at[0, pl.ds(g * _CH, _CH)], S["isrc"],
                              S["sem_ix"]).wait()
        pltpu.make_async_copy(ei_hbm.at[1, pl.ds(g * _CH, _CH)], S["idst"],
                              S["sem_ix"]).wait()

    def _issue_e(g):
        pltpu.async_copy(e_hbm.at[pl.ds(g * 8, _CH // 8)], eb, sem_e)

    def _wait_e(g):
        pltpu.make_async_copy(e_hbm.at[pl.ds(g * 8, _CH // 8)], eb,
                              sem_e).wait()

    def _issue_loads(g, S):
        pltpu.async_copy(qk_hbm.at[S["idst"]], S["a"], S["sem_ld"])
        pltpu.async_copy(qk_hbm.at[S["isrc"]], S["b"], S["sem_ld"])

    def _wait_loads(g, S):
        pltpu.make_async_copy(qk_hbm.at[S["idst"]], S["a"],
                              S["sem_ld"]).wait()
        pltpu.make_async_copy(qk_hbm.at[S["isrc"]], S["b"],
                              S["sem_ld"]).wait()

    _MASK = jnp.uint32(0xFFFF0000)

    def _decode(w):
        return (lax.bitcast_convert_type(w << 16, jnp.float32),
                lax.bitcast_convert_type(w & _MASK, jnp.float32))

    def _compute(S):
        @plsc.parallel_loop(0, _CH, step=1, unroll=4)
        def _row(r):
            rr = r >> 3
            rc = (r & 7) * 64
            for g in range(4):
                qa, qb = _decode(S["a"][r, pl.ds(g * 16, 16)])
                ka, kb = _decode(S["b"][r, pl.ds(64 + g * 16, 16)])
                ea, e2 = _decode(eb[rr, pl.ds(rc + g * 16, 16)])
                m[r, pl.ds(g * 32, 16)] = jnp.maximum(qa + ka + ea, 0.0)
                m[r, pl.ds(g * 32 + 16, 16)] = jnp.maximum(
                    qb + kb + e2, 0.0)

    def _copy_sd(S):
        for off in range(0, _CH, 16):
            sd[pl.ds(off, 16)] = S["idst"][pl.ds(off, 16)]

    def _process(ci, S, T):
        g = wid * _NCH + ci
        _wait_loads(g, S)
        _wait_e(g)

        @pl.when(ci + 2 < _NCH)
        def _():
            _issue_idx(g + 2, S)

        @pl.when(ci + 1 < _NCH)
        def _():
            _wait_idx(g + 1, T)
            _issue_loads(g + 1, T)

        _copy_sd(S)
        _compute(S)

        @pl.when(ci + 1 < _NCH)
        def _():
            _issue_e(g + 1)

        pltpu.sync_copy(m, ft_sh.at[sd], add=True)

    _issue_idx(wid * _NCH, sets[0])
    _issue_idx(wid * _NCH + 1, sets[1])
    _wait_idx(wid * _NCH, sets[0])
    _issue_loads(wid * _NCH, sets[0])
    _issue_e(wid * _NCH)

    def _pair(i2, carry):
        c0 = i2 * 2
        _process(c0, sets[0], sets[1])
        _process(c0 + 1, sets[1], sets[0])
        return carry

    lax.fori_loop(0, _NCH // 2, _pair, 0)

    @pl.when(wid < _NCHT - _NTILES * _NCH)
    def _():
        g = _NTILES * _NCH + wid
        S = sets[0]
        _issue_idx(g, S)
        _wait_idx(g, S)
        _issue_loads(g, S)
        _issue_e(g)
        _wait_loads(g, S)
        _wait_e(g)
        _copy_sd(S)
        _compute(S)
        pltpu.sync_copy(m, ft_sh.at[sd], add=True)

    plsc.subcore_barrier()
    pltpu.sync_copy(ft_sh.at[pl.ds(s * _RPT, _RPT)],
                    out_hbm.at[pl.ds(c * _NP + s * _RPT, _RPT)])


@functools.lru_cache(maxsize=1)
def _sc_edge_kernel():
    buf = lambda: pltpu.VMEM((_CH, _H), jnp.uint32)
    idx = lambda: pltpu.VMEM((_CH,), jnp.int32)
    return functools.partial(
        pl.kernel,
        out_type=jax.ShapeDtypeStruct((2 * _NP, _H), jnp.float32),
        mesh=plsc.VectorSubcoreMesh(core_axis_name="c", subcore_axis_name="s",
                                    num_cores=2, num_subcores=16),
        scratch_types=[
            buf(), buf(), idx(), idx(),
            buf(), buf(), idx(), idx(),
            pltpu.VMEM((_CH // 8, 4 * _H), jnp.uint32),
            pltpu.VMEM((_CH, _H), jnp.float32),
            pltpu.VMEM((_CH,), jnp.int32),
            pltpu.VMEM_SHARED((_NP, _H), jnp.float32),
            pltpu.SemaphoreType.DMA,
            pltpu.SemaphoreType.DMA,
            pltpu.SemaphoreType.DMA,
            pltpu.SemaphoreType.DMA,
            pltpu.SemaphoreType.DMA,
            pltpu.SemaphoreType.DMA,
        ],
    )(_sc_edge_body)



def kernel(nfeat, edge_index, efeat, Wq, bq, Wk, bk, We, be, Wr, br):
    perm = jnp.asarray(_PERM2)
    efr = efeat.reshape(_E // 8, 8 * _DE)
    wbig = jax.scipy.linalg.block_diag(*([We[perm].T] * 8))
    bbig = jnp.tile(be[perm], 8).reshape(1, 8 * _H)
    qk = _node_proj(nfeat, Wq[perm], bq[perm].reshape(1, _H),
                    Wk[perm], bk[perm].reshape(1, _H))
    e = _edge_proj(efr, wbig, bbig)
    ftp = _sc_edge_kernel()(qk, e, edge_index)
    rst = _out_proj(ftp, Wr, br.reshape(1, _H))
    return rst[:_N]

# --- scband reference (transcript-rebuilt; emitter-appended) ---
"""Pipeline reference for scband-sireconv-2645699854682 (READ-ONLY COPY).

The authoritative reference and input builder live on the scoring server;
editing this copy changes nothing except your own understanding.
"""

import jax, jax.numpy as jnp
import numpy as np

N = 10000
E = 320000
D = 128   # input_dim
DE = 16   # edge_dim
H = 128   # hidden_dim
O = 128   # output_dim


def setup_inputs(seed: int = 0) -> dict:
    key = jax.random.key(seed)
    ks = jax.random.split(key, 12)
    nfeat = jax.random.normal(ks[0], (N, D), dtype=jnp.float32)
    edge_index = jax.random.randint(ks[1], (2, E), 0, N, dtype=jnp.int32)
    efeat = jax.random.normal(ks[2], (E, DE), dtype=jnp.float32)
    s = 0.05
    Wq = jax.random.normal(ks[3], (H, D), dtype=jnp.float32) * s
    bq = jnp.zeros((H,), dtype=jnp.float32)
    Wk = jax.random.normal(ks[4], (H, D), dtype=jnp.float32) * s
    bk = jnp.zeros((H,), dtype=jnp.float32)
    We = jax.random.normal(ks[5], (H, DE), dtype=jnp.float32) * s
    be = jnp.zeros((H,), dtype=jnp.float32)
    Wr = jax.random.normal(ks[6], (O, H), dtype=jnp.float32) * s
    br = jnp.zeros((O,), dtype=jnp.float32)
    return {"nfeat": nfeat, "edge_index": edge_index, "efeat": efeat,
            "Wq": Wq, "bq": bq, "Wk": Wk, "bk": bk,
            "We": We, "be": be, "Wr": Wr, "br": br}


def reference(nfeat, edge_index, efeat, Wq, bq, Wk, bk, We, be, Wr, br):
    # SIREConv, agg_type='sum', dropout=0 (identity at inference), activation=relu.
    # norm is all-ones for 'sum', so it is omitted (multiplying by 1).
    src = edge_index[0]
    dst = edge_index[1]
    eq = nfeat @ Wq.T + bq          # [N, H] query proj (dst side)
    ek = nfeat @ Wk.T + bk          # [N, H] key proj (src side)
    e = efeat @ We.T + be           # [E, H] edge proj
    m = jax.nn.relu(eq[dst] + ek[src] + e)   # [E, H] messages (gather)
    ft = jax.ops.segment_sum(m, dst, num_segments=N)  # [N, H] scatter-add
    rst = ft @ Wr.T + br            # [N, O] relation proj applied post-aggregation
    return rst

if __name__ == "__main__":
    import jax
    _d = setup_inputs()
    print(jax.jit(kernel)(*tuple(_d.values())))

</pallas_src>

<mosaic_0001>
#map = affine_map<(d0, d1) -> (0, 0)>
module attributes {stable_mosaic.version = 14 : i64} {
  func.func @_sc_edge_body(%arg0: i32, %arg1: i32, %arg2: memref<10000x128xi32, #tpu.memory_space<hbm>>, %arg3: memref<40000x512xi32, #tpu.memory_space<hbm>>, %arg4: memref<2x320000xi32, #tpu.memory_space<hbm>>, %arg5: memref<20224x128xf32, #tpu.memory_space<hbm>>, %arg6: memref<64x128xi32, #tpu.memory_space<vmem>>, %arg7: memref<64x128xi32, #tpu.memory_space<vmem>>, %arg8: memref<64xi32, #tpu.memory_space<vmem>>, %arg9: memref<64xi32, #tpu.memory_space<vmem>>, %arg10: memref<64x128xi32, #tpu.memory_space<vmem>>, %arg11: memref<64x128xi32, #tpu.memory_space<vmem>>, %arg12: memref<64xi32, #tpu.memory_space<vmem>>, %arg13: memref<64xi32, #tpu.memory_space<vmem>>, %arg14: memref<8x512xi32, #tpu.memory_space<vmem>>, %arg15: memref<64x128xf32, #tpu.memory_space<vmem>>, %arg16: memref<64xi32, #tpu.memory_space<vmem>>, %arg17: memref<10112x128xf32, #tpu.memory_space<vmem_shared>>, %arg18: memref<!tpu.dma_semaphore, #tpu.memory_space<semaphore_mem>>, %arg19: memref<!tpu.dma_semaphore, #tpu.memory_space<semaphore_mem>>, %arg20: memref<!tpu.dma_semaphore, #tpu.memory_space<semaphore_mem>>, %arg21: memref<!tpu.dma_semaphore, #tpu.memory_space<semaphore_mem>>, %arg22: memref<!tpu.dma_semaphore, #tpu.memory_space<semaphore_mem>>, %arg23: memref<!tpu.dma_semaphore, #tpu.memory_space<semaphore_mem>>) attributes {dimension_semantics = [#tpu.dimension_semantics<core_parallel>, #tpu.dimension_semantics<subcore_parallel>], iteration_bounds = array<i64: 2, 16>, scalar_prefetch = 0 : i64, scratch_operands = 18 : i64, tpu.core_type = #tpu.core_type<sc_vector_subcore>, window_params = [{transform_indices = #map}, {transform_indices = #map}, {transform_indices = #map}, {transform_indices = #map}]} {
    %mul3A = arith.constant 16 : i32
    %mul3A_0 = arith.muli %arg0, %mul3A : i32
    %add3A = arith.addi %mul3A_0, %arg1 : i32
    %scan3A = arith.constant 0 : i32
    %scan3A_1 = arith.constant 0 : i32
    %scan3A_2 = arith.constant 64 : i32
    %scan3A_3 = arith.addi %scan3A_1, %scan3A_2 : i32
    %scan3A_4 = arith.constant 1 : i32
    scf.for %scan3A_128 = %scan3A_1 to %scan3A_3 step %scan3A_4  : i32 {
      %broadcast_in_dim3A = arith.constant 0.000000e+00 : f32
      %broadcast_in_dim3A_129 = vector.broadcast %broadcast_in_dim3A : f32 to vector<16xf32>
      %swap3A = arith.index_cast %scan3A_128 : i32 to index
      %swap3A_130 = arith.constant 0 : index
      %swap3A_131 = tpu.vector_load %arg15[%swap3A, %swap3A_130] {strides = array<i32>} : memref<64x128xf32, #tpu.memory_space<vmem>>, vector<1x16xf32>,
      %swap3A_132 = vector.shape_cast %swap3A_131 : vector<1x16xf32> to vector<16xf32>
      %swap3A_133 = vector.shape_cast %broadcast_in_dim3A_129 : vector<16xf32> to vector<1x16xf32>
      tpu.vector_store %arg15[%swap3A, %swap3A_130], %swap3A_133 {strides = array<i32>} : memref<64x128xf32, #tpu.memory_space<vmem>>, vector<1x16xf32>,
      %broadcast_in_dim3A_134 = arith.constant 0.000000e+00 : f32
      %broadcast_in_dim3A_135 = vector.broadcast %broadcast_in_dim3A_134 : f32 to vector<16xf32>
      %swap3A_136 = arith.index_cast %scan3A_128 : i32 to index
      %swap3A_137 = arith.constant 16 : index
      %swap3A_138 = tpu.vector_load %arg15[%swap3A_136, %swap3A_137] {strides = array<i32>} : memref<64x128xf32, #tpu.memory_space<vmem>>, vector<1x16xf32>,
      %swap3A_139 = vector.shape_cast %swap3A_138 : vector<1x16xf32> to vector<16xf32>
      %swap3A_140 = vector.shape_cast %broadcast_in_dim3A_135 : vector<16xf32> to vector<1x16xf32>
      tpu.vector_store %arg15[%swap3A_136, %swap3A_137], %swap3A_140 {strides = array<i32>} : memref<64x128xf32, #tpu.memory_space<vmem>>, vector<1x16xf32>,
      %broadcast_in_dim3A_141 = arith.constant 0.000000e+00 : f32
      %broadcast_in_dim3A_142 = vector.broadcast %broadcast_in_dim3A_141 : f32 to vector<16xf32>
      %swap3A_143 = arith.index_cast %scan3A_128 : i32 to index
      %swap3A_144 = arith.constant 32 : index
      %swap3A_145 = tpu.vector_load %arg15[%swap3A_143, %swap3A_144] {strides = array<i32>} : memref<64x128xf32, #tpu.memory_space<vmem>>, vector<1x16xf32>,
      %swap3A_146 = vector.shape_cast %swap3A_145 : vector<1x16xf32> to vector<16xf32>
      %swap3A_147 = vector.shape_cast %broadcast_in_dim3A_142 : vector<16xf32> to vector<1x16xf32>
      tpu.vector_store %arg15[%swap3A_143, %swap3A_144], %swap3A_147 {strides = array<i32>} : memref<64x128xf32, #tpu.memory_space<vmem>>, vector<1x16xf32>,
      %broadcast_in_dim3A_148 = arith.constant 0.000000e+00 : f32
      %broadcast_in_dim3A_149 = vector.broadcast %broadcast_in_dim3A_148 : f32 to vector<16xf32>
      %swap3A_150 = arith.index_cast %scan3A_128 : i32 to index
      %swap3A_151 = arith.constant 48 : index
      %swap3A_152 = tpu.vector_load %arg15[%swap3A_150, %swap3A_151] {strides = array<i32>} : memref<64x128xf32, #tpu.memory_space<vmem>>, vector<1x16xf32>,
      %swap3A_153 = vector.shape_cast %swap3A_152 : vector<1x16xf32> to vector<16xf32>
      %swap3A_154 = vector.shape_cast %broadcast_in_dim3A_149 : vector<16xf32> to vector<1x16xf32>
      tpu.vector_store %arg15[%swap3A_150, %swap3A_151], %swap3A_154 {strides = array<i32>} : memref<64x128xf32, #tpu.memory_space<vmem>>, vector<1x16xf32>,
      %broadcast_in_dim3A_155 = arith.constant 0.000000e+00 : f32
      %broadcast_in_dim3A_156 = vector.broadcast %broadcast_in_dim3A_155 : f32 to vector<16xf32>
      %swap3A_157 = arith.index_cast %scan3A_128 : i32 to index
      %swap3A_158 = arith.constant 64 : index
      %swap3A_159 = tpu.vector_load %arg15[%swap3A_157, %swap3A_158] {strides = array<i32>} : memref<64x128xf32, #tpu.memory_space<vmem>>, vector<1x16xf32>,
      %swap3A_160 = vector.shape_cast %swap3A_159 : vector<1x16xf32> to vector<16xf32>
      %swap3A_161 = vector.shape_cast %broadcast_in_dim3A_156 : vector<16xf32> to vector<1x16xf32>
      tpu.vector_store %arg15[%swap3A_157, %swap3A_158], %swap3A_161 {strides = array<i32>} : memref<64x128xf32, #tpu.memory_space<vmem>>, vector<1x16xf32>,
      %broadcast_in_dim3A_162 = arith.constant 0.000000e+00 : f32
      %broadcast_in_dim3A_163 = vector.broadcast %broadcast_in_dim3A_162 : f32 to vector<16xf32>
      %swap3A_164 = arith.index_cast %scan3A_128 : i32 to index
      %swap3A_165 = arith.constant 80 : index
      %swap3A_166 = tpu.vector_load %arg15[%swap3A_164, %swap3A_165] {strides = array<i32>} : memref<64x128xf32, #tpu.memory_space<vmem>>, vector<1x16xf32>,
      %swap3A_167 = vector.shape_cast %swap3A_166 : vector<1x16xf32> to vector<16xf32>
      %swap3A_168 = vector.shape_cast %broadcast_in_dim3A_163 : vector<16xf32> to vector<1x16xf32>
      tpu.vector_store %arg15[%swap3A_164, %swap3A_165], %swap3A_168 {strides = array<i32>} : memref<64x128xf32, #tpu.memory_space<vmem>>, vector<1x16xf32>,
      %broadcast_in_dim3A_169 = arith.constant 0.000000e+00 : f32
      %broadcast_in_dim3A_170 = vector.broadcast %broadcast_in_dim3A_169 : f32 to vector<16xf32>
      %swap3A_171 = arith.index_cast %scan3A_128 : i32 to index
      %swap3A_172 = arith.constant 96 : index
      %swap3A_173 = tpu.vector_load %arg15[%swap3A_171, %swap3A_172] {strides = array<i32>} : memref<64x128xf32, #tpu.memory_space<vmem>>, vector<1x16xf32>,
      %swap3A_174 = vector.shape_cast %swap3A_173 : vector<1x16xf32> to vector<16xf32>
      %swap3A_175 = vector.shape_cast %broadcast_in_dim3A_170 : vector<16xf32> to vector<1x16xf32>
      tpu.vector_store %arg15[%swap3A_171, %swap3A_172], %swap3A_175 {strides = array<i32>} : memref<64x128xf32, #tpu.memory_space<vmem>>, vector<1x16xf32>,
      %broadcast_in_dim3A_176 = arith.constant 0.000000e+00 : f32
      %broadcast_in_dim3A_177 = vector.broadcast %broadcast_in_dim3A_176 : f32 to vector<16xf32>
      %swap3A_178 = arith.index_cast %scan3A_128 : i32 to index
      %swap3A_179 = arith.constant 112 : index
      %swap3A_180 = tpu.vector_load %arg15[%swap3A_178, %swap3A_179] {strides = array<i32>} : memref<64x128xf32, #tpu.memory_space<vmem>>, vector<1x16xf32>,
      %swap3A_181 = vector.shape_cast %swap3A_180 : vector<1x16xf32> to vector<16xf32>
      %swap3A_182 = vector.shape_cast %broadcast_in_dim3A_177 : vector<16xf32> to vector<1x16xf32>
      tpu.vector_store %arg15[%swap3A_178, %swap3A_179], %swap3A_182 {strides = array<i32>} : memref<64x128xf32, #tpu.memory_space<vmem>>, vector<1x16xf32>,
    }
    %scan3A_5 = arith.constant 64 : i32
    %mul3A_6 = arith.constant 632 : i32
    %mul3A_7 = arith.muli %arg1, %mul3A_6 : i32
    %add3A_8 = arith.constant 0 : i32
    %add3A_9 = arith.addi %mul3A_7, %add3A_8 : i32
    "tpu.region"() ({
      %run_scoped3A = tpu.sem_alloc : memref<!tpu.dma_semaphore, #tpu.memory_space<semaphore_mem>>
      %dma_start3A_128 = arith.constant 0 : i32
      %dma_start3A_129 = tpu.memref_slice %arg17[%add3A_9, %dma_start3A_128] : memref<10112x128xf32, #tpu.memory_space<vmem_shared>> -> memref<64x128xf32, #tpu.memory_space<vmem_shared>>
      %dma_start3A_130 = arith.constant 0 : i32
      %dma_start3A_131 = tpu.memref_slice %arg17[%add3A_9, %dma_start3A_130] : memref<10112x128xf32, #tpu.memory_space<vmem_shared>> -> memref<64x128xf32, #tpu.memory_space<vmem_shared>>
      tpu.enqueue_dma source(%arg15 : memref<64x128xf32, #tpu.memory_space<vmem>>) target(%dma_start3A_131 : memref<64x128xf32, #tpu.memory_space<vmem_shared>>) target_semaphore(%run_scoped3A : memref<!tpu.dma_semaphore, #tpu.memory_space<semaphore_mem>>)
      %dma_wait3A_132 = arith.constant 0 : i32
      %dma_wait3A_133 = tpu.memref_slice %arg17[%add3A_9, %dma_wait3A_132] : memref<10112x128xf32, #tpu.memory_space<vmem_shared>> -> memref<64x128xf32, #tpu.memory_space<vmem_shared>>
      %dma_wait3A_134 = arith.constant 0 : i32
      %dma_wait3A_135 = tpu.memref_slice %arg17[%add3A_9, %dma_wait3A_134] : memref<10112x128xf32, #tpu.memory_space<vmem_shared>> -> memref<64x128xf32, #tpu.memory_space<vmem_shared>>
      tpu.wait_dma2 semaphore(%run_scoped3A : memref<!tpu.dma_semaphore, #tpu.memory_space<semaphore_mem>>) src(%arg15 : memref<64x128xf32, #tpu.memory_space<vmem>>) dst(%dma_wait3A_135 : memref<64x128xf32, #tpu.memory_space<vmem_shared>>)
      tpu.yield
    }) : () -> ()
    %mul3A_10 = arith.constant 632 : i32
    %mul3A_11 = arith.muli %arg1, %mul3A_10 : i32
    %add3A_12 = arith.constant 64 : i32
    %add3A_13 = arith.addi %mul3A_11, %add3A_12 : i32
    "tpu.region"() ({
      %run_scoped3A = tpu.sem_alloc : memref<!tpu.dma_semaphore, #tpu.memory_space<semaphore_mem>>
      %dma_start3A_128 = arith.constant 0 : i32
      %dma_start3A_129 = tpu.memref_slice %arg17[%add3A_13, %dma_start3A_128] : memref<10112x128xf32, #tpu.memory_space<vmem_shared>> -> memref<64x128xf32, #tpu.memory_space<vmem_shared>>
      %dma_start3A_130 = arith.constant 0 : i32
      %dma_start3A_131 = tpu.memref_slice %arg17[%add3A_13, %dma_start3A_130] : memref<10112x128xf32, #tpu.memory_space<vmem_shared>> -> memref<64x128xf32, #tpu.memory_space<vmem_shared>>
      tpu.enqueue_dma source(%arg15 : memref<64x128xf32, #tpu.memory_space<vmem>>) target(%dma_start3A_131 : memref<64x128xf32, #tpu.memory_space<vmem_shared>>) target_semaphore(%run_scoped3A : memref<!tpu.dma_semaphore, #tpu.memory_space<semaphore_mem>>)
      %dma_wait3A_132 = arith.constant 0 : i32
      %dma_wait3A_133 = tpu.memref_slice %arg17[%add3A_13, %dma_wait3A_132] : memref<10112x128xf32, #tpu.memory_space<vmem_shared>> -> memref<64x128xf32, #tpu.memory_space<vmem_shared>>
      %dma_wait3A_134 = arith.constant 0 : i32
      %dma_wait3A_135 = tpu.memref_slice %arg17[%add3A_13, %dma_wait3A_134] : memref<10112x128xf32, #tpu.memory_space<vmem_shared>> -> memref<64x128xf32, #tpu.memory_space<vmem_shared>>
      tpu.wait_dma2 semaphore(%run_scoped3A : memref<!tpu.dma_semaphore, #tpu.memory_space<semaphore_mem>>) src(%arg15 : memref<64x128xf32, #tpu.memory_space<vmem>>) dst(%dma_wait3A_135 : memref<64x128xf32, #tpu.memory_space<vmem_shared>>)
      tpu.yield
    }) : () -> ()
    %mul3A_14 = arith.constant 632 : i32
    %mul3A_15 = arith.muli %arg1, %mul3A_14 : i32
    %add3A_16 = arith.constant 128 : i32
    %add3A_17 = arith.addi %mul3A_15, %add3A_16 : i32
    "tpu.region"() ({
      %run_scoped3A = tpu.sem_alloc : memref<!tpu.dma_semaphore, #tpu.memory_space<semaphore_mem>>
      %dma_start3A_128 = arith.constant 0 : i32
      %dma_start3A_129 = tpu.memref_slice %arg17[%add3A_17, %dma_start3A_128] : memref<10112x128xf32, #tpu.memory_space<vmem_shared>> -> memref<64x128xf32, #tpu.memory_space<vmem_shared>>
      %dma_start3A_130 = arith.constant 0 : i32
      %dma_start3A_131 = tpu.memref_slice %arg17[%add3A_17, %dma_start3A_130] : memref<10112x128xf32, #tpu.memory_space<vmem_shared>> -> memref<64x128xf32, #tpu.memory_space<vmem_shared>>
      tpu.enqueue_dma source(%arg15 : memref<64x128xf32, #tpu.memory_space<vmem>>) target(%dma_start3A_131 : memref<64x128xf32, #tpu.memory_space<vmem_shared>>) target_semaphore(%run_scoped3A : memref<!tpu.dma_semaphore, #tpu.memory_space<semaphore_mem>>)
      %dma_wait3A_132 = arith.constant 0 : i32
      %dma_wait3A_133 = tpu.memref_slice %arg17[%add3A_17, %dma_wait3A_132] : memref<10112x128xf32, #tpu.memory_space<vmem_shared>> -> memref<64x128xf32, #tpu.memory_space<vmem_shared>>
      %dma_wait3A_134 = arith.constant 0 : i32
      %dma_wait3A_135 = tpu.memref_slice %arg17[%add3A_17, %dma_wait3A_134] : memref<10112x128xf32, #tpu.memory_space<vmem_shared>> -> memref<64x128xf32, #tpu.memory_space<vmem_shared>>
      tpu.wait_dma2 semaphore(%run_scoped3A : memref<!tpu.dma_semaphore, #tpu.memory_space<semaphore_mem>>) src(%arg15 : memref<64x128xf32, #tpu.memory_space<vmem>>) dst(%dma_wait3A_135 : memref<64x128xf32, #tpu.memory_space<vmem_shared>>)
      tpu.yield
    }) : () -> ()
    %mul3A_18 = arith.constant 632 : i32
    %mul3A_19 = arith.muli %arg1, %mul3A_18 : i32
    %add3A_20 = arith.constant 192 : i32
    %add3A_21 = arith.addi %mul3A_19, %add3A_20 : i32
    "tpu.region"() ({
      %run_scoped3A = tpu.sem_alloc : memref<!tpu.dma_semaphore, #tpu.memory_space<semaphore_mem>>
      %dma_start3A_128 = arith.constant 0 : i32
      %dma_start3A_129 = tpu.memref_slice %arg17[%add3A_21, %dma_start3A_128] : memref<10112x128xf32, #tpu.memory_space<vmem_shared>> -> memref<64x128xf32, #tpu.memory_space<vmem_shared>>
      %dma_start3A_130 = arith.constant 0 : i32
      %dma_start3A_131 = tpu.memref_slice %arg17[%add3A_21, %dma_start3A_130] : memref<10112x128xf32, #tpu.memory_space<vmem_shared>> -> memref<64x128xf32, #tpu.memory_space<vmem_shared>>
      tpu.enqueue_dma source(%arg15 : memref<64x128xf32, #tpu.memory_space<vmem>>) target(%dma_start3A_131 : memref<64x128xf32, #tpu.memory_space<vmem_shared>>) target_semaphore(%run_scoped3A : memref<!tpu.dma_semaphore, #tpu.memory_space<semaphore_mem>>)
      %dma_wait3A_132 = arith.constant 0 : i32
      %dma_wait3A_133 = tpu.memref_slice %arg17[%add3A_21, %dma_wait3A_132] : memref<10112x128xf32, #tpu.memory_space<vmem_shared>> -> memref<64x128xf32, #tpu.memory_space<vmem_shared>>
      %dma_wait3A_134 = arith.constant 0 : i32
      %dma_wait3A_135 = tpu.memref_slice %arg17[%add3A_21, %dma_wait3A_134] : memref<10112x128xf32, #tpu.memory_space<vmem_shared>> -> memref<64x128xf32, #tpu.memory_space<vmem_shared>>
      tpu.wait_dma2 semaphore(%run_scoped3A : memref<!tpu.dma_semaphore, #tpu.memory_space<semaphore_mem>>) src(%arg15 : memref<64x128xf32, #tpu.memory_space<vmem>>) dst(%dma_wait3A_135 : memref<64x128xf32, #tpu.memory_space<vmem_shared>>)
      tpu.yield
    }) : () -> ()
    %mul3A_22 = arith.constant 632 : i32
    %mul3A_23 = arith.muli %arg1, %mul3A_22 : i32
    %add3A_24 = arith.constant 256 : i32
    %add3A_25 = arith.addi %mul3A_23, %add3A_24 : i32
    "tpu.region"() ({
      %run_scoped3A = tpu.sem_alloc : memref<!tpu.dma_semaphore, #tpu.memory_space<semaphore_mem>>
      %dma_start3A_128 = arith.constant 0 : i32
      %dma_start3A_129 = tpu.memref_slice %arg17[%add3A_25, %dma_start3A_128] : memref<10112x128xf32, #tpu.memory_space<vmem_shared>> -> memref<64x128xf32, #tpu.memory_space<vmem_shared>>
      %dma_start3A_130 = arith.constant 0 : i32
      %dma_start3A_131 = tpu.memref_slice %arg17[%add3A_25, %dma_start3A_130] : memref<10112x128xf32, #tpu.memory_space<vmem_shared>> -> memref<64x128xf32, #tpu.memory_space<vmem_shared>>
      tpu.enqueue_dma source(%arg15 : memref<64x128xf32, #tpu.memory_space<vmem>>) target(%dma_start3A_131 : memref<64x128xf32, #tpu.memory_space<vmem_shared>>) target_semaphore(%run_scoped3A : memref<!tpu.dma_semaphore, #tpu.memory_space<semaphore_mem>>)
      %dma_wait3A_132 = arith.constant 0 : i32
      %dma_wait3A_133 = tpu.memref_slice %arg17[%add3A_25, %dma_wait3A_132] : memref<10112x128xf32, #tpu.memory_space<vmem_shared>> -> memref<64x128xf32, #tpu.memory_space<vmem_shared>>
      %dma_wait3A_134 = arith.constant 0 : i32
      %dma_wait3A_135 = tpu.memref_slice %arg17[%add3A_25, %dma_wait3A_134] : memref<10112x128xf32, #tpu.memory_space<vmem_shared>> -> memref<64x128xf32, #tpu.memory_space<vmem_shared>>
      tpu.wait_dma2 semaphore(%run_scoped3A : memref<!tpu.dma_semaphore, #tpu.memory_space<semaphore_mem>>) src(%arg15 : memref<64x128xf32, #tpu.memory_space<vmem>>) dst(%dma_wait3A_135 : memref<64x128xf32, #tpu.memory_space<vmem_shared>>)
      tpu.yield
    }) : () -> ()
    %mul3A_26 = arith.constant 632 : i32
    %mul3A_27 = arith.muli %arg1, %mul3A_26 : i32
    %add3A_28 = arith.constant 320 : i32
    %add3A_29 = arith.addi %mul3A_27, %add3A_28 : i32
    "tpu.region"() ({
      %run_scoped3A = tpu.sem_alloc : memref<!tpu.dma_semaphore, #tpu.memory_space<semaphore_mem>>
      %dma_start3A_128 = arith.constant 0 : i32
      %dma_start3A_129 = tpu.memref_slice %arg17[%add3A_29, %dma_start3A_128] : memref<10112x128xf32, #tpu.memory_space<vmem_shared>> -> memref<64x128xf32, #tpu.memory_space<vmem_shared>>
      %dma_start3A_130 = arith.constant 0 : i32
      %dma_start3A_131 = tpu.memref_slice %arg17[%add3A_29, %dma_start3A_130] : memref<10112x128xf32, #tpu.memory_space<vmem_shared>> -> memref<64x128xf32, #tpu.memory_space<vmem_shared>>
      tpu.enqueue_dma source(%arg15 : memref<64x128xf32, #tpu.memory_space<vmem>>) target(%dma_start3A_131 : memref<64x128xf32, #tpu.memory_space<vmem_shared>>) target_semaphore(%run_scoped3A : memref<!tpu.dma_semaphore, #tpu.memory_space<semaphore_mem>>)
      %dma_wait3A_132 = arith.constant 0 : i32
      %dma_wait3A_133 = tpu.memref_slice %arg17[%add3A_29, %dma_wait3A_132] : memref<10112x128xf32, #tpu.memory_space<vmem_shared>> -> memref<64x128xf32, #tpu.memory_space<vmem_shared>>
      %dma_wait3A_134 = arith.constant 0 : i32
      %dma_wait3A_135 = tpu.memref_slice %arg17[%add3A_29, %dma_wait3A_134] : memref<10112x128xf32, #tpu.memory_space<vmem_shared>> -> memref<64x128xf32, #tpu.memory_space<vmem_shared>>
      tpu.wait_dma2 semaphore(%run_scoped3A : memref<!tpu.dma_semaphore, #tpu.memory_space<semaphore_mem>>) src(%arg15 : memref<64x128xf32, #tpu.memory_space<vmem>>) dst(%dma_wait3A_135 : memref<64x128xf32, #tpu.memory_space<vmem_shared>>)
      tpu.yield
    }) : () -> ()
    %mul3A_30 = arith.constant 632 : i32
    %mul3A_31 = arith.muli %arg1, %mul3A_30 : i32
    %add3A_32 = arith.constant 384 : i32
    %add3A_33 = arith.addi %mul3A_31, %add3A_32 : i32
    "tpu.region"() ({
      %run_scoped3A = tpu.sem_alloc : memref<!tpu.dma_semaphore, #tpu.memory_space<semaphore_mem>>
      %dma_start3A_128 = arith.constant 0 : i32
      %dma_start3A_129 = tpu.memref_slice %arg17[%add3A_33, %dma_start3A_128] : memref<10112x128xf32, #tpu.memory_space<vmem_shared>> -> memref<64x128xf32, #tpu.memory_space<vmem_shared>>
      %dma_start3A_130 = arith.constant 0 : i32
      %dma_start3A_131 = tpu.memref_slice %arg17[%add3A_33, %dma_start3A_130] : memref<10112x128xf32, #tpu.memory_space<vmem_shared>> -> memref<64x128xf32, #tpu.memory_space<vmem_shared>>
      tpu.enqueue_dma source(%arg15 : memref<64x128xf32, #tpu.memory_space<vmem>>) target(%dma_start3A_131 : memref<64x128xf32, #tpu.memory_space<vmem_shared>>) target_semaphore(%run_scoped3A : memref<!tpu.dma_semaphore, #tpu.memory_space<semaphore_mem>>)
      %dma_wait3A_132 = arith.constant 0 : i32
      %dma_wait3A_133 = tpu.memref_slice %arg17[%add3A_33, %dma_wait3A_132] : memref<10112x128xf32, #tpu.memory_space<vmem_shared>> -> memref<64x128xf32, #tpu.memory_space<vmem_shared>>
      %dma_wait3A_134 = arith.constant 0 : i32
      %dma_wait3A_135 = tpu.memref_slice %arg17[%add3A_33, %dma_wait3A_134] : memref<10112x128xf32, #tpu.memory_space<vmem_shared>> -> memref<64x128xf32, #tpu.memory_space<vmem_shared>>
      tpu.wait_dma2 semaphore(%run_scoped3A : memref<!tpu.dma_semaphore, #tpu.memory_space<semaphore_mem>>) src(%arg15 : memref<64x128xf32, #tpu.memory_space<vmem>>) dst(%dma_wait3A_135 : memref<64x128xf32, #tpu.memory_space<vmem_shared>>)
      tpu.yield
    }) : () -> ()
    %mul3A_34 = arith.constant 632 : i32
    %mul3A_35 = arith.muli %arg1, %mul3A_34 : i32
    %add3A_36 = arith.constant 448 : i32
    %add3A_37 = arith.addi %mul3A_35, %add3A_36 : i32
    "tpu.region"() ({
      %run_scoped3A = tpu.sem_alloc : memref<!tpu.dma_semaphore, #tpu.memory_space<semaphore_mem>>
      %dma_start3A_128 = arith.constant 0 : i32
      %dma_start3A_129 = tpu.memref_slice %arg17[%add3A_37, %dma_start3A_128] : memref<10112x128xf32, #tpu.memory_space<vmem_shared>> -> memref<64x128xf32, #tpu.memory_space<vmem_shared>>
      %dma_start3A_130 = arith.constant 0 : i32
      %dma_start3A_131 = tpu.memref_slice %arg17[%add3A_37, %dma_start3A_130] : memref<10112x128xf32, #tpu.memory_space<vmem_shared>> -> memref<64x128xf32, #tpu.memory_space<vmem_shared>>
      tpu.enqueue_dma source(%arg15 : memref<64x128xf32, #tpu.memory_space<vmem>>) target(%dma_start3A_131 : memref<64x128xf32, #tpu.memory_space<vmem_shared>>) target_semaphore(%run_scoped3A : memref<!tpu.dma_semaphore, #tpu.memory_space<semaphore_mem>>)
      %dma_wait3A_132 = arith.constant 0 : i32
      %dma_wait3A_133 = tpu.memref_slice %arg17[%add3A_37, %dma_wait3A_132] : memref<10112x128xf32, #tpu.memory_space<vmem_shared>> -> memref<64x128xf32, #tpu.memory_space<vmem_shared>>
      %dma_wait3A_134 = arith.constant 0 : i32
      %dma_wait3A_135 = tpu.memref_slice %arg17[%add3A_37, %dma_wait3A_134] : memref<10112x128xf32, #tpu.memory_space<vmem_shared>> -> memref<64x128xf32, #tpu.memory_space<vmem_shared>>
      tpu.wait_dma2 semaphore(%run_scoped3A : memref<!tpu.dma_semaphore, #tpu.memory_space<semaphore_mem>>) src(%arg15 : memref<64x128xf32, #tpu.memory_space<vmem>>) dst(%dma_wait3A_135 : memref<64x128xf32, #tpu.memory_space<vmem_shared>>)
      tpu.yield
    }) : () -> ()
    %mul3A_38 = arith.constant 632 : i32
    %mul3A_39 = arith.muli %arg1, %mul3A_38 : i32
    %add3A_40 = arith.constant 512 : i32
    %add3A_41 = arith.addi %mul3A_39, %add3A_40 : i32
    "tpu.region"() ({
      %run_scoped3A = tpu.sem_alloc : memref<!tpu.dma_semaphore, #tpu.memory_space<semaphore_mem>>
      %dma_start3A_128 = arith.constant 0 : i32
      %dma_start3A_129 = tpu.memref_slice %arg17[%add3A_41, %dma_start3A_128] : memref<10112x128xf32, #tpu.memory_space<vmem_shared>> -> memref<64x128xf32, #tpu.memory_space<vmem_shared>>
      %dma_start3A_130 = arith.constant 0 : i32
      %dma_start3A_131 = tpu.memref_slice %arg17[%add3A_41, %dma_start3A_130] : memref<10112x128xf32, #tpu.memory_space<vmem_shared>> -> memref<64x128xf32, #tpu.memory_space<vmem_shared>>
      tpu.enqueue_dma source(%arg15 : memref<64x128xf32, #tpu.memory_space<vmem>>) target(%dma_start3A_131 : memref<64x128xf32, #tpu.memory_space<vmem_shared>>) target_semaphore(%run_scoped3A : memref<!tpu.dma_semaphore, #tpu.memory_space<semaphore_mem>>)
      %dma_wait3A_132 = arith.constant 0 : i32
      %dma_wait3A_133 = tpu.memref_slice %arg17[%add3A_41, %dma_wait3A_132] : memref<10112x128xf32, #tpu.memory_space<vmem_shared>> -> memref<64x128xf32, #tpu.memory_space<vmem_shared>>
      %dma_wait3A_134 = arith.constant 0 : i32
      %dma_wait3A_135 = tpu.memref_slice %arg17[%add3A_41, %dma_wait3A_134] : memref<10112x128xf32, #tpu.memory_space<vmem_shared>> -> memref<64x128xf32, #tpu.memory_space<vmem_shared>>
      tpu.wait_dma2 semaphore(%run_scoped3A : memref<!tpu.dma_semaphore, #tpu.memory_space<semaphore_mem>>) src(%arg15 : memref<64x128xf32, #tpu.memory_space<vmem>>) dst(%dma_wait3A_135 : memref<64x128xf32, #tpu.memory_space<vmem_shared>>)
      tpu.yield
    }) : () -> ()
    %mul3A_42 = arith.constant 632 : i32
    %mul3A_43 = arith.muli %arg1, %mul3A_42 : i32
    %add3A_44 = arith.constant 576 : i32
    %add3A_45 = arith.addi %mul3A_43, %add3A_44 : i32
    "tpu.region"() ({
      %run_scoped3A = tpu.sem_alloc : memref<!tpu.dma_semaphore, #tpu.memory_space<semaphore_mem>>
      %dma_start3A_128 = arith.constant 0 : i32
      %dma_start3A_129 = arith.constant 0 : i32
      %dma_start3A_130 = tpu.memref_slice %arg15[%dma_start3A_128, %dma_start3A_129] : memref<64x128xf32, #tpu.memory_space<vmem>> -> memref<56x128xf32, #tpu.memory_space<vmem>>
      %dma_start3A_131 = arith.constant 0 : i32
      %dma_start3A_132 = tpu.memref_slice %arg17[%add3A_45, %dma_start3A_131] : memref<10112x128xf32, #tpu.memory_space<vmem_shared>> -> memref<56x128xf32, #tpu.memory_space<vmem_shared>>
      %dma_start3A_133 = arith.constant 0 : i32
      %dma_start3A_134 = tpu.memref_slice %arg17[%add3A_45, %dma_start3A_133] : memref<10112x128xf32, #tpu.memory_space<vmem_shared>> -> memref<56x128xf32, #tpu.memory_space<vmem_shared>>
      %dma_start3A_135 = arith.constant 0 : i32
      %dma_start3A_136 = arith.constant 0 : i32
      %dma_start3A_137 = tpu.memref_slice %arg15[%dma_start3A_135, %dma_start3A_136] : memref<64x128xf32, #tpu.memory_space<vmem>> -> memref<56x128xf32, #tpu.memory_space<vmem>>
      tpu.enqueue_dma source(%dma_start3A_137 : memref<56x128xf32, #tpu.memory_space<vmem>>) target(%dma_start3A_134 : memref<56x128xf32, #tpu.memory_space<vmem_shared>>) target_semaphore(%run_scoped3A : memref<!tpu.dma_semaphore, #tpu.memory_space<semaphore_mem>>)
      %dma_wait3A_138 = arith.constant 0 : i32
      %dma_wait3A_139 = arith.constant 0 : i32
      %dma_wait3A_140 = tpu.memref_slice %arg15[%dma_wait3A_138, %dma_wait3A_139] : memref<64x128xf32, #tpu.memory_space<vmem>> -> memref<56x128xf32, #tpu.memory_space<vmem>>
      %dma_wait3A_141 = arith.constant 0 : i32
      %dma_wait3A_142 = tpu.memref_slice %arg17[%add3A_45, %dma_wait3A_141] : memref<10112x128xf32, #tpu.memory_space<vmem_shared>> -> memref<56x128xf32, #tpu.memory_space<vmem_shared>>
      %dma_wait3A_143 = arith.constant 0 : i32
      %dma_wait3A_144 = tpu.memref_slice %arg17[%add3A_45, %dma_wait3A_143] : memref<10112x128xf32, #tpu.memory_space<vmem_shared>> -> memref<56x128xf32, #tpu.memory_space<vmem_shared>>
      %dma_wait3A_145 = arith.constant 0 : i32
      %dma_wait3A_146 = arith.constant 0 : i32
      %dma_wait3A_147 = tpu.memref_slice %arg15[%dma_wait3A_145, %dma_wait3A_146] : memref<64x128xf32, #tpu.memory_space<vmem>> -> memref<56x128xf32, #tpu.memory_space<vmem>>
      tpu.wait_dma2 semaphore(%run_scoped3A : memref<!tpu.dma_semaphore, #tpu.memory_space<semaphore_mem>>) src(%dma_wait3A_147 : memref<56x128xf32, #tpu.memory_space<vmem>>) dst(%dma_wait3A_144 : memref<56x128xf32, #tpu.memory_space<vmem_shared>>)
      tpu.yield
    }) : () -> ()
    %barrier3A = arith.constant 0 : index
    tpu.barrier barrier_id(%barrier3A)
    %mul3A_46 = arith.constant 156 : i32
    %mul3A_47 = arith.muli %add3A, %mul3A_46 : i32
    %mul3A_48 = arith.constant 64 : i32
    %mul3A_49 = arith.muli %mul3A_47, %mul3A_48 : i32
    %dma_start3A = arith.constant 0 : i32
    %dma_start3A_50 = tpu.memref_slice %arg4[%dma_start3A, %mul3A_49] : memref<2x320000xi32, #tpu.memory_space<hbm>> -> memref<1x64xi32, #tpu.memory_space<hbm>>
    %dma_start3A_51 = tpu.memref_squeeze %dma_start3A_50 : memref<1x64xi32, #tpu.memory_space<hbm>> -> memref<64xi32, #tpu.memory_space<hbm>>
    %dma_start3A_52 = tpu.memref_slice %arg4[%dma_start3A, %mul3A_49] : memref<2x320000xi32, #tpu.memory_space<hbm>> -> memref<1x64xi32, #tpu.memory_space<hbm>>
    %dma_start3A_53 = tpu.memref_squeeze %dma_start3A_52 : memref<1x64xi32, #tpu.memory_space<hbm>> -> memref<64xi32, #tpu.memory_space<hbm>>
    tpu.enqueue_dma source(%dma_start3A_53 : memref<64xi32, #tpu.memory_space<hbm>>) target(%arg8 : memref<64xi32, #tpu.memory_space<vmem>>) target_semaphore(%arg18 : memref<!tpu.dma_semaphore, #tpu.memory_space<semaphore_mem>>)
    %mul3A_54 = arith.constant 64 : i32
    %mul3A_55 = arith.muli %mul3A_47, %mul3A_54 : i32
    %dma_start3A_56 = arith.constant 1 : i32
    %dma_start3A_57 = tpu.memref_slice %arg4[%dma_start3A_56, %mul3A_55] : memref<2x320000xi32, #tpu.memory_space<hbm>> -> memref<1x64xi32, #tpu.memory_space<hbm>>
    %dma_start3A_58 = tpu.memref_squeeze %dma_start3A_57 : memref<1x64xi32, #tpu.memory_space<hbm>> -> memref<64xi32, #tpu.memory_space<hbm>>
    %dma_start3A_59 = tpu.memref_slice %arg4[%dma_start3A_56, %mul3A_55] : memref<2x320000xi32, #tpu.memory_space<hbm>> -> memref<1x64xi32, #tpu.memory_space<hbm>>
    %dma_start3A_60 = tpu.memref_squeeze %dma_start3A_59 : memref<1x64xi32, #tpu.memory_space<hbm>> -> memref<64xi32, #tpu.memory_space<hbm>>
    tpu.enqueue_dma source(%dma_start3A_60 : memref<64xi32, #tpu.memory_space<hbm>>) target(%arg9 : memref<64xi32, #tpu.memory_space<vmem>>) target_semaphore(%arg18 : memref<!tpu.dma_semaphore, #tpu.memory_space<semaphore_mem>>)
    %mul3A_61 = arith.constant 156 : i32
    %mul3A_62 = arith.muli %add3A, %mul3A_61 : i32
    %add3A_63 = arith.constant 1 : i32
    %add3A_64 = arith.addi %mul3A_62, %add3A_63 : i32
    %mul3A_65 = arith.constant 64 : i32
    %mul3A_66 = arith.muli %add3A_64, %mul3A_65 : i32
    %dma_start3A_67 = arith.constant 0 : i32
    %dma_start3A_68 = tpu.memref_slice %arg4[%dma_start3A_67, %mul3A_66] : memref<2x320000xi32, #tpu.memory_space<hbm>> -> memref<1x64xi32, #tpu.memory_space<hbm>>
    %dma_start3A_69 = tpu.memref_squeeze %dma_start3A_68 : memref<1x64xi32, #tpu.memory_space<hbm>> -> memref<64xi32, #tpu.memory_space<hbm>>
    %dma_start3A_70 = tpu.memref_slice %arg4[%dma_start3A_67, %mul3A_66] : memref<2x320000xi32, #tpu.memory_space<hbm>> -> memref<1x64xi32, #tpu.memory_space<hbm>>
    %dma_start3A_71 = tpu.memref_squeeze %dma_start3A_70 : memref<1x64xi32, #tpu.memory_space<hbm>> -> memref<64xi32, #tpu.memory_space<hbm>>
    tpu.enqueue_dma source(%dma_start3A_71 : memref<64xi32, #tpu.memory_space<hbm>>) target(%arg12 : memref<64xi32, #tpu.memory_space<vmem>>) target_semaphore(%arg20 : memref<!tpu.dma_semaphore, #tpu.memory_space<semaphore_mem>>)
    %mul3A_72 = arith.constant 64 : i32
    %mul3A_73 = arith.muli %add3A_64, %mul3A_72 : i32
    %dma_start3A_74 = arith.constant 1 : i32
    %dma_start3A_75 = tpu.memref_slice %arg4[%dma_start3A_74, %mul3A_73] : memref<2x320000xi32, #tpu.memory_space<hbm>> -> memref<1x64xi32, #tpu.memory_space<hbm>>
    %dma_start3A_76 = tpu.memref_squeeze %dma_start3A_75 : memref<1x64xi32, #tpu.memory_space<hbm>> -> memref<64xi32, #tpu.memory_space<hbm>>
    %dma_start3A_77 = tpu.memref_slice %arg4[%dma_start3A_74, %mul3A_73] : memref<2x320000xi32, #tpu.memory_space<hbm>> -> memref<1x64xi32, #tpu.memory_space<hbm>>
    %dma_start3A_78 = tpu.memref_squeeze %dma_start3A_77 : memref<1x64xi32, #tpu.memory_space<hbm>> -> memref<64xi32, #tpu.memory_space<hbm>>
    tpu.enqueue_dma source(%dma_start3A_78 : memref<64xi32, #tpu.memory_space<hbm>>) target(%arg13 : memref<64xi32, #tpu.memory_space<vmem>>) target_semaphore(%arg20 : memref<!tpu.dma_semaphore, #tpu.memory_space<semaphore_mem>>)
    %mul3A_79 = arith.constant 156 : i32
    %mul3A_80 = arith.muli %add3A, %mul3A_79 : i32
    %mul3A_81 = arith.constant 64 : i32
    %mul3A_82 = arith.muli %mul3A_80, %mul3A_81 : i32
    %dma_wait3A = arith.constant 0 : i32
    %dma_wait3A_83 = tpu.memref_slice %arg4[%dma_wait3A, %mul3A_82] : memref<2x320000xi32, #tpu.memory_space<hbm>> -> memref<1x64xi32, #tpu.memory_space<hbm>>
    %dma_wait3A_84 = tpu.memref_squeeze %dma_wait3A_83 : memref<1x64xi32, #tpu.memory_space<hbm>> -> memref<64xi32, #tpu.memory_space<hbm>>
    %dma_wait3A_85 = tpu.memref_slice %arg4[%dma_wait3A, %mul3A_82] : memref<2x320000xi32, #tpu.memory_space<hbm>> -> memref<1x64xi32, #tpu.memory_space<hbm>>
    %dma_wait3A_86 = tpu.memref_squeeze %dma_wait3A_85 : memref<1x64xi32, #tpu.memory_space<hbm>> -> memref<64xi32, #tpu.memory_space<hbm>>
    tpu.wait_dma2 semaphore(%arg18 : memref<!tpu.dma_semaphore, #tpu.memory_space<semaphore_mem>>) src(%dma_wait3A_86 : memref<64xi32, #tpu.memory_space<hbm>>) dst(%arg8 : memref<64xi32, #tpu.memory_space<vmem>>)
    %mul3A_87 = arith.constant 64 : i32
    %mul3A_88 = arith.muli %mul3A_80, %mul3A_87 : i32
    %dma_wait3A_89 = arith.constant 1 : i32
    %dma_wait3A_90 = tpu.memref_slice %arg4[%dma_wait3A_89, %mul3A_88] : memref<2x320000xi32, #tpu.memory_space<hbm>> -> memref<1x64xi32, #tpu.memory_space<hbm>>
    %dma_wait3A_91 = tpu.memref_squeeze %dma_wait3A_90 : memref<1x64xi32, #tpu.memory_space<hbm>> -> memref<64xi32, #tpu.memory_space<hbm>>
    %dma_wait3A_92 = tpu.memref_slice %arg4[%dma_wait3A_89, %mul3A_88] : memref<2x320000xi32, #tpu.memory_space<hbm>> -> memref<1x64xi32, #tpu.memory_space<hbm>>
    %dma_wait3A_93 = tpu.memref_squeeze %dma_wait3A_92 : memref<1x64xi32, #tpu.memory_space<hbm>> -> memref<64xi32, #tpu.memory_space<hbm>>
    tpu.wait_dma2 semaphore(%arg18 : memref<!tpu.dma_semaphore, #tpu.memory_space<semaphore_mem>>) src(%dma_wait3A_93 : memref<64xi32, #tpu.memory_space<hbm>>) dst(%arg9 : memref<64xi32, #tpu.memory_space<vmem>>)
    %mul3A_94 = arith.constant 156 : i32
    %mul3A_95 = arith.muli %add3A, %mul3A_94 : i32
    %dma_start3A_96 = arith.constant 0 : i32
    %dma_start3A_97 = arith.constant 0 : i32
    %dma_start3A_98 = tpu.memref_slice %arg2[%dma_start3A_96, %dma_start3A_97] : memref<10000x128xi32, #tpu.memory_space<hbm>> -> memref<10000x128xi32, #tpu.memory_space<hbm>>
    tpu.enqueue_indirect_dma source(%dma_start3A_98 : memref<10000x128xi32, #tpu.memory_space<hbm>>) target(%arg6 : memref<64x128xi32, #tpu.memory_space<vmem>>) offsets(%arg9 : memref<64xi32, #tpu.memory_space<vmem>>) semaphore(%arg19 : memref<!tpu.dma_semaphore, #tpu.memory_space<semaphore_mem>>)
    %dma_start3A_99 = arith.constant 0 : i32
    %dma_start3A_100 = arith.constant 0 : i32
    %dma_start3A_101 = tpu.memref_slice %arg2[%dma_start3A_99, %dma_start3A_100] : memref<10000x128xi32, #tpu.memory_space<hbm>> -> memref<10000x128xi32, #tpu.memory_space<hbm>>
    tpu.enqueue_indirect_dma source(%dma_start3A_101 : memref<10000x128xi32, #tpu.memory_space<hbm>>) target(%arg7 : memref<64x128xi32, #tpu.memory_space<vmem>>) offsets(%arg8 : memref<64xi32, #tpu.memory_space<vmem>>) semaphore(%arg19 : memref<!tpu.dma_semaphore, #tpu.memory_space<semaphore_mem>>)
    %mul3A_102 = arith.constant 156 : i32
    %mul3A_103 = arith.muli %add3A, %mul3A_102 : i32
    %mul3A_104 = arith.constant 8 : i32
    %mul3A_105 = arith.muli %mul3A_103, %mul3A_104 : i32
    %dma_start3A_106 = arith.constant 0 : i32
    %dma_start3A_107 = tpu.memref_slice %arg3[%mul3A_105, %dma_start3A_106] : memref<40000x512xi32, #tpu.memory_space<hbm>> -> memref<8x512xi32, #tpu.memory_space<hbm>>
    %dma_start3A_108 = arith.constant 0 : i32
    %dma_start3A_109 = tpu.memref_slice %arg3[%mul3A_105, %dma_start3A_108] : memref<40000x512xi32, #tpu.memory_space<hbm>> -> memref<8x512xi32, #tpu.memory_space<hbm>>
    tpu.enqueue_dma source(%dma_start3A_109 : memref<8x512xi32, #tpu.memory_space<hbm>>) target(%arg14 : memref<8x512xi32, #tpu.memory_space<vmem>>) target_semaphore(%arg22 : memref<!tpu.dma_semaphore, #tpu.memory_space<semaphore_mem>>)
    %scan3A_110 = arith.constant 0 : i32
    %scan3A_111 = arith.constant -65536 : i32
    %scan3A_112 = arith.constant 0 : i32
    %scan3A_113 = arith.constant 78 : i32
    %scan3A_114 = arith.addi %scan3A_112, %scan3A_113 : i32
    %scan3A_115 = arith.constant 1 : i32
    scf.for %scan3A_128 = %scan3A_112 to %scan3A_114 step %scan3A_115  : i32 {
      %mul3A_129 = arith.constant 2 : i32
      %mul3A_130 = arith.muli %scan3A_128, %mul3A_129 : i32
      %mul3A_131 = arith.constant 156 : i32
      %mul3A_132 = arith.muli %add3A, %mul3A_131 : i32
      %add3A_133 = arith.addi %mul3A_132, %mul3A_130 : i32
      %dma_wait3A_134 = arith.constant 0 : i32
      %dma_wait3A_135 = arith.constant 0 : i32
      %dma_wait3A_136 = tpu.memref_slice %arg2[%dma_wait3A_134, %dma_wait3A_135] : memref<10000x128xi32, #tpu.memory_space<hbm>> -> memref<10000x128xi32, #tpu.memory_space<hbm>>
      tpu.wait_indirect_dma semaphore(%arg19 : memref<!tpu.dma_semaphore, #tpu.memory_space<semaphore_mem>>) src(%dma_wait3A_136 : memref<10000x128xi32, #tpu.memory_space<hbm>>) dst(%arg6 : memref<64x128xi32, #tpu.memory_space<vmem>>)
      %dma_wait3A_137 = arith.constant 0 : i32
      %dma_wait3A_138 = arith.constant 0 : i32
      %dma_wait3A_139 = tpu.memref_slice %arg2[%dma_wait3A_137, %dma_wait3A_138] : memref<10000x128xi32, #tpu.memory_space<hbm>> -> memref<10000x128xi32, #tpu.memory_space<hbm>>
      tpu.wait_indirect_dma semaphore(%arg19 : memref<!tpu.dma_semaphore, #tpu.memory_space<semaphore_mem>>) src(%dma_wait3A_139 : memref<10000x128xi32, #tpu.memory_space<hbm>>) dst(%arg7 : memref<64x128xi32, #tpu.memory_space<vmem>>)
      %mul3A_140 = arith.constant 8 : i32
      %mul3A_141 = arith.muli %add3A_133, %mul3A_140 : i32
      %dma_wait3A_142 = arith.constant 0 : i32
      %dma_wait3A_143 = tpu.memref_slice %arg3[%mul3A_141, %dma_wait3A_142] : memref<40000x512xi32, #tpu.memory_space<hbm>> -> memref<8x512xi32, #tpu.memory_space<hbm>>
      %dma_wait3A_144 = arith.constant 0 : i32
      %dma_wait3A_145 = tpu.memref_slice %arg3[%mul3A_141, %dma_wait3A_144] : memref<40000x512xi32, #tpu.memory_space<hbm>> -> memref<8x512xi32, #tpu.memory_space<hbm>>
      tpu.wait_dma2 semaphore(%arg22 : memref<!tpu.dma_semaphore, #tpu.memory_space<semaphore_mem>>) src(%dma_wait3A_145 : memref<8x512xi32, #tpu.memory_space<hbm>>) dst(%arg14 : memref<8x512xi32, #tpu.memory_space<vmem>>)
      %add3A_146 = arith.constant 2 : i32
      %add3A_147 = arith.addi %mul3A_130, %add3A_146 : i32
      %lt3A_148 = arith.constant 156 : i32
      %lt3A_149 = arith.cmpi slt, %add3A_147, %lt3A_148 : i32
      %convert_element_type3A_150 = arith.extui %lt3A_149 : i1 to i32
      %cond3A_151 = arith.constant 0 : i32
      %cond3A_152 = arith.cmpi ne, %convert_element_type3A_150, %cond3A_151 : i32
      scf.if %cond3A_152 {
        %add3A_264 = arith.constant 2 : i32
        %add3A_265 = arith.addi %add3A_133, %add3A_264 : i32
        %mul3A_266 = arith.constant 64 : i32
        %mul3A_267 = arith.muli %add3A_265, %mul3A_266 : i32
        %dma_start3A_268 = arith.constant 0 : i32
        %dma_start3A_269 = tpu.memref_slice %arg4[%dma_start3A_268, %mul3A_267] : memref<2x320000xi32, #tpu.memory_space<hbm>> -> memref<1x64xi32, #tpu.memory_space<hbm>>
        %dma_start3A_270 = tpu.memref_squeeze %dma_start3A_269 : memref<1x64xi32, #tpu.memory_space<hbm>> -> memref<64xi32, #tpu.memory_space<hbm>>
        %dma_start3A_271 = tpu.memref_slice %arg4[%dma_start3A_268, %mul3A_267] : memref<2x320000xi32, #tpu.memory_space<hbm>> -> memref<1x64xi32, #tpu.memory_space<hbm>>
        %dma_start3A_272 = tpu.memref_squeeze %dma_start3A_271 : memref<1x64xi32, #tpu.memory_space<hbm>> -> memref<64xi32, #tpu.memory_space<hbm>>
        tpu.enqueue_dma source(%dma_start3A_272 : memref<64xi32, #tpu.memory_space<hbm>>) target(%arg8 : memref<64xi32, #tpu.memory_space<vmem>>) target_semaphore(%arg18 : memref<!tpu.dma_semaphore, #tpu.memory_space<semaphore_mem>>)
        %mul3A_273 = arith.constant 64 : i32
        %mul3A_274 = arith.muli %add3A_265, %mul3A_273 : i32
        %dma_start3A_275 = arith.constant 1 : i32
        %dma_start3A_276 = tpu.memref_slice %arg4[%dma_start3A_275, %mul3A_274] : memref<2x320000xi32, #tpu.memory_space<hbm>> -> memref<1x64xi32, #tpu.memory_space<hbm>>
        %dma_start3A_277 = tpu.memref_squeeze %dma_start3A_276 : memref<1x64xi32, #tpu.memory_space<hbm>> -> memref<64xi32, #tpu.memory_space<hbm>>
        %dma_start3A_278 = tpu.memref_slice %arg4[%dma_start3A_275, %mul3A_274] : memref<2x320000xi32, #tpu.memory_space<hbm>> -> memref<1x64xi32, #tpu.memory_space<hbm>>
        %dma_start3A_279 = tpu.memref_squeeze %dma_start3A_278 : memref<1x64xi32, #tpu.memory_space<hbm>> -> memref<64xi32, #tpu.memory_space<hbm>>
        tpu.enqueue_dma source(%dma_start3A_279 : memref<64xi32, #tpu.memory_space<hbm>>) target(%arg9 : memref<64xi32, #tpu.memory_space<vmem>>) target_semaphore(%arg18 : memref<!tpu.dma_semaphore, #tpu.memory_space<semaphore_mem>>)
      } else {
      }
      %add3A_153 = arith.constant 1 : i32
      %add3A_154 = arith.addi %mul3A_130, %add3A_153 : i32
      %lt3A_155 = arith.constant 156 : i32
      %lt3A_156 = arith.cmpi slt, %add3A_154, %lt3A_155 : i32
      %convert_element_type3A_157 = arith.extui %lt3A_156 : i1 to i32
      %cond3A_158 = arith.constant 0 : i32
      %cond3A_159 = arith.cmpi ne, %convert_element_type3A_157, %cond3A_158 : i32
      scf.if %cond3A_159 {
        %add3A_264 = arith.constant 1 : i32
        %add3A_265 = arith.addi %add3A_133, %add3A_264 : i32
        %mul3A_266 = arith.constant 64 : i32
        %mul3A_267 = arith.muli %add3A_265, %mul3A_266 : i32
        %dma_wait3A_268 = arith.constant 0 : i32
        %dma_wait3A_269 = tpu.memref_slice %arg4[%dma_wait3A_268, %mul3A_267] : memref<2x320000xi32, #tpu.memory_space<hbm>> -> memref<1x64xi32, #tpu.memory_space<hbm>>
        %dma_wait3A_270 = tpu.memref_squeeze %dma_wait3A_269 : memref<1x64xi32, #tpu.memory_space<hbm>> -> memref<64xi32, #tpu.memory_space<hbm>>
        %dma_wait3A_271 = tpu.memref_slice %arg4[%dma_wait3A_268, %mul3A_267] : memref<2x320000xi32, #tpu.memory_space<hbm>> -> memref<1x64xi32, #tpu.memory_space<hbm>>
        %dma_wait3A_272 = tpu.memref_squeeze %dma_wait3A_271 : memref<1x64xi32, #tpu.memory_space<hbm>> -> memref<64xi32, #tpu.memory_space<hbm>>
        tpu.wait_dma2 semaphore(%arg20 : memref<!tpu.dma_semaphore, #tpu.memory_space<semaphore_mem>>) src(%dma_wait3A_272 : memref<64xi32, #tpu.memory_space<hbm>>) dst(%arg12 : memref<64xi32, #tpu.memory_space<vmem>>)
        %mul3A_273 = arith.constant 64 : i32
        %mul3A_274 = arith.muli %add3A_265, %mul3A_273 : i32
        %dma_wait3A_275 = arith.constant 1 : i32
        %dma_wait3A_276 = tpu.memref_slice %arg4[%dma_wait3A_275, %mul3A_274] : memref<2x320000xi32, #tpu.memory_space<hbm>> -> memref<1x64xi32, #tpu.memory_space<hbm>>
        %dma_wait3A_277 = tpu.memref_squeeze %dma_wait3A_276 : memref<1x64xi32, #tpu.memory_space<hbm>> -> memref<64xi32, #tpu.memory_space<hbm>>
        %dma_wait3A_278 = tpu.memref_slice %arg4[%dma_wait3A_275, %mul3A_274] : memref<2x320000xi32, #tpu.memory_space<hbm>> -> memref<1x64xi32, #tpu.memory_space<hbm>>
        %dma_wait3A_279 = tpu.memref_squeeze %dma_wait3A_278 : memref<1x64xi32, #tpu.memory_space<hbm>> -> memref<64xi32, #tpu.memory_space<hbm>>
        tpu.wait_dma2 semaphore(%arg20 : memref<!tpu.dma_semaphore, #tpu.memory_space<semaphore_mem>>) src(%dma_wait3A_279 : memref<64xi32, #tpu.memory_space<hbm>>) dst(%arg13 : memref<64xi32, #tpu.memory_space<vmem>>)
        %add3A_280 = arith.constant 1 : i32
        %add3A_281 = arith.addi %add3A_133, %add3A_280 : i32
        %dma_start3A_282 = arith.constant 0 : i32
        %dma_start3A_283 = arith.constant 0 : i32
        %dma_start3A_284 = tpu.memref_slice %arg2[%dma_start3A_282, %dma_start3A_283] : memref<10000x128xi32, #tpu.memory_space<hbm>> -> memref<10000x128xi32, #tpu.memory_space<hbm>>
        tpu.enqueue_indirect_dma source(%dma_start3A_284 : memref<10000x128xi32, #tpu.memory_space<hbm>>) target(%arg10 : memref<64x128xi32, #tpu.memory_space<vmem>>) offsets(%arg13 : memref<64xi32, #tpu.memory_space<vmem>>) semaphore(%arg21 : memref<!tpu.dma_semaphore, #tpu.memory_space<semaphore_mem>>)
        %dma_start3A_285 = arith.constant 0 : i32
        %dma_start3A_286 = arith.constant 0 : i32
        %dma_start3A_287 = tpu.memref_slice %arg2[%dma_start3A_285, %dma_start3A_286] : memref<10000x128xi32, #tpu.memory_space<hbm>> -> memref<10000x128xi32, #tpu.memory_space<hbm>>
        tpu.enqueue_indirect_dma source(%dma_start3A_287 : memref<10000x128xi32, #tpu.memory_space<hbm>>) target(%arg11 : memref<64x128xi32, #tpu.memory_space<vmem>>) offsets(%arg12 : memref<64xi32, #tpu.memory_space<vmem>>) semaphore(%arg21 : memref<!tpu.dma_semaphore, #tpu.memory_space<semaphore_mem>>)
      } else {
      }
      %get3A = arith.constant 0 : index
      %get3A_160 = tpu.vector_load %arg9[%get3A] {strides = array<i32>} : memref<64xi32, #tpu.memory_space<vmem>>, vector<16xi32>,
      %get3A_161 = vector.shape_cast %get3A_160 : vector<16xi32> to vector<16xi32>
      %swap3A = arith.constant 0 : index
      %swap3A_162 = tpu.vector_load %arg16[%swap3A] {strides = array<i32>} : memref<64xi32, #tpu.memory_space<vmem>>, vector<16xi32>,
      %swap3A_163 = vector.shape_cast %swap3A_162 : vector<16xi32> to vector<16xi32>
      %swap3A_164 = vector.shape_cast %get3A_161 : vector<16xi32> to vector<16xi32>
      tpu.vector_store %arg16[%swap3A], %swap3A_164 {strides = array<i32>} : memref<64xi32, #tpu.memory_space<vmem>>, vector<16xi32>,
      %get3A_165 = arith.constant 16 : index
      %get3A_166 = tpu.vector_load %arg9[%get3A_165] {strides = array<i32>} : memref<64xi32, #tpu.memory_space<vmem>>, vector<16xi32>,
      %get3A_167 = vector.shape_cast %get3A_166 : vector<16xi32> to vector<16xi32>
      %swap3A_168 = arith.constant 16 : index
      %swap3A_169 = tpu.vector_load %arg16[%swap3A_168] {strides = array<i32>} : memref<64xi32, #tpu.memory_space<vmem>>, vector<16xi32>,
      %swap3A_170 = vector.shape_cast %swap3A_169 : vector<16xi32> to vector<16xi32>
      %swap3A_171 = vector.shape_cast %get3A_167 : vector<16xi32> to vector<16xi32>
      tpu.vector_store %arg16[%swap3A_168], %swap3A_171 {strides = array<i32>} : memref<64xi32, #tpu.memory_space<vmem>>, vector<16xi32>,
      %get3A_172 = arith.constant 32 : index
      %get3A_173 = tpu.vector_load %arg9[%get3A_172] {strides = array<i32>} : memref<64xi32, #tpu.memory_space<vmem>>, vector<16xi32>,
      %get3A_174 = vector.shape_cast %get3A_173 : vector<16xi32> to vector<16xi32>
      %swap3A_175 = arith.constant 32 : index
      %swap3A_176 = tpu.vector_load %arg16[%swap3A_175] {strides = array<i32>} : memref<64xi32, #tpu.memory_space<vmem>>, vector<16xi32>,
      %swap3A_177 = vector.shape_cast %swap3A_176 : vector<16xi32> to vector<16xi32>
      %swap3A_178 = vector.shape_cast %get3A_174 : vector<16xi32> to vector<16xi32>
      tpu.vector_store %arg16[%swap3A_175], %swap3A_178 {strides = array<i32>} : memref<64xi32, #tpu.memory_space<vmem>>, vector<16xi32>,
      %get3A_179 = arith.constant 48 : index
      %get3A_180 = tpu.vector_load %arg9[%get3A_179] {strides = array<i32>} : memref<64xi32, #tpu.memory_space<vmem>>, vector<16xi32>,
      %get3A_181 = vector.shape_cast %get3A_180 : vector<16xi32> to vector<16xi32>
      %swap3A_182 = arith.constant 48 : index
      %swap3A_183 = tpu.vector_load %arg16[%swap3A_182] {strides = array<i32>} : memref<64xi32, #tpu.memory_space<vmem>>, vector<16xi32>,
      %swap3A_184 = vector.shape_cast %swap3A_183 : vector<16xi32> to vector<16xi32>
      %swap3A_185 = vector.shape_cast %get3A_181 : vector<16xi32> to vector<16xi32>
      tpu.vector_store %arg16[%swap3A_182], %swap3A_185 {strides = array<i32>} : memref<64xi32, #tpu.memory_space<vmem>>, vector<16xi32>,
      %parallel_loop3A = arith.constant 0 : i32
      %parallel_loop3A_186 = arith.constant 64 : i32
      %parallel_loop3A_187 = arith.constant 1 : i32
      scf.for %parallel_loop3A_264 = %parallel_loop3A to %parallel_loop3A_186 step %parallel_loop3A_187  : i32 {
        %parallel_loop3A_265 = arith.constant 3 : i32
        %parallel_loop3A_266 = arith.shrsi %parallel_loop3A_264, %parallel_loop3A_265 : i32
        %parallel_loop3A_267 = arith.constant 7 : i32
        %parallel_loop3A_268 = arith.andi %parallel_loop3A_264, %parallel_loop3A_267 : i32
        %parallel_loop3A_269 = arith.constant 64 : i32
        %parallel_loop3A_270 = arith.muli %parallel_loop3A_268, %parallel_loop3A_269 : i32
        %parallel_loop3A_271 = arith.index_cast %parallel_loop3A_264 : i32 to index
        %parallel_loop3A_272 = arith.constant 0 : index
        %parallel_loop3A_273 = tpu.vector_load %arg6[%parallel_loop3A_271, %parallel_loop3A_272] {strides = array<i32>} : memref<64x128xi32, #tpu.memory_space<vmem>>, vector<1x16xi32>,
        %parallel_loop3A_274 = vector.shape_cast %parallel_loop3A_273 : vector<1x16xi32> to vector<16xi32>
        %parallel_loop3A_275 = arith.constant 16 : i32
        %parallel_loop3A_276 = vector.broadcast %parallel_loop3A_275 : i32 to vector<16xi32>
        %parallel_loop3A_277 = arith.shli %parallel_loop3A_274, %parallel_loop3A_276 : vector<16xi32>
        %parallel_loop3A_278 = tpu.bitcast %parallel_loop3A_277 : vector<16xi32> -> vector<16xf32>
        %parallel_loop3A_279 = vector.broadcast %scan3A_111 : i32 to vector<16xi32>
        %parallel_loop3A_280 = arith.andi %parallel_loop3A_274, %parallel_loop3A_279 : vector<16xi32>
        %parallel_loop3A_281 = tpu.bitcast %parallel_loop3A_280 : vector<16xi32> -> vector<16xf32>
        %parallel_loop3A_282 = arith.index_cast %parallel_loop3A_264 : i32 to index
        %parallel_loop3A_283 = arith.constant 64 : index
        %parallel_loop3A_284 = tpu.vector_load %arg7[%parallel_loop3A_282, %parallel_loop3A_283] {strides = array<i32>} : memref<64x128xi32, #tpu.memory_space<vmem>>, vector<1x16xi32>,
        %parallel_loop3A_285 = vector.shape_cast %parallel_loop3A_284 : vector<1x16xi32> to vector<16xi32>
        %parallel_loop3A_286 = arith.constant 16 : i32
        %parallel_loop3A_287 = vector.broadcast %parallel_loop3A_286 : i32 to vector<16xi32>
        %parallel_loop3A_288 = arith.shli %parallel_loop3A_285, %parallel_loop3A_287 : vector<16xi32>
        %parallel_loop3A_289 = tpu.bitcast %parallel_loop3A_288 : vector<16xi32> -> vector<16xf32>
        %parallel_loop3A_290 = vector.broadcast %scan3A_111 : i32 to vector<16xi32>
        %parallel_loop3A_291 = arith.andi %parallel_loop3A_285, %parallel_loop3A_290 : vector<16xi32>
        %parallel_loop3A_292 = tpu.bitcast %parallel_loop3A_291 : vector<16xi32> -> vector<16xf32>
        %parallel_loop3A_293 = arith.constant 0 : i32
        %parallel_loop3A_294 = arith.addi %parallel_loop3A_270, %parallel_loop3A_293 : i32
        %parallel_loop3A_295 = arith.index_cast %parallel_loop3A_266 : i32 to index
        %parallel_loop3A_296 = arith.index_cast %parallel_loop3A_294 : i32 to index
        %parallel_loop3A_297 = tpu.vector_load %arg14[%parallel_loop3A_295, %parallel_loop3A_296] {strides = array<i32>} : memref<8x512xi32, #tpu.memory_space<vmem>>, vector<1x16xi32>,
        %parallel_loop3A_298 = vector.shape_cast %parallel_loop3A_297 : vector<1x16xi32> to vector<16xi32>
        %parallel_loop3A_299 = arith.constant 16 : i32
        %parallel_loop3A_300 = vector.broadcast %parallel_loop3A_299 : i32 to vector<16xi32>
        %parallel_loop3A_301 = arith.shli %parallel_loop3A_298, %parallel_loop3A_300 : vector<16xi32>
        %parallel_loop3A_302 = tpu.bitcast %parallel_loop3A_301 : vector<16xi32> -> vector<16xf32>
        %parallel_loop3A_303 = vector.broadcast %scan3A_111 : i32 to vector<16xi32>
        %parallel_loop3A_304 = arith.andi %parallel_loop3A_298, %parallel_loop3A_303 : vector<16xi32>
        %parallel_loop3A_305 = tpu.bitcast %parallel_loop3A_304 : vector<16xi32> -> vector<16xf32>
        %parallel_loop3A_306 = arith.addf %parallel_loop3A_278, %parallel_loop3A_289 : vector<16xf32>
        %parallel_loop3A_307 = arith.addf %parallel_loop3A_306, %parallel_loop3A_302 : vector<16xf32>
        %parallel_loop3A_308 = arith.constant 0.000000e+00 : f32
        %parallel_loop3A_309 = vector.broadcast %parallel_loop3A_308 : f32 to vector<16xf32>
        %parallel_loop3A_310 = arith.maximumf %parallel_loop3A_307, %parallel_loop3A_309 : vector<16xf32>
        %parallel_loop3A_311 = arith.index_cast %parallel_loop3A_264 : i32 to index
        %parallel_loop3A_312 = arith.constant 0 : index
        %parallel_loop3A_313 = tpu.vector_load %arg15[%parallel_loop3A_311, %parallel_loop3A_312] {strides = array<i32>} : memref<64x128xf32, #tpu.memory_space<vmem>>, vector<1x16xf32>,
        %parallel_loop3A_314 = vector.shape_cast %parallel_loop3A_313 : vector<1x16xf32> to vector<16xf32>
        %parallel_loop3A_315 = vector.shape_cast %parallel_loop3A_310 : vector<16xf32> to vector<1x16xf32>
        tpu.vector_store %arg15[%parallel_loop3A_311, %parallel_loop3A_312], %parallel_loop3A_315 {strides = array<i32>} : memref<64x128xf32, #tpu.memory_space<vmem>>, vector<1x16xf32>,
        %parallel_loop3A_316 = arith.addf %parallel_loop3A_281, %parallel_loop3A_292 : vector<16xf32>
        %parallel_loop3A_317 = arith.addf %parallel_loop3A_316, %parallel_loop3A_305 : vector<16xf32>
        %parallel_loop3A_318 = arith.constant 0.000000e+00 : f32
        %parallel_loop3A_319 = vector.broadcast %parallel_loop3A_318 : f32 to vector<16xf32>
        %parallel_loop3A_320 = arith.maximumf %parallel_loop3A_317, %parallel_loop3A_319 : vector<16xf32>
        %parallel_loop3A_321 = arith.index_cast %parallel_loop3A_264 : i32 to index
        %parallel_loop3A_322 = arith.constant 16 : index
        %parallel_loop3A_323 = tpu.vector_load %arg15[%parallel_loop3A_321, %parallel_loop3A_322] {strides = array<i32>} : memref<64x128xf32, #tpu.memory_space<vmem>>, vector<1x16xf32>,
        %parallel_loop3A_324 = vector.shape_cast %parallel_loop3A_323 : vector<1x16xf32> to vector<16xf32>
        %parallel_loop3A_325 = vector.shape_cast %parallel_loop3A_320 : vector<16xf32> to vector<1x16xf32>
        tpu.vector_store %arg15[%parallel_loop3A_321, %parallel_loop3A_322], %parallel_loop3A_325 {strides = array<i32>} : memref<64x128xf32, #tpu.memory_space<vmem>>, vector<1x16xf32>,
        %parallel_loop3A_326 = arith.index_cast %parallel_loop3A_264 : i32 to index
        %parallel_loop3A_327 = arith.constant 16 : index
        %parallel_loop3A_328 = tpu.vector_load %arg6[%parallel_loop3A_326, %parallel_loop3A_327] {strides = array<i32>} : memref<64x128xi32, #tpu.memory_space<vmem>>, vector<1x16xi32>,
        %parallel_loop3A_329 = vector.shape_cast %parallel_loop3A_328 : vector<1x16xi32> to vector<16xi32>
        %parallel_loop3A_330 = arith.constant 16 : i32
        %parallel_loop3A_331 = vector.broadcast %parallel_loop3A_330 : i32 to vector<16xi32>
        %parallel_loop3A_332 = arith.shli %parallel_loop3A_329, %parallel_loop3A_331 : vector<16xi32>
        %parallel_loop3A_333 = tpu.bitcast %parallel_loop3A_332 : vector<16xi32> -> vector<16xf32>
        %parallel_loop3A_334 = vector.broadcast %scan3A_111 : i32 to vector<16xi32>
        %parallel_loop3A_335 = arith.andi %parallel_loop3A_329, %parallel_loop3A_334 : vector<16xi32>
        %parallel_loop3A_336 = tpu.bitcast %parallel_loop3A_335 : vector<16xi32> -> vector<16xf32>
        %parallel_loop3A_337 = arith.index_cast %parallel_loop3A_264 : i32 to index
        %parallel_loop3A_338 = arith.constant 80 : index
        %parallel_loop3A_339 = tpu.vector_load %arg7[%parallel_loop3A_337, %parallel_loop3A_338] {strides = array<i32>} : memref<64x128xi32, #tpu.memory_space<vmem>>, vector<1x16xi32>,
        %parallel_loop3A_340 = vector.shape_cast %parallel_loop3A_339 : vector<1x16xi32> to vector<16xi32>
        %parallel_loop3A_341 = arith.constant 16 : i32
        %parallel_loop3A_342 = vector.broadcast %parallel_loop3A_341 : i32 to vector<16xi32>
        %parallel_loop3A_343 = arith.shli %parallel_loop3A_340, %parallel_loop3A_342 : vector<16xi32>
        %parallel_loop3A_344 = tpu.bitcast %parallel_loop3A_343 : vector<16xi32> -> vector<16xf32>
        %parallel_loop3A_345 = vector.broadcast %scan3A_111 : i32 to vector<16xi32>
        %parallel_loop3A_346 = arith.andi %parallel_loop3A_340, %parallel_loop3A_345 : vector<16xi32>
        %parallel_loop3A_347 = tpu.bitcast %parallel_loop3A_346 : vector<16xi32> -> vector<16xf32>
        %parallel_loop3A_348 = arith.constant 16 : i32
        %parallel_loop3A_349 = arith.addi %parallel_loop3A_270, %parallel_loop3A_348 : i32
        %parallel_loop3A_350 = arith.index_cast %parallel_loop3A_266 : i32 to index
        %parallel_loop3A_351 = arith.index_cast %parallel_loop3A_349 : i32 to index
        %parallel_loop3A_352 = tpu.vector_load %arg14[%parallel_loop3A_350, %parallel_loop3A_351] {strides = array<i32>} : memref<8x512xi32, #tpu.memory_space<vmem>>, vector<1x16xi32>,
        %parallel_loop3A_353 = vector.shape_cast %parallel_loop3A_352 : vector<1x16xi32> to vector<16xi32>
        %parallel_loop3A_354 = arith.constant 16 : i32
        %parallel_loop3A_355 = vector.broadcast %parallel_loop3A_354 : i32 to vector<16xi32>
        %parallel_loop3A_356 = arith.shli %parallel_loop3A_353, %parallel_loop3A_355 : vector<16xi32>
        %parallel_loop3A_357 = tpu.bitcast %parallel_loop3A_356 : vector<16xi32> -> vector<16xf32>
        %parallel_loop3A_358 = vector.broadcast %scan3A_111 : i32 to vector<16xi32>
        %parallel_loop3A_359 = arith.andi %parallel_loop3A_353, %parallel_loop3A_358 : vector<16xi32>
        %parallel_loop3A_360 = tpu.bitcast %parallel_loop3A_359 : vector<16xi32> -> vector<16xf32>
        %parallel_loop3A_361 = arith.addf %parallel_loop3A_333, %parallel_loop3A_344 : vector<16xf32>
        %parallel_loop3A_362 = arith.addf %parallel_loop3A_361, %parallel_loop3A_357 : vector<16xf32>
        %parallel_loop3A_363 = arith.constant 0.000000e+00 : f32
        %parallel_loop3A_364 = vector.broadcast %parallel_loop3A_363 : f32 to vector<16xf32>
        %parallel_loop3A_365 = arith.maximumf %parallel_loop3A_362, %parallel_loop3A_364 : vector<16xf32>
        %parallel_loop3A_366 = arith.index_cast %parallel_loop3A_264 : i32 to index
        %parallel_loop3A_367 = arith.constant 32 : index
        %parallel_loop3A_368 = tpu.vector_load %arg15[%parallel_loop3A_366, %parallel_loop3A_367] {strides = array<i32>} : memref<64x128xf32, #tpu.memory_space<vmem>>, vector<1x16xf32>,
        %parallel_loop3A_369 = vector.shape_cast %parallel_loop3A_368 : vector<1x16xf32> to vector<16xf32>
        %parallel_loop3A_370 = vector.shape_cast %parallel_loop3A_365 : vector<16xf32> to vector<1x16xf32>
        tpu.vector_store %arg15[%parallel_loop3A_366, %parallel_loop3A_367], %parallel_loop3A_370 {strides = array<i32>} : memref<64x128xf32, #tpu.memory_space<vmem>>, vector<1x16xf32>,
        %parallel_loop3A_371 = arith.addf %parallel_loop3A_336, %parallel_loop3A_347 : vector<16xf32>
        %parallel_loop3A_372 = arith.addf %parallel_loop3A_371, %parallel_loop3A_360 : vector<16xf32>
        %parallel_loop3A_373 = arith.constant 0.000000e+00 : f32
        %parallel_loop3A_374 = vector.broadcast %parallel_loop3A_373 : f32 to vector<16xf32>
        %parallel_loop3A_375 = arith.maximumf %parallel_loop3A_372, %parallel_loop3A_374 : vector<16xf32>
        %parallel_loop3A_376 = arith.index_cast %parallel_loop3A_264 : i32 to index
        %parallel_loop3A_377 = arith.constant 48 : index
        %parallel_loop3A_378 = tpu.vector_load %arg15[%parallel_loop3A_376, %parallel_loop3A_377] {strides = array<i32>} : memref<64x128xf32, #tpu.memory_space<vmem>>, vector<1x16xf32>,
        %parallel_loop3A_379 = vector.shape_cast %parallel_loop3A_378 : vector<1x16xf32> to vector<16xf32>
        %parallel_loop3A_380 = vector.shape_cast %parallel_loop3A_375 : vector<16xf32> to vector<1x16xf32>
        tpu.vector_store %arg15[%parallel_loop3A_376, %parallel_loop3A_377], %parallel_loop3A_380 {strides = array<i32>} : memref<64x128xf32, #tpu.memory_space<vmem>>, vector<1x16xf32>,
        %parallel_loop3A_381 = arith.index_cast %parallel_loop3A_264 : i32 to index
        %parallel_loop3A_382 = arith.constant 32 : index
        %parallel_loop3A_383 = tpu.vector_load %arg6[%parallel_loop3A_381, %parallel_loop3A_382] {strides = array<i32>} : memref<64x128xi32, #tpu.memory_space<vmem>>, vector<1x16xi32>,
        %parallel_loop3A_384 = vector.shape_cast %parallel_loop3A_383 : vector<1x16xi32> to vector<16xi32>
        %parallel_loop3A_385 = arith.constant 16 : i32
        %parallel_loop3A_386 = vector.broadcast %parallel_loop3A_385 : i32 to vector<16xi32>
        %parallel_loop3A_387 = arith.shli %parallel_loop3A_384, %parallel_loop3A_386 : vector<16xi32>
        %parallel_loop3A_388 = tpu.bitcast %parallel_loop3A_387 : vector<16xi32> -> vector<16xf32>
        %parallel_loop3A_389 = vector.broadcast %scan3A_111 : i32 to vector<16xi32>
        %parallel_loop3A_390 = arith.andi %parallel_loop3A_384, %parallel_loop3A_389 : vector<16xi32>
        %parallel_loop3A_391 = tpu.bitcast %parallel_loop3A_390 : vector<16xi32> -> vector<16xf32>
        %parallel_loop3A_392 = arith.index_cast %parallel_loop3A_264 : i32 to index
        %parallel_loop3A_393 = arith.constant 96 : index
        %parallel_loop3A_394 = tpu.vector_load %arg7[%parallel_loop3A_392, %parallel_loop3A_393] {strides = array<i32>} : memref<64x128xi32, #tpu.memory_space<vmem>>, vector<1x16xi32>,
        %parallel_loop3A_395 = vector.shape_cast %parallel_loop3A_394 : vector<1x16xi32> to vector<16xi32>
        %parallel_loop3A_396 = arith.constant 16 : i32
        %parallel_loop3A_397 = vector.broadcast %parallel_loop3A_396 : i32 to vector<16xi32>
        %parallel_loop3A_398 = arith.shli %parallel_loop3A_395, %parallel_loop3A_397 : vector<16xi32>
        %parallel_loop3A_399 = tpu.bitcast %parallel_loop3A_398 : vector<16xi32> -> vector<16xf32>
        %parallel_loop3A_400 = vector.broadcast %scan3A_111 : i32 to vector<16xi32>
        %parallel_loop3A_401 = arith.andi %parallel_loop3A_395, %parallel_loop3A_400 : vector<16xi32>
        %parallel_loop3A_402 = tpu.bitcast %parallel_loop3A_401 : vector<16xi32> -> vector<16xf32>
        %parallel_loop3A_403 = arith.constant 32 : i32
        %parallel_loop3A_404 = arith.addi %parallel_loop3A_270, %parallel_loop3A_403 : i32
        %parallel_loop3A_405 = arith.index_cast %parallel_loop3A_266 : i32 to index
        %parallel_loop3A_406 = arith.index_cast %parallel_loop3A_404 : i32 to index
        %parallel_loop3A_407 = tpu.vector_load %arg14[%parallel_loop3A_405, %parallel_loop3A_406] {strides = array<i32>} : memref<8x512xi32, #tpu.memory_space<vmem>>, vector<1x16xi32>,
        %parallel_loop3A_408 = vector.shape_cast %parallel_loop3A_407 : vector<1x16xi32> to vector<16xi32>
        %parallel_loop3A_409 = arith.constant 16 : i32
        %parallel_loop3A_410 = vector.broadcast %parallel_loop3A_409 : i32 to vector<16xi32>
        %parallel_loop3A_411 = arith.shli %parallel_loop3A_408, %parallel_loop3A_410 : vector<16xi32>
        %parallel_loop3A_412 = tpu.bitcast %parallel_loop3A_411 : vector<16xi32> -> vector<16xf32>
        %parallel_loop3A_413 = vector.broadcast %scan3A_111 : i32 to vector<16xi32>
        %parallel_loop3A_414 = arith.andi %parallel_loop3A_408, %parallel_loop3A_413 : vector<16xi32>
        %parallel_loop3A_415 = tpu.bitcast %parallel_loop3A_414 : vector<16xi32> -> vector<16xf32>
        %parallel_loop3A_416 = arith.addf %parallel_loop3A_388, %parallel_loop3A_399 : vector<16xf32>
        %parallel_loop3A_417 = arith.addf %parallel_loop3A_416, %parallel_loop3A_412 : vector<16xf32>
        %parallel_loop3A_418 = arith.constant 0.000000e+00 : f32
        %parallel_loop3A_419 = vector.broadcast %parallel_loop3A_418 : f32 to vector<16xf32>
        %parallel_loop3A_420 = arith.maximumf %parallel_loop3A_417, %parallel_loop3A_419 : vector<16xf32>
        %parallel_loop3A_421 = arith.index_cast %parallel_loop3A_264 : i32 to index
        %parallel_loop3A_422 = arith.constant 64 : index
        %parallel_loop3A_423 = tpu.vector_load %arg15[%parallel_loop3A_421, %parallel_loop3A_422] {strides = array<i32>} : memref<64x128xf32, #tpu.memory_space<vmem>>, vector<1x16xf32>,
        %parallel_loop3A_424 = vector.shape_cast %parallel_loop3A_423 : vector<1x16xf32> to vector<16xf32>
        %parallel_loop3A_425 = vector.shape_cast %parallel_loop3A_420 : vector<16xf32> to vector<1x16xf32>
        tpu.vector_store %arg15[%parallel_loop3A_421, %parallel_loop3A_422], %parallel_loop3A_425 {strides = array<i32>} : memref<64x128xf32, #tpu.memory_space<vmem>>, vector<1x16xf32>,
        %parallel_loop3A_426 = arith.addf %parallel_loop3A_391, %parallel_loop3A_402 : vector<16xf32>
        %parallel_loop3A_427 = arith.addf %parallel_loop3A_426, %parallel_loop3A_415 : vector<16xf32>
        %parallel_loop3A_428 = arith.constant 0.000000e+00 : f32
        %parallel_loop3A_429 = vector.broadcast %parallel_loop3A_428 : f32 to vector<16xf32>
        %parallel_loop3A_430 = arith.maximumf %parallel_loop3A_427, %parallel_loop3A_429 : vector<16xf32>
        %parallel_loop3A_431 = arith.index_cast %parallel_loop3A_264 : i32 to index
        %parallel_loop3A_432 = arith.constant 80 : index
        %parallel_loop3A_433 = tpu.vector_load %arg15[%parallel_loop3A_431, %parallel_loop3A_432] {strides = array<i32>} : memref<64x128xf32, #tpu.memory_space<vmem>>, vector<1x16xf32>,
        %parallel_loop3A_434 = vector.shape_cast %parallel_loop3A_433 : vector<1x16xf32> to vector<16xf32>
        %parallel_loop3A_435 = vector.shape_cast %parallel_loop3A_430 : vector<16xf32> to vector<1x16xf32>
        tpu.vector_store %arg15[%parallel_loop3A_431, %parallel_loop3A_432], %parallel_loop3A_435 {strides = array<i32>} : memref<64x128xf32, #tpu.memory_space<vmem>>, vector<1x16xf32>,
        %parallel_loop3A_436 = arith.index_cast %parallel_loop3A_264 : i32 to index
        %parallel_loop3A_437 = arith.constant 48 : index
        %parallel_loop3A_438 = tpu.vector_load %arg6[%parallel_loop3A_436, %parallel_loop3A_437] {strides = array<i32>} : memref<64x128xi32, #tpu.memory_space<vmem>>, vector<1x16xi32>,
        %parallel_loop3A_439 = vector.shape_cast %parallel_loop3A_438 : vector<1x16xi32> to vector<16xi32>
        %parallel_loop3A_440 = arith.constant 16 : i32
        %parallel_loop3A_441 = vector.broadcast %parallel_loop3A_440 : i32 to vector<16xi32>
        %parallel_loop3A_442 = arith.shli %parallel_loop3A_439, %parallel_loop3A_441 : vector<16xi32>
        %parallel_loop3A_443 = tpu.bitcast %parallel_loop3A_442 : vector<16xi32> -> vector<16xf32>
        %parallel_loop3A_444 = vector.broadcast %scan3A_111 : i32 to vector<16xi32>
        %parallel_loop3A_445 = arith.andi %parallel_loop3A_439, %parallel_loop3A_444 : vector<16xi32>
        %parallel_loop3A_446 = tpu.bitcast %parallel_loop3A_445 : vector<16xi32> -> vector<16xf32>
        %parallel_loop3A_447 = arith.index_cast %parallel_loop3A_264 : i32 to index
        %parallel_loop3A_448 = arith.constant 112 : index
        %parallel_loop3A_449 = tpu.vector_load %arg7[%parallel_loop3A_447, %parallel_loop3A_448] {strides = array<i32>} : memref<64x128xi32, #tpu.memory_space<vmem>>, vector<1x16xi32>,
        %parallel_loop3A_450 = vector.shape_cast %parallel_loop3A_449 : vector<1x16xi32> to vector<16xi32>
        %parallel_loop3A_451 = arith.constant 16 : i32
        %parallel_loop3A_452 = vector.broadcast %parallel_loop3A_451 : i32 to vector<16xi32>
        %parallel_loop3A_453 = arith.shli %parallel_loop3A_450, %parallel_loop3A_452 : vector<16xi32>
        %parallel_loop3A_454 = tpu.bitcast %parallel_loop3A_453 : vector<16xi32> -> vector<16xf32>
        %parallel_loop3A_455 = vector.broadcast %scan3A_111 : i32 to vector<16xi32>
        %parallel_loop3A_456 = arith.andi %parallel_loop3A_450, %parallel_loop3A_455 : vector<16xi32>
        %parallel_loop3A_457 = tpu.bitcast %parallel_loop3A_456 : vector<16xi32> -> vector<16xf32>
        %parallel_loop3A_458 = arith.constant 48 : i32
        %parallel_loop3A_459 = arith.addi %parallel_loop3A_270, %parallel_loop3A_458 : i32
        %parallel_loop3A_460 = arith.index_cast %parallel_loop3A_266 : i32 to index
        %parallel_loop3A_461 = arith.index_cast %parallel_loop3A_459 : i32 to index
        %parallel_loop3A_462 = tpu.vector_load %arg14[%parallel_loop3A_460, %parallel_loop3A_461] {strides = array<i32>} : memref<8x512xi32, #tpu.memory_space<vmem>>, vector<1x16xi32>,
        %parallel_loop3A_463 = vector.shape_cast %parallel_loop3A_462 : vector<1x16xi32> to vector<16xi32>
        %parallel_loop3A_464 = arith.constant 16 : i32
        %parallel_loop3A_465 = vector.broadcast %parallel_loop3A_464 : i32 to vector<16xi32>
        %parallel_loop3A_466 = arith.shli %parallel_loop3A_463, %parallel_loop3A_465 : vector<16xi32>
        %parallel_loop3A_467 = tpu.bitcast %parallel_loop3A_466 : vector<16xi32> -> vector<16xf32>
        %parallel_loop3A_468 = vector.broadcast %scan3A_111 : i32 to vector<16xi32>
        %parallel_loop3A_469 = arith.andi %parallel_loop3A_463, %parallel_loop3A_468 : vector<16xi32>
        %parallel_loop3A_470 = tpu.bitcast %parallel_loop3A_469 : vector<16xi32> -> vector<16xf32>
        %parallel_loop3A_471 = arith.addf %parallel_loop3A_443, %parallel_loop3A_454 : vector<16xf32>
        %parallel_loop3A_472 = arith.addf %parallel_loop3A_471, %parallel_loop3A_467 : vector<16xf32>
        %parallel_loop3A_473 = arith.constant 0.000000e+00 : f32
        %parallel_loop3A_474 = vector.broadcast %parallel_loop3A_473 : f32 to vector<16xf32>
        %parallel_loop3A_475 = arith.maximumf %parallel_loop3A_472, %parallel_loop3A_474 : vector<16xf32>
        %parallel_loop3A_476 = arith.index_cast %parallel_loop3A_264 : i32 to index
        %parallel_loop3A_477 = arith.constant 96 : index
        %parallel_loop3A_478 = tpu.vector_load %arg15[%parallel_loop3A_476, %parallel_loop3A_477] {strides = array<i32>} : memref<64x128xf32, #tpu.memory_space<vmem>>, vector<1x16xf32>,
        %parallel_loop3A_479 = vector.shape_cast %parallel_loop3A_478 : vector<1x16xf32> to vector<16xf32>
        %parallel_loop3A_480 = vector.shape_cast %parallel_loop3A_475 : vector<16xf32> to vector<1x16xf32>
        tpu.vector_store %arg15[%parallel_loop3A_476, %parallel_loop3A_477], %parallel_loop3A_480 {strides = array<i32>} : memref<64x128xf32, #tpu.memory_space<vmem>>, vector<1x16xf32>,
        %parallel_loop3A_481 = arith.addf %parallel_loop3A_446, %parallel_loop3A_457 : vector<16xf32>
        %parallel_loop3A_482 = arith.addf %parallel_loop3A_481, %parallel_loop3A_470 : vector<16xf32>
        %parallel_loop3A_483 = arith.constant 0.000000e+00 : f32
        %parallel_loop3A_484 = vector.broadcast %parallel_loop3A_483 : f32 to vector<16xf32>
        %parallel_loop3A_485 = arith.maximumf %parallel_loop3A_482, %parallel_loop3A_484 : vector<16xf32>
        %parallel_loop3A_486 = arith.index_cast %parallel_loop3A_264 : i32 to index
        %parallel_loop3A_487 = arith.constant 112 : index
        %parallel_loop3A_488 = tpu.vector_load %arg15[%parallel_loop3A_486, %parallel_loop3A_487] {strides = array<i32>} : memref<64x128xf32, #tpu.memory_space<vmem>>, vector<1x16xf32>,
        %parallel_loop3A_489 = vector.shape_cast %parallel_loop3A_488 : vector<1x16xf32> to vector<16xf32>
        %parallel_loop3A_490 = vector.shape_cast %parallel_loop3A_485 : vector<16xf32> to vector<1x16xf32>
        tpu.vector_store %arg15[%parallel_loop3A_486, %parallel_loop3A_487], %parallel_loop3A_490 {strides = array<i32>} : memref<64x128xf32, #tpu.memory_space<vmem>>, vector<1x16xf32>,
      } {sc.loop_unroll_factor = 4 : i64, sc.parallel_access}
      %add3A_188 = arith.constant 1 : i32
      %add3A_189 = arith.addi %mul3A_130, %add3A_188 : i32
      %lt3A_190 = arith.constant 156 : i32
      %lt3A_191 = arith.cmpi slt, %add3A_189, %lt3A_190 : i32
      %convert_element_type3A_192 = arith.extui %lt3A_191 : i1 to i32
      %cond3A_193 = arith.constant 0 : i32
      %cond3A_194 = arith.cmpi ne, %convert_element_type3A_192, %cond3A_193 : i32
      scf.if %cond3A_194 {
        %add3A_264 = arith.constant 1 : i32
        %add3A_265 = arith.addi %add3A_133, %add3A_264 : i32
        %mul3A_266 = arith.constant 8 : i32
        %mul3A_267 = arith.muli %add3A_265, %mul3A_266 : i32
        %dma_start3A_268 = arith.constant 0 : i32
        %dma_start3A_269 = tpu.memref_slice %arg3[%mul3A_267, %dma_start3A_268] : memref<40000x512xi32, #tpu.memory_space<hbm>> -> memref<8x512xi32, #tpu.memory_space<hbm>>
        %dma_start3A_270 = arith.constant 0 : i32
        %dma_start3A_271 = tpu.memref_slice %arg3[%mul3A_267, %dma_start3A_270] : memref<40000x512xi32, #tpu.memory_space<hbm>> -> memref<8x512xi32, #tpu.memory_space<hbm>>
        tpu.enqueue_dma source(%dma_start3A_271 : memref<8x512xi32, #tpu.memory_space<hbm>>) target(%arg14 : memref<8x512xi32, #tpu.memory_space<vmem>>) target_semaphore(%arg22 : memref<!tpu.dma_semaphore, #tpu.memory_space<semaphore_mem>>)
      } else {
      }
      "tpu.region"() ({
        %run_scoped3A = tpu.sem_alloc : memref<!tpu.dma_semaphore, #tpu.memory_space<semaphore_mem>>
        %dma_start3A_264 = arith.constant 0 : i32
        %dma_start3A_265 = arith.constant 0 : i32
        %dma_start3A_266 = tpu.memref_slice %arg17[%dma_start3A_264, %dma_start3A_265] : memref<10112x128xf32, #tpu.memory_space<vmem_shared>> -> memref<10112x128xf32, #tpu.memory_space<vmem_shared>>
        tpu.enqueue_indirect_dma source(%arg15 : memref<64x128xf32, #tpu.memory_space<vmem>>) target(%dma_start3A_266 : memref<10112x128xf32, #tpu.memory_space<vmem_shared>>) offsets(%arg16 : memref<64xi32, #tpu.memory_space<vmem>>) semaphore(%run_scoped3A : memref<!tpu.dma_semaphore, #tpu.memory_space<semaphore_mem>>) {add = true}
        %dma_wait3A_267 = arith.constant 0 : i32
        %dma_wait3A_268 = arith.constant 0 : i32
        %dma_wait3A_269 = tpu.memref_slice %arg17[%dma_wait3A_267, %dma_wait3A_268] : memref<10112x128xf32, #tpu.memory_space<vmem_shared>> -> memref<10112x128xf32, #tpu.memory_space<vmem_shared>>
        tpu.wait_indirect_dma semaphore(%run_scoped3A : memref<!tpu.dma_semaphore, #tpu.memory_space<semaphore_mem>>) src(%arg15 : memref<64x128xf32, #tpu.memory_space<vmem>>) dst(%dma_wait3A_269 : memref<10112x128xf32, #tpu.memory_space<vmem_shared>>)
        tpu.yield
      }) : () -> ()
      %add3A_195 = arith.constant 1 : i32
      %add3A_196 = arith.addi %mul3A_130, %add3A_195 : i32
      %mul3A_197 = arith.constant 156 : i32
      %mul3A_198 = arith.muli %add3A, %mul3A_197 : i32
      %add3A_199 = arith.addi %mul3A_198, %add3A_196 : i32
      %dma_wait3A_200 = arith.constant 0 : i32
      %dma_wait3A_201 = arith.constant 0 : i32
      %dma_wait3A_202 = tpu.memref_slice %arg2[%dma_wait3A_200, %dma_wait3A_201] : memref<10000x128xi32, #tpu.memory_space<hbm>> -> memref<10000x128xi32, #tpu.memory_space<hbm>>
      tpu.wait_indirect_dma semaphore(%arg21 : memref<!tpu.dma_semaphore, #tpu.memory_space<semaphore_mem>>) src(%dma_wait3A_202 : memref<10000x128xi32, #tpu.memory_space<hbm>>) dst(%arg10 : memref<64x128xi32, #tpu.memory_space<vmem>>)
      %dma_wait3A_203 = arith.constant 0 : i32
      %dma_wait3A_204 = arith.constant 0 : i32
      %dma_wait3A_205 = tpu.memref_slice %arg2[%dma_wait3A_203, %dma_wait3A_204] : memref<10000x128xi32, #tpu.memory_space<hbm>> -> memref<10000x128xi32, #tpu.memory_space<hbm>>
      tpu.wait_indirect_dma semaphore(%arg21 : memref<!tpu.dma_semaphore, #tpu.memory_space<semaphore_mem>>) src(%dma_wait3A_205 : memref<10000x128xi32, #tpu.memory_space<hbm>>) dst(%arg11 : memref<64x128xi32, #tpu.memory_space<vmem>>)
      %mul3A_206 = arith.constant 8 : i32
      %mul3A_207 = arith.muli %add3A_199, %mul3A_206 : i32
      %dma_wait3A_208 = arith.constant 0 : i32
      %dma_wait3A_209 = tpu.memref_slice %arg3[%mul3A_207, %dma_wait3A_208] : memref<40000x512xi32, #tpu.memory_space<hbm>> -> memref<8x512xi32, #tpu.memory_space<hbm>>
      %dma_wait3A_210 = arith.constant 0 : i32
      %dma_wait3A_211 = tpu.memref_slice %arg3[%mul3A_207, %dma_wait3A_210] : memref<40000x512xi32, #tpu.memory_space<hbm>> -> memref<8x512xi32, #tpu.memory_space<hbm>>
      tpu.wait_dma2 semaphore(%arg22 : memref<!tpu.dma_semaphore, #tpu.memory_space<semaphore_mem>>) src(%dma_wait3A_211 : memref<8x512xi32, #tpu.memory_space<hbm>>) dst(%arg14 : memref<8x512xi32, #tpu.memory_space<vmem>>)
      %add3A_212 = arith.constant 2 : i32
      %add3A_213 = arith.addi %add3A_196, %add3A_212 : i32
      %lt3A_214 = arith.constant 156 : i32
      %lt3A_215 = arith.cmpi slt, %add3A_213, %lt3A_214 : i32
      %convert_element_type3A_216 = arith.extui %lt3A_215 : i1 to i32
      %cond3A_217 = arith.constant 0 : i32
      %cond3A_218 = arith.cmpi ne, %convert_element_type3A_216, %cond3A_217 : i32
      scf.if %cond3A_218 {
        %add3A_264 = arith.constant 2 : i32
        %add3A_265 = arith.addi %add3A_199, %add3A_264 : i32
        %mul3A_266 = arith.constant 64 : i32
        %mul3A_267 = arith.muli %add3A_265, %mul3A_266 : i32
        %dma_start3A_268 = arith.constant 0 : i32
        %dma_start3A_269 = tpu.memref_slice %arg4[%dma_start3A_268, %mul3A_267] : memref<2x320000xi32, #tpu.memory_space<hbm>> -> memref<1x64xi32, #tpu.memory_space<hbm>>
        %dma_start3A_270 = tpu.memref_squeeze %dma_start3A_269 : memref<1x64xi32, #tpu.memory_space<hbm>> -> memref<64xi32, #tpu.memory_space<hbm>>
        %dma_start3A_271 = tpu.memref_slice %arg4[%dma_start3A_268, %mul3A_267] : memref<2x320000xi32, #tpu.memory_space<hbm>> -> memref<1x64xi32, #tpu.memory_space<hbm>>
        %dma_start3A_272 = tpu.memref_squeeze %dma_start3A_271 : memref<1x64xi32, #tpu.memory_space<hbm>> -> memref<64xi32, #tpu.memory_space<hbm>>
        tpu.enqueue_dma source(%dma_start3A_272 : memref<64xi32, #tpu.memory_space<hbm>>) target(%arg12 : memref<64xi32, #tpu.memory_space<vmem>>) target_semaphore(%arg20 : memref<!tpu.dma_semaphore, #tpu.memory_space<semaphore_mem>>)
        %mul3A_273 = arith.constant 64 : i32
        %mul3A_274 = arith.muli %add3A_265, %mul3A_273 : i32
        %dma_start3A_275 = arith.constant 1 : i32
        %dma_start3A_276 = tpu.memref_slice %arg4[%dma_start3A_275, %mul3A_274] : memref<2x320000xi32, #tpu.memory_space<hbm>> -> memref<1x64xi32, #tpu.memory_space<hbm>>
        %dma_start3A_277 = tpu.memref_squeeze %dma_start3A_276 : memref<1x64xi32, #tpu.memory_space<hbm>> -> memref<64xi32, #tpu.memory_space<hbm>>
        %dma_start3A_278 = tpu.memref_slice %arg4[%dma_start3A_275, %mul3A_274] : memref<2x320000xi32, #tpu.memory_space<hbm>> -> memref<1x64xi32, #tpu.memory_space<hbm>>
        %dma_start3A_279 = tpu.memref_squeeze %dma_start3A_278 : memref<1x64xi32, #tpu.memory_space<hbm>> -> memref<64xi32, #tpu.memory_space<hbm>>
        tpu.enqueue_dma source(%dma_start3A_279 : memref<64xi32, #tpu.memory_space<hbm>>) target(%arg13 : memref<64xi32, #tpu.memory_space<vmem>>) target_semaphore(%arg20 : memref<!tpu.dma_semaphore, #tpu.memory_space<semaphore_mem>>)
      } else {
      }
      %add3A_219 = arith.constant 1 : i32
      %add3A_220 = arith.addi %add3A_196, %add3A_219 : i32
      %lt3A_221 = arith.constant 156 : i32
      %lt3A_222 = arith.cmpi slt, %add3A_220, %lt3A_221 : i32
      %convert_element_type3A_223 = arith.extui %lt3A_222 : i1 to i32
      %cond3A_224 = arith.constant 0 : i32
      %cond3A_225 = arith.cmpi ne, %convert_element_type3A_223, %cond3A_224 : i32
      scf.if %cond3A_225 {
        %add3A_264 = arith.constant 1 : i32
        %add3A_265 = arith.addi %add3A_199, %add3A_264 : i32
        %mul3A_266 = arith.constant 64 : i32
        %mul3A_267 = arith.muli %add3A_265, %mul3A_266 : i32
        %dma_wait3A_268 = arith.constant 0 : i32
        %dma_wait3A_269 = tpu.memref_slice %arg4[%dma_wait3A_268, %mul3A_267] : memref<2x320000xi32, #tpu.memory_space<hbm>> -> memref<1x64xi32, #tpu.memory_space<hbm>>
        %dma_wait3A_270 = tpu.memref_squeeze %dma_wait3A_269 : memref<1x64xi32, #tpu.memory_space<hbm>> -> memref<64xi32, #tpu.memory_space<hbm>>
        %dma_wait3A_271 = tpu.memref_slice %arg4[%dma_wait3A_268, %mul3A_267] : memref<2x320000xi32, #tpu.memory_space<hbm>> -> memref<1x64xi32, #tpu.memory_space<hbm>>
        %dma_wait3A_272 = tpu.memref_squeeze %dma_wait3A_271 : memref<1x64xi32, #tpu.memory_space<hbm>> -> memref<64xi32, #tpu.memory_space<hbm>>
        tpu.wait_dma2 semaphore(%arg18 : memref<!tpu.dma_semaphore, #tpu.memory_space<semaphore_mem>>) src(%dma_wait3A_272 : memref<64xi32, #tpu.memory_space<hbm>>) dst(%arg8 : memref<64xi32, #tpu.memory_space<vmem>>)
        %mul3A_273 = arith.constant 64 : i32
        %mul3A_274 = arith.muli %add3A_265, %mul3A_273 : i32
        %dma_wait3A_275 = arith.constant 1 : i32
        %dma_wait3A_276 = tpu.memref_slice %arg4[%dma_wait3A_275, %mul3A_274] : memref<2x320000xi32, #tpu.memory_space<hbm>> -> memref<1x64xi32, #tpu.memory_space<hbm>>
        %dma_wait3A_277 = tpu.memref_squeeze %dma_wait3A_276 : memref<1x64xi32, #tpu.memory_space<hbm>> -> memref<64xi32, #tpu.memory_space<hbm>>
        %dma_wait3A_278 = tpu.memref_slice %arg4[%dma_wait3A_275, %mul3A_274] : memref<2x320000xi32, #tpu.memory_space<hbm>> -> memref<1x64xi32, #tpu.memory_space<hbm>>
        %dma_wait3A_279 = tpu.memref_squeeze %dma_wait3A_278 : memref<1x64xi32, #tpu.memory_space<hbm>> -> memref<64xi32, #tpu.memory_space<hbm>>
        tpu.wait_dma2 semaphore(%arg18 : memref<!tpu.dma_semaphore, #tpu.memory_space<semaphore_mem>>) src(%dma_wait3A_279 : memref<64xi32, #tpu.memory_space<hbm>>) dst(%arg9 : memref<64xi32, #tpu.memory_space<vmem>>)
        %add3A_280 = arith.constant 1 : i32
        %add3A_281 = arith.addi %add3A_199, %add3A_280 : i32
        %dma_start3A_282 = arith.constant 0 : i32
        %dma_start3A_283 = arith.constant 0 : i32
        %dma_start3A_284 = tpu.memref_slice %arg2[%dma_start3A_282, %dma_start3A_283] : memref<10000x128xi32, #tpu.memory_space<hbm>> -> memref<10000x128xi32, #tpu.memory_space<hbm>>
        tpu.enqueue_indirect_dma source(%dma_start3A_284 : memref<10000x128xi32, #tpu.memory_space<hbm>>) target(%arg6 : memref<64x128xi32, #tpu.memory_space<vmem>>) offsets(%arg9 : memref<64xi32, #tpu.memory_space<vmem>>) semaphore(%arg19 : memref<!tpu.dma_semaphore, #tpu.memory_space<semaphore_mem>>)
        %dma_start3A_285 = arith.constant 0 : i32
        %dma_start3A_286 = arith.constant 0 : i32
        %dma_start3A_287 = tpu.memref_slice %arg2[%dma_start3A_285, %dma_start3A_286] : memref<10000x128xi32, #tpu.memory_space<hbm>> -> memref<10000x128xi32, #tpu.memory_space<hbm>>
        tpu.enqueue_indirect_dma source(%dma_start3A_287 : memref<10000x128xi32, #tpu.memory_space<hbm>>) target(%arg7 : memref<64x128xi32, #tpu.memory_space<vmem>>) offsets(%arg8 : memref<64xi32, #tpu.memory_space<vmem>>) semaphore(%arg19 : memref<!tpu.dma_semaphore, #tpu.memory_space<semaphore_mem>>)
      } else {
      }
      %get3A_226 = arith.constant 0 : index
      %get3A_227 = tpu.vector_load %arg13[%get3A_226] {strides = array<i32>} : memref<64xi32, #tpu.memory_space<vmem>>, vector<16xi32>,
      %get3A_228 = vector.shape_cast %get3A_227 : vector<16xi32> to vector<16xi32>
      %swap3A_229 = arith.constant 0 : index
      %swap3A_230 = tpu.vector_load %arg16[%swap3A_229] {strides = array<i32>} : memref<64xi32, #tpu.memory_space<vmem>>, vector<16xi32>,
      %swap3A_231 = vector.shape_cast %swap3A_230 : vector<16xi32> to vector<16xi32>
      %swap3A_232 = vector.shape_cast %get3A_228 : vector<16xi32> to vector<16xi32>
      tpu.vector_store %arg16[%swap3A_229], %swap3A_232 {strides = array<i32>} : memref<64xi32, #tpu.memory_space<vmem>>, vector<16xi32>,
      %get3A_233 = arith.constant 16 : index
      %get3A_234 = tpu.vector_load %arg13[%get3A_233] {strides = array<i32>} : memref<64xi32, #tpu.memory_space<vmem>>, vector<16xi32>,
      %get3A_235 = vector.shape_cast %get3A_234 : vector<16xi32> to vector<16xi32>
      %swap3A_236 = arith.constant 16 : index
      %swap3A_237 = tpu.vector_load %arg16[%swap3A_236] {strides = array<i32>} : memref<64xi32, #tpu.memory_space<vmem>>, vector<16xi32>,
      %swap3A_238 = vector.shape_cast %swap3A_237 : vector<16xi32> to vector<16xi32>
      %swap3A_239 = vector.shape_cast %get3A_235 : vector<16xi32> to vector<16xi32>
      tpu.vector_store %arg16[%swap3A_236], %swap3A_239 {strides = array<i32>} : memref<64xi32, #tpu.memory_space<vmem>>, vector<16xi32>,
      %get3A_240 = arith.constant 32 : index
      %get3A_241 = tpu.vector_load %arg13[%get3A_240] {strides = array<i32>} : memref<64xi32, #tpu.memory_space<vmem>>, vector<16xi32>,
      %get3A_242 = vector.shape_cast %get3A_241 : vector<16xi32> to vector<16xi32>
      %swap3A_243 = arith.constant 32 : index
      %swap3A_244 = tpu.vector_load %arg16[%swap3A_243] {strides = array<i32>} : memref<64xi32, #tpu.memory_space<vmem>>, vector<16xi32>,
      %swap3A_245 = vector.shape_cast %swap3A_244 : vector<16xi32> to vector<16xi32>
      %swap3A_246 = vector.shape_cast %get3A_242 : vector<16xi32> to vector<16xi32>
      tpu.vector_store %arg16[%swap3A_243], %swap3A_246 {strides = array<i32>} : memref<64xi32, #tpu.memory_space<vmem>>, vector<16xi32>,
      %get3A_247 = arith.constant 48 : index
      %get3A_248 = tpu.vector_load %arg13[%get3A_247] {strides = array<i32>} : memref<64xi32, #tpu.memory_space<vmem>>, vector<16xi32>,
      %get3A_249 = vector.shape_cast %get3A_248 : vector<16xi32> to vector<16xi32>
      %swap3A_250 = arith.constant 48 : index
      %swap3A_251 = tpu.vector_load %arg16[%swap3A_250] {strides = array<i32>} : memref<64xi32, #tpu.memory_space<vmem>>, vector<16xi32>,
      %swap3A_252 = vector.shape_cast %swap3A_251 : vector<16xi32> to vector<16xi32>
      %swap3A_253 = vector.shape_cast %get3A_249 : vector<16xi32> to vector<16xi32>
      tpu.vector_store %arg16[%swap3A_250], %swap3A_253 {strides = array<i32>} : memref<64xi32, #tpu.memory_space<vmem>>, vector<16xi32>,
      %parallel_loop3A_254 = arith.constant 0 : i32
      %parallel_loop3A_255 = arith.constant 64 : i32
      %parallel_loop3A_256 = arith.constant 1 : i32
      scf.for %parallel_loop3A_264 = %parallel_loop3A_254 to %parallel_loop3A_255 step %parallel_loop3A_256  : i32 {
        %parallel_loop3A_265 = arith.constant 3 : i32
        %parallel_loop3A_266 = arith.shrsi %parallel_loop3A_264, %parallel_loop3A_265 : i32
        %parallel_loop3A_267 = arith.constant 7 : i32
        %parallel_loop3A_268 = arith.andi %parallel_loop3A_264, %parallel_loop3A_267 : i32
        %parallel_loop3A_269 = arith.constant 64 : i32
        %parallel_loop3A_270 = arith.muli %parallel_loop3A_268, %parallel_loop3A_269 : i32
        %parallel_loop3A_271 = arith.index_cast %parallel_loop3A_264 : i32 to index
        %parallel_loop3A_272 = arith.constant 0 : index
        %parallel_loop3A_273 = tpu.vector_load %arg10[%parallel_loop3A_271, %parallel_loop3A_272] {strides = array<i32>} : memref<64x128xi32, #tpu.memory_space<vmem>>, vector<1x16xi32>,
        %parallel_loop3A_274 = vector.shape_cast %parallel_loop3A_273 : vector<1x16xi32> to vector<16xi32>
        %parallel_loop3A_275 = arith.constant 16 : i32
        %parallel_loop3A_276 = vector.broadcast %parallel_loop3A_275 : i32 to vector<16xi32>
        %parallel_loop3A_277 = arith.shli %parallel_loop3A_274, %parallel_loop3A_276 : vector<16xi32>
        %parallel_loop3A_278 = tpu.bitcast %parallel_loop3A_277 : vector<16xi32> -> vector<16xf32>
        %parallel_loop3A_279 = vector.broadcast %scan3A_111 : i32 to vector<16xi32>
        %parallel_loop3A_280 = arith.andi %parallel_loop3A_274, %parallel_loop3A_279 : vector<16xi32>
        %parallel_loop3A_281 = tpu.bitcast %parallel_loop3A_280 : vector<16xi32> -> vector<16xf32>
        %parallel_loop3A_282 = arith.index_cast %parallel_loop3A_264 : i32 to index
        %parallel_loop3A_283 = arith.constant 64 : index
        %parallel_loop3A_284 = tpu.vector_load %arg11[%parallel_loop3A_282, %parallel_loop3A_283] {strides = array<i32>} : memref<64x128xi32, #tpu.memory_space<vmem>>, vector<1x16xi32>,
        %parallel_loop3A_285 = vector.shape_cast %parallel_loop3A_284 : vector<1x16xi32> to vector<16xi32>
        %parallel_loop3A_286 = arith.constant 16 : i32
        %parallel_loop3A_287 = vector.broadcast %parallel_loop3A_286 : i32 to vector<16xi32>
        %parallel_loop3A_288 = arith.shli %parallel_loop3A_285, %parallel_loop3A_287 : vector<16xi32>
        %parallel_loop3A_289 = tpu.bitcast %parallel_loop3A_288 : vector<16xi32> -> vector<16xf32>
        %parallel_loop3A_290 = vector.broadcast %scan3A_111 : i32 to vector<16xi32>
        %parallel_loop3A_291 = arith.andi %parallel_loop3A_285, %parallel_loop3A_290 : vector<16xi32>
        %parallel_loop3A_292 = tpu.bitcast %parallel_loop3A_291 : vector<16xi32> -> vector<16xf32>
        %parallel_loop3A_293 = arith.constant 0 : i32
        %parallel_loop3A_294 = arith.addi %parallel_loop3A_270, %parallel_loop3A_293 : i32
        %parallel_loop3A_295 = arith.index_cast %parallel_loop3A_266 : i32 to index
        %parallel_loop3A_296 = arith.index_cast %parallel_loop3A_294 : i32 to index
        %parallel_loop3A_297 = tpu.vector_load %arg14[%parallel_loop3A_295, %parallel_loop3A_296] {strides = array<i32>} : memref<8x512xi32, #tpu.memory_space<vmem>>, vector<1x16xi32>,
        %parallel_loop3A_298 = vector.shape_cast %parallel_loop3A_297 : vector<1x16xi32> to vector<16xi32>
        %parallel_loop3A_299 = arith.constant 16 : i32
        %parallel_loop3A_300 = vector.broadcast %parallel_loop3A_299 : i32 to vector<16xi32>
        %parallel_loop3A_301 = arith.shli %parallel_loop3A_298, %parallel_loop3A_300 : vector<16xi32>
        %parallel_loop3A_302 = tpu.bitcast %parallel_loop3A_301 : vector<16xi32> -> vector<16xf32>
        %parallel_loop3A_303 = vector.broadcast %scan3A_111 : i32 to vector<16xi32>
        %parallel_loop3A_304 = arith.andi %parallel_loop3A_298, %parallel_loop3A_303 : vector<16xi32>
        %parallel_loop3A_305 = tpu.bitcast %parallel_loop3A_304 : vector<16xi32> -> vector<16xf32>
        %parallel_loop3A_306 = arith.addf %parallel_loop3A_278, %parallel_loop3A_289 : vector<16xf32>
        %parallel_loop3A_307 = arith.addf %parallel_loop3A_306, %parallel_loop3A_302 : vector<16xf32>
        %parallel_loop3A_308 = arith.constant 0.000000e+00 : f32
        %parallel_loop3A_309 = vector.broadcast %parallel_loop3A_308 : f32 to vector<16xf32>
        %parallel_loop3A_310 = arith.maximumf %parallel_loop3A_307, %parallel_loop3A_309 : vector<16xf32>
        %parallel_loop3A_311 = arith.index_cast %parallel_loop3A_264 : i32 to index
        %parallel_loop3A_312 = arith.constant 0 : index
        %parallel_loop3A_313 = tpu.vector_load %arg15[%parallel_loop3A_311, %parallel_loop3A_312] {strides = array<i32>} : memref<64x128xf32, #tpu.memory_space<vmem>>, vector<1x16xf32>,
        %parallel_loop3A_314 = vector.shape_cast %parallel_loop3A_313 : vector<1x16xf32> to vector<16xf32>
        %parallel_loop3A_315 = vector.shape_cast %parallel_loop3A_310 : vector<16xf32> to vector<1x16xf32>
        tpu.vector_store %arg15[%parallel_loop3A_311, %parallel_loop3A_312], %parallel_loop3A_315 {strides = array<i32>} : memref<64x128xf32, #tpu.memory_space<vmem>>, vector<1x16xf32>,
        %parallel_loop3A_316 = arith.addf %parallel_loop3A_281, %parallel_loop3A_292 : vector<16xf32>
        %parallel_loop3A_317 = arith.addf %parallel_loop3A_316, %parallel_loop3A_305 : vector<16xf32>
        %parallel_loop3A_318 = arith.constant 0.000000e+00 : f32
        %parallel_loop3A_319 = vector.broadcast %parallel_loop3A_318 : f32 to vector<16xf32>
        %parallel_loop3A_320 = arith.maximumf %parallel_loop3A_317, %parallel_loop3A_319 : vector<16xf32>
        %parallel_loop3A_321 = arith.index_cast %parallel_loop3A_264 : i32 to index
        %parallel_loop3A_322 = arith.constant 16 : index
        %parallel_loop3A_323 = tpu.vector_load %arg15[%parallel_loop3A_321, %parallel_loop3A_322] {strides = array<i32>} : memref<64x128xf32, #tpu.memory_space<vmem>>, vector<1x16xf32>,
        %parallel_loop3A_324 = vector.shape_cast %parallel_loop3A_323 : vector<1x16xf32> to vector<16xf32>
        %parallel_loop3A_325 = vector.shape_cast %parallel_loop3A_320 : vector<16xf32> to vector<1x16xf32>
        tpu.vector_store %arg15[%parallel_loop3A_321, %parallel_loop3A_322], %parallel_loop3A_325 {strides = array<i32>} : memref<64x128xf32, #tpu.memory_space<vmem>>, vector<1x16xf32>,
        %parallel_loop3A_326 = arith.index_cast %parallel_loop3A_264 : i32 to index
        %parallel_loop3A_327 = arith.constant 16 : index
        %parallel_loop3A_328 = tpu.vector_load %arg10[%parallel_loop3A_326, %parallel_loop3A_327] {strides = array<i32>} : memref<64x128xi32, #tpu.memory_space<vmem>>, vector<1x16xi32>,
        %parallel_loop3A_329 = vector.shape_cast %parallel_loop3A_328 : vector<1x16xi32> to vector<16xi32>
        %parallel_loop3A_330 = arith.constant 16 : i32
        %parallel_loop3A_331 = vector.broadcast %parallel_loop3A_330 : i32 to vector<16xi32>
        %parallel_loop3A_332 = arith.shli %parallel_loop3A_329, %parallel_loop3A_331 : vector<16xi32>
        %parallel_loop3A_333 = tpu.bitcast %parallel_loop3A_332 : vector<16xi32> -> vector<16xf32>
        %parallel_loop3A_334 = vector.broadcast %scan3A_111 : i32 to vector<16xi32>
        %parallel_loop3A_335 = arith.andi %parallel_loop3A_329, %parallel_loop3A_334 : vector<16xi32>
        %parallel_loop3A_336 = tpu.bitcast %parallel_loop3A_335 : vector<16xi32> -> vector<16xf32>
        %parallel_loop3A_337 = arith.index_cast %parallel_loop3A_264 : i32 to index
        %parallel_loop3A_338 = arith.constant 80 : index
        %parallel_loop3A_339 = tpu.vector_load %arg11[%parallel_loop3A_337, %parallel_loop3A_338] {strides = array<i32>} : memref<64x128xi32, #tpu.memory_space<vmem>>, vector<1x16xi32>,
        %parallel_loop3A_340 = vector.shape_cast %parallel_loop3A_339 : vector<1x16xi32> to vector<16xi32>
        %parallel_loop3A_341 = arith.constant 16 : i32
        %parallel_loop3A_342 = vector.broadcast %parallel_loop3A_341 : i32 to vector<16xi32>
        %parallel_loop3A_343 = arith.shli %parallel_loop3A_340, %parallel_loop3A_342 : vector<16xi32>
        %parallel_loop3A_344 = tpu.bitcast %parallel_loop3A_343 : vector<16xi32> -> vector<16xf32>
        %parallel_loop3A_345 = vector.broadcast %scan3A_111 : i32 to vector<16xi32>
        %parallel_loop3A_346 = arith.andi %parallel_loop3A_340, %parallel_loop3A_345 : vector<16xi32>
        %parallel_loop3A_347 = tpu.bitcast %parallel_loop3A_346 : vector<16xi32> -> vector<16xf32>
        %parallel_loop3A_348 = arith.constant 16 : i32
        %parallel_loop3A_349 = arith.addi %parallel_loop3A_270, %parallel_loop3A_348 : i32
        %parallel_loop3A_350 = arith.index_cast %parallel_loop3A_266 : i32 to index
        %parallel_loop3A_351 = arith.index_cast %parallel_loop3A_349 : i32 to index
        %parallel_loop3A_352 = tpu.vector_load %arg14[%parallel_loop3A_350, %parallel_loop3A_351] {strides = array<i32>} : memref<8x512xi32, #tpu.memory_space<vmem>>, vector<1x16xi32>,
        %parallel_loop3A_353 = vector.shape_cast %parallel_loop3A_352 : vector<1x16xi32> to vector<16xi32>
        %parallel_loop3A_354 = arith.constant 16 : i32
        %parallel_loop3A_355 = vector.broadcast %parallel_loop3A_354 : i32 to vector<16xi32>
        %parallel_loop3A_356 = arith.shli %parallel_loop3A_353, %parallel_loop3A_355 : vector<16xi32>
        %parallel_loop3A_357 = tpu.bitcast %parallel_loop3A_356 : vector<16xi32> -> vector<16xf32>
        %parallel_loop3A_358 = vector.broadcast %scan3A_111 : i32 to vector<16xi32>
        %parallel_loop3A_359 = arith.andi %parallel_loop3A_353, %parallel_loop3A_358 : vector<16xi32>
        %parallel_loop3A_360 = tpu.bitcast %parallel_loop3A_359 : vector<16xi32> -> vector<16xf32>
        %parallel_loop3A_361 = arith.addf %parallel_loop3A_333, %parallel_loop3A_344 : vector<16xf32>
        %parallel_loop3A_362 = arith.addf %parallel_loop3A_361, %parallel_loop3A_357 : vector<16xf32>
        %parallel_loop3A_363 = arith.constant 0.000000e+00 : f32
        %parallel_loop3A_364 = vector.broadcast %parallel_loop3A_363 : f32 to vector<16xf32>
        %parallel_loop3A_365 = arith.maximumf %parallel_loop3A_362, %parallel_loop3A_364 : vector<16xf32>
        %parallel_loop3A_366 = arith.index_cast %parallel_loop3A_264 : i32 to index
        %parallel_loop3A_367 = arith.constant 32 : index
        %parallel_loop3A_368 = tpu.vector_load %arg15[%parallel_loop3A_366, %parallel_loop3A_367] {strides = array<i32>} : memref<64x128xf32, #tpu.memory_space<vmem>>, vector<1x16xf32>,
        %parallel_loop3A_369 = vector.shape_cast %parallel_loop3A_368 : vector<1x16xf32> to vector<16xf32>
        %parallel_loop3A_370 = vector.shape_cast %parallel_loop3A_365 : vector<16xf32> to vector<1x16xf32>
        tpu.vector_store %arg15[%parallel_loop3A_366, %parallel_loop3A_367], %parallel_loop3A_370 {strides = array<i32>} : memref<64x128xf32, #tpu.memory_space<vmem>>, vector<1x16xf32>,
        %parallel_loop3A_371 = arith.addf %parallel_loop3A_336, %parallel_loop3A_347 : vector<16xf32>
        %parallel_loop3A_372 = arith.addf %parallel_loop3A_371, %parallel_loop3A_360 : vector<16xf32>
        %parallel_loop3A_373 = arith.constant 0.000000e+00 : f32
        %parallel_loop3A_374 = vector.broadcast %parallel_loop3A_373 : f32 to vector<16xf32>
        %parallel_loop3A_375 = arith.maximumf %parallel_loop3A_372, %parallel_loop3A_374 : vector<16xf32>
        %parallel_loop3A_376 = arith.index_cast %parallel_loop3A_264 : i32 to index
        %parallel_loop3A_377 = arith.constant 48 : index
        %parallel_loop3A_378 = tpu.vector_load %arg15[%parallel_loop3A_376, %parallel_loop3A_377] {strides = array<i32>} : memref<64x128xf32, #tpu.memory_space<vmem>>, vector<1x16xf32>,
        %parallel_loop3A_379 = vector.shape_cast %parallel_loop3A_378 : vector<1x16xf32> to vector<16xf32>
        %parallel_loop3A_380 = vector.shape_cast %parallel_loop3A_375 : vector<16xf32> to vector<1x16xf32>
        tpu.vector_store %arg15[%parallel_loop3A_376, %parallel_loop3A_377], %parallel_loop3A_380 {strides = array<i32>} : memref<64x128xf32, #tpu.memory_space<vmem>>, vector<1x16xf32>,
        %parallel_loop3A_381 = arith.index_cast %parallel_loop3A_264 : i32 to index
        %parallel_loop3A_382 = arith.constant 32 : index
        %parallel_loop3A_383 = tpu.vector_load %arg10[%parallel_loop3A_381, %parallel_loop3A_382] {strides = array<i32>} : memref<64x128xi32, #tpu.memory_space<vmem>>, vector<1x16xi32>,
        %parallel_loop3A_384 = vector.shape_cast %parallel_loop3A_383 : vector<1x16xi32> to vector<16xi32>
        %parallel_loop3A_385 = arith.constant 16 : i32
        %parallel_loop3A_386 = vector.broadcast %parallel_loop3A_385 : i32 to vector<16xi32>
        %parallel_loop3A_387 = arith.shli %parallel_loop3A_384, %parallel_loop3A_386 : vector<16xi32>
        %parallel_loop3A_388 = tpu.bitcast %parallel_loop3A_387 : vector<16xi32> -> vector<16xf32>
        %parallel_loop3A_389 = vector.broadcast %scan3A_111 : i32 to vector<16xi32>
        %parallel_loop3A_390 = arith.andi %parallel_loop3A_384, %parallel_loop3A_389 : vector<16xi32>
        %parallel_loop3A_391 = tpu.bitcast %parallel_loop3A_390 : vector<16xi32> -> vector<16xf32>
        %parallel_loop3A_392 = arith.index_cast %parallel_loop3A_264 : i32 to index
        %parallel_loop3A_393 = arith.constant 96 : index
        %parallel_loop3A_394 = tpu.vector_load %arg11[%parallel_loop3A_392, %parallel_loop3A_393] {strides = array<i32>} : memref<64x128xi32, #tpu.memory_space<vmem>>, vector<1x16xi32>,
        %parallel_loop3A_395 = vector.shape_cast %parallel_loop3A_394 : vector<1x16xi32> to vector<16xi32>
        %parallel_loop3A_396 = arith.constant 16 : i32
        %parallel_loop3A_397 = vector.broadcast %parallel_loop3A_396 : i32 to vector<16xi32>
        %parallel_loop3A_398 = arith.shli %parallel_loop3A_395, %parallel_loop3A_397 : vector<16xi32>
        %parallel_loop3A_399 = tpu.bitcast %parallel_loop3A_398 : vector<16xi32> -> vector<16xf32>
        %parallel_loop3A_400 = vector.broadcast %scan3A_111 : i32 to vector<16xi32>
        %parallel_loop3A_401 = arith.andi %parallel_loop3A_395, %parallel_loop3A_400 : vector<16xi32>
        %parallel_loop3A_402 = tpu.bitcast %parallel_loop3A_401 : vector<16xi32> -> vector<16xf32>
        %parallel_loop3A_403 = arith.constant 32 : i32
        %parallel_loop3A_404 = arith.addi %parallel_loop3A_270, %parallel_loop3A_403 : i32
        %parallel_loop3A_405 = arith.index_cast %parallel_loop3A_266 : i32 to index
        %parallel_loop3A_406 = arith.index_cast %parallel_loop3A_404 : i32 to index
        %parallel_loop3A_407 = tpu.vector_load %arg14[%parallel_loop3A_405, %parallel_loop3A_406] {strides = array<i32>} : memref<8x512xi32, #tpu.memory_space<vmem>>, vector<1x16xi32>,
        %parallel_loop3A_408 = vector.shape_cast %parallel_loop3A_407 : vector<1x16xi32> to vector<16xi32>
        %parallel_loop3A_409 = arith.constant 16 : i32
        %parallel_loop3A_410 = vector.broadcast %parallel_loop3A_409 : i32 to vector<16xi32>
        %parallel_loop3A_411 = arith.shli %parallel_loop3A_408, %parallel_loop3A_410 : vector<16xi32>
        %parallel_loop3A_412 = tpu.bitcast %parallel_loop3A_411 : vector<16xi32> -> vector<16xf32>
        %parallel_loop3A_413 = vector.broadcast %scan3A_111 : i32 to vector<16xi32>
        %parallel_loop3A_414 = arith.andi %parallel_loop3A_408, %parallel_loop3A_413 : vector<16xi32>
        %parallel_loop3A_415 = tpu.bitcast %parallel_loop3A_414 : vector<16xi32> -> vector<16xf32>
        %parallel_loop3A_416 = arith.addf %parallel_loop3A_388, %parallel_loop3A_399 : vector<16xf32>
        %parallel_loop3A_417 = arith.addf %parallel_loop3A_416, %parallel_loop3A_412 : vector<16xf32>
        %parallel_loop3A_418 = arith.constant 0.000000e+00 : f32
        %parallel_loop3A_419 = vector.broadcast %parallel_loop3A_418 : f32 to vector<16xf32>
        %parallel_loop3A_420 = arith.maximumf %parallel_loop3A_417, %parallel_loop3A_419 : vector<16xf32>
        %parallel_loop3A_421 = arith.index_cast %parallel_loop3A_264 : i32 to index
        %parallel_loop3A_422 = arith.constant 64 : index
        %parallel_loop3A_423 = tpu.vector_load %arg15[%parallel_loop3A_421, %parallel_loop3A_422] {strides = array<i32>} : memref<64x128xf32, #tpu.memory_space<vmem>>, vector<1x16xf32>,
        %parallel_loop3A_424 = vector.shape_cast %parallel_loop3A_423 : vector<1x16xf32> to vector<16xf32>
        %parallel_loop3A_425 = vector.shape_cast %parallel_loop3A_420 : vector<16xf32> to vector<1x16xf32>
        tpu.vector_store %arg15[%parallel_loop3A_421, %parallel_loop3A_422], %parallel_loop3A_425 {strides = array<i32>} : memref<64x128xf32, #tpu.memory_space<vmem>>, vector<1x16xf32>,
        %parallel_loop3A_426 = arith.addf %parallel_loop3A_391, %parallel_loop3A_402 : vector<16xf32>
        %parallel_loop3A_427 = arith.addf %parallel_loop3A_426, %parallel_loop3A_415 : vector<16xf32>
        %parallel_loop3A_428 = arith.constant 0.000000e+00 : f32
        %parallel_loop3A_429 = vector.broadcast %parallel_loop3A_428 : f32 to vector<16xf32>
        %parallel_loop3A_430 = arith.maximumf %parallel_loop3A_427, %parallel_loop3A_429 : vector<16xf32>
        %parallel_loop3A_431 = arith.index_cast %parallel_loop3A_264 : i32 to index
        %parallel_loop3A_432 = arith.constant 80 : index
        %parallel_loop3A_433 = tpu.vector_load %arg15[%parallel_loop3A_431, %parallel_loop3A_432] {strides = array<i32>} : memref<64x128xf32, #tpu.memory_space<vmem>>, vector<1x16xf32>,
        %parallel_loop3A_434 = vector.shape_cast %parallel_loop3A_433 : vector<1x16xf32> to vector<16xf32>
        %parallel_loop3A_435 = vector.shape_cast %parallel_loop3A_430 : vector<16xf32> to vector<1x16xf32>
        tpu.vector_store %arg15[%parallel_loop3A_431, %parallel_loop3A_432], %parallel_loop3A_435 {strides = array<i32>} : memref<64x128xf32, #tpu.memory_space<vmem>>, vector<1x16xf32>,
        %parallel_loop3A_436 = arith.index_cast %parallel_loop3A_264 : i32 to index
        %parallel_loop3A_437 = arith.constant 48 : index
        %parallel_loop3A_438 = tpu.vector_load %arg10[%parallel_loop3A_436, %parallel_loop3A_437] {strides = array<i32>} : memref<64x128xi32, #tpu.memory_space<vmem>>, vector<1x16xi32>,
        %parallel_loop3A_439 = vector.shape_cast %parallel_loop3A_438 : vector<1x16xi32> to vector<16xi32>
        %parallel_loop3A_440 = arith.constant 16 : i32
        %parallel_loop3A_441 = vector.broadcast %parallel_loop3A_440 : i32 to vector<16xi32>
        %parallel_loop3A_442 = arith.shli %parallel_loop3A_439, %parallel_loop3A_441 : vector<16xi32>
        %parallel_loop3A_443 = tpu.bitcast %parallel_loop3A_442 : vector<16xi32> -> vector<16xf32>
        %parallel_loop3A_444 = vector.broadcast %scan3A_111 : i32 to vector<16xi32>
        %parallel_loop3A_445 = arith.andi %parallel_loop3A_439, %parallel_loop3A_444 : vector<16xi32>
        %parallel_loop3A_446 = tpu.bitcast %parallel_loop3A_445 : vector<16xi32> -> vector<16xf32>
        %parallel_loop3A_447 = arith.index_cast %parallel_loop3A_264 : i32 to index
        %parallel_loop3A_448 = arith.constant 112 : index
        %parallel_loop3A_449 = tpu.vector_load %arg11[%parallel_loop3A_447, %parallel_loop3A_448] {strides = array<i32>} : memref<64x128xi32, #tpu.memory_space<vmem>>, vector<1x16xi32>,
        %parallel_loop3A_450 = vector.shape_cast %parallel_loop3A_449 : vector<1x16xi32> to vector<16xi32>
        %parallel_loop3A_451 = arith.constant 16 : i32
        %parallel_loop3A_452 = vector.broadcast %parallel_loop3A_451 : i32 to vector<16xi32>
        %parallel_loop3A_453 = arith.shli %parallel_loop3A_450, %parallel_loop3A_452 : vector<16xi32>
        %parallel_loop3A_454 = tpu.bitcast %parallel_loop3A_453 : vector<16xi32> -> vector<16xf32>
        %parallel_loop3A_455 = vector.broadcast %scan3A_111 : i32 to vector<16xi32>
        %parallel_loop3A_456 = arith.andi %parallel_loop3A_450, %parallel_loop3A_455 : vector<16xi32>
        %parallel_loop3A_457 = tpu.bitcast %parallel_loop3A_456 : vector<16xi32> -> vector<16xf32>
        %parallel_loop3A_458 = arith.constant 48 : i32
        %parallel_loop3A_459 = arith.addi %parallel_loop3A_270, %parallel_loop3A_458 : i32
        %parallel_loop3A_460 = arith.index_cast %parallel_loop3A_266 : i32 to index
        %parallel_loop3A_461 = arith.index_cast %parallel_loop3A_459 : i32 to index
        %parallel_loop3A_462 = tpu.vector_load %arg14[%parallel_loop3A_460, %parallel_loop3A_461] {strides = array<i32>} : memref<8x512xi32, #tpu.memory_space<vmem>>, vector<1x16xi32>,
        %parallel_loop3A_463 = vector.shape_cast %parallel_loop3A_462 : vector<1x16xi32> to vector<16xi32>
        %parallel_loop3A_464 = arith.constant 16 : i32
        %parallel_loop3A_465 = vector.broadcast %parallel_loop3A_464 : i32 to vector<16xi32>
        %parallel_loop3A_466 = arith.shli %parallel_loop3A_463, %parallel_loop3A_465 : vector<16xi32>
        %parallel_loop3A_467 = tpu.bitcast %parallel_loop3A_466 : vector<16xi32> -> vector<16xf32>
        %parallel_loop3A_468 = vector.broadcast %scan3A_111 : i32 to vector<16xi32>
        %parallel_loop3A_469 = arith.andi %parallel_loop3A_463, %parallel_loop3A_468 : vector<16xi32>
        %parallel_loop3A_470 = tpu.bitcast %parallel_loop3A_469 : vector<16xi32> -> vector<16xf32>
        %parallel_loop3A_471 = arith.addf %parallel_loop3A_443, %parallel_loop3A_454 : vector<16xf32>
        %parallel_loop3A_472 = arith.addf %parallel_loop3A_471, %parallel_loop3A_467 : vector<16xf32>
        %parallel_loop3A_473 = arith.constant 0.000000e+00 : f32
        %parallel_loop3A_474 = vector.broadcast %parallel_loop3A_473 : f32 to vector<16xf32>
        %parallel_loop3A_475 = arith.maximumf %parallel_loop3A_472, %parallel_loop3A_474 : vector<16xf32>
        %parallel_loop3A_476 = arith.index_cast %parallel_loop3A_264 : i32 to index
        %parallel_loop3A_477 = arith.constant 96 : index
        %parallel_loop3A_478 = tpu.vector_load %arg15[%parallel_loop3A_476, %parallel_loop3A_477] {strides = array<i32>} : memref<64x128xf32, #tpu.memory_space<vmem>>, vector<1x16xf32>,
        %parallel_loop3A_479 = vector.shape_cast %parallel_loop3A_478 : vector<1x16xf32> to vector<16xf32>
        %parallel_loop3A_480 = vector.shape_cast %parallel_loop3A_475 : vector<16xf32> to vector<1x16xf32>
        tpu.vector_store %arg15[%parallel_loop3A_476, %parallel_loop3A_477], %parallel_loop3A_480 {strides = array<i32>} : memref<64x128xf32, #tpu.memory_space<vmem>>, vector<1x16xf32>,
        %parallel_loop3A_481 = arith.addf %parallel_loop3A_446, %parallel_loop3A_457 : vector<16xf32>
        %parallel_loop3A_482 = arith.addf %parallel_loop3A_481, %parallel_loop3A_470 : vector<16xf32>
        %parallel_loop3A_483 = arith.constant 0.000000e+00 : f32
        %parallel_loop3A_484 = vector.broadcast %parallel_loop3A_483 : f32 to vector<16xf32>
        %parallel_loop3A_485 = arith.maximumf %parallel_loop3A_482, %parallel_loop3A_484 : vector<16xf32>
        %parallel_loop3A_486 = arith.index_cast %parallel_loop3A_264 : i32 to index
        %parallel_loop3A_487 = arith.constant 112 : index
        %parallel_loop3A_488 = tpu.vector_load %arg15[%parallel_loop3A_486, %parallel_loop3A_487] {strides = array<i32>} : memref<64x128xf32, #tpu.memory_space<vmem>>, vector<1x16xf32>,
        %parallel_loop3A_489 = vector.shape_cast %parallel_loop3A_488 : vector<1x16xf32> to vector<16xf32>
        %parallel_loop3A_490 = vector.shape_cast %parallel_loop3A_485 : vector<16xf32> to vector<1x16xf32>
        tpu.vector_store %arg15[%parallel_loop3A_486, %parallel_loop3A_487], %parallel_loop3A_490 {strides = array<i32>} : memref<64x128xf32, #tpu.memory_space<vmem>>, vector<1x16xf32>,
      } {sc.loop_unroll_factor = 4 : i64, sc.parallel_access}
      %add3A_257 = arith.constant 1 : i32
      %add3A_258 = arith.addi %add3A_196, %add3A_257 : i32
      %lt3A_259 = arith.constant 156 : i32
      %lt3A_260 = arith.cmpi slt, %add3A_258, %lt3A_259 : i32
      %convert_element_type3A_261 = arith.extui %lt3A_260 : i1 to i32
      %cond3A_262 = arith.constant 0 : i32
      %cond3A_263 = arith.cmpi ne, %convert_element_type3A_261, %cond3A_262 : i32
      scf.if %cond3A_263 {
        %add3A_264 = arith.constant 1 : i32
        %add3A_265 = arith.addi %add3A_199, %add3A_264 : i32
        %mul3A_266 = arith.constant 8 : i32
        %mul3A_267 = arith.muli %add3A_265, %mul3A_266 : i32
        %dma_start3A_268 = arith.constant 0 : i32
        %dma_start3A_269 = tpu.memref_slice %arg3[%mul3A_267, %dma_start3A_268] : memref<40000x512xi32, #tpu.memory_space<hbm>> -> memref<8x512xi32, #tpu.memory_space<hbm>>
        %dma_start3A_270 = arith.constant 0 : i32
        %dma_start3A_271 = tpu.memref_slice %arg3[%mul3A_267, %dma_start3A_270] : memref<40000x512xi32, #tpu.memory_space<hbm>> -> memref<8x512xi32, #tpu.memory_space<hbm>>
        tpu.enqueue_dma source(%dma_start3A_271 : memref<8x512xi32, #tpu.memory_space<hbm>>) target(%arg14 : memref<8x512xi32, #tpu.memory_space<vmem>>) target_semaphore(%arg22 : memref<!tpu.dma_semaphore, #tpu.memory_space<semaphore_mem>>)
      } else {
      }
      "tpu.region"() ({
        %run_scoped3A = tpu.sem_alloc : memref<!tpu.dma_semaphore, #tpu.memory_space<semaphore_mem>>
        %dma_start3A_264 = arith.constant 0 : i32
        %dma_start3A_265 = arith.constant 0 : i32
        %dma_start3A_266 = tpu.memref_slice %arg17[%dma_start3A_264, %dma_start3A_265] : memref<10112x128xf32, #tpu.memory_space<vmem_shared>> -> memref<10112x128xf32, #tpu.memory_space<vmem_shared>>
        tpu.enqueue_indirect_dma source(%arg15 : memref<64x128xf32, #tpu.memory_space<vmem>>) target(%dma_start3A_266 : memref<10112x128xf32, #tpu.memory_space<vmem_shared>>) offsets(%arg16 : memref<64xi32, #tpu.memory_space<vmem>>) semaphore(%run_scoped3A : memref<!tpu.dma_semaphore, #tpu.memory_space<semaphore_mem>>) {add = true}
        %dma_wait3A_267 = arith.constant 0 : i32
        %dma_wait3A_268 = arith.constant 0 : i32
        %dma_wait3A_269 = tpu.memref_slice %arg17[%dma_wait3A_267, %dma_wait3A_268] : memref<10112x128xf32, #tpu.memory_space<vmem_shared>> -> memref<10112x128xf32, #tpu.memory_space<vmem_shared>>
        tpu.wait_indirect_dma semaphore(%run_scoped3A : memref<!tpu.dma_semaphore, #tpu.memory_space<semaphore_mem>>) src(%arg15 : memref<64x128xf32, #tpu.memory_space<vmem>>) dst(%dma_wait3A_269 : memref<10112x128xf32, #tpu.memory_space<vmem_shared>>)
        tpu.yield
      }) : () -> ()
    }
    %scan3A_116 = arith.constant 78 : i32
    %lt3A = arith.constant 8 : i32
    %lt3A_117 = arith.cmpi slt, %add3A, %lt3A : i32
    %convert_element_type3A = arith.extui %lt3A_117 : i1 to i32
    %cond3A = arith.constant -65536 : i32
    %cond3A_118 = arith.constant 0 : i32
    %cond3A_119 = arith.cmpi ne, %convert_element_type3A, %cond3A_118 : i32
    scf.if %cond3A_119 {
      %add3A_128 = arith.constant 4992 : i32
      %add3A_129 = arith.addi %add3A_128, %add3A : i32
      %mul3A_130 = arith.constant 64 : i32
      %mul3A_131 = arith.muli %add3A_129, %mul3A_130 : i32
      %dma_start3A_132 = arith.constant 0 : i32
      %dma_start3A_133 = tpu.memref_slice %arg4[%dma_start3A_132, %mul3A_131] : memref<2x320000xi32, #tpu.memory_space<hbm>> -> memref<1x64xi32, #tpu.memory_space<hbm>>
      %dma_start3A_134 = tpu.memref_squeeze %dma_start3A_133 : memref<1x64xi32, #tpu.memory_space<hbm>> -> memref<64xi32, #tpu.memory_space<hbm>>
      %dma_start3A_135 = tpu.memref_slice %arg4[%dma_start3A_132, %mul3A_131] : memref<2x320000xi32, #tpu.memory_space<hbm>> -> memref<1x64xi32, #tpu.memory_space<hbm>>
      %dma_start3A_136 = tpu.memref_squeeze %dma_start3A_135 : memref<1x64xi32, #tpu.memory_space<hbm>> -> memref<64xi32, #tpu.memory_space<hbm>>
      tpu.enqueue_dma source(%dma_start3A_136 : memref<64xi32, #tpu.memory_space<hbm>>) target(%arg8 : memref<64xi32, #tpu.memory_space<vmem>>) target_semaphore(%arg18 : memref<!tpu.dma_semaphore, #tpu.memory_space<semaphore_mem>>)
      %mul3A_137 = arith.constant 64 : i32
      %mul3A_138 = arith.muli %add3A_129, %mul3A_137 : i32
      %dma_start3A_139 = arith.constant 1 : i32
      %dma_start3A_140 = tpu.memref_slice %arg4[%dma_start3A_139, %mul3A_138] : memref<2x320000xi32, #tpu.memory_space<hbm>> -> memref<1x64xi32, #tpu.memory_space<hbm>>
      %dma_start3A_141 = tpu.memref_squeeze %dma_start3A_140 : memref<1x64xi32, #tpu.memory_space<hbm>> -> memref<64xi32, #tpu.memory_space<hbm>>
      %dma_start3A_142 = tpu.memref_slice %arg4[%dma_start3A_139, %mul3A_138] : memref<2x320000xi32, #tpu.memory_space<hbm>> -> memref<1x64xi32, #tpu.memory_space<hbm>>
      %dma_start3A_143 = tpu.memref_squeeze %dma_start3A_142 : memref<1x64xi32, #tpu.memory_space<hbm>> -> memref<64xi32, #tpu.memory_space<hbm>>
      tpu.enqueue_dma source(%dma_start3A_143 : memref<64xi32, #tpu.memory_space<hbm>>) target(%arg9 : memref<64xi32, #tpu.memory_space<vmem>>) target_semaphore(%arg18 : memref<!tpu.dma_semaphore, #tpu.memory_space<semaphore_mem>>)
      %mul3A_144 = arith.constant 64 : i32
      %mul3A_145 = arith.muli %add3A_129, %mul3A_144 : i32
      %dma_wait3A_146 = arith.constant 0 : i32
      %dma_wait3A_147 = tpu.memref_slice %arg4[%dma_wait3A_146, %mul3A_145] : memref<2x320000xi32, #tpu.memory_space<hbm>> -> memref<1x64xi32, #tpu.memory_space<hbm>>
      %dma_wait3A_148 = tpu.memref_squeeze %dma_wait3A_147 : memref<1x64xi32, #tpu.memory_space<hbm>> -> memref<64xi32, #tpu.memory_space<hbm>>
      %dma_wait3A_149 = tpu.memref_slice %arg4[%dma_wait3A_146, %mul3A_145] : memref<2x320000xi32, #tpu.memory_space<hbm>> -> memref<1x64xi32, #tpu.memory_space<hbm>>
      %dma_wait3A_150 = tpu.memref_squeeze %dma_wait3A_149 : memref<1x64xi32, #tpu.memory_space<hbm>> -> memref<64xi32, #tpu.memory_space<hbm>>
      tpu.wait_dma2 semaphore(%arg18 : memref<!tpu.dma_semaphore, #tpu.memory_space<semaphore_mem>>) src(%dma_wait3A_150 : memref<64xi32, #tpu.memory_space<hbm>>) dst(%arg8 : memref<64xi32, #tpu.memory_space<vmem>>)
      %mul3A_151 = arith.constant 64 : i32
      %mul3A_152 = arith.muli %add3A_129, %mul3A_151 : i32
      %dma_wait3A_153 = arith.constant 1 : i32
      %dma_wait3A_154 = tpu.memref_slice %arg4[%dma_wait3A_153, %mul3A_152] : memref<2x320000xi32, #tpu.memory_space<hbm>> -> memref<1x64xi32, #tpu.memory_space<hbm>>
      %dma_wait3A_155 = tpu.memref_squeeze %dma_wait3A_154 : memref<1x64xi32, #tpu.memory_space<hbm>> -> memref<64xi32, #tpu.memory_space<hbm>>
      %dma_wait3A_156 = tpu.memref_slice %arg4[%dma_wait3A_153, %mul3A_152] : memref<2x320000xi32, #tpu.memory_space<hbm>> -> memref<1x64xi32, #tpu.memory_space<hbm>>
      %dma_wait3A_157 = tpu.memref_squeeze %dma_wait3A_156 : memref<1x64xi32, #tpu.memory_space<hbm>> -> memref<64xi32, #tpu.memory_space<hbm>>
      tpu.wait_dma2 semaphore(%arg18 : memref<!tpu.dma_semaphore, #tpu.memory_space<semaphore_mem>>) src(%dma_wait3A_157 : memref<64xi32, #tpu.memory_space<hbm>>) dst(%arg9 : memref<64xi32, #tpu.memory_space<vmem>>)
      %dma_start3A_158 = arith.constant 0 : i32
      %dma_start3A_159 = arith.constant 0 : i32
      %dma_start3A_160 = tpu.memref_slice %arg2[%dma_start3A_158, %dma_start3A_159] : memref<10000x128xi32, #tpu.memory_space<hbm>> -> memref<10000x128xi32, #tpu.memory_space<hbm>>
      tpu.enqueue_indirect_dma source(%dma_start3A_160 : memref<10000x128xi32, #tpu.memory_space<hbm>>) target(%arg6 : memref<64x128xi32, #tpu.memory_space<vmem>>) offsets(%arg9 : memref<64xi32, #tpu.memory_space<vmem>>) semaphore(%arg19 : memref<!tpu.dma_semaphore, #tpu.memory_space<semaphore_mem>>)
      %dma_start3A_161 = arith.constant 0 : i32
      %dma_start3A_162 = arith.constant 0 : i32
      %dma_start3A_163 = tpu.memref_slice %arg2[%dma_start3A_161, %dma_start3A_162] : memref<10000x128xi32, #tpu.memory_space<hbm>> -> memref<10000x128xi32, #tpu.memory_space<hbm>>
      tpu.enqueue_indirect_dma source(%dma_start3A_163 : memref<10000x128xi32, #tpu.memory_space<hbm>>) target(%arg7 : memref<64x128xi32, #tpu.memory_space<vmem>>) offsets(%arg8 : memref<64xi32, #tpu.memory_space<vmem>>) semaphore(%arg19 : memref<!tpu.dma_semaphore, #tpu.memory_space<semaphore_mem>>)
      %mul3A_164 = arith.constant 8 : i32
      %mul3A_165 = arith.muli %add3A_129, %mul3A_164 : i32
      %dma_start3A_166 = arith.constant 0 : i32
      %dma_start3A_167 = tpu.memref_slice %arg3[%mul3A_165, %dma_start3A_166] : memref<40000x512xi32, #tpu.memory_space<hbm>> -> memref<8x512xi32, #tpu.memory_space<hbm>>
      %dma_start3A_168 = arith.constant 0 : i32
      %dma_start3A_169 = tpu.memref_slice %arg3[%mul3A_165, %dma_start3A_168] : memref<40000x512xi32, #tpu.memory_space<hbm>> -> memref<8x512xi32, #tpu.memory_space<hbm>>
      tpu.enqueue_dma source(%dma_start3A_169 : memref<8x512xi32, #tpu.memory_space<hbm>>) target(%arg14 : memref<8x512xi32, #tpu.memory_space<vmem>>) target_semaphore(%arg22 : memref<!tpu.dma_semaphore, #tpu.memory_space<semaphore_mem>>)
      %dma_wait3A_170 = arith.constant 0 : i32
      %dma_wait3A_171 = arith.constant 0 : i32
      %dma_wait3A_172 = tpu.memref_slice %arg2[%dma_wait3A_170, %dma_wait3A_171] : memref<10000x128xi32, #tpu.memory_space<hbm>> -> memref<10000x128xi32, #tpu.memory_space<hbm>>
      tpu.wait_indirect_dma semaphore(%arg19 : memref<!tpu.dma_semaphore, #tpu.memory_space<semaphore_mem>>) src(%dma_wait3A_172 : memref<10000x128xi32, #tpu.memory_space<hbm>>) dst(%arg6 : memref<64x128xi32, #tpu.memory_space<vmem>>)
      %dma_wait3A_173 = arith.constant 0 : i32
      %dma_wait3A_174 = arith.constant 0 : i32
      %dma_wait3A_175 = tpu.memref_slice %arg2[%dma_wait3A_173, %dma_wait3A_174] : memref<10000x128xi32, #tpu.memory_space<hbm>> -> memref<10000x128xi32, #tpu.memory_space<hbm>>
      tpu.wait_indirect_dma semaphore(%arg19 : memref<!tpu.dma_semaphore, #tpu.memory_space<semaphore_mem>>) src(%dma_wait3A_175 : memref<10000x128xi32, #tpu.memory_space<hbm>>) dst(%arg7 : memref<64x128xi32, #tpu.memory_space<vmem>>)
      %mul3A_176 = arith.constant 8 : i32
      %mul3A_177 = arith.muli %add3A_129, %mul3A_176 : i32
      %dma_wait3A_178 = arith.constant 0 : i32
      %dma_wait3A_179 = tpu.memref_slice %arg3[%mul3A_177, %dma_wait3A_178] : memref<40000x512xi32, #tpu.memory_space<hbm>> -> memref<8x512xi32, #tpu.memory_space<hbm>>
      %dma_wait3A_180 = arith.constant 0 : i32
      %dma_wait3A_181 = tpu.memref_slice %arg3[%mul3A_177, %dma_wait3A_180] : memref<40000x512xi32, #tpu.memory_space<hbm>> -> memref<8x512xi32, #tpu.memory_space<hbm>>
      tpu.wait_dma2 semaphore(%arg22 : memref<!tpu.dma_semaphore, #tpu.memory_space<semaphore_mem>>) src(%dma_wait3A_181 : memref<8x512xi32, #tpu.memory_space<hbm>>) dst(%arg14 : memref<8x512xi32, #tpu.memory_space<vmem>>)
      %get3A = arith.constant 0 : index
      %get3A_182 = tpu.vector_load %arg9[%get3A] {strides = array<i32>} : memref<64xi32, #tpu.memory_space<vmem>>, vector<16xi32>,
      %get3A_183 = vector.shape_cast %get3A_182 : vector<16xi32> to vector<16xi32>
      %swap3A = arith.constant 0 : index
      %swap3A_184 = tpu.vector_load %arg16[%swap3A] {strides = array<i32>} : memref<64xi32, #tpu.memory_space<vmem>>, vector<16xi32>,
      %swap3A_185 = vector.shape_cast %swap3A_184 : vector<16xi32> to vector<16xi32>
      %swap3A_186 = vector.shape_cast %get3A_183 : vector<16xi32> to vector<16xi32>
      tpu.vector_store %arg16[%swap3A], %swap3A_186 {strides = array<i32>} : memref<64xi32, #tpu.memory_space<vmem>>, vector<16xi32>,
      %get3A_187 = arith.constant 16 : index
      %get3A_188 = tpu.vector_load %arg9[%get3A_187] {strides = array<i32>} : memref<64xi32, #tpu.memory_space<vmem>>, vector<16xi32>,
      %get3A_189 = vector.shape_cast %get3A_188 : vector<16xi32> to vector<16xi32>
      %swap3A_190 = arith.constant 16 : index
      %swap3A_191 = tpu.vector_load %arg16[%swap3A_190] {strides = array<i32>} : memref<64xi32, #tpu.memory_space<vmem>>, vector<16xi32>,
      %swap3A_192 = vector.shape_cast %swap3A_191 : vector<16xi32> to vector<16xi32>
      %swap3A_193 = vector.shape_cast %get3A_189 : vector<16xi32> to vector<16xi32>
      tpu.vector_store %arg16[%swap3A_190], %swap3A_193 {strides = array<i32>} : memref<64xi32, #tpu.memory_space<vmem>>, vector<16xi32>,
      %get3A_194 = arith.constant 32 : index
      %get3A_195 = tpu.vector_load %arg9[%get3A_194] {strides = array<i32>} : memref<64xi32, #tpu.memory_space<vmem>>, vector<16xi32>,
      %get3A_196 = vector.shape_cast %get3A_195 : vector<16xi32> to vector<16xi32>
      %swap3A_197 = arith.constant 32 : index
      %swap3A_198 = tpu.vector_load %arg16[%swap3A_197] {strides = array<i32>} : memref<64xi32, #tpu.memory_space<vmem>>, vector<16xi32>,
      %swap3A_199 = vector.shape_cast %swap3A_198 : vector<16xi32> to vector<16xi32>
      %swap3A_200 = vector.shape_cast %get3A_196 : vector<16xi32> to vector<16xi32>
      tpu.vector_store %arg16[%swap3A_197], %swap3A_200 {strides = array<i32>} : memref<64xi32, #tpu.memory_space<vmem>>, vector<16xi32>,
      %get3A_201 = arith.constant 48 : index
      %get3A_202 = tpu.vector_load %arg9[%get3A_201] {strides = array<i32>} : memref<64xi32, #tpu.memory_space<vmem>>, vector<16xi32>,
      %get3A_203 = vector.shape_cast %get3A_202 : vector<16xi32> to vector<16xi32>
      %swap3A_204 = arith.constant 48 : index
      %swap3A_205 = tpu.vector_load %arg16[%swap3A_204] {strides = array<i32>} : memref<64xi32, #tpu.memory_space<vmem>>, vector<16xi32>,
      %swap3A_206 = vector.shape_cast %swap3A_205 : vector<16xi32> to vector<16xi32>
      %swap3A_207 = vector.shape_cast %get3A_203 : vector<16xi32> to vector<16xi32>
      tpu.vector_store %arg16[%swap3A_204], %swap3A_207 {strides = array<i32>} : memref<64xi32, #tpu.memory_space<vmem>>, vector<16xi32>,
      %parallel_loop3A = arith.constant 0 : i32
      %parallel_loop3A_208 = arith.constant 64 : i32
      %parallel_loop3A_209 = arith.constant 1 : i32
      scf.for %parallel_loop3A_210 = %parallel_loop3A to %parallel_loop3A_208 step %parallel_loop3A_209  : i32 {
        %parallel_loop3A_211 = arith.constant 3 : i32
        %parallel_loop3A_212 = arith.shrsi %parallel_loop3A_210, %parallel_loop3A_211 : i32
        %parallel_loop3A_213 = arith.constant 7 : i32
        %parallel_loop3A_214 = arith.andi %parallel_loop3A_210, %parallel_loop3A_213 : i32
        %parallel_loop3A_215 = arith.constant 64 : i32
        %parallel_loop3A_216 = arith.muli %parallel_loop3A_214, %parallel_loop3A_215 : i32
        %parallel_loop3A_217 = arith.index_cast %parallel_loop3A_210 : i32 to index
        %parallel_loop3A_218 = arith.constant 0 : index
        %parallel_loop3A_219 = tpu.vector_load %arg6[%parallel_loop3A_217, %parallel_loop3A_218] {strides = array<i32>} : memref<64x128xi32, #tpu.memory_space<vmem>>, vector<1x16xi32>,
        %parallel_loop3A_220 = vector.shape_cast %parallel_loop3A_219 : vector<1x16xi32> to vector<16xi32>
        %parallel_loop3A_221 = arith.constant 16 : i32
        %parallel_loop3A_222 = vector.broadcast %parallel_loop3A_221 : i32 to vector<16xi32>
        %parallel_loop3A_223 = arith.shli %parallel_loop3A_220, %parallel_loop3A_222 : vector<16xi32>
        %parallel_loop3A_224 = tpu.bitcast %parallel_loop3A_223 : vector<16xi32> -> vector<16xf32>
        %parallel_loop3A_225 = vector.broadcast %cond3A : i32 to vector<16xi32>
        %parallel_loop3A_226 = arith.andi %parallel_loop3A_220, %parallel_loop3A_225 : vector<16xi32>
        %parallel_loop3A_227 = tpu.bitcast %parallel_loop3A_226 : vector<16xi32> -> vector<16xf32>
        %parallel_loop3A_228 = arith.index_cast %parallel_loop3A_210 : i32 to index
        %parallel_loop3A_229 = arith.constant 64 : index
        %parallel_loop3A_230 = tpu.vector_load %arg7[%parallel_loop3A_228, %parallel_loop3A_229] {strides = array<i32>} : memref<64x128xi32, #tpu.memory_space<vmem>>, vector<1x16xi32>,
        %parallel_loop3A_231 = vector.shape_cast %parallel_loop3A_230 : vector<1x16xi32> to vector<16xi32>
        %parallel_loop3A_232 = arith.constant 16 : i32
        %parallel_loop3A_233 = vector.broadcast %parallel_loop3A_232 : i32 to vector<16xi32>
        %parallel_loop3A_234 = arith.shli %parallel_loop3A_231, %parallel_loop3A_233 : vector<16xi32>
        %parallel_loop3A_235 = tpu.bitcast %parallel_loop3A_234 : vector<16xi32> -> vector<16xf32>
        %parallel_loop3A_236 = vector.broadcast %cond3A : i32 to vector<16xi32>
        %parallel_loop3A_237 = arith.andi %parallel_loop3A_231, %parallel_loop3A_236 : vector<16xi32>
        %parallel_loop3A_238 = tpu.bitcast %parallel_loop3A_237 : vector<16xi32> -> vector<16xf32>
        %parallel_loop3A_239 = arith.constant 0 : i32
        %parallel_loop3A_240 = arith.addi %parallel_loop3A_216, %parallel_loop3A_239 : i32
        %parallel_loop3A_241 = arith.index_cast %parallel_loop3A_212 : i32 to index
        %parallel_loop3A_242 = arith.index_cast %parallel_loop3A_240 : i32 to index
        %parallel_loop3A_243 = tpu.vector_load %arg14[%parallel_loop3A_241, %parallel_loop3A_242] {strides = array<i32>} : memref<8x512xi32, #tpu.memory_space<vmem>>, vector<1x16xi32>,
        %parallel_loop3A_244 = vector.shape_cast %parallel_loop3A_243 : vector<1x16xi32> to vector<16xi32>
        %parallel_loop3A_245 = arith.constant 16 : i32
        %parallel_loop3A_246 = vector.broadcast %parallel_loop3A_245 : i32 to vector<16xi32>
        %parallel_loop3A_247 = arith.shli %parallel_loop3A_244, %parallel_loop3A_246 : vector<16xi32>
        %parallel_loop3A_248 = tpu.bitcast %parallel_loop3A_247 : vector<16xi32> -> vector<16xf32>
        %parallel_loop3A_249 = vector.broadcast %cond3A : i32 to vector<16xi32>
        %parallel_loop3A_250 = arith.andi %parallel_loop3A_244, %parallel_loop3A_249 : vector<16xi32>
        %parallel_loop3A_251 = tpu.bitcast %parallel_loop3A_250 : vector<16xi32> -> vector<16xf32>
        %parallel_loop3A_252 = arith.addf %parallel_loop3A_224, %parallel_loop3A_235 : vector<16xf32>
        %parallel_loop3A_253 = arith.addf %parallel_loop3A_252, %parallel_loop3A_248 : vector<16xf32>
        %parallel_loop3A_254 = arith.constant 0.000000e+00 : f32
        %parallel_loop3A_255 = vector.broadcast %parallel_loop3A_254 : f32 to vector<16xf32>
        %parallel_loop3A_256 = arith.maximumf %parallel_loop3A_253, %parallel_loop3A_255 : vector<16xf32>
        %parallel_loop3A_257 = arith.index_cast %parallel_loop3A_210 : i32 to index
        %parallel_loop3A_258 = arith.constant 0 : index
        %parallel_loop3A_259 = tpu.vector_load %arg15[%parallel_loop3A_257, %parallel_loop3A_258] {strides = array<i32>} : memref<64x128xf32, #tpu.memory_space<vmem>>, vector<1x16xf32>,
        %parallel_loop3A_260 = vector.shape_cast %parallel_loop3A_259 : vector<1x16xf32> to vector<16xf32>
        %parallel_loop3A_261 = vector.shape_cast %parallel_loop3A_256 : vector<16xf32> to vector<1x16xf32>
        tpu.vector_store %arg15[%parallel_loop3A_257, %parallel_loop3A_258], %parallel_loop3A_261 {strides = array<i32>} : memref<64x128xf32, #tpu.memory_space<vmem>>, vector<1x16xf32>,
        %parallel_loop3A_262 = arith.addf %parallel_loop3A_227, %parallel_loop3A_238 : vector<16xf32>
        %parallel_loop3A_263 = arith.addf %parallel_loop3A_262, %parallel_loop3A_251 : vector<16xf32>
        %parallel_loop3A_264 = arith.constant 0.000000e+00 : f32
        %parallel_loop3A_265 = vector.broadcast %parallel_loop3A_264 : f32 to vector<16xf32>
        %parallel_loop3A_266 = arith.maximumf %parallel_loop3A_263, %parallel_loop3A_265 : vector<16xf32>
        %parallel_loop3A_267 = arith.index_cast %parallel_loop3A_210 : i32 to index
        %parallel_loop3A_268 = arith.constant 16 : index
        %parallel_loop3A_269 = tpu.vector_load %arg15[%parallel_loop3A_267, %parallel_loop3A_268] {strides = array<i32>} : memref<64x128xf32, #tpu.memory_space<vmem>>, vector<1x16xf32>,
        %parallel_loop3A_270 = vector.shape_cast %parallel_loop3A_269 : vector<1x16xf32> to vector<16xf32>
        %parallel_loop3A_271 = vector.shape_cast %parallel_loop3A_266 : vector<16xf32> to vector<1x16xf32>
        tpu.vector_store %arg15[%parallel_loop3A_267, %parallel_loop3A_268], %parallel_loop3A_271 {strides = array<i32>} : memref<64x128xf32, #tpu.memory_space<vmem>>, vector<1x16xf32>,
        %parallel_loop3A_272 = arith.index_cast %parallel_loop3A_210 : i32 to index
        %parallel_loop3A_273 = arith.constant 16 : index
        %parallel_loop3A_274 = tpu.vector_load %arg6[%parallel_loop3A_272, %parallel_loop3A_273] {strides = array<i32>} : memref<64x128xi32, #tpu.memory_space<vmem>>, vector<1x16xi32>,
        %parallel_loop3A_275 = vector.shape_cast %parallel_loop3A_274 : vector<1x16xi32> to vector<16xi32>
        %parallel_loop3A_276 = arith.constant 16 : i32
        %parallel_loop3A_277 = vector.broadcast %parallel_loop3A_276 : i32 to vector<16xi32>
        %parallel_loop3A_278 = arith.shli %parallel_loop3A_275, %parallel_loop3A_277 : vector<16xi32>
        %parallel_loop3A_279 = tpu.bitcast %parallel_loop3A_278 : vector<16xi32> -> vector<16xf32>
        %parallel_loop3A_280 = vector.broadcast %cond3A : i32 to vector<16xi32>
        %parallel_loop3A_281 = arith.andi %parallel_loop3A_275, %parallel_loop3A_280 : vector<16xi32>
        %parallel_loop3A_282 = tpu.bitcast %parallel_loop3A_281 : vector<16xi32> -> vector<16xf32>
        %parallel_loop3A_283 = arith.index_cast %parallel_loop3A_210 : i32 to index
        %parallel_loop3A_284 = arith.constant 80 : index
        %parallel_loop3A_285 = tpu.vector_load %arg7[%parallel_loop3A_283, %parallel_loop3A_284] {strides = array<i32>} : memref<64x128xi32, #tpu.memory_space<vmem>>, vector<1x16xi32>,
        %parallel_loop3A_286 = vector.shape_cast %parallel_loop3A_285 : vector<1x16xi32> to vector<16xi32>
        %parallel_loop3A_287 = arith.constant 16 : i32
        %parallel_loop3A_288 = vector.broadcast %parallel_loop3A_287 : i32 to vector<16xi32>
        %parallel_loop3A_289 = arith.shli %parallel_loop3A_286, %parallel_loop3A_288 : vector<16xi32>
        %parallel_loop3A_290 = tpu.bitcast %parallel_loop3A_289 : vector<16xi32> -> vector<16xf32>
        %parallel_loop3A_291 = vector.broadcast %cond3A : i32 to vector<16xi32>
        %parallel_loop3A_292 = arith.andi %parallel_loop3A_286, %parallel_loop3A_291 : vector<16xi32>
        %parallel_loop3A_293 = tpu.bitcast %parallel_loop3A_292 : vector<16xi32> -> vector<16xf32>
        %parallel_loop3A_294 = arith.constant 16 : i32
        %parallel_loop3A_295 = arith.addi %parallel_loop3A_216, %parallel_loop3A_294 : i32
        %parallel_loop3A_296 = arith.index_cast %parallel_loop3A_212 : i32 to index
        %parallel_loop3A_297 = arith.index_cast %parallel_loop3A_295 : i32 to index
        %parallel_loop3A_298 = tpu.vector_load %arg14[%parallel_loop3A_296, %parallel_loop3A_297] {strides = array<i32>} : memref<8x512xi32, #tpu.memory_space<vmem>>, vector<1x16xi32>,
        %parallel_loop3A_299 = vector.shape_cast %parallel_loop3A_298 : vector<1x16xi32> to vector<16xi32>
        %parallel_loop3A_300 = arith.constant 16 : i32
        %parallel_loop3A_301 = vector.broadcast %parallel_loop3A_300 : i32 to vector<16xi32>
        %parallel_loop3A_302 = arith.shli %parallel_loop3A_299, %parallel_loop3A_301 : vector<16xi32>
        %parallel_loop3A_303 = tpu.bitcast %parallel_loop3A_302 : vector<16xi32> -> vector<16xf32>
        %parallel_loop3A_304 = vector.broadcast %cond3A : i32 to vector<16xi32>
        %parallel_loop3A_305 = arith.andi %parallel_loop3A_299, %parallel_loop3A_304 : vector<16xi32>
        %parallel_loop3A_306 = tpu.bitcast %parallel_loop3A_305 : vector<16xi32> -> vector<16xf32>
        %parallel_loop3A_307 = arith.addf %parallel_loop3A_279, %parallel_loop3A_290 : vector<16xf32>
        %parallel_loop3A_308 = arith.addf %parallel_loop3A_307, %parallel_loop3A_303 : vector<16xf32>
        %parallel_loop3A_309 = arith.constant 0.000000e+00 : f32
        %parallel_loop3A_310 = vector.broadcast %parallel_loop3A_309 : f32 to vector<16xf32>
        %parallel_loop3A_311 = arith.maximumf %parallel_loop3A_308, %parallel_loop3A_310 : vector<16xf32>
        %parallel_loop3A_312 = arith.index_cast %parallel_loop3A_210 : i32 to index
        %parallel_loop3A_313 = arith.constant 32 : index
        %parallel_loop3A_314 = tpu.vector_load %arg15[%parallel_loop3A_312, %parallel_loop3A_313] {strides = array<i32>} : memref<64x128xf32, #tpu.memory_space<vmem>>, vector<1x16xf32>,
        %parallel_loop3A_315 = vector.shape_cast %parallel_loop3A_314 : vector<1x16xf32> to vector<16xf32>
        %parallel_loop3A_316 = vector.shape_cast %parallel_loop3A_311 : vector<16xf32> to vector<1x16xf32>
        tpu.vector_store %arg15[%parallel_loop3A_312, %parallel_loop3A_313], %parallel_loop3A_316 {strides = array<i32>} : memref<64x128xf32, #tpu.memory_space<vmem>>, vector<1x16xf32>,
        %parallel_loop3A_317 = arith.addf %parallel_loop3A_282, %parallel_loop3A_293 : vector<16xf32>
        %parallel_loop3A_318 = arith.addf %parallel_loop3A_317, %parallel_loop3A_306 : vector<16xf32>
        %parallel_loop3A_319 = arith.constant 0.000000e+00 : f32
        %parallel_loop3A_320 = vector.broadcast %parallel_loop3A_319 : f32 to vector<16xf32>
        %parallel_loop3A_321 = arith.maximumf %parallel_loop3A_318, %parallel_loop3A_320 : vector<16xf32>
        %parallel_loop3A_322 = arith.index_cast %parallel_loop3A_210 : i32 to index
        %parallel_loop3A_323 = arith.constant 48 : index
        %parallel_loop3A_324 = tpu.vector_load %arg15[%parallel_loop3A_322, %parallel_loop3A_323] {strides = array<i32>} : memref<64x128xf32, #tpu.memory_space<vmem>>, vector<1x16xf32>,
        %parallel_loop3A_325 = vector.shape_cast %parallel_loop3A_324 : vector<1x16xf32> to vector<16xf32>
        %parallel_loop3A_326 = vector.shape_cast %parallel_loop3A_321 : vector<16xf32> to vector<1x16xf32>
        tpu.vector_store %arg15[%parallel_loop3A_322, %parallel_loop3A_323], %parallel_loop3A_326 {strides = array<i32>} : memref<64x128xf32, #tpu.memory_space<vmem>>, vector<1x16xf32>,
        %parallel_loop3A_327 = arith.index_cast %parallel_loop3A_210 : i32 to index
        %parallel_loop3A_328 = arith.constant 32 : index
        %parallel_loop3A_329 = tpu.vector_load %arg6[%parallel_loop3A_327, %parallel_loop3A_328] {strides = array<i32>} : memref<64x128xi32, #tpu.memory_space<vmem>>, vector<1x16xi32>,
        %parallel_loop3A_330 = vector.shape_cast %parallel_loop3A_329 : vector<1x16xi32> to vector<16xi32>
        %parallel_loop3A_331 = arith.constant 16 : i32
        %parallel_loop3A_332 = vector.broadcast %parallel_loop3A_331 : i32 to vector<16xi32>
        %parallel_loop3A_333 = arith.shli %parallel_loop3A_330, %parallel_loop3A_332 : vector<16xi32>
        %parallel_loop3A_334 = tpu.bitcast %parallel_loop3A_333 : vector<16xi32> -> vector<16xf32>
        %parallel_loop3A_335 = vector.broadcast %cond3A : i32 to vector<16xi32>
        %parallel_loop3A_336 = arith.andi %parallel_loop3A_330, %parallel_loop3A_335 : vector<16xi32>
        %parallel_loop3A_337 = tpu.bitcast %parallel_loop3A_336 : vector<16xi32> -> vector<16xf32>
        %parallel_loop3A_338 = arith.index_cast %parallel_loop3A_210 : i32 to index
        %parallel_loop3A_339 = arith.constant 96 : index
        %parallel_loop3A_340 = tpu.vector_load %arg7[%parallel_loop3A_338, %parallel_loop3A_339] {strides = array<i32>} : memref<64x128xi32, #tpu.memory_space<vmem>>, vector<1x16xi32>,
        %parallel_loop3A_341 = vector.shape_cast %parallel_loop3A_340 : vector<1x16xi32> to vector<16xi32>
        %parallel_loop3A_342 = arith.constant 16 : i32
        %parallel_loop3A_343 = vector.broadcast %parallel_loop3A_342 : i32 to vector<16xi32>
        %parallel_loop3A_344 = arith.shli %parallel_loop3A_341, %parallel_loop3A_343 : vector<16xi32>
        %parallel_loop3A_345 = tpu.bitcast %parallel_loop3A_344 : vector<16xi32> -> vector<16xf32>
        %parallel_loop3A_346 = vector.broadcast %cond3A : i32 to vector<16xi32>
        %parallel_loop3A_347 = arith.andi %parallel_loop3A_341, %parallel_loop3A_346 : vector<16xi32>
        %parallel_loop3A_348 = tpu.bitcast %parallel_loop3A_347 : vector<16xi32> -> vector<16xf32>
        %parallel_loop3A_349 = arith.constant 32 : i32
        %parallel_loop3A_350 = arith.addi %parallel_loop3A_216, %parallel_loop3A_349 : i32
        %parallel_loop3A_351 = arith.index_cast %parallel_loop3A_212 : i32 to index
        %parallel_loop3A_352 = arith.index_cast %parallel_loop3A_350 : i32 to index
        %parallel_loop3A_353 = tpu.vector_load %arg14[%parallel_loop3A_351, %parallel_loop3A_352] {strides = array<i32>} : memref<8x512xi32, #tpu.memory_space<vmem>>, vector<1x16xi32>,
        %parallel_loop3A_354 = vector.shape_cast %parallel_loop3A_353 : vector<1x16xi32> to vector<16xi32>
        %parallel_loop3A_355 = arith.constant 16 : i32
        %parallel_loop3A_356 = vector.broadcast %parallel_loop3A_355 : i32 to vector<16xi32>
        %parallel_loop3A_357 = arith.shli %parallel_loop3A_354, %parallel_loop3A_356 : vector<16xi32>
        %parallel_loop3A_358 = tpu.bitcast %parallel_loop3A_357 : vector<16xi32> -> vector<16xf32>
        %parallel_loop3A_359 = vector.broadcast %cond3A : i32 to vector<16xi32>
        %parallel_loop3A_360 = arith.andi %parallel_loop3A_354, %parallel_loop3A_359 : vector<16xi32>
        %parallel_loop3A_361 = tpu.bitcast %parallel_loop3A_360 : vector<16xi32> -> vector<16xf32>
        %parallel_loop3A_362 = arith.addf %parallel_loop3A_334, %parallel_loop3A_345 : vector<16xf32>
        %parallel_loop3A_363 = arith.addf %parallel_loop3A_362, %parallel_loop3A_358 : vector<16xf32>
        %parallel_loop3A_364 = arith.constant 0.000000e+00 : f32
        %parallel_loop3A_365 = vector.broadcast %parallel_loop3A_364 : f32 to vector<16xf32>
        %parallel_loop3A_366 = arith.maximumf %parallel_loop3A_363, %parallel_loop3A_365 : vector<16xf32>
        %parallel_loop3A_367 = arith.index_cast %parallel_loop3A_210 : i32 to index
        %parallel_loop3A_368 = arith.constant 64 : index
        %parallel_loop3A_369 = tpu.vector_load %arg15[%parallel_loop3A_367, %parallel_loop3A_368] {strides = array<i32>} : memref<64x128xf32, #tpu.memory_space<vmem>>, vector<1x16xf32>,
        %parallel_loop3A_370 = vector.shape_cast %parallel_loop3A_369 : vector<1x16xf32> to vector<16xf32>
        %parallel_loop3A_371 = vector.shape_cast %parallel_loop3A_366 : vector<16xf32> to vector<1x16xf32>
        tpu.vector_store %arg15[%parallel_loop3A_367, %parallel_loop3A_368], %parallel_loop3A_371 {strides = array<i32>} : memref<64x128xf32, #tpu.memory_space<vmem>>, vector<1x16xf32>,
        %parallel_loop3A_372 = arith.addf %parallel_loop3A_337, %parallel_loop3A_348 : vector<16xf32>
        %parallel_loop3A_373 = arith.addf %parallel_loop3A_372, %parallel_loop3A_361 : vector<16xf32>
        %parallel_loop3A_374 = arith.constant 0.000000e+00 : f32
        %parallel_loop3A_375 = vector.broadcast %parallel_loop3A_374 : f32 to vector<16xf32>
        %parallel_loop3A_376 = arith.maximumf %parallel_loop3A_373, %parallel_loop3A_375 : vector<16xf32>
        %parallel_loop3A_377 = arith.index_cast %parallel_loop3A_210 : i32 to index
        %parallel_loop3A_378 = arith.constant 80 : index
        %parallel_loop3A_379 = tpu.vector_load %arg15[%parallel_loop3A_377, %parallel_loop3A_378] {strides = array<i32>} : memref<64x128xf32, #tpu.memory_space<vmem>>, vector<1x16xf32>,
        %parallel_loop3A_380 = vector.shape_cast %parallel_loop3A_379 : vector<1x16xf32> to vector<16xf32>
        %parallel_loop3A_381 = vector.shape_cast %parallel_loop3A_376 : vector<16xf32> to vector<1x16xf32>
        tpu.vector_store %arg15[%parallel_loop3A_377, %parallel_loop3A_378], %parallel_loop3A_381 {strides = array<i32>} : memref<64x128xf32, #tpu.memory_space<vmem>>, vector<1x16xf32>,
        %parallel_loop3A_382 = arith.index_cast %parallel_loop3A_210 : i32 to index
        %parallel_loop3A_383 = arith.constant 48 : index
        %parallel_loop3A_384 = tpu.vector_load %arg6[%parallel_loop3A_382, %parallel_loop3A_383] {strides = array<i32>} : memref<64x128xi32, #tpu.memory_space<vmem>>, vector<1x16xi32>,
        %parallel_loop3A_385 = vector.shape_cast %parallel_loop3A_384 : vector<1x16xi32> to vector<16xi32>
        %parallel_loop3A_386 = arith.constant 16 : i32
        %parallel_loop3A_387 = vector.broadcast %parallel_loop3A_386 : i32 to vector<16xi32>
        %parallel_loop3A_388 = arith.shli %parallel_loop3A_385, %parallel_loop3A_387 : vector<16xi32>
        %parallel_loop3A_389 = tpu.bitcast %parallel_loop3A_388 : vector<16xi32> -> vector<16xf32>
        %parallel_loop3A_390 = vector.broadcast %cond3A : i32 to vector<16xi32>
        %parallel_loop3A_391 = arith.andi %parallel_loop3A_385, %parallel_loop3A_390 : vector<16xi32>
        %parallel_loop3A_392 = tpu.bitcast %parallel_loop3A_391 : vector<16xi32> -> vector<16xf32>
        %parallel_loop3A_393 = arith.index_cast %parallel_loop3A_210 : i32 to index
        %parallel_loop3A_394 = arith.constant 112 : index
        %parallel_loop3A_395 = tpu.vector_load %arg7[%parallel_loop3A_393, %parallel_loop3A_394] {strides = array<i32>} : memref<64x128xi32, #tpu.memory_space<vmem>>, vector<1x16xi32>,
        %parallel_loop3A_396 = vector.shape_cast %parallel_loop3A_395 : vector<1x16xi32> to vector<16xi32>
        %parallel_loop3A_397 = arith.constant 16 : i32
        %parallel_loop3A_398 = vector.broadcast %parallel_loop3A_397 : i32 to vector<16xi32>
        %parallel_loop3A_399 = arith.shli %parallel_loop3A_396, %parallel_loop3A_398 : vector<16xi32>
        %parallel_loop3A_400 = tpu.bitcast %parallel_loop3A_399 : vector<16xi32> -> vector<16xf32>
        %parallel_loop3A_401 = vector.broadcast %cond3A : i32 to vector<16xi32>
        %parallel_loop3A_402 = arith.andi %parallel_loop3A_396, %parallel_loop3A_401 : vector<16xi32>
        %parallel_loop3A_403 = tpu.bitcast %parallel_loop3A_402 : vector<16xi32> -> vector<16xf32>
        %parallel_loop3A_404 = arith.constant 48 : i32
        %parallel_loop3A_405 = arith.addi %parallel_loop3A_216, %parallel_loop3A_404 : i32
        %parallel_loop3A_406 = arith.index_cast %parallel_loop3A_212 : i32 to index
        %parallel_loop3A_407 = arith.index_cast %parallel_loop3A_405 : i32 to index
        %parallel_loop3A_408 = tpu.vector_load %arg14[%parallel_loop3A_406, %parallel_loop3A_407] {strides = array<i32>} : memref<8x512xi32, #tpu.memory_space<vmem>>, vector<1x16xi32>,
        %parallel_loop3A_409 = vector.shape_cast %parallel_loop3A_408 : vector<1x16xi32> to vector<16xi32>
        %parallel_loop3A_410 = arith.constant 16 : i32
        %parallel_loop3A_411 = vector.broadcast %parallel_loop3A_410 : i32 to vector<16xi32>
        %parallel_loop3A_412 = arith.shli %parallel_loop3A_409, %parallel_loop3A_411 : vector<16xi32>
        %parallel_loop3A_413 = tpu.bitcast %parallel_loop3A_412 : vector<16xi32> -> vector<16xf32>
        %parallel_loop3A_414 = vector.broadcast %cond3A : i32 to vector<16xi32>
        %parallel_loop3A_415 = arith.andi %parallel_loop3A_409, %parallel_loop3A_414 : vector<16xi32>
        %parallel_loop3A_416 = tpu.bitcast %parallel_loop3A_415 : vector<16xi32> -> vector<16xf32>
        %parallel_loop3A_417 = arith.addf %parallel_loop3A_389, %parallel_loop3A_400 : vector<16xf32>
        %parallel_loop3A_418 = arith.addf %parallel_loop3A_417, %parallel_loop3A_413 : vector<16xf32>
        %parallel_loop3A_419 = arith.constant 0.000000e+00 : f32
        %parallel_loop3A_420 = vector.broadcast %parallel_loop3A_419 : f32 to vector<16xf32>
        %parallel_loop3A_421 = arith.maximumf %parallel_loop3A_418, %parallel_loop3A_420 : vector<16xf32>
        %parallel_loop3A_422 = arith.index_cast %parallel_loop3A_210 : i32 to index
        %parallel_loop3A_423 = arith.constant 96 : index
        %parallel_loop3A_424 = tpu.vector_load %arg15[%parallel_loop3A_422, %parallel_loop3A_423] {strides = array<i32>} : memref<64x128xf32, #tpu.memory_space<vmem>>, vector<1x16xf32>,
        %parallel_loop3A_425 = vector.shape_cast %parallel_loop3A_424 : vector<1x16xf32> to vector<16xf32>
        %parallel_loop3A_426 = vector.shape_cast %parallel_loop3A_421 : vector<16xf32> to vector<1x16xf32>
        tpu.vector_store %arg15[%parallel_loop3A_422, %parallel_loop3A_423], %parallel_loop3A_426 {strides = array<i32>} : memref<64x128xf32, #tpu.memory_space<vmem>>, vector<1x16xf32>,
        %parallel_loop3A_427 = arith.addf %parallel_loop3A_392, %parallel_loop3A_403 : vector<16xf32>
        %parallel_loop3A_428 = arith.addf %parallel_loop3A_427, %parallel_loop3A_416 : vector<16xf32>
        %parallel_loop3A_429 = arith.constant 0.000000e+00 : f32
        %parallel_loop3A_430 = vector.broadcast %parallel_loop3A_429 : f32 to vector<16xf32>
        %parallel_loop3A_431 = arith.maximumf %parallel_loop3A_428, %parallel_loop3A_430 : vector<16xf32>
        %parallel_loop3A_432 = arith.index_cast %parallel_loop3A_210 : i32 to index
        %parallel_loop3A_433 = arith.constant 112 : index
        %parallel_loop3A_434 = tpu.vector_load %arg15[%parallel_loop3A_432, %parallel_loop3A_433] {strides = array<i32>} : memref<64x128xf32, #tpu.memory_space<vmem>>, vector<1x16xf32>,
        %parallel_loop3A_435 = vector.shape_cast %parallel_loop3A_434 : vector<1x16xf32> to vector<16xf32>
        %parallel_loop3A_436 = vector.shape_cast %parallel_loop3A_431 : vector<16xf32> to vector<1x16xf32>
        tpu.vector_store %arg15[%parallel_loop3A_432, %parallel_loop3A_433], %parallel_loop3A_436 {strides = array<i32>} : memref<64x128xf32, #tpu.memory_space<vmem>>, vector<1x16xf32>,
      } {sc.loop_unroll_factor = 4 : i64, sc.parallel_access}
      "tpu.region"() ({
        %run_scoped3A = tpu.sem_alloc : memref<!tpu.dma_semaphore, #tpu.memory_space<semaphore_mem>>
        %dma_start3A_210 = arith.constant 0 : i32
        %dma_start3A_211 = arith.constant 0 : i32
        %dma_start3A_212 = tpu.memref_slice %arg17[%dma_start3A_210, %dma_start3A_211] : memref<10112x128xf32, #tpu.memory_space<vmem_shared>> -> memref<10112x128xf32, #tpu.memory_space<vmem_shared>>
        tpu.enqueue_indirect_dma source(%arg15 : memref<64x128xf32, #tpu.memory_space<vmem>>) target(%dma_start3A_212 : memref<10112x128xf32, #tpu.memory_space<vmem_shared>>) offsets(%arg16 : memref<64xi32, #tpu.memory_space<vmem>>) semaphore(%run_scoped3A : memref<!tpu.dma_semaphore, #tpu.memory_space<semaphore_mem>>) {add = true}
        %dma_wait3A_213 = arith.constant 0 : i32
        %dma_wait3A_214 = arith.constant 0 : i32
        %dma_wait3A_215 = tpu.memref_slice %arg17[%dma_wait3A_213, %dma_wait3A_214] : memref<10112x128xf32, #tpu.memory_space<vmem_shared>> -> memref<10112x128xf32, #tpu.memory_space<vmem_shared>>
        tpu.wait_indirect_dma semaphore(%run_scoped3A : memref<!tpu.dma_semaphore, #tpu.memory_space<semaphore_mem>>) src(%arg15 : memref<64x128xf32, #tpu.memory_space<vmem>>) dst(%dma_wait3A_215 : memref<10112x128xf32, #tpu.memory_space<vmem_shared>>)
        tpu.yield
      }) : () -> ()
    } else {
    }
    %barrier3A_120 = arith.constant 0 : index
    tpu.barrier barrier_id(%barrier3A_120)
    %mul3A_121 = arith.constant 632 : i32
    %mul3A_122 = arith.muli %arg1, %mul3A_121 : i32
    %mul3A_123 = arith.constant 10112 : i32
    %mul3A_124 = arith.muli %arg0, %mul3A_123 : i32
    %mul3A_125 = arith.constant 632 : i32
    %mul3A_126 = arith.muli %arg1, %mul3A_125 : i32
    %add3A_127 = arith.addi %mul3A_124, %mul3A_126 : i32
    "tpu.region"() ({
      %run_scoped3A = tpu.sem_alloc : memref<!tpu.dma_semaphore, #tpu.memory_space<semaphore_mem>>
      %dma_start3A_128 = arith.constant 0 : i32
      %dma_start3A_129 = tpu.memref_slice %arg5[%add3A_127, %dma_start3A_128] : memref<20224x128xf32, #tpu.memory_space<hbm>> -> memref<632x128xf32, #tpu.memory_space<hbm>>
      %dma_start3A_130 = arith.constant 0 : i32
      %dma_start3A_131 = tpu.memref_slice %arg17[%mul3A_122, %dma_start3A_130] : memref<10112x128xf32, #tpu.memory_space<vmem_shared>> -> memref<632x128xf32, #tpu.memory_space<vmem_shared>>
      tpu.enqueue_dma source(%dma_start3A_131 : memref<632x128xf32, #tpu.memory_space<vmem_shared>>) target(%dma_start3A_129 : memref<632x128xf32, #tpu.memory_space<hbm>>) target_semaphore(%run_scoped3A : memref<!tpu.dma_semaphore, #tpu.memory_space<semaphore_mem>>)
      %dma_wait3A_132 = arith.constant 0 : i32
      %dma_wait3A_133 = tpu.memref_slice %arg5[%add3A_127, %dma_wait3A_132] : memref<20224x128xf32, #tpu.memory_space<hbm>> -> memref<632x128xf32, #tpu.memory_space<hbm>>
      %dma_wait3A_134 = arith.constant 0 : i32
      %dma_wait3A_135 = tpu.memref_slice %arg17[%mul3A_122, %dma_wait3A_134] : memref<10112x128xf32, #tpu.memory_space<vmem_shared>> -> memref<632x128xf32, #tpu.memory_space<vmem_shared>>
      tpu.wait_dma2 semaphore(%run_scoped3A : memref<!tpu.dma_semaphore, #tpu.memory_space<semaphore_mem>>) src(%dma_wait3A_135 : memref<632x128xf32, #tpu.memory_space<vmem_shared>>) dst(%dma_wait3A_133 : memref<632x128xf32, #tpu.memory_space<hbm>>)
      tpu.yield
    }) : () -> ()
    return
  }
}

module attributes {stable_mosaic.version = 14 : i64} {
  func.func @_edge_proj_body(%arg0: i32, %arg1: memref<400x128xf32, #tpu.memory_space<vmem>>, %arg2: memref<128x1024xf32, #tpu.memory_space<vmem>>, %arg3: memref<1x1024xf32, #tpu.memory_space<vmem>>, %arg4: memref<400x512xi32, #tpu.memory_space<vmem>>) attributes {dimension_semantics = [#tpu.dimension_semantics<arbitrary>], iteration_bounds = array<i64: 100>, scalar_prefetch = 0 : i64, scratch_operands = 0 : i64, tpu.core_type = #tpu.core_type<tc>, window_params = [{transform_indices = @transform_0, window_bounds = array<i64: 400, 128>}, {pipeline_mode = #tpu.pipeline_mode<synchronous>, transform_indices = @transform_1, window_bounds = array<i64: 128, 1024>}, {pipeline_mode = #tpu.pipeline_mode<synchronous>, transform_indices = @transform_2, window_bounds = array<i64: 1, 1024>}, {transform_indices = @transform_3, window_bounds = array<i64: 400, 512>}]} {
    %get3A = arith.constant 0 : index
    %get3A_0 = arith.constant 0 : index
    %get3A_1 = vector.load %arg1[%get3A, %get3A_0] : memref<400x128xf32, #tpu.memory_space<vmem>>, vector<400x128xf32>
    %get3A_2 = arith.constant 0 : index
    %get3A_3 = arith.constant 0 : index
    %get3A_4 = vector.load %arg2[%get3A_2, %get3A_3] : memref<128x1024xf32, #tpu.memory_space<vmem>>, vector<128x1024xf32>
    %dot_general3A = arith.constant dense<0.000000e+00> : vector<400x1024xf32>
    %dot_general3A_5 = tpu.matmul %get3A_1, %get3A_4, %dot_general3A {dimension_numbers = #tpu.dot_dimension_numbers<[1], [0], [0], [1], [0, 0, 1, 1], [], []>, transpose_lhs_hint = false} : vector<400x128xf32>, vector<128x1024xf32>, vector<400x1024xf32> -> vector<400x1024xf32>
    %get3A_6 = arith.constant 0 : index
    %get3A_7 = arith.constant 0 : index
    %get3A_8 = vector.load %arg3[%get3A_6, %get3A_7] : memref<1x1024xf32, #tpu.memory_space<vmem>>, vector<1x1024xf32>
    %add3A = vector.broadcast %get3A_8 : vector<1x1024xf32> to vector<400x1024xf32>
    %add3A_9 = arith.addf %dot_general3A_5, %add3A : vector<400x1024xf32>
    %slice3A = vector.extract_strided_slice %add3A_9 {offsets = [0, 0], sizes = [400, 128], strides = [1, 1]} : vector<400x1024xf32> to vector<400x128xf32>
    %slice3A_10 = vector.extract_strided_slice %slice3A {offsets = [0, 0], sizes = [400, 64], strides = [1, 1]} : vector<400x128xf32> to vector<400x64xf32>
    %convert_element_type3A = arith.truncf %slice3A_10 : vector<400x64xf32> to vector<400x64xbf16>
    %bitcast_convert_type3A = tpu.bitcast %convert_element_type3A : vector<400x64xbf16> -> vector<400x64xi16>
    %convert_element_type3A_11 = arith.extui %bitcast_convert_type3A : vector<400x64xi16> to vector<400x64xi32>
    %slice3A_12 = vector.extract_strided_slice %slice3A {offsets = [0, 64], sizes = [400, 64], strides = [1, 1]} : vector<400x128xf32> to vector<400x64xf32>
    %convert_element_type3A_13 = arith.truncf %slice3A_12 : vector<400x64xf32> to vector<400x64xbf16>
    %bitcast_convert_type3A_14 = tpu.bitcast %convert_element_type3A_13 : vector<400x64xbf16> -> vector<400x64xi16>
    %convert_element_type3A_15 = arith.extui %bitcast_convert_type3A_14 : vector<400x64xi16> to vector<400x64xi32>
    %shift_left3A = arith.constant 16 : i32
    %shift_left3A_16 = vector.broadcast %shift_left3A : i32 to vector<400x64xi32>
    %shift_left3A_17 = arith.shli %convert_element_type3A_15, %shift_left3A_16 : vector<400x64xi32>
    %or3A = arith.ori %convert_element_type3A_11, %shift_left3A_17 : vector<400x64xi32>
    %slice3A_18 = vector.extract_strided_slice %add3A_9 {offsets = [0, 128], sizes = [400, 128], strides = [1, 1]} : vector<400x1024xf32> to vector<400x128xf32>
    %slice3A_19 = vector.extract_strided_slice %slice3A_18 {offsets = [0, 0], sizes = [400, 64], strides = [1, 1]} : vector<400x128xf32> to vector<400x64xf32>
    %convert_element_type3A_20 = arith.truncf %slice3A_19 : vector<400x64xf32> to vector<400x64xbf16>
    %bitcast_convert_type3A_21 = tpu.bitcast %convert_element_type3A_20 : vector<400x64xbf16> -> vector<400x64xi16>
    %convert_element_type3A_22 = arith.extui %bitcast_convert_type3A_21 : vector<400x64xi16> to vector<400x64xi32>
    %slice3A_23 = vector.extract_strided_slice %slice3A_18 {offsets = [0, 64], sizes = [400, 64], strides = [1, 1]} : vector<400x128xf32> to vector<400x64xf32>
    %convert_element_type3A_24 = arith.truncf %slice3A_23 : vector<400x64xf32> to vector<400x64xbf16>
    %bitcast_convert_type3A_25 = tpu.bitcast %convert_element_type3A_24 : vector<400x64xbf16> -> vector<400x64xi16>
    %convert_element_type3A_26 = arith.extui %bitcast_convert_type3A_25 : vector<400x64xi16> to vector<400x64xi32>
    %shift_left3A_27 = arith.constant 16 : i32
    %shift_left3A_28 = vector.broadcast %shift_left3A_27 : i32 to vector<400x64xi32>
    %shift_left3A_29 = arith.shli %convert_element_type3A_26, %shift_left3A_28 : vector<400x64xi32>
    %or3A_30 = arith.ori %convert_element_type3A_22, %shift_left3A_29 : vector<400x64xi32>
    %slice3A_31 = vector.extract_strided_slice %add3A_9 {offsets = [0, 256], sizes = [400, 128], strides = [1, 1]} : vector<400x1024xf32> to vector<400x128xf32>
    %slice3A_32 = vector.extract_strided_slice %slice3A_31 {offsets = [0, 0], sizes = [400, 64], strides = [1, 1]} : vector<400x128xf32> to vector<400x64xf32>
    %convert_element_type3A_33 = arith.truncf %slice3A_32 : vector<400x64xf32> to vector<400x64xbf16>
    %bitcast_convert_type3A_34 = tpu.bitcast %convert_element_type3A_33 : vector<400x64xbf16> -> vector<400x64xi16>
    %convert_element_type3A_35 = arith.extui %bitcast_convert_type3A_34 : vector<400x64xi16> to vector<400x64xi32>
    %slice3A_36 = vector.extract_strided_slice %slice3A_31 {offsets = [0, 64], sizes = [400, 64], strides = [1, 1]} : vector<400x128xf32> to vector<400x64xf32>
    %convert_element_type3A_37 = arith.truncf %slice3A_36 : vector<400x64xf32> to vector<400x64xbf16>
    %bitcast_convert_type3A_38 = tpu.bitcast %convert_element_type3A_37 : vector<400x64xbf16> -> vector<400x64xi16>
    %convert_element_type3A_39 = arith.extui %bitcast_convert_type3A_38 : vector<400x64xi16> to vector<400x64xi32>
    %shift_left3A_40 = arith.constant 16 : i32
    %shift_left3A_41 = vector.broadcast %shift_left3A_40 : i32 to vector<400x64xi32>
    %shift_left3A_42 = arith.shli %convert_element_type3A_39, %shift_left3A_41 : vector<400x64xi32>
    %or3A_43 = arith.ori %convert_element_type3A_35, %shift_left3A_42 : vector<400x64xi32>
    %slice3A_44 = vector.extract_strided_slice %add3A_9 {offsets = [0, 384], sizes = [400, 128], strides = [1, 1]} : vector<400x1024xf32> to vector<400x128xf32>
    %slice3A_45 = vector.extract_strided_slice %slice3A_44 {offsets = [0, 0], sizes = [400, 64], strides = [1, 1]} : vector<400x128xf32> to vector<400x64xf32>
    %convert_element_type3A_46 = arith.truncf %slice3A_45 : vector<400x64xf32> to vector<400x64xbf16>
    %bitcast_convert_type3A_47 = tpu.bitcast %convert_element_type3A_46 : vector<400x64xbf16> -> vector<400x64xi16>
    %convert_element_type3A_48 = arith.extui %bitcast_convert_type3A_47 : vector<400x64xi16> to vector<400x64xi32>
    %slice3A_49 = vector.extract_strided_slice %slice3A_44 {offsets = [0, 64], sizes = [400, 64], strides = [1, 1]} : vector<400x128xf32> to vector<400x64xf32>
    %convert_element_type3A_50 = arith.truncf %slice3A_49 : vector<400x64xf32> to vector<400x64xbf16>
    %bitcast_convert_type3A_51 = tpu.bitcast %convert_element_type3A_50 : vector<400x64xbf16> -> vector<400x64xi16>
    %convert_element_type3A_52 = arith.extui %bitcast_convert_type3A_51 : vector<400x64xi16> to vector<400x64xi32>
    %shift_left3A_53 = arith.constant 16 : i32
    %shift_left3A_54 = vector.broadcast %shift_left3A_53 : i32 to vector<400x64xi32>
    %shift_left3A_55 = arith.shli %convert_element_type3A_52, %shift_left3A_54 : vector<400x64xi32>
    %or3A_56 = arith.ori %convert_element_type3A_48, %shift_left3A_55 : vector<400x64xi32>
    %slice3A_57 = vector.extract_strided_slice %add3A_9 {offsets = [0, 512], sizes = [400, 128], strides = [1, 1]} : vector<400x1024xf32> to vector<400x128xf32>
    %slice3A_58 = vector.extract_strided_slice %slice3A_57 {offsets = [0, 0], sizes = [400, 64], strides = [1, 1]} : vector<400x128xf32> to vector<400x64xf32>
    %convert_element_type3A_59 = arith.truncf %slice3A_58 : vector<400x64xf32> to vector<400x64xbf16>
    %bitcast_convert_type3A_60 = tpu.bitcast %convert_element_type3A_59 : vector<400x64xbf16> -> vector<400x64xi16>
    %convert_element_type3A_61 = arith.extui %bitcast_convert_type3A_60 : vector<400x64xi16> to vector<400x64xi32>
    %slice3A_62 = vector.extract_strided_slice %slice3A_57 {offsets = [0, 64], sizes = [400, 64], strides = [1, 1]} : vector<400x128xf32> to vector<400x64xf32>
    %convert_element_type3A_63 = arith.truncf %slice3A_62 : vector<400x64xf32> to vector<400x64xbf16>
    %bitcast_convert_type3A_64 = tpu.bitcast %convert_element_type3A_63 : vector<400x64xbf16> -> vector<400x64xi16>
    %convert_element_type3A_65 = arith.extui %bitcast_convert_type3A_64 : vector<400x64xi16> to vector<400x64xi32>
    %shift_left3A_66 = arith.constant 16 : i32
    %shift_left3A_67 = vector.broadcast %shift_left3A_66 : i32 to vector<400x64xi32>
    %shift_left3A_68 = arith.shli %convert_element_type3A_65, %shift_left3A_67 : vector<400x64xi32>
    %or3A_69 = arith.ori %convert_element_type3A_61, %shift_left3A_68 : vector<400x64xi32>
    %slice3A_70 = vector.extract_strided_slice %add3A_9 {offsets = [0, 640], sizes = [400, 128], strides = [1, 1]} : vector<400x1024xf32> to vector<400x128xf32>
    %slice3A_71 = vector.extract_strided_slice %slice3A_70 {offsets = [0, 0], sizes = [400, 64], strides = [1, 1]} : vector<400x128xf32> to vector<400x64xf32>
    %convert_element_type3A_72 = arith.truncf %slice3A_71 : vector<400x64xf32> to vector<400x64xbf16>
    %bitcast_convert_type3A_73 = tpu.bitcast %convert_element_type3A_72 : vector<400x64xbf16> -> vector<400x64xi16>
    %convert_element_type3A_74 = arith.extui %bitcast_convert_type3A_73 : vector<400x64xi16> to vector<400x64xi32>
    %slice3A_75 = vector.extract_strided_slice %slice3A_70 {offsets = [0, 64], sizes = [400, 64], strides = [1, 1]} : vector<400x128xf32> to vector<400x64xf32>
    %convert_element_type3A_76 = arith.truncf %slice3A_75 : vector<400x64xf32> to vector<400x64xbf16>
    %bitcast_convert_type3A_77 = tpu.bitcast %convert_element_type3A_76 : vector<400x64xbf16> -> vector<400x64xi16>
    %convert_element_type3A_78 = arith.extui %bitcast_convert_type3A_77 : vector<400x64xi16> to vector<400x64xi32>
    %shift_left3A_79 = arith.constant 16 : i32
    %shift_left3A_80 = vector.broadcast %shift_left3A_79 : i32 to vector<400x64xi32>
    %shift_left3A_81 = arith.shli %convert_element_type3A_78, %shift_left3A_80 : vector<400x64xi32>
    %or3A_82 = arith.ori %convert_element_type3A_74, %shift_left3A_81 : vector<400x64xi32>
    %slice3A_83 = vector.extract_strided_slice %add3A_9 {offsets = [0, 768], sizes = [400, 128], strides = [1, 1]} : vector<400x1024xf32> to vector<400x128xf32>
    %slice3A_84 = vector.extract_strided_slice %slice3A_83 {offsets = [0, 0], sizes = [400, 64], strides = [1, 1]} : vector<400x128xf32> to vector<400x64xf32>
    %convert_element_type3A_85 = arith.truncf %slice3A_84 : vector<400x64xf32> to vector<400x64xbf16>
    %bitcast_convert_type3A_86 = tpu.bitcast %convert_element_type3A_85 : vector<400x64xbf16> -> vector<400x64xi16>
    %convert_element_type3A_87 = arith.extui %bitcast_convert_type3A_86 : vector<400x64xi16> to vector<400x64xi32>
    %slice3A_88 = vector.extract_strided_slice %slice3A_83 {offsets = [0, 64], sizes = [400, 64], strides = [1, 1]} : vector<400x128xf32> to vector<400x64xf32>
    %convert_element_type3A_89 = arith.truncf %slice3A_88 : vector<400x64xf32> to vector<400x64xbf16>
    %bitcast_convert_type3A_90 = tpu.bitcast %convert_element_type3A_89 : vector<400x64xbf16> -> vector<400x64xi16>
    %convert_element_type3A_91 = arith.extui %bitcast_convert_type3A_90 : vector<400x64xi16> to vector<400x64xi32>
    %shift_left3A_92 = arith.constant 16 : i32
    %shift_left3A_93 = vector.broadcast %shift_left3A_92 : i32 to vector<400x64xi32>
    %shift_left3A_94 = arith.shli %convert_element_type3A_91, %shift_left3A_93 : vector<400x64xi32>
    %or3A_95 = arith.ori %convert_element_type3A_87, %shift_left3A_94 : vector<400x64xi32>
    %slice3A_96 = vector.extract_strided_slice %add3A_9 {offsets = [0, 896], sizes = [400, 128], strides = [1, 1]} : vector<400x1024xf32> to vector<400x128xf32>
    %slice3A_97 = vector.extract_strided_slice %slice3A_96 {offsets = [0, 0], sizes = [400, 64], strides = [1, 1]} : vector<400x128xf32> to vector<400x64xf32>
    %convert_element_type3A_98 = arith.truncf %slice3A_97 : vector<400x64xf32> to vector<400x64xbf16>
    %bitcast_convert_type3A_99 = tpu.bitcast %convert_element_type3A_98 : vector<400x64xbf16> -> vector<400x64xi16>
    %convert_element_type3A_100 = arith.extui %bitcast_convert_type3A_99 : vector<400x64xi16> to vector<400x64xi32>
    %slice3A_101 = vector.extract_strided_slice %slice3A_96 {offsets = [0, 64], sizes = [400, 64], strides = [1, 1]} : vector<400x128xf32> to vector<400x64xf32>
    %convert_element_type3A_102 = arith.truncf %slice3A_101 : vector<400x64xf32> to vector<400x64xbf16>
    %bitcast_convert_type3A_103 = tpu.bitcast %convert_element_type3A_102 : vector<400x64xbf16> -> vector<400x64xi16>
    %convert_element_type3A_104 = arith.extui %bitcast_convert_type3A_103 : vector<400x64xi16> to vector<400x64xi32>
    %shift_left3A_105 = arith.constant 16 : i32
    %shift_left3A_106 = vector.broadcast %shift_left3A_105 : i32 to vector<400x64xi32>
    %shift_left3A_107 = arith.shli %convert_element_type3A_104, %shift_left3A_106 : vector<400x64xi32>
    %or3A_108 = arith.ori %convert_element_type3A_100, %shift_left3A_107 : vector<400x64xi32>
    %concatenate3A = tpu.concatenate %or3A, %or3A_30, %or3A_43, %or3A_56, %or3A_69, %or3A_82, %or3A_95, %or3A_108 in 1 : vector<400x64xi32>, vector<400x64xi32>, vector<400x64xi32>, vector<400x64xi32>, vector<400x64xi32>, vector<400x64xi32>, vector<400x64xi32>, vector<400x64xi32> -> vector<400x512xi32>
    %swap3A = arith.constant 0 : index
    %swap3A_109 = arith.constant 0 : index
    %swap3A_110 = vector.load %arg4[%swap3A, %swap3A_109] : memref<400x512xi32, #tpu.memory_space<vmem>>, vector<400x512xi32>
    tpu.vector_store %arg4[%swap3A, %swap3A_109], %concatenate3A {strides = array<i32>} : memref<400x512xi32, #tpu.memory_space<vmem>>, vector<400x512xi32>,
    return
  }
  func.func @transform_0(%arg0: i32) -> (i32, i32) {
    %c0_i32 = arith.constant 0 : i32
    %c0_i32_0 = arith.constant 0 : i32
    return %arg0, %c0_i32 : i32, i32
  }
  func.func @transform_1(%arg0: i32) -> (i32, i32) {
    %c0_i32 = arith.constant 0 : i32
    %c0_i32_0 = arith.constant 0 : i32
    %c0_i32_1 = arith.constant 0 : i32
    return %c0_i32, %c0_i32_0 : i32, i32
  }
  func.func @transform_2(%arg0: i32) -> (i32, i32) {
    %c0_i32 = arith.constant 0 : i32
    %c0_i32_0 = arith.constant 0 : i32
    %c0_i32_1 = arith.constant 0 : i32
    return %c0_i32, %c0_i32_0 : i32, i32
  }
  func.func @transform_3(%arg0: i32) -> (i32, i32) {
    %c0_i32 = arith.constant 0 : i32
    %c0_i32_0 = arith.constant 0 : i32
    return %arg0, %c0_i32 : i32, i32
  }
}

module attributes {stable_mosaic.version = 14 : i64} {
  func.func @_node_proj_body(%arg0: i32, %arg1: memref<632x128xf32, #tpu.memory_space<vmem>>, %arg2: memref<128x128xf32, #tpu.memory_space<vmem>>, %arg3: memref<1x128xf32, #tpu.memory_space<vmem>>, %arg4: memref<128x128xf32, #tpu.memory_space<vmem>>, %arg5: memref<1x128xf32, #tpu.memory_space<vmem>>, %arg6: memref<632x128xi32, #tpu.memory_space<vmem>>) attributes {dimension_semantics = [#tpu.dimension_semantics<arbitrary>], iteration_bounds = array<i64: 16>, scalar_prefetch = 0 : i64, scratch_operands = 0 : i64, tpu.core_type = #tpu.core_type<tc>, window_params = [{transform_indices = @transform_0, window_bounds = array<i64: 632, 128>}, {pipeline_mode = #tpu.pipeline_mode<synchronous>, transform_indices = @transform_1, window_bounds = array<i64: 128, 128>}, {pipeline_mode = #tpu.pipeline_mode<synchronous>, transform_indices = @transform_2, window_bounds = array<i64: 1, 128>}, {pipeline_mode = #tpu.pipeline_mode<synchronous>, transform_indices = @transform_3, window_bounds = array<i64: 128, 128>}, {pipeline_mode = #tpu.pipeline_mode<synchronous>, transform_indices = @transform_4, window_bounds = array<i64: 1, 128>}, {transform_indices = @transform_5, window_bounds = array<i64: 632, 128>}]} {
    %get3A = arith.constant 0 : index
    %get3A_0 = arith.constant 0 : index
    %get3A_1 = vector.load %arg1[%get3A, %get3A_0] : memref<632x128xf32, #tpu.memory_space<vmem>>, vector<632x128xf32>
    %get3A_2 = arith.constant 0 : index
    %get3A_3 = arith.constant 0 : index
    %get3A_4 = vector.load %arg2[%get3A_2, %get3A_3] : memref<128x128xf32, #tpu.memory_space<vmem>>, vector<128x128xf32>
    %dot_general3A = arith.constant dense<0.000000e+00> : vector<632x128xf32>
    %dot_general3A_5 = tpu.matmul %get3A_1, %get3A_4, %dot_general3A {dimension_numbers = #tpu.dot_dimension_numbers<[1], [1], [0], [0], [0, 0, 1, 0], [], []>, transpose_lhs_hint = false} : vector<632x128xf32>, vector<128x128xf32>, vector<632x128xf32> -> vector<632x128xf32>
    %get3A_6 = arith.constant 0 : index
    %get3A_7 = arith.constant 0 : index
    %get3A_8 = vector.load %arg3[%get3A_6, %get3A_7] : memref<1x128xf32, #tpu.memory_space<vmem>>, vector<1x128xf32>
    %add3A = vector.broadcast %get3A_8 : vector<1x128xf32> to vector<632x128xf32>
    %add3A_9 = arith.addf %dot_general3A_5, %add3A : vector<632x128xf32>
    %get3A_10 = arith.constant 0 : index
    %get3A_11 = arith.constant 0 : index
    %get3A_12 = vector.load %arg4[%get3A_10, %get3A_11] : memref<128x128xf32, #tpu.memory_space<vmem>>, vector<128x128xf32>
    %dot_general3A_13 = arith.constant dense<0.000000e+00> : vector<632x128xf32>
    %dot_general3A_14 = tpu.matmul %get3A_1, %get3A_12, %dot_general3A_13 {dimension_numbers = #tpu.dot_dimension_numbers<[1], [1], [0], [0], [0, 0, 1, 0], [], []>, transpose_lhs_hint = false} : vector<632x128xf32>, vector<128x128xf32>, vector<632x128xf32> -> vector<632x128xf32>
    %get3A_15 = arith.constant 0 : index
    %get3A_16 = arith.constant 0 : index
    %get3A_17 = vector.load %arg5[%get3A_15, %get3A_16] : memref<1x128xf32, #tpu.memory_space<vmem>>, vector<1x128xf32>
    %add3A_18 = vector.broadcast %get3A_17 : vector<1x128xf32> to vector<632x128xf32>
    %add3A_19 = arith.addf %dot_general3A_14, %add3A_18 : vector<632x128xf32>
    %slice3A = vector.extract_strided_slice %add3A_9 {offsets = [0, 0], sizes = [632, 64], strides = [1, 1]} : vector<632x128xf32> to vector<632x64xf32>
    %convert_element_type3A = arith.truncf %slice3A : vector<632x64xf32> to vector<632x64xbf16>
    %bitcast_convert_type3A = tpu.bitcast %convert_element_type3A : vector<632x64xbf16> -> vector<632x64xi16>
    %convert_element_type3A_20 = arith.extui %bitcast_convert_type3A : vector<632x64xi16> to vector<632x64xi32>
    %slice3A_21 = vector.extract_strided_slice %add3A_9 {offsets = [0, 64], sizes = [632, 64], strides = [1, 1]} : vector<632x128xf32> to vector<632x64xf32>
    %convert_element_type3A_22 = arith.truncf %slice3A_21 : vector<632x64xf32> to vector<632x64xbf16>
    %bitcast_convert_type3A_23 = tpu.bitcast %convert_element_type3A_22 : vector<632x64xbf16> -> vector<632x64xi16>
    %convert_element_type3A_24 = arith.extui %bitcast_convert_type3A_23 : vector<632x64xi16> to vector<632x64xi32>
    %shift_left3A = arith.constant 16 : i32
    %shift_left3A_25 = vector.broadcast %shift_left3A : i32 to vector<632x64xi32>
    %shift_left3A_26 = arith.shli %convert_element_type3A_24, %shift_left3A_25 : vector<632x64xi32>
    %or3A = arith.ori %convert_element_type3A_20, %shift_left3A_26 : vector<632x64xi32>
    %slice3A_27 = vector.extract_strided_slice %add3A_19 {offsets = [0, 0], sizes = [632, 64], strides = [1, 1]} : vector<632x128xf32> to vector<632x64xf32>
    %convert_element_type3A_28 = arith.truncf %slice3A_27 : vector<632x64xf32> to vector<632x64xbf16>
    %bitcast_convert_type3A_29 = tpu.bitcast %convert_element_type3A_28 : vector<632x64xbf16> -> vector<632x64xi16>
    %convert_element_type3A_30 = arith.extui %bitcast_convert_type3A_29 : vector<632x64xi16> to vector<632x64xi32>
    %slice3A_31 = vector.extract_strided_slice %add3A_19 {offsets = [0, 64], sizes = [632, 64], strides = [1, 1]} : vector<632x128xf32> to vector<632x64xf32>
    %convert_element_type3A_32 = arith.truncf %slice3A_31 : vector<632x64xf32> to vector<632x64xbf16>
    %bitcast_convert_type3A_33 = tpu.bitcast %convert_element_type3A_32 : vector<632x64xbf16> -> vector<632x64xi16>
    %convert_element_type3A_34 = arith.extui %bitcast_convert_type3A_33 : vector<632x64xi16> to vector<632x64xi32>
    %shift_left3A_35 = arith.constant 16 : i32
    %shift_left3A_36 = vector.broadcast %shift_left3A_35 : i32 to vector<632x64xi32>
    %shift_left3A_37 = arith.shli %convert_element_type3A_34, %shift_left3A_36 : vector<632x64xi32>
    %or3A_38 = arith.ori %convert_element_type3A_30, %shift_left3A_37 : vector<632x64xi32>
    %concatenate3A = tpu.concatenate %or3A, %or3A_38 in 1 : vector<632x64xi32>, vector<632x64xi32> -> vector<632x128xi32>
    %swap3A = arith.constant 0 : index
    %swap3A_39 = arith.constant 0 : index
    %swap3A_40 = vector.load %arg6[%swap3A, %swap3A_39] : memref<632x128xi32, #tpu.memory_space<vmem>>, vector<632x128xi32>
    tpu.vector_store %arg6[%swap3A, %swap3A_39], %concatenate3A {strides = array<i32>} : memref<632x128xi32, #tpu.memory_space<vmem>>, vector<632x128xi32>,
    return
  }
  func.func @transform_0(%arg0: i32) -> (i32, i32) {
    %c0_i32 = arith.constant 0 : i32
    %c0_i32_0 = arith.constant 0 : i32
    return %arg0, %c0_i32 : i32, i32
  }
  func.func @transform_1(%arg0: i32) -> (i32, i32) {
    %c0_i32 = arith.constant 0 : i32
    %c0_i32_0 = arith.constant 0 : i32
    %c0_i32_1 = arith.constant 0 : i32
    return %c0_i32, %c0_i32_0 : i32, i32
  }
  func.func @transform_2(%arg0: i32) -> (i32, i32) {
    %c0_i32 = arith.constant 0 : i32
    %c0_i32_0 = arith.constant 0 : i32
    %c0_i32_1 = arith.constant 0 : i32
    return %c0_i32, %c0_i32_0 : i32, i32
  }
  func.func @transform_3(%arg0: i32) -> (i32, i32) {
    %c0_i32 = arith.constant 0 : i32
    %c0_i32_0 = arith.constant 0 : i32
    %c0_i32_1 = arith.constant 0 : i32
    return %c0_i32, %c0_i32_0 : i32, i32
  }
  func.func @transform_4(%arg0: i32) -> (i32, i32) {
    %c0_i32 = arith.constant 0 : i32
    %c0_i32_0 = arith.constant 0 : i32
    %c0_i32_1 = arith.constant 0 : i32
    return %c0_i32, %c0_i32_0 : i32, i32
  }
  func.func @transform_5(%arg0: i32) -> (i32, i32) {
    %c0_i32 = arith.constant 0 : i32
    %c0_i32_0 = arith.constant 0 : i32
    return %arg0, %c0_i32 : i32, i32
  }
}

module attributes {stable_mosaic.version = 14 : i64} {
  func.func @_out_proj_body(%arg0: i32, %arg1: memref<632x128xf32, #tpu.memory_space<vmem>>, %arg2: memref<632x128xf32, #tpu.memory_space<vmem>>, %arg3: memref<128x128xf32, #tpu.memory_space<vmem>>, %arg4: memref<1x128xf32, #tpu.memory_space<vmem>>, %arg5: memref<632x128xf32, #tpu.memory_space<vmem>>) attributes {dimension_semantics = [#tpu.dimension_semantics<arbitrary>], iteration_bounds = array<i64: 16>, scalar_prefetch = 0 : i64, scratch_operands = 0 : i64, tpu.core_type = #tpu.core_type<tc>, window_params = [{transform_indices = @transform_0, window_bounds = array<i64: 632, 128>}, {transform_indices = @transform_1, window_bounds = array<i64: 632, 128>}, {pipeline_mode = #tpu.pipeline_mode<synchronous>, transform_indices = @transform_2, window_bounds = array<i64: 128, 128>}, {pipeline_mode = #tpu.pipeline_mode<synchronous>, transform_indices = @transform_3, window_bounds = array<i64: 1, 128>}, {transform_indices = @transform_4, window_bounds = array<i64: 632, 128>}]} {
    %get3A = arith.constant 0 : index
    %get3A_0 = arith.constant 0 : index
    %get3A_1 = vector.load %arg1[%get3A, %get3A_0] : memref<632x128xf32, #tpu.memory_space<vmem>>, vector<632x128xf32>
    %get3A_2 = arith.constant 0 : index
    %get3A_3 = arith.constant 0 : index
    %get3A_4 = vector.load %arg2[%get3A_2, %get3A_3] : memref<632x128xf32, #tpu.memory_space<vmem>>, vector<632x128xf32>
    %add3A = arith.addf %get3A_1, %get3A_4 : vector<632x128xf32>
    %get3A_5 = arith.constant 0 : index
    %get3A_6 = arith.constant 0 : index
    %get3A_7 = vector.load %arg3[%get3A_5, %get3A_6] : memref<128x128xf32, #tpu.memory_space<vmem>>, vector<128x128xf32>
    %dot_general3A = arith.constant dense<0.000000e+00> : vector<632x128xf32>
    %dot_general3A_8 = tpu.matmul %add3A, %get3A_7, %dot_general3A {dimension_numbers = #tpu.dot_dimension_numbers<[1], [1], [0], [0], [0, 0, 1, 0], [], []>, transpose_lhs_hint = false} : vector<632x128xf32>, vector<128x128xf32>, vector<632x128xf32> -> vector<632x128xf32>
    %get3A_9 = arith.constant 0 : index
    %get3A_10 = arith.constant 0 : index
    %get3A_11 = vector.load %arg4[%get3A_9, %get3A_10] : memref<1x128xf32, #tpu.memory_space<vmem>>, vector<1x128xf32>
    %add3A_12 = vector.broadcast %get3A_11 : vector<1x128xf32> to vector<632x128xf32>
    %add3A_13 = arith.addf %dot_general3A_8, %add3A_12 : vector<632x128xf32>
    %swap3A = arith.constant 0 : index
    %swap3A_14 = arith.constant 0 : index
    %swap3A_15 = vector.load %arg5[%swap3A, %swap3A_14] : memref<632x128xf32, #tpu.memory_space<vmem>>, vector<632x128xf32>
    tpu.vector_store %arg5[%swap3A, %swap3A_14], %add3A_13 {strides = array<i32>} : memref<632x128xf32, #tpu.memory_space<vmem>>, vector<632x128xf32>,
    return
  }
  func.func @transform_0(%arg0: i32) -> (i32, i32) {
    %c0_i32 = arith.constant 0 : i32
    %c0_i32_0 = arith.constant 0 : i32
    return %arg0, %c0_i32 : i32, i32
  }
  func.func @transform_1(%arg0: i32) -> (i32, i32) {
    %add3A = arith.constant 16 : i32
    %add3A_0 = arith.addi %arg0, %add3A : i32
    %c0_i32 = arith.constant 0 : i32
    %c0_i32_1 = arith.constant 0 : i32
    return %add3A_0, %c0_i32 : i32, i32
  }
  func.func @transform_2(%arg0: i32) -> (i32, i32) {
    %c0_i32 = arith.constant 0 : i32
    %c0_i32_0 = arith.constant 0 : i32
    %c0_i32_1 = arith.constant 0 : i32
    return %c0_i32, %c0_i32_0 : i32, i32
  }
  func.func @transform_3(%arg0: i32) -> (i32, i32) {
    %c0_i32 = arith.constant 0 : i32
    %c0_i32_0 = arith.constant 0 : i32
    %c0_i32_1 = arith.constant 0 : i32
    return %c0_i32, %c0_i32_0 : i32, i32
  }
  func.func @transform_4(%arg0: i32) -> (i32, i32) {
    %c0_i32 = arith.constant 0 : i32
    %c0_i32_0 = arith.constant 0 : i32
    return %arg0, %c0_i32 : i32, i32
  }
}

</mosaic_0001>

<sc_bundles>
// kernel: kernel.6.cloned.1.call-start
scs
__scs_entry_jumppad:
0x0: {  	(pc) =	sbr.rel $0x88, $3  }
0x1: {  	(tag) =	ssettag $0x0;
	lr =	simm.s32 $0x1  }
0x2: {  	[smem:$0x3F96] =	sst lr;
	_ =	strace $0xD0000000  }
0x3: {  	_ = 	snop  }
0x4: {  	_ = 	snop  }
0x5: {  	_ = 	snop  }
0x6: {  	_ = 	snop  }
0x7: {  	_ = 	snop  }
__scs_overlays_trampoline_lowered:
0x8: {  	[smem:$0x3FA5] =	sst s0  }
0x9: {  	[smem:$0x3FA6] =	sst s1  }
0xa: {  	[smem:$0x3FA7] =	sst s2  }
0xb: {  	[smem:$0x3FA8] =	sst s3  }
0xc: {  	[smem:$0x3FA9] =	sst s4  }
0xd: {  	[smem:$0x3FAA] =	sst s5  }
0xe: {  	[smem:$0x3FAB] =	sst s6  }
0xf: {  	[smem:$0x3FAC] =	sst s7  }
0x10: {  	[smem:$0x3FAD] =	sst s8  }
0x11: {  	[smem:$0x3FAE] =	sst s9;
	s0 =	simm.s32 @!p0 $0x0  }
0x12: {  	s1 =	sld [smem:$0x3F94];
	s0 =	simm.s32 @p0 $0x1  }
0x13: {  	[smem:$0x3FAF] =	sst s0;
	s0 =	simm.s32 @!p1 $0x0  }
0x14: {  	s2 =	sld [smem:$0x3F93];
	s0 =	simm.s32 @p1 $0x1  }
0x15: {  	[smem:$0x3FB0] =	sst s0;
	s0 =	simm.s32 @!p2 $0x0  }
0x16: {  	s3 =	sld [smem:$0x3FDB];
	s0 =	simm.s32 @p2 $0x1  }
0x17: {  	s4 =	simm.s32 $0x1BF5;
	[smem:$0x3FB2] =	sst s0  }
0x18: {  	s0 =	sld [smem:$0x3F95];
	_ =	swait.ge [sflag:s4], $0x0  }
0x19: {  	s7 =	sld [smem:$0x3F96]  }
0x1a: {  	s8 =	sadd.s32 $0xFFFFE003, lr  }
0x1b: {  	s9 =	sadd.s32 $0xFFFFFEF7, lr;
	s5 =	simm.s32 $0xFFFFFFFF;
	p2 =	slt.u32 s8, $0xFFFFF086  }
0x1c: {  	p1 =	slt.u32 s9, $0xF7A;
	s5 =	simm.s32 @!p2 $0x0  }
0x1d: {  	s5 =	simm.s32 @p1 $0x1;
	p0 =	seq.s32 s7, s2  }
0x1e: {  	s7 =	smul.u32 @!p0 $0xF7A, s2;
	p2 =	seq.s32 @!p0 s5, $0x0  }
0x1f: {  	s9 =	smul.u32 $0xF7A, s1;
	s8 =	simm.s32 @!p0 $0x1BF5;
	p2 =	por !p2, p0  }
0x20: {  	[sflag:s8] =	ssyncset.s32 @!p0 $0xFFFFF086;
	s6 =	sadd.s32 @!p0 s3, s7;
	s7 =	simm.s32 @!p0 $0x108  }
0x21: {  	s3 =	sadd.s32 s3, s9;
	s6 =	sadd.s32 @!p0 $0x88, s6;
	s7 =	simm.s32 @p2 $0x1082  }
0x22: {  	[simem:s7], [sflag:s8] =	dma.local @!p0 [hbm:s6], $0xF7A  }
0x23: {  	s9 =	sor.u32 $0xD0000000, s2;
	s6 =	simm.s32 $0x108;
	_ =	swait.ge @!p0 [sflag:s8], $0x0  }
0x24: {  	s3 =	sadd.s32 $0x88, s3;
	s6 =	simm.s32 @!p1 $0x1082;
	[sflag:s4] =	ssyncset.s32 $0xFFFFF086  }
0x25: {  	[simem:s6], [sflag:s4] =	dma.local [hbm:s3], $0xF7A  }
0x26: {  	[smem:$0x3F96] =	sst s1;
	(tag) =	ssettag s2;
	_ =	strace s9  }
0x27: {  	s1 =	sld [smem:$0x3FA6]  }
0x28: {  	s2 =	sld [smem:$0x3FA7]  }
0x29: {  	s4 =	sld [smem:$0x3FA9]  }
0x2a: {  	p0 =	seq.s32 s5, $0x0;
	s5 =	sld [smem:$0x3FAA]  }
0x2b: {  	s6 =	sld [smem:$0x3FAB]  }
0x2c: {  	s7 =	sld [smem:$0x3FAC]  }
0x2d: {  	s3 =	simm.s32 $0x108;
	s8 =	sld [smem:$0x3FAD]  }
0x2e: {  	s3 =	simm.s32 @!p0 $0x1082;
	s9 =	sld [smem:$0x3FAE]  }
0x2f: {  	lr =	sadd.s32 s0, s3;
	s0 =	sld [smem:$0x3FA5]  }
0x30: {  	s3 =	sld [smem:$0x3FA8]  }
0x31: {  	[smem:$0x3FB1] =	sst s10  }
0x32: {  	s10 =	sld [smem:$0x3FAF];
	_ =	sdelay $0x3  }
0x33: {  	p0 =	seq.s32 s10, $0x1;
	s10 =	sld [smem:$0x3FB1];
	_ =	sdelay $0x3  }
0x34: {  	[smem:$0x3FB1] =	sst s10  }
0x35: {  	s10 =	sld [smem:$0x3FB0];
	_ =	sdelay $0x3  }
0x36: {  	p1 =	seq.s32 s10, $0x1;
	s10 =	sld [smem:$0x3FB1];
	_ =	sdelay $0x3  }
0x37: {  	[smem:$0x3FB1] =	sst s10  }
0x38: {  	s10 =	sld [smem:$0x3FB2]  }
0x39: {  	_ = 	snop;
	(pc) =	sbr.ind lr, $3  }
0x3a: {  	_ = 	snop  }
0x3b: {  	_ = 	snop  }
0x3c: {  	p2 =	seq.s32 s10, $0x1;
	s10 =	sld [smem:$0x3FB1]  }
0x3d: {  	_ =	shalt  }
0x3e: {  	_ =	shalt  }
0x3f: {  	_ =	shalt  }
0x40: {  	_ =	shalt  }
0x41: {  	_ =	shalt  }
0x42: {  	_ =	shalt  }
0x43: {  	_ =	shalt  }
0x44: {  	_ =	shalt  }
0x45: {  	_ =	shalt  }
0x46: {  	_ =	shalt  }
0x47: {  	_ =	shalt  }
0x48: {  	_ =	shalt  }
0x49: {  	_ =	shalt  }
0x4a: {  	_ =	shalt  }
0x4b: {  	_ =	shalt  }
0x4c: {  	_ =	shalt  }
0x4d: {  	_ =	shalt  }
0x4e: {  	_ =	shalt  }
0x4f: {  	_ =	shalt  }
0x50: {  	_ =	shalt  }
0x51: {  	_ =	shalt  }
0x52: {  	_ =	shalt  }
0x53: {  	_ =	shalt  }
0x54: {  	_ =	shalt  }
0x55: {  	_ =	shalt  }
0x56: {  	_ =	shalt  }
0x57: {  	_ =	shalt  }
0x58: {  	_ =	shalt  }
0x59: {  	_ =	shalt  }
0x5a: {  	_ =	shalt  }
0x5b: {  	_ =	shalt  }
0x5c: {  	_ =	shalt  }
0x5d: {  	_ =	shalt  }
0x5e: {  	_ =	shalt  }
0x5f: {  	_ =	shalt  }
0x60: {  	_ =	shalt  }
0x61: {  	_ =	shalt  }
0x62: {  	_ =	shalt  }
0x63: {  	_ =	shalt  }
0x64: {  	_ =	shalt  }
0x65: {  	_ =	shalt  }
0x66: {  	_ =	shalt  }
0x67: {  	_ =	shalt  }
0x68: {  	_ =	shalt  }
0x69: {  	_ =	shalt  }
0x6a: {  	_ =	shalt  }
0x6b: {  	_ =	shalt  }
0x6c: {  	_ =	shalt  }
0x6d: {  	_ =	shalt  }
0x6e: {  	_ =	shalt  }
0x6f: {  	_ =	shalt  }
0x70: {  	_ =	shalt  }
0x71: {  	_ =	shalt  }
0x72: {  	_ =	shalt  }
0x73: {  	_ =	shalt  }
0x74: {  	_ =	shalt  }
0x75: {  	_ =	shalt  }
0x76: {  	_ =	shalt  }
0x77: {  	_ =	shalt  }
0x78: {  	_ =	shalt  }
0x79: {  	_ =	shalt  }
0x7a: {  	_ =	shalt  }
0x7b: {  	_ =	shalt  }
0x7c: {  	_ =	shalt  }
0x7d: {  	_ =	shalt  }
0x7e: {  	_ =	shalt  }
0x7f: {  	_ =	shalt  }
0x80: {  	_ =	shalt  }
0x81: {  	_ =	shalt  }
0x82: {  	_ =	shalt  }
0x83: {  	_ =	shalt  }
0x84: {  	_ =	shalt  }
0x85: {  	_ =	shalt  }
0x86: {  	_ =	shalt  }
0x87: {  	_ =	shalt  }
.Lfunc_end0:
.L_simem_size_0:
called_computation_lowered:
.L_overlay_start_0:
0x88: {  	s2 =	sld [smem:$0x3FD9]  }
0x89: {  	s3 =	sld [smem:$0x3FFE];
	_ =	sdelay $0x1  }
0x8a: {  	s1 =	srdreg.scid  }
0x8b: {  	s0 =	sand.u32 $0x1, s1  }
0x8c: {  	s17 =	sshll.u32 s0, $0xA;
	s2 =	sadd.s32 s3, s2  }
0x8d: {  	s2 =	sadd.s32 s2, s17  }
0x8e: {  	[smem:$0x3FBD] =	sst s2  }
0x8f: {  	_ = 	snop  }
0x90: {  	s2 =	sld [smem:$0x3FC8]  }
0x91: {  	s18 =	sld [smem:$0x3FD0];
	(tm) =	ssettm $0x1  }
0x92: {  	s4 =	sld [smem:$0x3FFB];
	_ =	sdelay $0x3  }
0x93: {  	_ =	strace s4  }
0x94: {  	s4 =	sld [smem:$0x3FFC];
	_ =	sdelay $0x3  }
0x95: {  	_ =	strace s4  }
0x96: {  	s4 =	sld [smem:$0x3FFD];
	_ =	sdelay $0x3  }
0x97: {  	_ =	strace s4  }
0x98: {  	_ =	strace $0x8FFFFFFF  }
0x99: {  	s19 =	sld [smem:$0x3FDB];
	_ =	sdelay $0x1  }
0x9a: {  	s5 =	simm.s32 $_scs_section_size  }
0x9b: {  	s6 =	simm.s32 $_size__tile_overlayer_lowered;
	s7 =	simm.s32 $_tile_overlayer_lowered  }
0x9c: {  	s22 =	simm.s32 $0x1BFF;
	s21 =	sshll.u32 s7, $0x1;
	s4 =	sadd.s32 s5, s19  }
0x9d: {  	s8 =	simm.s32 $0x0;
	s20 =	sshll.u32 s6, $0x1;
	s6 =	sadd.s32 s21, s4  }
0x9e: {  	[timem:s8], [sflag:s22] =	dma.local [hbm:s6], s20  }
0x9f: {  	_ =	swait.ge [sflag:s22], s20  }
0xa0: {  	s5 =	ssub.s32 $0x0, s20;
	[sflag:s22] =	ssyncset.done $0x0  }
0xa1: {  	[sflag:s22] =	ssyncadd.s32 s5;
	_ =	sdelay $0x1  }
0xa2: {  	s23 =	simm.s32 $0x1B8B  }
0xa3: {  	_ =	swait.ge [sflag:s23], $0x1  }
0xa4: {  	[sflag:s23] =	ssyncset.done $0x0  }
0xa5: {  	s25 =	simm.s32 $0x1B8E;
	s24 =	sld [smem:$0x3FFE];
	[sflag:s23] =	ssyncadd.s32 $0xFFFFFFFF  }
0xa6: {  	s26 =	simm.s32 $execute0_lowered;
	[smem:$0x3FD2] =	sst s25  }
0xa7: {  	s6 =	sshll.u32 s26, $0x1;
	_ =	strace $0x80000046;
	[dreg:$0x1] =	wrdreg $0xFFFFFFFF  }
0xa8: {  	s28 =	simm.s32 $_size_execute0_lowered;
	s4 =	sadd.s32 s4, s6;
	[dreg:$0x0] =	wrdreg $0x0  }
0xa9: {  	s6 =	sshll.u32 s28, $0x1;
	[dreg:$0x2] =	wrdreg s4  }
0xaa: {  	[dreg:$0x3] =	wrdreg s6  }
0xab: {  	[dreg:$0x4] =	wrdreg $0xC0  }
0xac: {  	_ =	task [dreg:s8], $0x5FFFF  }
0xad: {  	[dreg:$0x1] =	wrdreg $0xFFFFFFFF  }
0xae: {  	[dreg:$0x0] =	wrdreg $0x60  }
0xaf: {  	[dreg:$0x2] =	wrdreg s18  }
0xb0: {  	[dreg:$0x3] =	wrdreg s24  }
0xb1: {  	[dreg:$0x4] =	wrdreg s2  }
0xb2: {  	[dreg:$0x5] =	wrdreg $0xB2800  }
0xb3: {  	[dreg:$0x6] =	wrdreg $0x9  }
0xb4: {  	_ =	task.clear_ibuf [dreg:s8], $0x7FFFF;
	_ =	strace $0x90000046  }
0xb5: {  	s29 =	simm.s32 $0x9;
	_ =	strace $0x80000048  }
0xb6: {  	_ =	swait.ge [sflag:s29], $0x1  }
0xb7: {  	[sflag:s29] =	ssyncadd.s32 $0xFFFFFFFF  }
0xb8: {  	_ =	strace $0x90000048  }
0xb9: {  	_ =	sfence  }
0xba: {  	s30 =	sld [smem:$0x0];
	_ =	sdelay $0x2  }
0xbb: {  	s31 =	sshll.u32 s1, $0xD;
	s1 =	sshrl.u32 s1, $0x2  }
0xbc: {  	s3 =	sand.u32 $0x4000, s31;
	s1 =	sadd.s32 s1, s30  }
0xbd: {  	s0 =	sor.u32 s3, s0;
	s1 =	sshll.u32 s1, $0x11  }
0xbe: {  	s0 =	sor.u32 s1, s0  }
0xbf: {  	s0 =	sadd.s32 $0x8F2B, s0  }
0xc0: {  	[sflag:s0] =	ssyncadd.remote.s32 $0x1  }
0xc1: {  	_ =	sfence.sel $0xFFFF  }
0xc2: {  	[dreg:$0x0] =	wrdreg $0xFFFFFFFF;
	(pc) =	sbr.abs _section_cstart, $3  }
0xc3: {  	[dreg:$0x1] =	wrdreg $0xFFFFFFFF  }
0xc4: {  	_ =	task.clear_ibuf [dreg:s8], $0x2FFFF;
	_ =	strace $0x9FFFFFFF  }
0xc5: {  	(tm) =	ssettm $0x7FFFFFFF  }
tec
execute0_lowered:
.L_overlay_start_1:
0x0: {  	(tag) =	ssettag $0x1  }
0x1: {  	s1 =	rddreg [dreg:$0x0]  }
0x2: {  	s0 =	rddreg [dreg:$0x1]  }
0x3: {  	s3 =	rddreg [dreg:$0x2]  }
0x4: {  	s4 =	rddreg [dreg:$0x3]  }
0x5: {  	s2 =	srdreg.scid;
	s11 =	stileid.u32  }
0x6: {  	s6 =	simm.s32 $0x0;
	s30 =	simm.s32 $0x9200;
	s31 =	simm.s32 $0x6  }
0x7: {  	s2 =	sand.u32 $0x1, s2;
	s5 =	smul.u32 $0x2780, s11;
	[smem:$0x7FF] =	sst s6  }
0x8: {  	s7 =	smul.u32 $0x4F000, s11;
	s8 =	sadd.s32 $0x1E00, s0;
	s26 =	sor.u32 $0x1380, s11  }
0x9: {  	s13 =	sshll.u32 s11, $0x6;
	s18 =	smul.u32 $0x27800, s2;
	_ =	strace $0x80000047  }
0xa: {  	s19 =	ssub.s32 $0x2, s2;
	s2 =	sshll.u32 s2, $0x4;
	s10 =	sshll.u32 s26, $0x7  }
0xb: {  	[dreg:$0xd] =	wrdreg s13;
	s13 =	sand.u32 $0x40, s13;
	s9 =	sshrl.u32 s19, $0x1  }
0xc: {  	s7 =	sshrl.u32 s7, $0x2;
	s2 =	sor.u32 s11, s2;
	s12 =	sand.u32 $0x9C300, s10  }
0xd: {  	s10 =	sor.u32 s13, s10;
	s5 =	sadd.s32 s5, s18;
	s14 =	sadd.s32 s7, s4  }
0xe: {  	s6 =	ssub.s32 s19, s9;
	s7 =	sadd.s32 $0x2000, s14;
	[dreg:$0x5] =	wrdreg s14  }
0xf: {  	s28 =	smul.u32 $0x9C0, s2;
	s20 =	sadd.s32 $0x4000, s14;
	[dreg:$0x6] =	wrdreg s7  }
0x10: {  	s29 =	smul.u32 $0x13800, s2;
	s21 =	sadd.s32 $0x6000, s14;
	[dreg:$0x7] =	wrdreg s20  }
0x11: {  	s12 =	sor.u32 s13, s12;
	s22 =	sadd.s32 $0x8000, s14;
	[dreg:$0x8] =	wrdreg s21  }
0x12: {  	p0 =	sgt.u32 s2, $0x7;
	s23 =	sadd.s32 $0xA000, s14;
	[dreg:$0x9] =	wrdreg s22  }
0x13: {  	s19 =	sshrl.u32 s10, $0x3;
	s24 =	sadd.s32 $0xC000, s14;
	[dreg:$0xa] =	wrdreg s23  }
0x14: {  	s9 =	simm.s32 $0x2;
	s25 =	sadd.s32 $0xE000, s14;
	[dreg:$0xb] =	wrdreg s24  }
0x15: {  	s10 =	simm.s32 $0x5;
	s15 =	sadd.s32 $0x10000, s14;
	[dreg:$0xc] =	wrdreg s25  }
0x16: {  	s5 =	sadd.s32 s5, s0;
	s16 =	sadd.s32 $0x12000, s14;
	[dreg:$0xe] =	wrdreg s15  }
0x17: {  	s18 =	sshrl.u32 s12, $0x3;
	s11 =	sadd.s32 s8, s29;
	[dreg:$0x11] =	wrdreg s16  }
0x18: {  	s7 =	sshll.u32 s26, $0x9;
	s22 =	sadd.s32 s3, s18;
	[dreg:$0xf] =	wrdreg s11  }
0x19: {  	s17 =	sadd.s32 s3, s28;
	s24 =	sadd.s32 $0x272E00, s5;
	[dreg:$0x13] =	wrdreg s22  }
0x1a: {  	s20 =	smul.u32 $0x9C, s2;
	s25 =	smax.u32 s6, $0x1;
	[dreg:$0x15] =	wrdreg s24  }
0x1b: {  	s21 =	sadd.s32 $0x2000, s0;
	s23 =	sor.u32 $0x10, s19;
	[dreg:$0x16] =	wrdreg s25  }
0x1c: {  	s15 =	simm.s32 $0xB200;
	s7 =	sadd.s32 s8, s7;
	[dreg:$0x12] =	wrdreg s17  }
.Ltmp0:
0x1d: {  	s0 =	sadd.s32 s3, s23;
	[dreg:$0x10] =	wrdreg s7;
	(pc) =	sbr.rel .LBB2_1-.Ltmp0, $4  }
0x1e: {  	s16 =	simm.s32 $0x4;
	s26 =	sadd.s32 $0x10, s17;
	[dreg:$0x14] =	wrdreg s0  }
0x1f: {  	s6 =	simm.s32 $0x0;
	s28 =	sadd.s32 $0x8, s17;
	[dreg:$0x17] =	wrdreg s26  }
0x20: {  	s29 =	sadd.s32 $0x18, s17;
	s8 =	simm.s32 $0x8200;
	[dreg:$0x18] =	wrdreg s28  }
0x21: {  	v0 =	vimm.f32 $0.0e+00;
	s11 =	simm.s32 $0x3;
	[dreg:$0x19] =	wrdreg s29;
	s7 =	simm.s32 $0x40  }
.LBB2_13:
0x22: {  	[bflag:$0x0] =	sbarrier.arrive $0xFFFF  }
0x23: {  	s0 =	rddreg [dreg:$0xd]  }
0x24: {  	s14 =	rddreg [dreg:$0x5]  }
0x25: {  	s5 =	rddreg [dreg:$0x15];
	s0 =	sor.u32 $0x1C06, s0;
	s2 =	sshrl.u32 s14, $0x3  }
0x26: {  	[hbm:s5], [sflag:s0] =	dma.local [spmem:s2], $0x2780  }
0x27: {  	_ =	swait.ge [sflag:s31], $0x2780  }
0x28: {  	s6 =	sadd.s32 $0x1, s6;
	s29 =	rddreg [dreg:$0x16]  }
0x29: {  	p1 =	sne.s32 s6, s29  }
.Ltmp1:
0x2a: {  	_ = 	snop;
	(pc) =	sbr.rel @!p1 .LBB2_14-.Ltmp1, $3  }
0x2b: {  	_ =	sdelay $0x1  }
0x2c: {  	[sflag:s31] =	ssyncset.done $0x0  }
0x2d: {  	[sflag:s31] =	ssyncadd.s32 $0xFFFFD880  }
.LBB2_1:
0x2e: {  	[dreg:$0x1a] =	wrdreg s6;
	s0 =	simm.s32 $0x0;
	s2 =	simm.s32 $0x200  }
.LBB2_2:
0x2f: {  	p1 =	sne.s32 s2, $0x7E00;
	[tilespmem:s0+$0x9270] =	vst v0  }
0x30: {  	[tilespmem:s0+$0x9200] =	vst v0  }
0x31: {  	[tilespmem:s0+$0x9210] =	vst v0  }
.Ltmp2:
0x32: {  	[tilespmem:s0+$0x9220] =	vst v0;
	(pc) =	sbr.rel @p1 .LBB2_2-.Ltmp2, $4  }
0x33: {  	[tilespmem:s0+$0x9230] =	vst v0  }
0x34: {  	[tilespmem:s0+$0x9240] =	vst v0  }
0x35: {  	[tilespmem:s0+$0x9250] =	vst v0  }
0x36: {  	[tilespmem:s0+$0x9260] =	vst v0;
	s0 =	sshra.s32 s2, $0x2;
	s2 =	sadd.s32 $0x200, s2  }
0x37: {  	[tilespmem:s0+$0x9270] =	vst v0  }
0x38: {  	[tilespmem:s0+$0x9200] =	vst v0  }
0x39: {  	[tilespmem:s0+$0x9210] =	vst v0  }
0x3a: {  	[tilespmem:s0+$0x9220] =	vst v0  }
0x3b: {  	[tilespmem:s0+$0x9230] =	vst v0  }
0x3c: {  	[tilespmem:s0+$0x9240] =	vst v0  }
0x3d: {  	[tilespmem:s0+$0x9250] =	vst v0  }
0x3e: {  	[tilespmem:s0+$0x9260] =	vst v0  }
0x3f: {  	[spmem:s14] =	stream.linear.scatter [tilespmem:s30], [sflag:$0x6], $0x2000, $0x38;
	[tilespmem:$0x1EE80] =	vst v63  }
0x40: {  	_ =	swait.ge [sflag:s31], $0x2000  }
0x41: {  	[sflag:s31] =	ssyncset.done $0x0  }
0x42: {  	s28 =	rddreg [dreg:$0x6];
	[sflag:s31] =	ssyncadd.s32 $0xFFFFE000  }
0x43: {  	[spmem:s28] =	stream.linear.scatter [tilespmem:s30], [sflag:$0x6], $0x2000, $0x38;
	[tilespmem:$0x1EE80] =	vst v63  }
0x44: {  	_ =	swait.ge [sflag:s31], $0x2000  }
0x45: {  	[sflag:s31] =	ssyncset.done $0x0  }
0x46: {  	s29 =	rddreg [dreg:$0x7];
	[sflag:s31] =	ssyncadd.s32 $0xFFFFE000  }
0x47: {  	[spmem:s29] =	stream.linear.scatter [tilespmem:s30], [sflag:$0x6], $0x2000, $0x38;
	[tilespmem:$0x1EE80] =	vst v63  }
0x48: {  	_ =	swait.ge [sflag:s31], $0x2000  }
0x49: {  	[sflag:s31] =	ssyncset.done $0x0  }
0x4a: {  	s2 =	rddreg [dreg:$0x8];
	[sflag:s31] =	ssyncadd.s32 $0xFFFFE000  }
0x4b: {  	[spmem:s2] =	stream.linear.scatter [tilespmem:s30], [sflag:$0x6], $0x2000, $0x38;
	[tilespmem:$0x1EE80] =	vst v63  }
0x4c: {  	_ =	swait.ge [sflag:s31], $0x2000  }
0x4d: {  	[sflag:s31] =	ssyncset.done $0x0  }
0x4e: {  	s5 =	rddreg [dreg:$0x9];
	[sflag:s31] =	ssyncadd.s32 $0xFFFFE000  }
0x4f: {  	[spmem:s5] =	stream.linear.scatter [tilespmem:s30], [sflag:$0x6], $0x2000, $0x38;
	[tilespmem:$0x1EE80] =	vst v63  }
0x50: {  	_ =	swait.ge [sflag:s31], $0x2000  }
0x51: {  	[sflag:s31] =	ssyncset.done $0x0  }
0x52: {  	s6 =	rddreg [dreg:$0xa];
	[sflag:s31] =	ssyncadd.s32 $0xFFFFE000  }
0x53: {  	[spmem:s6] =	stream.linear.scatter [tilespmem:s30], [sflag:$0x6], $0x2000, $0x38;
	[tilespmem:$0x1EE80] =	vst v63  }
0x54: {  	_ =	swait.ge [sflag:s31], $0x2000  }
0x55: {  	[sflag:s31] =	ssyncset.done $0x0  }
0x56: {  	s12 =	rddreg [dreg:$0xb];
	[sflag:s31] =	ssyncadd.s32 $0xFFFFE000  }
0x57: {  	[spmem:s12] =	stream.linear.scatter [tilespmem:s30], [sflag:$0x6], $0x2000, $0x38;
	[tilespmem:$0x1EE80] =	vst v63  }
0x58: {  	_ =	swait.ge [sflag:s31], $0x2000  }
0x59: {  	[sflag:s31] =	ssyncset.done $0x0  }
0x5a: {  	s13 =	rddreg [dreg:$0xc];
	[sflag:s31] =	ssyncadd.s32 $0xFFFFE000  }
0x5b: {  	[spmem:s13] =	stream.linear.scatter [tilespmem:s30], [sflag:$0x6], $0x2000, $0x38;
	[tilespmem:$0x1EE80] =	vst v63  }
0x5c: {  	_ =	swait.ge [sflag:s31], $0x2000  }
0x5d: {  	[sflag:s31] =	ssyncset.done $0x0  }
0x5e: {  	s14 =	rddreg [dreg:$0xe];
	[sflag:s31] =	ssyncadd.s32 $0xFFFFE000  }
0x5f: {  	[spmem:s14] =	stream.linear.scatter [tilespmem:s30], [sflag:$0x6], $0x2000, $0x38;
	[tilespmem:$0x1EE80] =	vst v63  }
0x60: {  	_ =	swait.ge [sflag:s31], $0x2000  }
0x61: {  	[sflag:s31] =	ssyncset.done $0x0  }
0x62: {  	s17 =	rddreg [dreg:$0x11];
	[sflag:s31] =	ssyncadd.s32 $0xFFFFE000  }
0x63: {  	[spmem:s17] =	stream.linear.scatter [tilespmem:s30], [sflag:$0x6], $0x1C00, $0x38;
	[tilespmem:$0x1EE80] =	vst v63  }
0x64: {  	_ =	swait.ge [sflag:s31], $0x1C00  }
0x65: {  	[sflag:s31] =	ssyncset.done $0x0  }
0x66: {  	[sflag:s31] =	ssyncadd.s32 $0xFFFFE400  }
0x67: {  	[bflag:$0x0] =	sbarrier.arrive $0xFFFF  }
0x68: {  	s24 =	simm.s32 $0x0;
	s2 =	simm.s32 $0x4000;
	s18 =	rddreg [dreg:$0x12]  }
0x69: {  	[tilespmem:s2], [sflag:$0x1] =	stream.linear.gather [hbm4b:s18+s24], $0x40, $0x38;
	[tilespmem:$0x1EE80] =	vst v63  }
0x6a: {  	s5 =	simm.s32 $0x4080;
	s19 =	rddreg [dreg:$0x17]  }
0x6b: {  	[tilespmem:s5], [sflag:$0x1] =	stream.linear.gather [hbm4b:s19+s24], $0x40, $0x38;
	[tilespmem:$0x1EE80] =	vst v63  }
0x6c: {  	s6 =	simm.s32 $0x8100;
	s22 =	rddreg [dreg:$0x18]  }
0x6d: {  	[tilespmem:s6], [sflag:$0x3] =	stream.linear.gather [hbm4b:s22+s24], $0x40, $0x38;
	[tilespmem:$0x1EE80] =	vst v63  }
0x6e: {  	s25 =	simm.s32 $0x8180;
	s26 =	simm.s32 $0x1;
	s23 =	rddreg [dreg:$0x19]  }
0x6f: {  	[tilespmem:s25], [sflag:$0x3] =	stream.linear.gather [hbm4b:s23+s24], $0x40, $0x38;
	[tilespmem:$0x1EE80] =	vst v63  }
0x70: {  	_ =	swait.ge [sflag:s26], $0x40  }
0x71: {  	[sflag:s26] =	ssyncset.done $0x0  }
0x72: {  	[sflag:s26] =	ssyncadd.s32 $0xFFFFFFC0  }
0x73: {  	_ =	swait.ge [sflag:s26], $0x40  }
0x74: {  	[sflag:s26] =	ssyncset.done $0x0  }
0x75: {  	[sflag:s26] =	ssyncadd.s32 $0xFFFFFFC0  }
0x76: {  	[tilespmem:s24], [sflag:$0x2] =	stream.indirect.gather [hbm4b:s1+s7], $0x80, s5, s7, $0xb8;
	[tilespmem:$0x1EE80] =	vst v63  }
0x77: {  	s28 =	simm.s32 $0x2000  }
0x78: {  	[tilespmem:s28], [sflag:$0x2] =	stream.indirect.gather [hbm4b:s1+s7], $0x80, s2, s7, $0xb8;
	[tilespmem:$0x1EE80] =	vst v63  }
0x79: {  	s25 =	simm.s32 $0x0;
	s29 =	rddreg [dreg:$0xf]  }
0x7a: {  	[tilespmem:s8], [sflag:$0x5] =	stream.linear.gather [hbm4b:s29+s24], $0x1000, $0x38;
	[tilespmem:$0x1EE80] =	vst v63  }
.LBB2_4:
0x7b: {  	_ =	swait.ge [sflag:s9], $0x2000  }
0x7c: {  	[sflag:s9] =	ssyncset.done $0x0  }
0x7d: {  	[sflag:s9] =	ssyncadd.s32 $0xFFFFE000  }
0x7e: {  	s26 =	sshll.u32 s25, $0x1;
	_ =	swait.ge [sflag:s9], $0x2000  }
0x7f: {  	p1 =	seq.s32 s25, $0x4D;
	s28 =	sadd.s32 s20, s26;
	[sflag:s9] =	ssyncset.done $0x0  }
0x80: {  	s0 =	sshll.u32 @!p1 s28, $0x4;
	[sflag:s9] =	ssyncadd.s32 $0xFFFFE000  }
0x81: {  	s0 =	sand.u32 @!p1 $0x1FFFFFF0, s0;
	_ =	swait.ge [sflag:s10], $0x1000  }
0x82: {  	s5 =	simm.s32 @!p1 $0x0;
	s0 =	sadd.s32 @!p1 s3, s0;
	[sflag:s10] =	ssyncset.done $0x0  }
0x83: {  	s6 =	simm.s32 @!p1 $0x4000;
	s2 =	sadd.s32 @!p1 $0x20, s0;
	[sflag:s10] =	ssyncadd.s32 $0xFFFFF000  }
0x84: {  	[tilespmem:s6], [sflag:$0x1] =	stream.linear.gather @!p1 [hbm4b:s2+s5], $0x40, $0x38;
	[tilespmem:$0x1EE80] =	vst v63  }
0x85: {  	s0 =	sadd.s32 @!p1 $0x30, s0;
	s2 =	simm.s32 @!p1 $0x4080  }
0x86: {  	[tilespmem:s2], [sflag:$0x1] =	stream.linear.gather @!p1 [hbm4b:s0+s5], $0x40, $0x38;
	[tilespmem:$0x1EE80] =	vst v63  }
0x87: {  	_ =	swait.ge [sflag:s11], $0x40  }
0x88: {  	[sflag:s11] =	ssyncset.done $0x0  }
0x89: {  	[sflag:s11] =	ssyncadd.s32 $0xFFFFFFC0  }
0x8a: {  	_ =	swait.ge [sflag:s11], $0x40  }
0x8b: {  	[sflag:s11] =	ssyncset.done $0x0  }
0x8c: {  	s2 =	simm.s32 $0x8180;
	s5 =	simm.s32 $0x4100;
	[sflag:s11] =	ssyncadd.s32 $0xFFFFFFC0  }
0x8d: {  	[tilespmem:s5], [sflag:$0x4] =	stream.indirect.gather [hbm4b:s1+s7], $0x80, s2, s7, $0xb8;
	[tilespmem:$0x1EE80] =	vst v63  }
0x8e: {  	s12 =	simm.s32 $0x6100;
	s6 =	simm.s32 $0x8100  }
0x8f: {  	[tilespmem:s12], [sflag:$0x4] =	stream.indirect.gather [hbm4b:s1+s7], $0x80, s6, s7, $0xb8;
	[tilespmem:$0x1EE80] =	vst v63  }
0x90: {  	v1 =	vld [tilespmem:$0x4080]  }
0x91: {  	v2 =	vld [tilespmem:$0x4090]  }
0x92: {  	v3 =	vld [tilespmem:$0x40A0]  }
0x93: {  	v4 =	vld [tilespmem:$0x40B0];
	_ =	sdelay $0x1  }
0x94: {  	[tilespmem:$0xB200] =	vst v1  }
0x95: {  	[tilespmem:$0xB210] =	vst v2  }
0x96: {  	s13 =	simm.s32 $0x1000;
	[tilespmem:$0xB220] =	vst v3  }
0x97: {  	s29 =	simm.s32 $0x0;
	s0 =	sand.u32 $0x3000, s13;
	[tilespmem:$0xB230] =	vst v4  }
0x98: {  	s14 =	sand.u32 $0x380, s24;
	s0 =	sshrl.u32 s0, $0x2;
	v1 =	vld [tilespmem:s29+$0x100]  }
0x99: {  	s17 =	sor.u32 s14, s0;
	v2 =	vld [tilespmem:s29+$0x2140]  }
0x9a: {  	v3 =	vld [tilespmem:s17+$0x8200]  }
0x9b: {  	s18 =	sand.u32 $0x2000, s24;
	v4 =	vld [tilespmem:s29+$0x0]  }
0x9c: {  	s0 =	sshrl.u32 s18, $0x2;
	v7 =	vld [tilespmem:s29+$0x2040]  }
0x9d: {  	s19 =	sor.u32 s14, s0;
	s12 =	simm.s32 $0x600;
	v9 =	vld [tilespmem:s29+$0x20C0]  }
0x9e: {  	s23 =	sand.u32 $0x800, s24;
	s22 =	sand.u32 $0xC00, s12;
	v14 =	vld [tilespmem:s19+$0x8200]  }
0x9f: {  	s5 =	sor.u32 s14, s23;
	s0 =	sor.u32 s14, s22;
	s14 =	simm.s32 $0x200;
	v19 =	vld [tilespmem:s29+$0x2050]  }
0xa0: {  	v29 =	vld [tilespmem:s14+$0x180];
	v5 =	vshll.u32 v1, $0x10  }
0xa1: {  	v27 =	vld [tilespmem:s14+$0x2050];
	v6 =	vshll.u32 v2, $0x10;
	v1 =	vand.u32 $0xFFFF0000, v1;
	v2 =	vand.u32 $0xFFFF0000, v2  }
0xa2: {  	v46 =	vld [tilespmem:s14+$0x130];
	v8 =	vshll.u32 v3, $0x10;
	v3 =	vand.u32 $0xFFFF0000, v3;
	v11 =	vshll.u32 v7, $0x10  }
0xa3: {  	v10 =	vld [tilespmem:s29+$0x2150];
	v7 =	vand.u32 $0xFFFF0000, v7;
	v12 =	vshll.u32 v9, $0x10;
	v5 =	vadd.f32 v6, v5  }
0xa4: {  	v9 =	vand.u32 $0xFFFF0000, v9;
	v18 =	vshll.u32 v14, $0x10;
	v6 =	vld [tilespmem:s29+$0x80];
	v1 =	vadd.f32 v2, v1  }
0xa5: {  	v20 =	vshll.u32 v19, $0x10;
	v19 =	vand.u32 $0xFFFF0000, v19;
	v2 =	vadd.f32 v8, v5;
	v5 =	vld [tilespmem:s29+$0x180]  }
0xa6: {  	v31 =	vshll.u32 v29, $0x10;
	v42 =	vshll.u32 v27, $0x10;
	v1 =	vadd.f32 v3, v1;
	v3 =	vld [tilespmem:s29+$0x110]  }
0xa7: {  	v27 =	vand.u32 $0xFFFF0000, v27;
	v53 =	vand.u32 $0xFFFF0000, v46;
	v8 =	vld [tilespmem:s29+$0x21C0];
	v2 =	vmax.f32 v2, $0.0e+00  }
0xa8: {  	v1 =	vmax.f32 v1, $0.0e+00;
	[tilespmem:s29+$0x9300] =	vst v2;
	v2 =	vshll.u32 v4, $0x10;
	v4 =	vand.u32 $0xFFFF0000, v4  }
0xa9: {  	[tilespmem:s29+$0x9310] =	vst v1;
	v1 =	vshll.u32 v6, $0x10;
	v6 =	vand.u32 $0xFFFF0000, v6;
	v2 =	vadd.f32 v11, v2  }
0xaa: {  	v13 =	vld [tilespmem:s17+$0x8210];
	v4 =	vadd.f32 v7, v4;
	v1 =	vadd.f32 v12, v1;
	v12 =	vshll.u32 v10, $0x10  }
0xab: {  	v6 =	vadd.f32 v9, v6;
	v10 =	vand.u32 $0xFFFF0000, v10;
	v15 =	vshll.u32 v5, $0x10  }
0xac: {  	v17 =	vld [tilespmem:s5+$0x8240];
	v5 =	vand.u32 $0xFFFF0000, v5;
	v16 =	vshll.u32 v8, $0x10;
	v11 =	vshll.u32 v3, $0x10  }
0xad: {  	v7 =	vld [tilespmem:s0+$0x8240];
	v8 =	vand.u32 $0xFFFF0000, v8;
	v3 =	vand.u32 $0xFFFF0000, v3;
	v9 =	vadd.f32 v12, v11  }
0xae: {  	v3 =	vadd.f32 v10, v3;
	v10 =	vand.u32 $0xFFFF0000, v14;
	v14 =	vld [tilespmem:s29+$0x90];
	v2 =	vadd.f32 v18, v2  }
0xaf: {  	v5 =	vadd.f32 v8, v5;
	v4 =	vadd.f32 v10, v4;
	v10 =	vld [tilespmem:s29+$0x2160];
	v12 =	vshll.u32 v13, $0x10  }
0xb0: {  	v28 =	vld [tilespmem:s14+$0x20C0];
	v2 =	vmax.f32 v2, $0.0e+00;
	v13 =	vand.u32 $0xFFFF0000, v13;
	v9 =	vadd.f32 v12, v9  }
0xb1: {  	v11 =	vld [tilespmem:s29+$0x10];
	v4 =	vmax.f32 v4, $0.0e+00;
	v12 =	vadd.f32 v16, v15;
	v3 =	vadd.f32 v13, v3  }
0xb2: {  	v13 =	vshll.u32 v7, $0x10;
	v15 =	vld [tilespmem:s29+$0x20D0];
	v16 =	vshll.u32 v17, $0x10;
	v7 =	vand.u32 $0xFFFF0000, v7  }
0xb3: {  	[tilespmem:s29+$0x9210] =	vst v4;
	v4 =	vld [tilespmem:s29+$0xA0];
	v1 =	vadd.f32 v16, v1;
	v5 =	vadd.f32 v7, v5;
	v8 =	vmax.f32 v9, $0.0e+00  }
0xb4: {  	v21 =	vshll.u32 v14, $0x10;
	v9 =	vld [tilespmem:s29+$0x120];
	v3 =	vmax.f32 v3, $0.0e+00;
	v18 =	vshll.u32 v10, $0x10;
	[tilespmem:s29+$0x9320] =	vst v8  }
0xb5: {  	v8 =	vand.u32 $0xFFFF0000, v17;
	[tilespmem:s29+$0x9330] =	vst v3;
	v3 =	vadd.f32 v13, v12;
	v1 =	vmax.f32 v1, $0.0e+00  }
0xb6: {  	v13 =	vshll.u32 v11, $0x10;
	v11 =	vand.u32 $0xFFFF0000, v11;
	v6 =	vadd.f32 v8, v6;
	v8 =	vld [tilespmem:s17+$0x8220]  }
0xb7: {  	[tilespmem:s29+$0x9200] =	vst v2;
	v2 =	vmax.f32 v5, $0.0e+00;
	v13 =	vadd.f32 v20, v13;
	v11 =	vadd.f32 v19, v11  }
0xb8: {  	v17 =	vld [tilespmem:s29+$0x190];
	[tilespmem:s29+$0x9390] =	vst v2;
	v20 =	vand.u32 $0xFFFF0000, v28;
	v3 =	vmax.f32 v3, $0.0e+00;
	v2 =	vand.u32 $0xFFFF0000, v15  }
0xb9: {  	v16 =	vld [tilespmem:s29+$0x21D0];
	[tilespmem:s29+$0x9280] =	vst v1;
	v22 =	vshll.u32 v4, $0x10;
	v6 =	vmax.f32 v6, $0.0e+00;
	v5 =	vshll.u32 v9, $0x10  }
0xba: {  	[tilespmem:s29+$0x9380] =	vst v3;
	v1 =	vand.u32 $0xFFFF0000, v9;
	v9 =	vand.u32 $0xFFFF0000, v10;
	v5 =	vadd.f32 v18, v5  }
0xbb: {  	v3 =	vshll.u32 v15, $0x10;
	[tilespmem:s29+$0x9290] =	vst v6;
	v18 =	vld [tilespmem:s19+$0x8210];
	v1 =	vadd.f32 v9, v1;
	v10 =	vshll.u32 v8, $0x10  }
0xbc: {  	v6 =	vand.u32 $0xFFFF0000, v14;
	v9 =	vld [tilespmem:s5+$0x8250];
	v8 =	vand.u32 $0xFFFF0000, v8;
	v5 =	vadd.f32 v10, v5  }
0xbd: {  	v3 =	vadd.f32 v3, v21;
	v14 =	vshll.u32 v17, $0x10;
	v1 =	vadd.f32 v8, v1  }
0xbe: {  	v15 =	vand.u32 $0xFFFF0000, v17;
	v17 =	vshll.u32 v16, $0x10;
	v10 =	vld [tilespmem:s0+$0x8250];
	v5 =	vmax.f32 v5, $0.0e+00  }
0xbf: {  	v21 =	vand.u32 $0xFFFF0000, v29;
	v14 =	vadd.f32 v17, v14;
	v8 =	vld [tilespmem:s29+$0x130];
	v1 =	vmax.f32 v1, $0.0e+00;
	[tilespmem:s29+$0x9340] =	vst v5  }
0xc0: {  	v5 =	vand.u32 $0xFFFF0000, v16;
	v19 =	vshll.u32 v18, $0x10;
	[tilespmem:s29+$0x9350] =	vst v1;
	v1 =	vadd.f32 v2, v6  }
0xc1: {  	v7 =	vld [tilespmem:s29+$0x2060];
	v2 =	vand.u32 $0xFFFF0000, v18;
	v5 =	vadd.f32 v5, v15;
	v15 =	vshll.u32 v9, $0x10  }
0xc2: {  	v16 =	vld [tilespmem:s29+$0x2170];
	v9 =	vand.u32 $0xFFFF0000, v9;
	v13 =	vadd.f32 v19, v13;
	v2 =	vadd.f32 v2, v11  }
0xc3: {  	v12 =	vld [tilespmem:s29+$0x20];
	v59 =	vshll.u32 v10, $0x10;
	v10 =	vand.u32 $0xFFFF0000, v10;
	v3 =	vadd.f32 v15, v3  }
0xc4: {  	v6 =	vld [tilespmem:s17+$0x8230];
	v15 =	vand.u32 $0xFFFF0000, v8;
	v1 =	vadd.f32 v9, v1;
	v8 =	vshll.u32 v8, $0x10  }
0xc5: {  	v17 =	vld [tilespmem:s29+$0x20E0];
	v14 =	vadd.f32 v59, v14;
	v5 =	vadd.f32 v10, v5;
	v2 =	vmax.f32 v2, $0.0e+00  }
0xc6: {  	v18 =	vld [tilespmem:s29+$0x1A0];
	v13 =	vmax.f32 v13, $0.0e+00;
	v3 =	vmax.f32 v3, $0.0e+00;
	[tilespmem:s29+$0x9230] =	vst v2;
	v1 =	vmax.f32 v1, $0.0e+00  }
0xc7: {  	v11 =	vld [tilespmem:s29+$0x21E0];
	v60 =	vand.u32 $0xFFFF0000, v16;
	v2 =	vmax.f32 v14, $0.0e+00;
	v5 =	vmax.f32 v5, $0.0e+00;
	[tilespmem:s29+$0x92A0] =	vst v3  }
0xc8: {  	v23 =	vld [tilespmem:s29+$0x21F0];
	v14 =	vshll.u32 v12, $0x10;
	v12 =	vand.u32 $0xFFFF0000, v12;
	[tilespmem:s29+$0x92B0] =	vst v1;
	v15 =	vadd.f32 v60, v15  }
0xc9: {  	[tilespmem:s29+$0x9220] =	vst v13;
	v3 =	vshll.u32 v7, $0x10;
	v7 =	vand.u32 $0xFFFF0000, v7;
	v61 =	vand.u32 $0xFFFF0000, v6;
	v24 =	vld [tilespmem:s5+$0x8260]  }
0xca: {  	v1 =	vand.u32 $0xFFFF0000, v4;
	v4 =	vshll.u32 v17, $0x10;
	v13 =	vadd.f32 v61, v15;
	v15 =	vld [tilespmem:s19+$0x8220]  }
0xcb: {  	v17 =	vand.u32 $0xFFFF0000, v17;
	[tilespmem:s29+$0x93A0] =	vst v2;
	v2 =	vshll.u32 v18, $0x10;
	v18 =	vand.u32 $0xFFFF0000, v18  }
0xcc: {  	v25 =	vshll.u32 v11, $0x10;
	v3 =	vadd.f32 v3, v14;
	v7 =	vadd.f32 v7, v12  }
0xcd: {  	v19 =	vld [tilespmem:s29+$0x30];
	[tilespmem:s29+$0x93B0] =	vst v5;
	v5 =	vand.u32 $0xFFFF0000, v11;
	v4 =	vadd.f32 v4, v22;
	v1 =	vadd.f32 v17, v1  }
0xce: {  	v6 =	vshll.u32 v6, $0x10;
	v12 =	vld [tilespmem:s0+$0x8260];
	v5 =	vadd.f32 v5, v18;
	v17 =	vand.u32 $0xFFFF0000, v24  }
0xcf: {  	v62 =	vld [tilespmem:s29+$0xB0];
	v1 =	vadd.f32 v17, v1;
	v17 =	vshll.u32 v23, $0x10;
	v11 =	vshll.u32 v15, $0x10  }
0xd0: {  	v10 =	vld [tilespmem:s29+$0x20F0];
	v14 =	vand.u32 $0xFFFF0000, v15;
	v15 =	vadd.f32 v25, v2;
	v3 =	vadd.f32 v11, v3  }
0xd1: {  	v2 =	vmax.f32 v13, $0.0e+00;
	v7 =	vadd.f32 v14, v7;
	v14 =	vshll.u32 v24, $0x10  }
0xd2: {  	v9 =	vld [tilespmem:s29+$0x2070];
	v13 =	vand.u32 $0xFFFF0000, v19;
	v4 =	vadd.f32 v14, v4;
	v3 =	vmax.f32 v3, $0.0e+00  }
0xd3: {  	v1 =	vmax.f32 v1, $0.0e+00;
	[tilespmem:s29+$0x9240] =	vst v3;
	v3 =	vmax.f32 v7, $0.0e+00;
	v7 =	vshll.u32 v12, $0x10  }
0xd4: {  	v63 =	vld [tilespmem:s29+$0x1B0];
	v12 =	vand.u32 $0xFFFF0000, v12;
	[tilespmem:s29+$0x9250] =	vst v3;
	v3 =	vmax.f32 v4, $0.0e+00;
	v4 =	vadd.f32 v7, v15  }
0xd5: {  	[tilespmem:s29+$0x92D0] =	vst v1;
	v1 =	vshll.u32 v62, $0x10;
	v14 =	vshll.u32 v10, $0x10;
	v5 =	vadd.f32 v12, v5  }
0xd6: {  	v11 =	vshll.u32 v19, $0x10;
	v1 =	vadd.f32 v14, v1;
	v14 =	vld [tilespmem:s14+$0x2140];
	[tilespmem:s29+$0x92C0] =	vst v3;
	v4 =	vmax.f32 v4, $0.0e+00  }
0xd7: {  	v7 =	vshll.u32 v9, $0x10;
	v3 =	vand.u32 $0xFFFF0000, v9;
	v9 =	vld [tilespmem:s19+$0x8230];
	v5 =	vmax.f32 v5, $0.0e+00;
	[tilespmem:s29+$0x93C0] =	vst v4  }
0xd8: {  	v19 =	vand.u32 $0xFFFF0000, v23;
	v15 =	vshll.u32 v16, $0x10;
	v4 =	vand.u32 $0xFFFF0000, v10;
	v10 =	vld [tilespmem:s5+$0x8270];
	[tilespmem:s29+$0x93D0] =	vst v5  }
0xd9: {  	v16 =	vand.u32 $0xFFFF0000, v63;
	v7 =	vadd.f32 v7, v11;
	v8 =	vadd.f32 v15, v8;
	v18 =	vld [tilespmem:s0+$0x8270]  }
0xda: {  	s23 =	simm.s32 $0x800;
	s12 =	simm.s32 $0x3000;
	v12 =	vand.u32 $0xFFFF0000, v62;
	v11 =	vld [tilespmem:s14+$0x100];
	s19 =	simm.s32 $0x40;
	v16 =	vadd.f32 v19, v16;
	v3 =	vadd.f32 v3, v13  }
0xdb: {  	s13 =	sand.u32 $0x380, s19;
	v5 =	vshll.u32 v63, $0x10;
	v6 =	vadd.f32 v6, v8;
	s0 =	sand.u32 $0x3000, s12;
	v4 =	vadd.f32 v4, v12;
	s12 =	sand.u32 $0x800, s23  }
0xdc: {  	v12 =	vadd.f32 v17, v5;
	s0 =	sshrl.u32 s0, $0x2;
	s5 =	sor.u32 s13, s12;
	v13 =	vshll.u32 v9, $0x10;
	v9 =	vand.u32 $0xFFFF0000, v9  }
0xdd: {  	s17 =	sor.u32 s13, s0;
	v33 =	vld [tilespmem:s5+$0x8240];
	v7 =	vadd.f32 v13, v7;
	v3 =	vadd.f32 v9, v3;
	v5 =	vshll.u32 v10, $0x10  }
0xde: {  	v15 =	vld [tilespmem:s17+$0x8200];
	v10 =	vand.u32 $0xFFFF0000, v10;
	v8 =	vshll.u32 v18, $0x10;
	v17 =	vand.u32 $0xFFFF0000, v18  }
0xdf: {  	v9 =	vadd.f32 v5, v1;
	v1 =	vshll.u32 v11, $0x10;
	v5 =	vshll.u32 v14, $0x10  }
0xe0: {  	v13 =	vld [tilespmem:s14+$0x2040];
	v10 =	vadd.f32 v10, v4;
	v4 =	vmax.f32 v6, $0.0e+00;
	v6 =	vand.u32 $0xFFFF0000, v11  }
0xe1: {  	v18 =	vld [tilespmem:s14+$0x0];
	v11 =	vand.u32 $0xFFFF0000, v14;
	v1 =	vadd.f32 v5, v1;
	v12 =	vadd.f32 v8, v12  }
0xe2: {  	v19 =	vld [tilespmem:s14+$0x80];
	v5 =	vmax.f32 v7, $0.0e+00;
	v6 =	vadd.f32 v11, v6;
	v7 =	vmax.f32 v3, $0.0e+00  }
0xe3: {  	v25 =	vand.u32 $0xFFFF0000, v33;
	v14 =	vshll.u32 v15, $0x10;
	v3 =	vmax.f32 v12, $0.0e+00;
	v12 =	vld [tilespmem:s14+$0x2150]  }
0xe4: {  	s18 =	simm.s32 $0x2000;
	v8 =	vand.u32 $0xFFFF0000, v15;
	v11 =	vadd.f32 v14, v1;
	v1 =	vadd.f32 v17, v16;
	v14 =	vld [tilespmem:s14+$0x21C0]  }
0xe5: {  	s0 =	sand.u32 $0x2000, s18;
	v15 =	vadd.f32 v8, v6;
	v16 =	vld [tilespmem:s14+$0x110];
	v8 =	vmax.f32 v9, $0.0e+00;
	v6 =	vmax.f32 v10, $0.0e+00  }
0xe6: {  	s0 =	sshrl.u32 s0, $0x2;
	v17 =	vshll.u32 v13, $0x10;
	v13 =	vand.u32 $0xFFFF0000, v13;
	v9 =	vshll.u32 v18, $0x10  }
0xe7: {  	s0 =	sor.u32 s13, s0;
	v10 =	vand.u32 $0xFFFF0000, v18;
	v18 =	vshll.u32 v19, $0x10;
	v11 =	vmax.f32 v11, $0.0e+00  }
0xe8: {  	v9 =	vadd.f32 v17, v9;
	v10 =	vadd.f32 v13, v10;
	[tilespmem:s14+$0x9300] =	vst v11;
	v11 =	vmax.f32 v15, $0.0e+00;
	v15 =	vld [tilespmem:s0+$0x8200]  }
0xe9: {  	s22 =	simm.s32 $0xE00;
	v35 =	vld [tilespmem:s14+$0x90];
	[tilespmem:s14+$0x9310] =	vst v11;
	v11 =	vand.u32 $0xFFFF0000, v19;
	v19 =	vshll.u32 v28, $0x10;
	v32 =	vshll.u32 v14, $0x10  }
0xea: {  	s2 =	sand.u32 $0xC00, s22;
	v30 =	vld [tilespmem:s17+$0x8210];
	v17 =	vadd.f32 v19, v18;
	v18 =	vshll.u32 v16, $0x10;
	v19 =	vshll.u32 v12, $0x10  }
0xeb: {  	v38 =	vld [tilespmem:s14+$0x120];
	s2 =	sor.u32 s13, s2;
	v11 =	vadd.f32 v20, v11;
	v16 =	vand.u32 $0xFFFF0000, v16;
	v12 =	vand.u32 $0xFFFF0000, v12  }
0xec: {  	v13 =	vand.u32 $0xFFFF0000, v14;
	v14 =	vld [tilespmem:s2+$0x8240];
	v18 =	vadd.f32 v19, v18;
	v12 =	vadd.f32 v12, v16  }
0xed: {  	v41 =	vld [tilespmem:s14+$0x190];
	v11 =	vadd.f32 v25, v11;
	v26 =	vshll.u32 v15, $0x10;
	v15 =	vand.u32 $0xFFFF0000, v15  }
0xee: {  	v44 =	vld [tilespmem:s14+$0x21D0];
	v39 =	vshll.u32 v33, $0x10;
	v9 =	vadd.f32 v26, v9;
	v10 =	vadd.f32 v15, v10  }
0xef: {  	v52 =	vld [tilespmem:s14+$0x1A0];
	[tilespmem:s29+$0x9370] =	vst v2;
	v15 =	vadd.f32 v39, v17;
	v11 =	vmax.f32 v11, $0.0e+00;
	v34 =	vshll.u32 v30, $0x10  }
0xf0: {  	v58 =	vld [tilespmem:s14+$0x20F0];
	[tilespmem:s14+$0x9290] =	vst v11;
	v16 =	vadd.f32 v34, v18;
	v18 =	vadd.f32 v32, v31;
	v9 =	vmax.f32 v9, $0.0e+00  }
0xf1: {  	v19 =	vld [tilespmem:s14+$0x10];
	v36 =	vand.u32 $0xFFFF0000, v30;
	v37 =	vshll.u32 v14, $0x10;
	v10 =	vmax.f32 v10, $0.0e+00;
	[tilespmem:s14+$0x9200] =	vst v9  }
0xf2: {  	v12 =	vadd.f32 v36, v12;
	v9 =	vmax.f32 v15, $0.0e+00;
	[tilespmem:s14+$0x9210] =	vst v10;
	v17 =	vadd.f32 v37, v18;
	v18 =	vld [tilespmem:s14+$0x2060]  }
0xf3: {  	v29 =	vshll.u32 v44, $0x10;
	v13 =	vadd.f32 v13, v21;
	v16 =	vmax.f32 v16, $0.0e+00;
	[tilespmem:s14+$0x9280] =	vst v9;
	v11 =	vld [tilespmem:s0+$0x8210]  }
0xf4: {  	v22 =	vand.u32 $0xFFFF0000, v41;
	v14 =	vand.u32 $0xFFFF0000, v14;
	v12 =	vmax.f32 v12, $0.0e+00;
	[tilespmem:s14+$0x9320] =	vst v16;
	v16 =	vld [tilespmem:s14+$0x2160]  }
0xf5: {  	v2 =	vand.u32 $0xFFFF0000, v52;
	v63 =	vshll.u32 v58, $0x10;
	[tilespmem:s14+$0x9330] =	vst v12;
	v12 =	vadd.f32 v14, v13;
	v14 =	vld [tilespmem:s14+$0x20D0]  }
0xf6: {  	v28 =	vshll.u32 v35, $0x10;
	v20 =	vand.u32 $0xFFFF0000, v35;
	v21 =	vand.u32 $0xFFFF0000, v38;
	v45 =	vld [tilespmem:s5+$0x8250]  }
0xf7: {  	v26 =	vand.u32 $0xFFFF0000, v44;
	v10 =	vshll.u32 v19, $0x10;
	v9 =	vshll.u32 v38, $0x10;
	v13 =	vld [tilespmem:s17+$0x8220]  }
0xf8: {  	v15 =	vmax.f32 v17, $0.0e+00;
	v17 =	vand.u32 $0xFFFF0000, v19;
	v12 =	vmax.f32 v12, $0.0e+00  }
0xf9: {  	v47 =	vshll.u32 v11, $0x10;
	v11 =	vand.u32 $0xFFFF0000, v11;
	v60 =	vshll.u32 v18, $0x10  }
0xfa: {  	v18 =	vand.u32 $0xFFFF0000, v18;
	v43 =	vshll.u32 v16, $0x10;
	v16 =	vand.u32 $0xFFFF0000, v16  }
0xfb: {  	[tilespmem:s14+$0x9390] =	vst v12;
	v12 =	vshll.u32 v14, $0x10;
	v14 =	vand.u32 $0xFFFF0000, v14;
	v9 =	vadd.f32 v43, v9  }
0xfc: {  	[tilespmem:s14+$0x9380] =	vst v15;
	v50 =	vshll.u32 v45, $0x10;
	v15 =	vshll.u32 v13, $0x10;
	v16 =	vadd.f32 v16, v21  }
0xfd: {  	v13 =	vand.u32 $0xFFFF0000, v13;
	v12 =	vadd.f32 v12, v28;
	v9 =	vadd.f32 v15, v9  }
0xfe: {  	v25 =	vand.u32 $0xFFFF0000, v45;
	v14 =	vadd.f32 v14, v20;
	v15 =	vld [tilespmem:s2+$0x8250];
	v13 =	vadd.f32 v13, v16  }
0xff: {  	v40 =	vld [tilespmem:s14+$0x20];
	v16 =	vshll.u32 v41, $0x10;
	v12 =	vadd.f32 v50, v12;
	v9 =	vmax.f32 v9, $0.0e+00  }
0x100: {  	v13 =	vmax.f32 v13, $0.0e+00;
	[tilespmem:s14+$0x9340] =	vst v9;
	v9 =	vadd.f32 v42, v10;
	v10 =	vadd.f32 v27, v17;
	v17 =	vld [tilespmem:s14+$0x2170]  }
0x101: {  	v49 =	vld [tilespmem:s14+$0x20E0];
	v14 =	vadd.f32 v25, v14;
	v12 =	vmax.f32 v12, $0.0e+00;
	[tilespmem:s14+$0x9350] =	vst v13;
	v13 =	vadd.f32 v29, v16  }
0x102: {  	v16 =	vadd.f32 v26, v22;
	v26 =	vand.u32 $0xFFFF0000, v58;
	v48 =	vld [tilespmem:s17+$0x8230];
	v9 =	vadd.f32 v47, v9  }
0x103: {  	v19 =	vld [tilespmem:s14+$0xA0];
	v51 =	vshll.u32 v15, $0x10;
	v10 =	vadd.f32 v11, v10;
	v11 =	vand.u32 $0xFFFF0000, v15  }
0x104: {  	[tilespmem:s29+$0x9360] =	vst v4;
	v13 =	vadd.f32 v51, v13;
	v11 =	vadd.f32 v11, v16;
	v9 =	vmax.f32 v9, $0.0e+00  }
0x105: {  	v15 =	vld [tilespmem:s14+$0x21E0];
	v10 =	vmax.f32 v10, $0.0e+00;
	v54 =	vand.u32 $0xFFFF0000, v17;
	[tilespmem:s14+$0x9220] =	vst v9;
	v9 =	vmax.f32 v14, $0.0e+00  }
0x106: {  	v55 =	vld [tilespmem:s14+$0x30];
	v13 =	vmax.f32 v13, $0.0e+00;
	v11 =	vmax.f32 v11, $0.0e+00;
	[tilespmem:s14+$0x9230] =	vst v10;
	v10 =	vshll.u32 v40, $0x10  }
0x107: {  	[tilespmem:s14+$0x92A0] =	vst v12;
	v14 =	vand.u32 $0xFFFF0000, v40;
	v23 =	vadd.f32 v54, v53;
	v57 =	vand.u32 $0xFFFF0000, v48;
	v12 =	vld [tilespmem:s0+$0x8220]  }
0x108: {  	v16 =	vld [tilespmem:s14+$0xB0];
	[tilespmem:s14+$0x92B0] =	vst v9;
	v9 =	vshll.u32 v19, $0x10;
	v14 =	vadd.f32 v18, v14;
	v18 =	vshll.u32 v49, $0x10  }
0x109: {  	[tilespmem:s14+$0x93A0] =	vst v13;
	v13 =	vand.u32 $0xFFFF0000, v19;
	v19 =	vand.u32 $0xFFFF0000, v49;
	v9 =	vadd.f32 v18, v9;
	v18 =	vld [tilespmem:s5+$0x8260]  }
0x10a: {  	[tilespmem:s14+$0x93B0] =	vst v11;
	v11 =	vshll.u32 v52, $0x10;
	v13 =	vadd.f32 v19, v13;
	v19 =	vshll.u32 v15, $0x10  }
0x10b: {  	[tilespmem:s29+$0x9260] =	vst v5;
	v10 =	vadd.f32 v60, v10;
	v15 =	vand.u32 $0xFFFF0000, v15;
	v11 =	vadd.f32 v19, v11;
	v19 =	vld [tilespmem:s2+$0x8260]  }
0x10c: {  	[tilespmem:s29+$0x9270] =	vst v7;
	v23 =	vadd.f32 v57, v23;
	v2 =	vadd.f32 v15, v2;
	v4 =	vshll.u32 v12, $0x10  }
0x10d: {  	[tilespmem:s29+$0x93E0] =	vst v3;
	v15 =	vand.u32 $0xFFFF0000, v55;
	v12 =	vand.u32 $0xFFFF0000, v12;
	v4 =	vadd.f32 v4, v10  }
0x10e: {  	v56 =	vld [tilespmem:s14+$0x2070];
	[tilespmem:s29+$0x92E0] =	vst v8;
	v62 =	vand.u32 $0xFFFF0000, v16;
	v5 =	vadd.f32 v12, v14;
	v7 =	vshll.u32 v18, $0x10  }
0x10f: {  	v59 =	vld [tilespmem:s14+$0x1B0];
	[tilespmem:s29+$0x92F0] =	vst v6;
	v10 =	vand.u32 $0xFFFF0000, v18;
	v7 =	vadd.f32 v7, v9;
	v4 =	vmax.f32 v4, $0.0e+00  }
0x110: {  	v61 =	vld [tilespmem:s14+$0x21F0];
	v8 =	vadd.f32 v10, v13;
	v6 =	vshll.u32 v19, $0x10;
	v5 =	vmax.f32 v5, $0.0e+00;
	[tilespmem:s14+$0x9240] =	vst v4  }
0x111: {  	v9 =	vand.u32 $0xFFFF0000, v19;
	v6 =	vadd.f32 v6, v11;
	v4 =	vmax.f32 v7, $0.0e+00;
	[tilespmem:s14+$0x9250] =	vst v5  }
0x112: {  	v23 =	vmax.f32 v23, $0.0e+00;
	v2 =	vadd.f32 v9, v2;
	v7 =	vmax.f32 v8, $0.0e+00;
	[tilespmem:s14+$0x92C0] =	vst v4  }
0x113: {  	v12 =	vshll.u32 v55, $0x10;
	v18 =	vand.u32 $0xFFFF0000, v56;
	v3 =	vld [tilespmem:s0+$0x8230];
	v6 =	vmax.f32 v6, $0.0e+00;
	[tilespmem:s14+$0x92D0] =	vst v7  }
0x114: {  	v14 =	vshll.u32 v59, $0x10;
	v19 =	vshll.u32 v16, $0x10;
	v2 =	vmax.f32 v2, $0.0e+00;
	[tilespmem:s14+$0x93C0] =	vst v6  }
0x115: {  	v13 =	vshll.u32 v17, $0x10;
	v16 =	vshll.u32 v61, $0x10;
	v5 =	vshll.u32 v56, $0x10;
	v7 =	vld [tilespmem:s5+$0x8270];
	[tilespmem:s14+$0x93D0] =	vst v2  }
0x116: {  	v10 =	vand.u32 $0xFFFF0000, v61;
	v11 =	vshll.u32 v46, $0x10;
	v9 =	vadd.f32 v5, v12;
	v4 =	vld [tilespmem:s2+$0x8270]  }
0x117: {  	v8 =	vand.u32 $0xFFFF0000, v59;
	v5 =	vadd.f32 v63, v19;
	v6 =	vadd.f32 v18, v15  }
0x118: {  	s6 =	simm.s32 $0x4000;
	[tilespmem:s14+$0x9370] =	vst v23;
	s0 =	simm.s32 $0x4;
	v15 =	vshll.u32 v48, $0x10;
	v2 =	vadd.f32 v26, v62;
	s2 =	simm.s32 $0x1000;
	v12 =	vshll.u32 v3, $0x10  }
.LBB2_5:
0x119: {  	s13 =	sshra.s32 s2, $0x2;
	s5 =	sadd.s32 $0x1000, s6;
	s18 =	sadd.s32 $0x600, s2;
	v3 =	vand.u32 $0xFFFF0000, v3;
	v11 =	vadd.f32 v13, v11;
	v13 =	vadd.f32 v16, v14  }
0x11a: {  	s12 =	sand.u32 $0x2000, s6;
	v16 =	vshll.u32 v7, $0x10;
	v7 =	vand.u32 $0xFFFF0000, v7;
	v8 =	vadd.f32 v10, v8;
	s19 =	sadd.s32 $0x40, s19;
	s5 =	sand.u32 $0x3000, s5;
	v14 =	vld [tilespmem:s13+$0x100]  }
0x11b: {  	s23 =	sand.u32 $0x380, s19;
	s17 =	sshrl.u32 s12, $0x2;
	v10 =	vld [tilespmem:s13+$0x2140];
	s5 =	sshrl.u32 s5, $0x2;
	v11 =	vadd.f32 v15, v11;
	v15 =	vshll.u32 v4, $0x10;
	v4 =	vand.u32 $0xFFFF0000, v4  }
0x11c: {  	s0 =	sadd.s32 $0x4, s0;
	v9 =	vadd.f32 v12, v9;
	v1 =	vmax.f32 v1, $0.0e+00;
	s22 =	sand.u32 $0xC00, s18;
	v3 =	vadd.f32 v3, v6;
	v17 =	vld [tilespmem:s13+$0x0];
	s12 =	sor.u32 s23, s5  }
0x11d: {  	p2 =	slt.u32 s0, $0x3C;
	v5 =	vadd.f32 v16, v5;
	v2 =	vadd.f32 v7, v2;
	s5 =	sor.u32 s23, s17;
	s17 =	sand.u32 $0x800, s2;
	v6 =	vld [tilespmem:s12+$0x8200];
	v7 =	vmax.f32 v11, $0.0e+00;
	[tilespmem:s29+$0x93F0] =	vst v1  }
0x11e: {  	v9 =	vmax.f32 v9, $0.0e+00;
	s18 =	sor.u32 s23, s17;
	s23 =	sor.u32 s23, s22;
	v1 =	vadd.f32 v4, v8;
	s29 =	smov.u32 s14;
	v11 =	vld [tilespmem:s13+$0x2040];
	[tilespmem:s14+$0x9360] =	vst v7;
	v7 =	vadd.f32 v15, v13  }
0x11f: {  	v3 =	vmax.f32 v3, $0.0e+00;
	v5 =	vmax.f32 v5, $0.0e+00;
	v2 =	vmax.f32 v2, $0.0e+00;
	s14 =	smov.u32 s13;
	v4 =	vld [tilespmem:s13+$0x80];
	[tilespmem:s29+$0x9260] =	vst v9  }
0x120: {  	v9 =	vshll.u32 v14, $0x10;
	v8 =	vld [tilespmem:s14+$0x20C0];
	v12 =	vshll.u32 v10, $0x10;
	[tilespmem:s29+$0x9270] =	vst v3;
	v3 =	vmax.f32 v7, $0.0e+00  }
0x121: {  	v7 =	vand.u32 $0xFFFF0000, v14;
	v10 =	vand.u32 $0xFFFF0000, v10;
	v9 =	vadd.f32 v12, v9;
	v12 =	vld [tilespmem:s14+$0x180];
	[tilespmem:s29+$0x92E0] =	vst v5  }
0x122: {  	v5 =	vshll.u32 v17, $0x10;
	v7 =	vadd.f32 v10, v7;
	v13 =	vshll.u32 v6, $0x10;
	v10 =	vld [tilespmem:s14+$0x21C0];
	[tilespmem:s29+$0x92F0] =	vst v2  }
0x123: {  	v2 =	vand.u32 $0xFFFF0000, v17;
	v6 =	vand.u32 $0xFFFF0000, v6;
	v14 =	vld [tilespmem:s5+$0x8200];
	v9 =	vadd.f32 v13, v9;
	[tilespmem:s29+$0x93E0] =	vst v3  }
0x124: {  	v3 =	vshll.u32 v11, $0x10;
	v11 =	vand.u32 $0xFFFF0000, v11;
	v6 =	vadd.f32 v6, v7;
	v7 =	vld [tilespmem:s23+$0x8240]  }
0x125: {  	v13 =	vshll.u32 v4, $0x10;
	v4 =	vand.u32 $0xFFFF0000, v4;
	v9 =	vmax.f32 v9, $0.0e+00;
	v15 =	vld [tilespmem:s14+$0x110]  }
0x126: {  	v16 =	vshll.u32 v8, $0x10;
	v8 =	vand.u32 $0xFFFF0000, v8;
	v6 =	vmax.f32 v6, $0.0e+00;
	[tilespmem:s14+$0x9300] =	vst v9;
	v9 =	vld [tilespmem:s14+$0x2150]  }
0x127: {  	v17 =	vld [tilespmem:s18+$0x8240];
	[tilespmem:s14+$0x9310] =	vst v6;
	v6 =	vshll.u32 v12, $0x10;
	v12 =	vand.u32 $0xFFFF0000, v12;
	v18 =	vshll.u32 v10, $0x10  }
0x128: {  	v3 =	vadd.f32 v3, v5;
	v2 =	vadd.f32 v11, v2;
	v10 =	vand.u32 $0xFFFF0000, v10;
	v5 =	vld [tilespmem:s12+$0x8210]  }
0x129: {  	v13 =	vadd.f32 v16, v13;
	v4 =	vadd.f32 v8, v4;
	v11 =	vshll.u32 v14, $0x10;
	v19 =	vld [tilespmem:s14+$0x10]  }
0x12a: {  	v8 =	vand.u32 $0xFFFF0000, v14;
	v6 =	vadd.f32 v18, v6;
	v10 =	vadd.f32 v10, v12;
	v14 =	vld [tilespmem:s14+$0x2050]  }
0x12b: {  	v20 =	vshll.u32 v7, $0x10;
	v16 =	vshll.u32 v15, $0x10;
	v12 =	vld [tilespmem:s14+$0x90];
	v18 =	vshll.u32 v9, $0x10  }
0x12c: {  	v15 =	vand.u32 $0xFFFF0000, v15;
	v9 =	vand.u32 $0xFFFF0000, v9;
	v21 =	vld [tilespmem:s14+$0x20D0];
	v16 =	vadd.f32 v18, v16  }
0x12d: {  	v7 =	vand.u32 $0xFFFF0000, v7;
	v9 =	vadd.f32 v9, v15;
	v18 =	vshll.u32 v5, $0x10;
	v15 =	vld [tilespmem:s14+$0x190]  }
0x12e: {  	v22 =	vshll.u32 v17, $0x10;
	v5 =	vand.u32 $0xFFFF0000, v5;
	v16 =	vadd.f32 v18, v16;
	v18 =	vld [tilespmem:s14+$0x21D0]  }
0x12f: {  	v3 =	vadd.f32 v11, v3;
	v17 =	vand.u32 $0xFFFF0000, v17;
	v5 =	vadd.f32 v5, v9;
	v11 =	vld [tilespmem:s14+$0x20]  }
0x130: {  	v2 =	vadd.f32 v8, v2;
	v8 =	vadd.f32 v22, v13;
	v9 =	vmax.f32 v16, $0.0e+00;
	v13 =	vld [tilespmem:s14+$0x120]  }
0x131: {  	v6 =	vadd.f32 v20, v6;
	v4 =	vadd.f32 v17, v4;
	v5 =	vmax.f32 v5, $0.0e+00;
	[tilespmem:s14+$0x9320] =	vst v9;
	v9 =	vld [tilespmem:s14+$0x2160]  }
0x132: {  	v3 =	vmax.f32 v3, $0.0e+00;
	v2 =	vmax.f32 v2, $0.0e+00;
	v16 =	vld [tilespmem:s14+$0x2060];
	[tilespmem:s14+$0x9330] =	vst v5;
	v5 =	vadd.f32 v7, v10  }
0x133: {  	v6 =	vmax.f32 v6, $0.0e+00;
	v4 =	vmax.f32 v4, $0.0e+00;
	[tilespmem:s14+$0x9200] =	vst v3;
	v3 =	vmax.f32 v8, $0.0e+00;
	v7 =	vld [tilespmem:s12+$0x8220]  }
0x134: {  	v10 =	vand.u32 $0xFFFF0000, v19;
	v8 =	vshll.u32 v19, $0x10;
	[tilespmem:s14+$0x9210] =	vst v2;
	v17 =	vld [tilespmem:s14+$0xA0];
	v2 =	vmax.f32 v5, $0.0e+00  }
0x135: {  	v5 =	vshll.u32 v14, $0x10;
	v14 =	vand.u32 $0xFFFF0000, v14;
	v19 =	vld [tilespmem:s5+$0x8210];
	[tilespmem:s14+$0x9280] =	vst v3;
	v3 =	vshll.u32 v12, $0x10  }
0x136: {  	v20 =	vshll.u32 v13, $0x10;
	[tilespmem:s14+$0x9290] =	vst v4;
	v4 =	vand.u32 $0xFFFF0000, v12;
	v12 =	vld [tilespmem:s14+$0x20E0];
	v22 =	vshll.u32 v9, $0x10  }
0x137: {  	v13 =	vand.u32 $0xFFFF0000, v13;
	v9 =	vand.u32 $0xFFFF0000, v9;
	v23 =	vld [tilespmem:s18+$0x8250];
	v20 =	vadd.f32 v22, v20;
	[tilespmem:s14+$0x9380] =	vst v6  }
0x138: {  	v6 =	vshll.u32 v21, $0x10;
	v9 =	vadd.f32 v9, v13;
	v22 =	vshll.u32 v7, $0x10;
	[tilespmem:s14+$0x9390] =	vst v2;
	v13 =	vld [tilespmem:s14+$0x1A0]  }
0x139: {  	v21 =	vand.u32 $0xFFFF0000, v21;
	v2 =	vand.u32 $0xFFFF0000, v7;
	v7 =	vadd.f32 v22, v20;
	v20 =	vld [tilespmem:s23+$0x8250]  }
0x13a: {  	v9 =	vadd.f32 v2, v9;
	v22 =	vshll.u32 v15, $0x10;
	v15 =	vand.u32 $0xFFFF0000, v15;
	v24 =	vld [tilespmem:s14+$0x21E0]  }
0x13b: {  	v25 =	vshll.u32 v18, $0x10;
	v18 =	vand.u32 $0xFFFF0000, v18;
	v7 =	vmax.f32 v7, $0.0e+00;
	v2 =	vld [tilespmem:s14+$0x130]  }
0x13c: {  	v5 =	vadd.f32 v5, v8;
	v8 =	vadd.f32 v14, v10;
	[tilespmem:s14+$0x9340] =	vst v7;
	v7 =	vmax.f32 v9, $0.0e+00;
	v9 =	vld [tilespmem:s14+$0x2170]  }
0x13d: {  	v3 =	vadd.f32 v6, v3;
	v4 =	vadd.f32 v21, v4;
	v10 =	vshll.u32 v19, $0x10;
	v14 =	vld [tilespmem:s14+$0x30];
	[tilespmem:s14+$0x9350] =	vst v7  }
0x13e: {  	v6 =	vand.u32 $0xFFFF0000, v19;
	v15 =	vadd.f32 v18, v15;
	v7 =	vadd.f32 v25, v22;
	v19 =	vld [tilespmem:s12+$0x8230]  }
0x13f: {  	v21 =	vshll.u32 v23, $0x10;
	v22 =	vand.u32 $0xFFFF0000, v23;
	v23 =	vshll.u32 v20, $0x10;
	v18 =	vld [tilespmem:s14+$0x2070]  }
0x140: {  	v5 =	vadd.f32 v10, v5;
	v6 =	vadd.f32 v6, v8;
	v10 =	vand.u32 $0xFFFF0000, v20;
	v8 =	vld [tilespmem:s14+$0xB0]  }
0x141: {  	v3 =	vadd.f32 v21, v3;
	v21 =	vand.u32 $0xFFFF0000, v2;
	v20 =	vld [tilespmem:s14+$0x20F0];
	v25 =	vand.u32 $0xFFFF0000, v9  }
0x142: {  	v5 =	vmax.f32 v5, $0.0e+00;
	v4 =	vadd.f32 v22, v4;
	v21 =	vadd.f32 v25, v21;
	v22 =	vld [tilespmem:s14+$0x1B0]  }
0x143: {  	v7 =	vadd.f32 v23, v7;
	v10 =	vadd.f32 v10, v15;
	[tilespmem:s14+$0x9220] =	vst v5;
	v5 =	vand.u32 $0xFFFF0000, v19;
	v15 =	vld [tilespmem:s14+$0x21F0]  }
0x144: {  	v6 =	vmax.f32 v6, $0.0e+00;
	v3 =	vmax.f32 v3, $0.0e+00;
	v5 =	vadd.f32 v5, v21  }
0x145: {  	v4 =	vmax.f32 v4, $0.0e+00;
	[tilespmem:s14+$0x9230] =	vst v6;
	v6 =	vmax.f32 v7, $0.0e+00;
	v7 =	vmax.f32 v10, $0.0e+00  }
0x146: {  	v10 =	vshll.u32 v11, $0x10;
	v11 =	vand.u32 $0xFFFF0000, v11;
	v21 =	vld [tilespmem:s5+$0x8220];
	[tilespmem:s14+$0x92A0] =	vst v3;
	v3 =	vmax.f32 v5, $0.0e+00  }
0x147: {  	v23 =	vshll.u32 v17, $0x10;
	v5 =	vshll.u32 v16, $0x10;
	v16 =	vand.u32 $0xFFFF0000, v16;
	[tilespmem:s14+$0x9370] =	vst v3  }
0x148: {  	v3 =	vand.u32 $0xFFFF0000, v17;
	[tilespmem:s14+$0x92B0] =	vst v4;
	v4 =	vshll.u32 v12, $0x10;
	v12 =	vand.u32 $0xFFFF0000, v12  }
0x149: {  	v25 =	vshll.u32 v24, $0x10;
	v17 =	vld [tilespmem:s18+$0x8260];
	[tilespmem:s14+$0x93A0] =	vst v6;
	v6 =	vshll.u32 v13, $0x10;
	v13 =	vand.u32 $0xFFFF0000, v13  }
0x14a: {  	v5 =	vadd.f32 v5, v10;
	v10 =	vadd.f32 v16, v11;
	[tilespmem:s14+$0x93B0] =	vst v7;
	v7 =	vand.u32 $0xFFFF0000, v24  }
0x14b: {  	v4 =	vadd.f32 v4, v23;
	v3 =	vadd.f32 v12, v3;
	v11 =	vshll.u32 v21, $0x10;
	v12 =	vld [tilespmem:s23+$0x8260]  }
0x14c: {  	v6 =	vadd.f32 v25, v6;
	v16 =	vand.u32 $0xFFFF0000, v21;
	v7 =	vadd.f32 v7, v13  }
0x14d: {  	v21 =	vshll.u32 v14, $0x10;
	v5 =	vadd.f32 v11, v5;
	v10 =	vadd.f32 v16, v10  }
0x14e: {  	v23 =	vand.u32 $0xFFFF0000, v14;
	v11 =	vshll.u32 v17, $0x10;
	v13 =	vand.u32 $0xFFFF0000, v17  }
0x14f: {  	v5 =	vmax.f32 v5, $0.0e+00;
	v4 =	vadd.f32 v11, v4;
	v11 =	vadd.f32 v13, v3  }
0x150: {  	v3 =	vmax.f32 v10, $0.0e+00;
	[tilespmem:s14+$0x9240] =	vst v5;
	v5 =	vshll.u32 v12, $0x10;
	v10 =	vand.u32 $0xFFFF0000, v12  }
0x151: {  	[tilespmem:s14+$0x9250] =	vst v3;
	v4 =	vmax.f32 v4, $0.0e+00;
	v5 =	vadd.f32 v5, v6;
	v6 =	vadd.f32 v10, v7  }
0x152: {  	v17 =	vand.u32 $0xFFFF0000, v18;
	v12 =	vshll.u32 v18, $0x10;
	v3 =	vld [tilespmem:s5+$0x8230];
	[tilespmem:s14+$0x92C0] =	vst v4;
	v4 =	vmax.f32 v11, $0.0e+00  }
0x153: {  	v18 =	vshll.u32 v8, $0x10;
	[tilespmem:s14+$0x92D0] =	vst v4;
	v4 =	vmax.f32 v5, $0.0e+00;
	v5 =	vmax.f32 v6, $0.0e+00  }
.Ltmp3:
0x154: {  	v24 =	vand.u32 $0xFFFF0000, v8;
	v25 =	vshll.u32 v20, $0x10;
	v20 =	vand.u32 $0xFFFF0000, v20;
	v7 =	vld [tilespmem:s18+$0x8270];
	[tilespmem:s14+$0x93C0] =	vst v4;
	(pc) =	sbr.rel @p2 .LBB2_5-.Ltmp3, $4  }
0x155: {  	v14 =	vshll.u32 v22, $0x10;
	v13 =	vshll.u32 v9, $0x10;
	v11 =	vshll.u32 v2, $0x10;
	[tilespmem:s14+$0x93D0] =	vst v5  }
0x156: {  	v16 =	vshll.u32 v15, $0x10;
	v8 =	vand.u32 $0xFFFF0000, v22;
	v10 =	vand.u32 $0xFFFF0000, v15;
	v4 =	vld [tilespmem:s23+$0x8270]  }
0x157: {  	v9 =	vadd.f32 v12, v21;
	v15 =	vshll.u32 v19, $0x10;
	v6 =	vadd.f32 v17, v23  }
0x158: {  	s6 =	sadd.s32 $0x2000, s6;
	s2 =	sadd.s32 $0x800, s2;
	v2 =	vadd.f32 v20, v24;
	v5 =	vadd.f32 v25, v18;
	v12 =	vshll.u32 v3, $0x10  }
0x159: {  	v11 =	vadd.f32 v13, v11  }
0x15a: {  	v3 =	vand.u32 $0xFFFF0000, v3;
	v13 =	vadd.f32 v16, v14;
	v9 =	vadd.f32 v12, v9  }
0x15b: {  	v14 =	vshll.u32 v7, $0x10;
	v1 =	vmax.f32 v1, $0.0e+00;
	v11 =	vadd.f32 v15, v11  }
0x15c: {  	v3 =	vadd.f32 v3, v6;
	[tilespmem:s29+$0x93F0] =	vst v1;
	v1 =	vadd.f32 v10, v8;
	v8 =	vmax.f32 v9, $0.0e+00  }
0x15d: {  	v7 =	vand.u32 $0xFFFF0000, v7;
	v5 =	vadd.f32 v14, v5;
	[tilespmem:s14+$0x9260] =	vst v8;
	v6 =	vmax.f32 v11, $0.0e+00  }
0x15e: {  	v2 =	vadd.f32 v7, v2;
	v3 =	vmax.f32 v3, $0.0e+00;
	[tilespmem:s14+$0x9360] =	vst v6;
	v6 =	vshll.u32 v4, $0x10  }
0x15f: {  	v5 =	vmax.f32 v5, $0.0e+00;
	[tilespmem:s14+$0x9270] =	vst v3;
	v4 =	vand.u32 $0xFFFF0000, v4;
	v6 =	vadd.f32 v6, v13  }
0x160: {  	v2 =	vmax.f32 v2, $0.0e+00;
	[tilespmem:s14+$0x92E0] =	vst v5;
	v1 =	vadd.f32 v4, v1  }
0x161: {  	[tilespmem:s14+$0x92F0] =	vst v2;
	v3 =	vmax.f32 v6, $0.0e+00  }
0x162: {  	s0 =	sshll.u32 s28, $0x9;
	v1 =	vmax.f32 v1, $0.0e+00;
	[tilespmem:s14+$0x93E0] =	vst v3  }
0x163: {  	s2 =	simm.s32 $0x0;
	s0 =	sadd.s32 s0, s21;
	[tilespmem:s14+$0x93F0] =	vst v1  }
0x164: {  	[tilespmem:s8], [sflag:$0x5] =	stream.linear.gather [hbm4b:s0+s2], $0x1000, $0x38;
	[tilespmem:$0x1EE80] =	vst v63  }
0x165: {  	_ = 	snop  }
0x166: {  	[spmem:s4] =	stream.indirect.scatter.add.f32 [tilespmem:s30], [sflag:$0x6], $0x80, s15, s7, $0xb8;
	[tilespmem:$0x1EE80] =	vst v63  }
0x167: {  	_ =	swait.ge [sflag:s31], $0x2000  }
0x168: {  	[sflag:s31] =	ssyncset.done $0x0  }
0x169: {  	[sflag:s31] =	ssyncadd.s32 $0xFFFFE000  }
0x16a: {  	_ =	swait.ge [sflag:s16], $0x2000  }
0x16b: {  	[sflag:s16] =	ssyncset.done $0x0  }
0x16c: {  	[sflag:s16] =	ssyncadd.s32 $0xFFFFE000  }
0x16d: {  	s14 =	sadd.s32 s26, s20;
	_ =	swait.ge [sflag:s16], $0x2000  }
0x16e: {  	s26 =	sadd.s32 $0x1, s14;
	[sflag:s16] =	ssyncset.done $0x0  }
0x16f: {  	s0 =	sshll.u32 @!p1 s26, $0x4;
	[sflag:s16] =	ssyncadd.s32 $0xFFFFE000  }
0x170: {  	s0 =	sand.u32 @!p1 $0xFFFFFE0, s0;
	_ =	swait.ge [sflag:s10], $0x1000  }
0x171: {  	s5 =	simm.s32 @!p1 $0x0;
	s0 =	sadd.s32 @!p1 s3, s0;
	[sflag:s10] =	ssyncset.done $0x0  }
0x172: {  	s6 =	simm.s32 @!p1 $0x8100;
	s2 =	sadd.s32 @!p1 $0x28, s0;
	[sflag:s10] =	ssyncadd.s32 $0xFFFFF000  }
0x173: {  	[tilespmem:s6], [sflag:$0x3] =	stream.linear.gather @!p1 [hbm4b:s2+s5], $0x40, $0x38;
	[tilespmem:$0x1EE80] =	vst v63  }
0x174: {  	s0 =	sadd.s32 @!p1 $0x38, s0;
	s2 =	simm.s32 @!p1 $0x8180  }
0x175: {  	[tilespmem:s2], [sflag:$0x3] =	stream.linear.gather @!p1 [hbm4b:s0+s5], $0x40, $0x38;
	[tilespmem:$0x1EE80] =	vst v63  }
0x176: {  	s0 =	simm.s32 @!p1 $0x1  }
0x177: {  	_ =	swait.ge @!p1 [sflag:s0], $0x40  }
0x178: {  	[sflag:s0] =	ssyncset.done @!p1 $0x0  }
0x179: {  	[sflag:s0] =	ssyncadd.s32 @!p1 $0xFFFFFFC0  }
0x17a: {  	_ =	swait.ge @!p1 [sflag:s0], $0x40  }
0x17b: {  	[sflag:s0] =	ssyncset.done @!p1 $0x0  }
0x17c: {  	s2 =	simm.s32 @!p1 $0x4080;
	[sflag:s0] =	ssyncadd.s32 @!p1 $0xFFFFFFC0;
	s0 =	simm.s32 @!p1 $0x40  }
0x17d: {  	[tilespmem:s5], [sflag:$0x2] =	stream.indirect.gather @!p1 [hbm4b:s1+s0], $0x80, s2, s0, $0xb8;
	[tilespmem:$0x1EE80] =	vst v63  }
0x17e: {  	s2 =	simm.s32 @!p1 $0x4000;
	s5 =	simm.s32 @!p1 $0x2000  }
0x17f: {  	[tilespmem:s5], [sflag:$0x2] =	stream.indirect.gather @!p1 [hbm4b:s1+s0], $0x80, s2, s0, $0xb8;
	[tilespmem:$0x1EE80] =	vst v63  }
0x180: {  	v1 =	vld [tilespmem:$0x8180]  }
0x181: {  	v2 =	vld [tilespmem:$0x8190]  }
0x182: {  	v3 =	vld [tilespmem:$0x81A0]  }
0x183: {  	v4 =	vld [tilespmem:$0x81B0];
	_ =	sdelay $0x1  }
0x184: {  	[tilespmem:$0xB200] =	vst v1  }
0x185: {  	[tilespmem:$0xB210] =	vst v2  }
0x186: {  	s17 =	simm.s32 $0x1000;
	[tilespmem:$0xB220] =	vst v3  }
0x187: {  	s28 =	simm.s32 $0x0;
	s18 =	simm.s32 $0x0;
	s0 =	sand.u32 $0x3000, s17;
	[tilespmem:$0xB230] =	vst v4  }
0x188: {  	s12 =	sand.u32 $0x380, s18;
	s0 =	sshrl.u32 s0, $0x2;
	v1 =	vld [tilespmem:s28+$0x4200]  }
0x189: {  	s19 =	sor.u32 s12, s0;
	v2 =	vld [tilespmem:s28+$0x6240]  }
0x18a: {  	v3 =	vld [tilespmem:s19+$0x8200]  }
0x18b: {  	s22 =	sand.u32 $0x2000, s18;
	v4 =	vld [tilespmem:s28+$0x4100]  }
0x18c: {  	s0 =	sshrl.u32 s22, $0x2;
	v7 =	vld [tilespmem:s28+$0x6140]  }
0x18d: {  	s23 =	sor.u32 s12, s0;
	v9 =	vld [tilespmem:s28+$0x61C0]  }
0x18e: {  	v14 =	vld [tilespmem:s23+$0x8200]  }
0x18f: {  	s14 =	simm.s32 $0x200;
	v19 =	vld [tilespmem:s28+$0x6150]  }
0x190: {  	v29 =	vld [tilespmem:s14+$0x4280];
	v5 =	vshll.u32 v1, $0x10  }
0x191: {  	v27 =	vld [tilespmem:s14+$0x6150];
	v6 =	vshll.u32 v2, $0x10;
	v1 =	vand.u32 $0xFFFF0000, v1;
	v2 =	vand.u32 $0xFFFF0000, v2  }
0x192: {  	v46 =	vld [tilespmem:s14+$0x4230];
	v8 =	vshll.u32 v3, $0x10;
	v3 =	vand.u32 $0xFFFF0000, v3;
	v11 =	vshll.u32 v7, $0x10  }
0x193: {  	v10 =	vld [tilespmem:s28+$0x6250];
	v7 =	vand.u32 $0xFFFF0000, v7;
	v12 =	vshll.u32 v9, $0x10;
	v5 =	vadd.f32 v6, v5  }
0x194: {  	v9 =	vand.u32 $0xFFFF0000, v9;
	v18 =	vshll.u32 v14, $0x10;
	v6 =	vld [tilespmem:s28+$0x4180];
	v1 =	vadd.f32 v2, v1  }
0x195: {  	v20 =	vshll.u32 v19, $0x10;
	v19 =	vand.u32 $0xFFFF0000, v19;
	v2 =	vadd.f32 v8, v5;
	v5 =	vld [tilespmem:s28+$0x4280]  }
0x196: {  	v31 =	vshll.u32 v29, $0x10;
	v42 =	vshll.u32 v27, $0x10;
	v1 =	vadd.f32 v3, v1;
	v3 =	vld [tilespmem:s28+$0x4210]  }
0x197: {  	v27 =	vand.u32 $0xFFFF0000, v27;
	v53 =	vand.u32 $0xFFFF0000, v46;
	v8 =	vld [tilespmem:s28+$0x62C0];
	v2 =	vmax.f32 v2, $0.0e+00  }
0x198: {  	v1 =	vmax.f32 v1, $0.0e+00;
	[tilespmem:s28+$0x9300] =	vst v2;
	v2 =	vshll.u32 v4, $0x10;
	v4 =	vand.u32 $0xFFFF0000, v4  }
0x199: {  	[tilespmem:s28+$0x9310] =	vst v1;
	v1 =	vshll.u32 v6, $0x10;
	v6 =	vand.u32 $0xFFFF0000, v6;
	v2 =	vadd.f32 v11, v2  }
0x19a: {  	s13 =	simm.s32 $0x600;
	s5 =	sand.u32 $0x800, s18;
	v13 =	vld [tilespmem:s19+$0x8210];
	v4 =	vadd.f32 v7, v4;
	v1 =	vadd.f32 v12, v1;
	v12 =	vshll.u32 v10, $0x10  }
0x19b: {  	s29 =	sand.u32 $0xC00, s13;
	s5 =	sor.u32 s12, s5;
	v6 =	vadd.f32 v9, v6;
	v10 =	vand.u32 $0xFFFF0000, v10;
	v15 =	vshll.u32 v5, $0x10  }
0x19c: {  	s0 =	sor.u32 s12, s29;
	v17 =	vld [tilespmem:s5+$0x8240];
	v5 =	vand.u32 $0xFFFF0000, v5;
	v16 =	vshll.u32 v8, $0x10;
	v11 =	vshll.u32 v3, $0x10  }
0x19d: {  	v7 =	vld [tilespmem:s0+$0x8240];
	v8 =	vand.u32 $0xFFFF0000, v8;
	v3 =	vand.u32 $0xFFFF0000, v3;
	v9 =	vadd.f32 v12, v11  }
0x19e: {  	v3 =	vadd.f32 v10, v3;
	v10 =	vand.u32 $0xFFFF0000, v14;
	v14 =	vld [tilespmem:s28+$0x4190];
	v2 =	vadd.f32 v18, v2  }
0x19f: {  	v5 =	vadd.f32 v8, v5;
	v4 =	vadd.f32 v10, v4;
	v10 =	vld [tilespmem:s28+$0x6260];
	v12 =	vshll.u32 v13, $0x10  }
0x1a0: {  	v28 =	vld [tilespmem:s14+$0x61C0];
	v2 =	vmax.f32 v2, $0.0e+00;
	v13 =	vand.u32 $0xFFFF0000, v13;
	v9 =	vadd.f32 v12, v9  }
0x1a1: {  	v11 =	vld [tilespmem:s28+$0x4110];
	v4 =	vmax.f32 v4, $0.0e+00;
	v12 =	vadd.f32 v16, v15;
	v3 =	vadd.f32 v13, v3  }
0x1a2: {  	v13 =	vshll.u32 v7, $0x10;
	v15 =	vld [tilespmem:s28+$0x61D0];
	v16 =	vshll.u32 v17, $0x10;
	v7 =	vand.u32 $0xFFFF0000, v7  }
0x1a3: {  	[tilespmem:s28+$0x9210] =	vst v4;
	v4 =	vld [tilespmem:s28+$0x41A0];
	v1 =	vadd.f32 v16, v1;
	v5 =	vadd.f32 v7, v5;
	v8 =	vmax.f32 v9, $0.0e+00  }
0x1a4: {  	v21 =	vshll.u32 v14, $0x10;
	v9 =	vld [tilespmem:s28+$0x4220];
	v3 =	vmax.f32 v3, $0.0e+00;
	v18 =	vshll.u32 v10, $0x10;
	[tilespmem:s28+$0x9320] =	vst v8  }
0x1a5: {  	v8 =	vand.u32 $0xFFFF0000, v17;
	[tilespmem:s28+$0x9330] =	vst v3;
	v3 =	vadd.f32 v13, v12;
	v1 =	vmax.f32 v1, $0.0e+00  }
0x1a6: {  	v13 =	vshll.u32 v11, $0x10;
	v11 =	vand.u32 $0xFFFF0000, v11;
	v6 =	vadd.f32 v8, v6;
	v8 =	vld [tilespmem:s19+$0x8220]  }
0x1a7: {  	[tilespmem:s28+$0x9200] =	vst v2;
	v2 =	vmax.f32 v5, $0.0e+00;
	v13 =	vadd.f32 v20, v13;
	v11 =	vadd.f32 v19, v11  }
0x1a8: {  	v17 =	vld [tilespmem:s28+$0x4290];
	[tilespmem:s28+$0x9390] =	vst v2;
	v20 =	vand.u32 $0xFFFF0000, v28;
	v3 =	vmax.f32 v3, $0.0e+00;
	v2 =	vand.u32 $0xFFFF0000, v15  }
0x1a9: {  	v16 =	vld [tilespmem:s28+$0x62D0];
	[tilespmem:s28+$0x9280] =	vst v1;
	v22 =	vshll.u32 v4, $0x10;
	v6 =	vmax.f32 v6, $0.0e+00;
	v5 =	vshll.u32 v9, $0x10  }
0x1aa: {  	[tilespmem:s28+$0x9380] =	vst v3;
	v1 =	vand.u32 $0xFFFF0000, v9;
	v9 =	vand.u32 $0xFFFF0000, v10;
	v5 =	vadd.f32 v18, v5  }
0x1ab: {  	v3 =	vshll.u32 v15, $0x10;
	[tilespmem:s28+$0x9290] =	vst v6;
	v18 =	vld [tilespmem:s23+$0x8210];
	v1 =	vadd.f32 v9, v1;
	v10 =	vshll.u32 v8, $0x10  }
0x1ac: {  	v6 =	vand.u32 $0xFFFF0000, v14;
	v9 =	vld [tilespmem:s5+$0x8250];
	v8 =	vand.u32 $0xFFFF0000, v8;
	v5 =	vadd.f32 v10, v5  }
0x1ad: {  	v3 =	vadd.f32 v3, v21;
	v14 =	vshll.u32 v17, $0x10;
	v1 =	vadd.f32 v8, v1  }
0x1ae: {  	v15 =	vand.u32 $0xFFFF0000, v17;
	v17 =	vshll.u32 v16, $0x10;
	v10 =	vld [tilespmem:s0+$0x8250];
	v5 =	vmax.f32 v5, $0.0e+00  }
0x1af: {  	v21 =	vand.u32 $0xFFFF0000, v29;
	v14 =	vadd.f32 v17, v14;
	v8 =	vld [tilespmem:s28+$0x4230];
	v1 =	vmax.f32 v1, $0.0e+00;
	[tilespmem:s28+$0x9340] =	vst v5  }
0x1b0: {  	v5 =	vand.u32 $0xFFFF0000, v16;
	v19 =	vshll.u32 v18, $0x10;
	[tilespmem:s28+$0x9350] =	vst v1;
	v1 =	vadd.f32 v2, v6  }
0x1b1: {  	v7 =	vld [tilespmem:s28+$0x6160];
	v2 =	vand.u32 $0xFFFF0000, v18;
	v5 =	vadd.f32 v5, v15;
	v15 =	vshll.u32 v9, $0x10  }
0x1b2: {  	v16 =	vld [tilespmem:s28+$0x6270];
	v9 =	vand.u32 $0xFFFF0000, v9;
	v13 =	vadd.f32 v19, v13;
	v2 =	vadd.f32 v2, v11  }
0x1b3: {  	v12 =	vld [tilespmem:s28+$0x4120];
	v59 =	vshll.u32 v10, $0x10;
	v10 =	vand.u32 $0xFFFF0000, v10;
	v3 =	vadd.f32 v15, v3  }
0x1b4: {  	v6 =	vld [tilespmem:s19+$0x8230];
	v15 =	vand.u32 $0xFFFF0000, v8;
	v1 =	vadd.f32 v9, v1;
	v8 =	vshll.u32 v8, $0x10  }
0x1b5: {  	v17 =	vld [tilespmem:s28+$0x61E0];
	v14 =	vadd.f32 v59, v14;
	v5 =	vadd.f32 v10, v5;
	v2 =	vmax.f32 v2, $0.0e+00  }
0x1b6: {  	v18 =	vld [tilespmem:s28+$0x42A0];
	v13 =	vmax.f32 v13, $0.0e+00;
	v3 =	vmax.f32 v3, $0.0e+00;
	[tilespmem:s28+$0x9230] =	vst v2;
	v1 =	vmax.f32 v1, $0.0e+00  }
0x1b7: {  	v11 =	vld [tilespmem:s28+$0x62E0];
	v60 =	vand.u32 $0xFFFF0000, v16;
	v2 =	vmax.f32 v14, $0.0e+00;
	v5 =	vmax.f32 v5, $0.0e+00;
	[tilespmem:s28+$0x92A0] =	vst v3  }
0x1b8: {  	v23 =	vld [tilespmem:s28+$0x62F0];
	v14 =	vshll.u32 v12, $0x10;
	v12 =	vand.u32 $0xFFFF0000, v12;
	[tilespmem:s28+$0x92B0] =	vst v1;
	v15 =	vadd.f32 v60, v15  }
0x1b9: {  	[tilespmem:s28+$0x9220] =	vst v13;
	v3 =	vshll.u32 v7, $0x10;
	v7 =	vand.u32 $0xFFFF0000, v7;
	v61 =	vand.u32 $0xFFFF0000, v6;
	v24 =	vld [tilespmem:s5+$0x8260]  }
0x1ba: {  	v1 =	vand.u32 $0xFFFF0000, v4;
	v4 =	vshll.u32 v17, $0x10;
	v13 =	vadd.f32 v61, v15;
	v15 =	vld [tilespmem:s23+$0x8220]  }
0x1bb: {  	v17 =	vand.u32 $0xFFFF0000, v17;
	[tilespmem:s28+$0x93A0] =	vst v2;
	v2 =	vshll.u32 v18, $0x10;
	v18 =	vand.u32 $0xFFFF0000, v18  }
0x1bc: {  	v25 =	vshll.u32 v11, $0x10;
	v3 =	vadd.f32 v3, v14;
	v7 =	vadd.f32 v7, v12  }
0x1bd: {  	v19 =	vld [tilespmem:s28+$0x4130];
	[tilespmem:s28+$0x93B0] =	vst v5;
	v5 =	vand.u32 $0xFFFF0000, v11;
	v4 =	vadd.f32 v4, v22;
	v1 =	vadd.f32 v17, v1  }
0x1be: {  	v6 =	vshll.u32 v6, $0x10;
	v12 =	vld [tilespmem:s0+$0x8260];
	v5 =	vadd.f32 v5, v18;
	v17 =	vand.u32 $0xFFFF0000, v24  }
0x1bf: {  	v62 =	vld [tilespmem:s28+$0x41B0];
	v1 =	vadd.f32 v17, v1;
	v17 =	vshll.u32 v23, $0x10;
	v11 =	vshll.u32 v15, $0x10  }
0x1c0: {  	v10 =	vld [tilespmem:s28+$0x61F0];
	v14 =	vand.u32 $0xFFFF0000, v15;
	v15 =	vadd.f32 v25, v2;
	v3 =	vadd.f32 v11, v3  }
0x1c1: {  	v2 =	vmax.f32 v13, $0.0e+00;
	v7 =	vadd.f32 v14, v7;
	v14 =	vshll.u32 v24, $0x10  }
0x1c2: {  	v9 =	vld [tilespmem:s28+$0x6170];
	v13 =	vand.u32 $0xFFFF0000, v19;
	v4 =	vadd.f32 v14, v4;
	v3 =	vmax.f32 v3, $0.0e+00  }
0x1c3: {  	v1 =	vmax.f32 v1, $0.0e+00;
	[tilespmem:s28+$0x9240] =	vst v3;
	v3 =	vmax.f32 v7, $0.0e+00;
	v7 =	vshll.u32 v12, $0x10  }
0x1c4: {  	v63 =	vld [tilespmem:s28+$0x42B0];
	v12 =	vand.u32 $0xFFFF0000, v12;
	[tilespmem:s28+$0x9250] =	vst v3;
	v3 =	vmax.f32 v4, $0.0e+00;
	v4 =	vadd.f32 v7, v15  }
0x1c5: {  	[tilespmem:s28+$0x92D0] =	vst v1;
	v1 =	vshll.u32 v62, $0x10;
	v14 =	vshll.u32 v10, $0x10;
	v5 =	vadd.f32 v12, v5  }
0x1c6: {  	v11 =	vshll.u32 v19, $0x10;
	v1 =	vadd.f32 v14, v1;
	v14 =	vld [tilespmem:s14+$0x6240];
	[tilespmem:s28+$0x92C0] =	vst v3;
	v4 =	vmax.f32 v4, $0.0e+00  }
0x1c7: {  	v7 =	vshll.u32 v9, $0x10;
	v3 =	vand.u32 $0xFFFF0000, v9;
	v9 =	vld [tilespmem:s23+$0x8230];
	v5 =	vmax.f32 v5, $0.0e+00;
	[tilespmem:s28+$0x93C0] =	vst v4  }
0x1c8: {  	v19 =	vand.u32 $0xFFFF0000, v23;
	v15 =	vshll.u32 v16, $0x10;
	v4 =	vand.u32 $0xFFFF0000, v10;
	v10 =	vld [tilespmem:s5+$0x8270];
	[tilespmem:s28+$0x93D0] =	vst v5  }
0x1c9: {  	s29 =	simm.s32 $0x800;
	s19 =	simm.s32 $0x40;
	v16 =	vand.u32 $0xFFFF0000, v63;
	v7 =	vadd.f32 v7, v11;
	v8 =	vadd.f32 v15, v8;
	v18 =	vld [tilespmem:s0+$0x8270]  }
0x1ca: {  	s13 =	simm.s32 $0x3000;
	s12 =	sand.u32 $0x800, s29;
	s17 =	sand.u32 $0x380, s19;
	v12 =	vand.u32 $0xFFFF0000, v62;
	v11 =	vld [tilespmem:s14+$0x4200];
	v16 =	vadd.f32 v19, v16;
	v3 =	vadd.f32 v3, v13  }
0x1cb: {  	v5 =	vshll.u32 v63, $0x10;
	v6 =	vadd.f32 v6, v8;
	s5 =	sor.u32 s17, s12;
	s0 =	sand.u32 $0x3000, s13;
	v4 =	vadd.f32 v4, v12  }
0x1cc: {  	v12 =	vadd.f32 v17, v5;
	v33 =	vld [tilespmem:s5+$0x8240];
	s0 =	sshrl.u32 s0, $0x2;
	v13 =	vshll.u32 v9, $0x10;
	v9 =	vand.u32 $0xFFFF0000, v9  }
0x1cd: {  	s18 =	sor.u32 s17, s0;
	v7 =	vadd.f32 v13, v7;
	v3 =	vadd.f32 v9, v3;
	v5 =	vshll.u32 v10, $0x10  }
0x1ce: {  	v15 =	vld [tilespmem:s18+$0x8200];
	v10 =	vand.u32 $0xFFFF0000, v10;
	v8 =	vshll.u32 v18, $0x10;
	v17 =	vand.u32 $0xFFFF0000, v18  }
0x1cf: {  	v9 =	vadd.f32 v5, v1;
	v1 =	vshll.u32 v11, $0x10;
	v5 =	vshll.u32 v14, $0x10  }
0x1d0: {  	v13 =	vld [tilespmem:s14+$0x6140];
	v10 =	vadd.f32 v10, v4;
	v4 =	vmax.f32 v6, $0.0e+00;
	v6 =	vand.u32 $0xFFFF0000, v11  }
0x1d1: {  	v18 =	vld [tilespmem:s14+$0x4100];
	v11 =	vand.u32 $0xFFFF0000, v14;
	v25 =	vand.u32 $0xFFFF0000, v33;
	v12 =	vadd.f32 v8, v12  }
0x1d2: {  	v19 =	vld [tilespmem:s14+$0x4180];
	v1 =	vadd.f32 v5, v1;
	v5 =	vmax.f32 v7, $0.0e+00;
	v6 =	vadd.f32 v11, v6  }
0x1d3: {  	v7 =	vmax.f32 v3, $0.0e+00;
	v14 =	vshll.u32 v15, $0x10;
	v3 =	vmax.f32 v12, $0.0e+00;
	v12 =	vld [tilespmem:s14+$0x6250]  }
0x1d4: {  	s22 =	simm.s32 $0x2000;
	v8 =	vand.u32 $0xFFFF0000, v15;
	v11 =	vadd.f32 v14, v1;
	v1 =	vadd.f32 v17, v16;
	v14 =	vld [tilespmem:s14+$0x62C0]  }
0x1d5: {  	s0 =	sand.u32 $0x2000, s22;
	v15 =	vadd.f32 v8, v6;
	v16 =	vld [tilespmem:s14+$0x4210];
	v8 =	vmax.f32 v9, $0.0e+00;
	v6 =	vmax.f32 v10, $0.0e+00  }
0x1d6: {  	s0 =	sshrl.u32 s0, $0x2;
	v17 =	vshll.u32 v13, $0x10;
	v13 =	vand.u32 $0xFFFF0000, v13;
	v9 =	vshll.u32 v18, $0x10  }
0x1d7: {  	s0 =	sor.u32 s17, s0;
	v10 =	vand.u32 $0xFFFF0000, v18;
	v18 =	vshll.u32 v19, $0x10;
	v11 =	vmax.f32 v11, $0.0e+00  }
0x1d8: {  	v9 =	vadd.f32 v17, v9;
	v10 =	vadd.f32 v13, v10;
	[tilespmem:s14+$0x9300] =	vst v11;
	v11 =	vmax.f32 v15, $0.0e+00;
	v15 =	vld [tilespmem:s0+$0x8200]  }
0x1d9: {  	v35 =	vld [tilespmem:s14+$0x4190];
	s23 =	simm.s32 $0xE00;
	[tilespmem:s14+$0x9310] =	vst v11;
	v11 =	vand.u32 $0xFFFF0000, v19;
	v19 =	vshll.u32 v28, $0x10;
	v32 =	vshll.u32 v14, $0x10  }
0x1da: {  	s2 =	sand.u32 $0xC00, s23;
	v30 =	vld [tilespmem:s18+$0x8210];
	v17 =	vadd.f32 v19, v18;
	v18 =	vshll.u32 v16, $0x10;
	v19 =	vshll.u32 v12, $0x10  }
0x1db: {  	v38 =	vld [tilespmem:s14+$0x4220];
	s2 =	sor.u32 s17, s2;
	v11 =	vadd.f32 v20, v11;
	v16 =	vand.u32 $0xFFFF0000, v16;
	v12 =	vand.u32 $0xFFFF0000, v12  }
0x1dc: {  	v13 =	vand.u32 $0xFFFF0000, v14;
	v14 =	vld [tilespmem:s2+$0x8240];
	v18 =	vadd.f32 v19, v18;
	v12 =	vadd.f32 v12, v16  }
0x1dd: {  	v41 =	vld [tilespmem:s14+$0x4290];
	v11 =	vadd.f32 v25, v11;
	v26 =	vshll.u32 v15, $0x10;
	v15 =	vand.u32 $0xFFFF0000, v15  }
0x1de: {  	v44 =	vld [tilespmem:s14+$0x62D0];
	v39 =	vshll.u32 v33, $0x10;
	v9 =	vadd.f32 v26, v9;
	v10 =	vadd.f32 v15, v10  }
0x1df: {  	v52 =	vld [tilespmem:s14+$0x42A0];
	[tilespmem:s28+$0x9370] =	vst v2;
	v15 =	vadd.f32 v39, v17;
	v11 =	vmax.f32 v11, $0.0e+00;
	v34 =	vshll.u32 v30, $0x10  }
0x1e0: {  	v58 =	vld [tilespmem:s14+$0x61F0];
	[tilespmem:s14+$0x9290] =	vst v11;
	v16 =	vadd.f32 v34, v18;
	v18 =	vadd.f32 v32, v31;
	v9 =	vmax.f32 v9, $0.0e+00  }
0x1e1: {  	v19 =	vld [tilespmem:s14+$0x4110];
	v36 =	vand.u32 $0xFFFF0000, v30;
	v37 =	vshll.u32 v14, $0x10;
	v10 =	vmax.f32 v10, $0.0e+00;
	[tilespmem:s14+$0x9200] =	vst v9  }
0x1e2: {  	v12 =	vadd.f32 v36, v12;
	v9 =	vmax.f32 v15, $0.0e+00;
	[tilespmem:s14+$0x9210] =	vst v10;
	v17 =	vadd.f32 v37, v18;
	v18 =	vld [tilespmem:s14+$0x6160]  }
0x1e3: {  	v29 =	vshll.u32 v44, $0x10;
	v13 =	vadd.f32 v13, v21;
	v16 =	vmax.f32 v16, $0.0e+00;
	[tilespmem:s14+$0x9280] =	vst v9;
	v11 =	vld [tilespmem:s0+$0x8210]  }
0x1e4: {  	v22 =	vand.u32 $0xFFFF0000, v41;
	v14 =	vand.u32 $0xFFFF0000, v14;
	v12 =	vmax.f32 v12, $0.0e+00;
	[tilespmem:s14+$0x9320] =	vst v16;
	v16 =	vld [tilespmem:s14+$0x6260]  }
0x1e5: {  	v2 =	vand.u32 $0xFFFF0000, v52;
	v63 =	vshll.u32 v58, $0x10;
	[tilespmem:s14+$0x9330] =	vst v12;
	v12 =	vadd.f32 v14, v13;
	v14 =	vld [tilespmem:s14+$0x61D0]  }
0x1e6: {  	v28 =	vshll.u32 v35, $0x10;
	v20 =	vand.u32 $0xFFFF0000, v35;
	v21 =	vand.u32 $0xFFFF0000, v38;
	v45 =	vld [tilespmem:s5+$0x8250]  }
0x1e7: {  	v26 =	vand.u32 $0xFFFF0000, v44;
	v10 =	vshll.u32 v19, $0x10;
	v9 =	vshll.u32 v38, $0x10;
	v13 =	vld [tilespmem:s18+$0x8220]  }
0x1e8: {  	v15 =	vmax.f32 v17, $0.0e+00;
	v17 =	vand.u32 $0xFFFF0000, v19;
	v12 =	vmax.f32 v12, $0.0e+00  }
0x1e9: {  	v47 =	vshll.u32 v11, $0x10;
	v11 =	vand.u32 $0xFFFF0000, v11;
	v60 =	vshll.u32 v18, $0x10  }
0x1ea: {  	v18 =	vand.u32 $0xFFFF0000, v18;
	v43 =	vshll.u32 v16, $0x10;
	v16 =	vand.u32 $0xFFFF0000, v16  }
0x1eb: {  	[tilespmem:s14+$0x9390] =	vst v12;
	v12 =	vshll.u32 v14, $0x10;
	v14 =	vand.u32 $0xFFFF0000, v14;
	v9 =	vadd.f32 v43, v9  }
0x1ec: {  	[tilespmem:s14+$0x9380] =	vst v15;
	v50 =	vshll.u32 v45, $0x10;
	v15 =	vshll.u32 v13, $0x10;
	v16 =	vadd.f32 v16, v21  }
0x1ed: {  	v13 =	vand.u32 $0xFFFF0000, v13;
	v12 =	vadd.f32 v12, v28;
	v9 =	vadd.f32 v15, v9  }
0x1ee: {  	v25 =	vand.u32 $0xFFFF0000, v45;
	v14 =	vadd.f32 v14, v20;
	v15 =	vld [tilespmem:s2+$0x8250];
	v13 =	vadd.f32 v13, v16  }
0x1ef: {  	v40 =	vld [tilespmem:s14+$0x4120];
	v16 =	vshll.u32 v41, $0x10;
	v12 =	vadd.f32 v50, v12;
	v9 =	vmax.f32 v9, $0.0e+00  }
0x1f0: {  	v13 =	vmax.f32 v13, $0.0e+00;
	[tilespmem:s14+$0x9340] =	vst v9;
	v9 =	vadd.f32 v42, v10;
	v10 =	vadd.f32 v27, v17;
	v17 =	vld [tilespmem:s14+$0x6270]  }
0x1f1: {  	v49 =	vld [tilespmem:s14+$0x61E0];
	v14 =	vadd.f32 v25, v14;
	v12 =	vmax.f32 v12, $0.0e+00;
	[tilespmem:s14+$0x9350] =	vst v13;
	v13 =	vadd.f32 v29, v16  }
0x1f2: {  	v16 =	vadd.f32 v26, v22;
	v26 =	vand.u32 $0xFFFF0000, v58;
	v48 =	vld [tilespmem:s18+$0x8230];
	v9 =	vadd.f32 v47, v9  }
0x1f3: {  	v19 =	vld [tilespmem:s14+$0x41A0];
	v51 =	vshll.u32 v15, $0x10;
	v10 =	vadd.f32 v11, v10;
	v11 =	vand.u32 $0xFFFF0000, v15  }
0x1f4: {  	[tilespmem:s28+$0x9360] =	vst v4;
	v13 =	vadd.f32 v51, v13;
	v11 =	vadd.f32 v11, v16;
	v9 =	vmax.f32 v9, $0.0e+00  }
0x1f5: {  	v15 =	vld [tilespmem:s14+$0x62E0];
	v10 =	vmax.f32 v10, $0.0e+00;
	v54 =	vand.u32 $0xFFFF0000, v17;
	[tilespmem:s14+$0x9220] =	vst v9;
	v9 =	vmax.f32 v14, $0.0e+00  }
0x1f6: {  	v55 =	vld [tilespmem:s14+$0x4130];
	v13 =	vmax.f32 v13, $0.0e+00;
	v11 =	vmax.f32 v11, $0.0e+00;
	[tilespmem:s14+$0x9230] =	vst v10;
	v10 =	vshll.u32 v40, $0x10  }
0x1f7: {  	[tilespmem:s14+$0x92A0] =	vst v12;
	v14 =	vand.u32 $0xFFFF0000, v40;
	v23 =	vadd.f32 v54, v53;
	v57 =	vand.u32 $0xFFFF0000, v48;
	v12 =	vld [tilespmem:s0+$0x8220]  }
0x1f8: {  	v16 =	vld [tilespmem:s14+$0x41B0];
	[tilespmem:s14+$0x92B0] =	vst v9;
	v9 =	vshll.u32 v19, $0x10;
	v14 =	vadd.f32 v18, v14;
	v18 =	vshll.u32 v49, $0x10  }
0x1f9: {  	[tilespmem:s14+$0x93A0] =	vst v13;
	v13 =	vand.u32 $0xFFFF0000, v19;
	v19 =	vand.u32 $0xFFFF0000, v49;
	v9 =	vadd.f32 v18, v9;
	v18 =	vld [tilespmem:s5+$0x8260]  }
0x1fa: {  	[tilespmem:s14+$0x93B0] =	vst v11;
	v11 =	vshll.u32 v52, $0x10;
	v13 =	vadd.f32 v19, v13;
	v19 =	vshll.u32 v15, $0x10  }
0x1fb: {  	[tilespmem:s28+$0x9260] =	vst v5;
	v10 =	vadd.f32 v60, v10;
	v15 =	vand.u32 $0xFFFF0000, v15;
	v11 =	vadd.f32 v19, v11;
	v19 =	vld [tilespmem:s2+$0x8260]  }
0x1fc: {  	[tilespmem:s28+$0x9270] =	vst v7;
	v23 =	vadd.f32 v57, v23;
	v2 =	vadd.f32 v15, v2;
	v4 =	vshll.u32 v12, $0x10  }
0x1fd: {  	[tilespmem:s28+$0x93E0] =	vst v3;
	v15 =	vand.u32 $0xFFFF0000, v55;
	v12 =	vand.u32 $0xFFFF0000, v12;
	v4 =	vadd.f32 v4, v10  }
0x1fe: {  	v56 =	vld [tilespmem:s14+$0x6170];
	[tilespmem:s28+$0x92E0] =	vst v8;
	v62 =	vand.u32 $0xFFFF0000, v16;
	v5 =	vadd.f32 v12, v14;
	v7 =	vshll.u32 v18, $0x10  }
0x1ff: {  	v59 =	vld [tilespmem:s14+$0x42B0];
	[tilespmem:s28+$0x92F0] =	vst v6;
	v10 =	vand.u32 $0xFFFF0000, v18;
	v7 =	vadd.f32 v7, v9;
	v4 =	vmax.f32 v4, $0.0e+00  }
0x200: {  	v61 =	vld [tilespmem:s14+$0x62F0];
	v8 =	vadd.f32 v10, v13;
	v6 =	vshll.u32 v19, $0x10;
	v5 =	vmax.f32 v5, $0.0e+00;
	[tilespmem:s14+$0x9240] =	vst v4  }
0x201: {  	v9 =	vand.u32 $0xFFFF0000, v19;
	v6 =	vadd.f32 v6, v11;
	v4 =	vmax.f32 v7, $0.0e+00;
	[tilespmem:s14+$0x9250] =	vst v5  }
0x202: {  	v23 =	vmax.f32 v23, $0.0e+00;
	v2 =	vadd.f32 v9, v2;
	v7 =	vmax.f32 v8, $0.0e+00;
	[tilespmem:s14+$0x92C0] =	vst v4  }
0x203: {  	v12 =	vshll.u32 v55, $0x10;
	v18 =	vand.u32 $0xFFFF0000, v56;
	v3 =	vld [tilespmem:s0+$0x8230];
	v6 =	vmax.f32 v6, $0.0e+00;
	[tilespmem:s14+$0x92D0] =	vst v7  }
0x204: {  	v14 =	vshll.u32 v59, $0x10;
	v19 =	vshll.u32 v16, $0x10;
	v2 =	vmax.f32 v2, $0.0e+00;
	[tilespmem:s14+$0x93C0] =	vst v6  }
0x205: {  	v13 =	vshll.u32 v17, $0x10;
	v16 =	vshll.u32 v61, $0x10;
	v5 =	vshll.u32 v56, $0x10;
	v7 =	vld [tilespmem:s5+$0x8270];
	[tilespmem:s14+$0x93D0] =	vst v2  }
0x206: {  	v10 =	vand.u32 $0xFFFF0000, v61;
	v11 =	vshll.u32 v46, $0x10;
	v9 =	vadd.f32 v5, v12;
	v4 =	vld [tilespmem:s2+$0x8270]  }
0x207: {  	v8 =	vand.u32 $0xFFFF0000, v59;
	v5 =	vadd.f32 v63, v19;
	v6 =	vadd.f32 v18, v15  }
0x208: {  	s6 =	simm.s32 $0x4000;
	[tilespmem:s14+$0x9370] =	vst v23;
	s0 =	simm.s32 $0x4;
	v15 =	vshll.u32 v48, $0x10;
	v2 =	vadd.f32 v26, v62;
	s2 =	simm.s32 $0x1000;
	v12 =	vshll.u32 v3, $0x10  }
.LBB2_7:
0x209: {  	s13 =	sshra.s32 s2, $0x2;
	s5 =	sadd.s32 $0x1000, s6;
	s17 =	sadd.s32 $0x600, s2;
	v3 =	vand.u32 $0xFFFF0000, v3;
	v11 =	vadd.f32 v13, v11;
	v13 =	vadd.f32 v16, v14  }
0x20a: {  	s12 =	sand.u32 $0x2000, s6;
	v16 =	vshll.u32 v7, $0x10;
	v7 =	vand.u32 $0xFFFF0000, v7;
	v8 =	vadd.f32 v10, v8;
	s19 =	sadd.s32 $0x40, s19;
	s5 =	sand.u32 $0x3000, s5;
	v14 =	vld [tilespmem:s13+$0x4200]  }
0x20b: {  	s22 =	sand.u32 $0x380, s19;
	s18 =	sshrl.u32 s12, $0x2;
	v10 =	vld [tilespmem:s13+$0x6240];
	s5 =	sshrl.u32 s5, $0x2;
	v11 =	vadd.f32 v15, v11;
	v15 =	vshll.u32 v4, $0x10;
	v4 =	vand.u32 $0xFFFF0000, v4  }
0x20c: {  	s0 =	sadd.s32 $0x4, s0;
	v9 =	vadd.f32 v12, v9;
	v1 =	vmax.f32 v1, $0.0e+00;
	s17 =	sand.u32 $0xC00, s17;
	v3 =	vadd.f32 v3, v6;
	v17 =	vld [tilespmem:s13+$0x4100];
	s12 =	sor.u32 s22, s5  }
0x20d: {  	p2 =	slt.u32 s0, $0x3C;
	v5 =	vadd.f32 v16, v5;
	v2 =	vadd.f32 v7, v2;
	s5 =	sor.u32 s22, s18;
	s18 =	sand.u32 $0x800, s2;
	v6 =	vld [tilespmem:s12+$0x8200];
	v7 =	vmax.f32 v11, $0.0e+00;
	[tilespmem:s28+$0x93F0] =	vst v1  }
0x20e: {  	s23 =	sor.u32 s22, s17;
	v9 =	vmax.f32 v9, $0.0e+00;
	s18 =	sor.u32 s22, s18;
	v1 =	vadd.f32 v4, v8;
	s28 =	smov.u32 s14;
	v11 =	vld [tilespmem:s13+$0x6140];
	[tilespmem:s14+$0x9360] =	vst v7;
	v7 =	vadd.f32 v15, v13  }
0x20f: {  	v3 =	vmax.f32 v3, $0.0e+00;
	v5 =	vmax.f32 v5, $0.0e+00;
	v2 =	vmax.f32 v2, $0.0e+00;
	s14 =	smov.u32 s13;
	v4 =	vld [tilespmem:s13+$0x4180];
	[tilespmem:s28+$0x9260] =	vst v9  }
0x210: {  	v9 =	vshll.u32 v14, $0x10;
	v8 =	vld [tilespmem:s14+$0x61C0];
	v12 =	vshll.u32 v10, $0x10;
	[tilespmem:s28+$0x9270] =	vst v3;
	v3 =	vmax.f32 v7, $0.0e+00  }
0x211: {  	v7 =	vand.u32 $0xFFFF0000, v14;
	v10 =	vand.u32 $0xFFFF0000, v10;
	v9 =	vadd.f32 v12, v9;
	v12 =	vld [tilespmem:s14+$0x4280];
	[tilespmem:s28+$0x92E0] =	vst v5  }
0x212: {  	v5 =	vshll.u32 v17, $0x10;
	v7 =	vadd.f32 v10, v7;
	v13 =	vshll.u32 v6, $0x10;
	v10 =	vld [tilespmem:s14+$0x62C0];
	[tilespmem:s28+$0x92F0] =	vst v2  }
0x213: {  	v2 =	vand.u32 $0xFFFF0000, v17;
	v6 =	vand.u32 $0xFFFF0000, v6;
	v14 =	vld [tilespmem:s5+$0x8200];
	v9 =	vadd.f32 v13, v9;
	[tilespmem:s28+$0x93E0] =	vst v3  }
0x214: {  	v3 =	vshll.u32 v11, $0x10;
	v11 =	vand.u32 $0xFFFF0000, v11;
	v6 =	vadd.f32 v6, v7;
	v7 =	vld [tilespmem:s23+$0x8240]  }
0x215: {  	v13 =	vshll.u32 v4, $0x10;
	v4 =	vand.u32 $0xFFFF0000, v4;
	v9 =	vmax.f32 v9, $0.0e+00;
	v15 =	vld [tilespmem:s14+$0x4210]  }
0x216: {  	v16 =	vshll.u32 v8, $0x10;
	v8 =	vand.u32 $0xFFFF0000, v8;
	v6 =	vmax.f32 v6, $0.0e+00;
	[tilespmem:s14+$0x9300] =	vst v9;
	v9 =	vld [tilespmem:s14+$0x6250]  }
0x217: {  	v17 =	vld [tilespmem:s18+$0x8240];
	[tilespmem:s14+$0x9310] =	vst v6;
	v6 =	vshll.u32 v12, $0x10;
	v12 =	vand.u32 $0xFFFF0000, v12;
	v18 =	vshll.u32 v10, $0x10  }
0x218: {  	v3 =	vadd.f32 v3, v5;
	v2 =	vadd.f32 v11, v2;
	v10 =	vand.u32 $0xFFFF0000, v10;
	v5 =	vld [tilespmem:s12+$0x8210]  }
0x219: {  	v13 =	vadd.f32 v16, v13;
	v4 =	vadd.f32 v8, v4;
	v11 =	vshll.u32 v14, $0x10;
	v19 =	vld [tilespmem:s14+$0x4110]  }
0x21a: {  	v8 =	vand.u32 $0xFFFF0000, v14;
	v6 =	vadd.f32 v18, v6;
	v10 =	vadd.f32 v10, v12;
	v14 =	vld [tilespmem:s14+$0x6150]  }
0x21b: {  	v20 =	vshll.u32 v7, $0x10;
	v16 =	vshll.u32 v15, $0x10;
	v12 =	vld [tilespmem:s14+$0x4190];
	v18 =	vshll.u32 v9, $0x10  }
0x21c: {  	v15 =	vand.u32 $0xFFFF0000, v15;
	v9 =	vand.u32 $0xFFFF0000, v9;
	v21 =	vld [tilespmem:s14+$0x61D0];
	v16 =	vadd.f32 v18, v16  }
0x21d: {  	v7 =	vand.u32 $0xFFFF0000, v7;
	v9 =	vadd.f32 v9, v15;
	v18 =	vshll.u32 v5, $0x10;
	v15 =	vld [tilespmem:s14+$0x4290]  }
0x21e: {  	v22 =	vshll.u32 v17, $0x10;
	v5 =	vand.u32 $0xFFFF0000, v5;
	v16 =	vadd.f32 v18, v16;
	v18 =	vld [tilespmem:s14+$0x62D0]  }
0x21f: {  	v3 =	vadd.f32 v11, v3;
	v17 =	vand.u32 $0xFFFF0000, v17;
	v5 =	vadd.f32 v5, v9;
	v11 =	vld [tilespmem:s14+$0x4120]  }
0x220: {  	v2 =	vadd.f32 v8, v2;
	v8 =	vadd.f32 v22, v13;
	v9 =	vmax.f32 v16, $0.0e+00;
	v13 =	vld [tilespmem:s14+$0x4220]  }
0x221: {  	v6 =	vadd.f32 v20, v6;
	v4 =	vadd.f32 v17, v4;
	v5 =	vmax.f32 v5, $0.0e+00;
	[tilespmem:s14+$0x9320] =	vst v9;
	v9 =	vld [tilespmem:s14+$0x6260]  }
0x222: {  	v3 =	vmax.f32 v3, $0.0e+00;
	v2 =	vmax.f32 v2, $0.0e+00;
	v16 =	vld [tilespmem:s14+$0x6160];
	[tilespmem:s14+$0x9330] =	vst v5;
	v5 =	vadd.f32 v7, v10  }
0x223: {  	v6 =	vmax.f32 v6, $0.0e+00;
	v4 =	vmax.f32 v4, $0.0e+00;
	[tilespmem:s14+$0x9200] =	vst v3;
	v3 =	vmax.f32 v8, $0.0e+00;
	v7 =	vld [tilespmem:s12+$0x8220]  }
0x224: {  	v10 =	vand.u32 $0xFFFF0000, v19;
	v8 =	vshll.u32 v19, $0x10;
	[tilespmem:s14+$0x9210] =	vst v2;
	v17 =	vld [tilespmem:s14+$0x41A0];
	v2 =	vmax.f32 v5, $0.0e+00  }
0x225: {  	v5 =	vshll.u32 v14, $0x10;
	v14 =	vand.u32 $0xFFFF0000, v14;
	v19 =	vld [tilespmem:s5+$0x8210];
	[tilespmem:s14+$0x9280] =	vst v3;
	v3 =	vshll.u32 v12, $0x10  }
0x226: {  	v20 =	vshll.u32 v13, $0x10;
	[tilespmem:s14+$0x9290] =	vst v4;
	v4 =	vand.u32 $0xFFFF0000, v12;
	v12 =	vld [tilespmem:s14+$0x61E0];
	v22 =	vshll.u32 v9, $0x10  }
0x227: {  	v13 =	vand.u32 $0xFFFF0000, v13;
	v9 =	vand.u32 $0xFFFF0000, v9;
	v23 =	vld [tilespmem:s18+$0x8250];
	v20 =	vadd.f32 v22, v20;
	[tilespmem:s14+$0x9380] =	vst v6  }
0x228: {  	v6 =	vshll.u32 v21, $0x10;
	v9 =	vadd.f32 v9, v13;
	v22 =	vshll.u32 v7, $0x10;
	[tilespmem:s14+$0x9390] =	vst v2;
	v13 =	vld [tilespmem:s14+$0x42A0]  }
0x229: {  	v21 =	vand.u32 $0xFFFF0000, v21;
	v2 =	vand.u32 $0xFFFF0000, v7;
	v7 =	vadd.f32 v22, v20;
	v20 =	vld [tilespmem:s23+$0x8250]  }
0x22a: {  	v9 =	vadd.f32 v2, v9;
	v22 =	vshll.u32 v15, $0x10;
	v15 =	vand.u32 $0xFFFF0000, v15;
	v24 =	vld [tilespmem:s14+$0x62E0]  }
0x22b: {  	v25 =	vshll.u32 v18, $0x10;
	v18 =	vand.u32 $0xFFFF0000, v18;
	v7 =	vmax.f32 v7, $0.0e+00;
	v2 =	vld [tilespmem:s14+$0x4230]  }
0x22c: {  	v5 =	vadd.f32 v5, v8;
	v8 =	vadd.f32 v14, v10;
	[tilespmem:s14+$0x9340] =	vst v7;
	v7 =	vmax.f32 v9, $0.0e+00;
	v9 =	vld [tilespmem:s14+$0x6270]  }
0x22d: {  	v3 =	vadd.f32 v6, v3;
	v4 =	vadd.f32 v21, v4;
	v10 =	vshll.u32 v19, $0x10;
	v14 =	vld [tilespmem:s14+$0x4130];
	[tilespmem:s14+$0x9350] =	vst v7  }
0x22e: {  	v6 =	vand.u32 $0xFFFF0000, v19;
	v15 =	vadd.f32 v18, v15;
	v7 =	vadd.f32 v25, v22;
	v19 =	vld [tilespmem:s12+$0x8230]  }
0x22f: {  	v21 =	vshll.u32 v23, $0x10;
	v22 =	vand.u32 $0xFFFF0000, v23;
	v23 =	vshll.u32 v20, $0x10;
	v18 =	vld [tilespmem:s14+$0x6170]  }
0x230: {  	v5 =	vadd.f32 v10, v5;
	v6 =	vadd.f32 v6, v8;
	v10 =	vand.u32 $0xFFFF0000, v20;
	v8 =	vld [tilespmem:s14+$0x41B0]  }
0x231: {  	v3 =	vadd.f32 v21, v3;
	v21 =	vand.u32 $0xFFFF0000, v2;
	v20 =	vld [tilespmem:s14+$0x61F0];
	v25 =	vand.u32 $0xFFFF0000, v9  }
0x232: {  	v5 =	vmax.f32 v5, $0.0e+00;
	v4 =	vadd.f32 v22, v4;
	v21 =	vadd.f32 v25, v21;
	v22 =	vld [tilespmem:s14+$0x42B0]  }
0x233: {  	v7 =	vadd.f32 v23, v7;
	v10 =	vadd.f32 v10, v15;
	[tilespmem:s14+$0x9220] =	vst v5;
	v5 =	vand.u32 $0xFFFF0000, v19;
	v15 =	vld [tilespmem:s14+$0x62F0]  }
0x234: {  	v6 =	vmax.f32 v6, $0.0e+00;
	v3 =	vmax.f32 v3, $0.0e+00;
	v5 =	vadd.f32 v5, v21  }
0x235: {  	v4 =	vmax.f32 v4, $0.0e+00;
	[tilespmem:s14+$0x9230] =	vst v6;
	v6 =	vmax.f32 v7, $0.0e+00;
	v7 =	vmax.f32 v10, $0.0e+00  }
0x236: {  	v10 =	vshll.u32 v11, $0x10;
	v11 =	vand.u32 $0xFFFF0000, v11;
	v21 =	vld [tilespmem:s5+$0x8220];
	[tilespmem:s14+$0x92A0] =	vst v3;
	v3 =	vmax.f32 v5, $0.0e+00  }
0x237: {  	v23 =	vshll.u32 v17, $0x10;
	v5 =	vshll.u32 v16, $0x10;
	v16 =	vand.u32 $0xFFFF0000, v16;
	[tilespmem:s14+$0x9370] =	vst v3  }
0x238: {  	v3 =	vand.u32 $0xFFFF0000, v17;
	[tilespmem:s14+$0x92B0] =	vst v4;
	v4 =	vshll.u32 v12, $0x10;
	v12 =	vand.u32 $0xFFFF0000, v12  }
0x239: {  	v25 =	vshll.u32 v24, $0x10;
	v17 =	vld [tilespmem:s18+$0x8260];
	[tilespmem:s14+$0x93A0] =	vst v6;
	v6 =	vshll.u32 v13, $0x10;
	v13 =	vand.u32 $0xFFFF0000, v13  }
0x23a: {  	v5 =	vadd.f32 v5, v10;
	v10 =	vadd.f32 v16, v11;
	[tilespmem:s14+$0x93B0] =	vst v7;
	v7 =	vand.u32 $0xFFFF0000, v24  }
0x23b: {  	v4 =	vadd.f32 v4, v23;
	v3 =	vadd.f32 v12, v3;
	v11 =	vshll.u32 v21, $0x10;
	v12 =	vld [tilespmem:s23+$0x8260]  }
0x23c: {  	v6 =	vadd.f32 v25, v6;
	v16 =	vand.u32 $0xFFFF0000, v21;
	v7 =	vadd.f32 v7, v13  }
0x23d: {  	v21 =	vshll.u32 v14, $0x10;
	v5 =	vadd.f32 v11, v5;
	v10 =	vadd.f32 v16, v10  }
0x23e: {  	v23 =	vand.u32 $0xFFFF0000, v14;
	v11 =	vshll.u32 v17, $0x10;
	v13 =	vand.u32 $0xFFFF0000, v17  }
0x23f: {  	v5 =	vmax.f32 v5, $0.0e+00;
	v4 =	vadd.f32 v11, v4;
	v11 =	vadd.f32 v13, v3  }
0x240: {  	v3 =	vmax.f32 v10, $0.0e+00;
	[tilespmem:s14+$0x9240] =	vst v5;
	v5 =	vshll.u32 v12, $0x10;
	v10 =	vand.u32 $0xFFFF0000, v12  }
0x241: {  	[tilespmem:s14+$0x9250] =	vst v3;
	v4 =	vmax.f32 v4, $0.0e+00;
	v5 =	vadd.f32 v5, v6;
	v6 =	vadd.f32 v10, v7  }
0x242: {  	v17 =	vand.u32 $0xFFFF0000, v18;
	v12 =	vshll.u32 v18, $0x10;
	v3 =	vld [tilespmem:s5+$0x8230];
	[tilespmem:s14+$0x92C0] =	vst v4;
	v4 =	vmax.f32 v11, $0.0e+00  }
0x243: {  	v18 =	vshll.u32 v8, $0x10;
	[tilespmem:s14+$0x92D0] =	vst v4;
	v4 =	vmax.f32 v5, $0.0e+00;
	v5 =	vmax.f32 v6, $0.0e+00  }
.Ltmp4:
0x244: {  	v24 =	vand.u32 $0xFFFF0000, v8;
	v25 =	vshll.u32 v20, $0x10;
	v20 =	vand.u32 $0xFFFF0000, v20;
	v7 =	vld [tilespmem:s18+$0x8270];
	[tilespmem:s14+$0x93C0] =	vst v4;
	(pc) =	sbr.rel @p2 .LBB2_7-.Ltmp4, $4  }
0x245: {  	v14 =	vshll.u32 v22, $0x10;
	v13 =	vshll.u32 v9, $0x10;
	v11 =	vshll.u32 v2, $0x10;
	[tilespmem:s14+$0x93D0] =	vst v5  }
0x246: {  	v16 =	vshll.u32 v15, $0x10;
	v8 =	vand.u32 $0xFFFF0000, v22;
	v10 =	vand.u32 $0xFFFF0000, v15;
	v4 =	vld [tilespmem:s23+$0x8270]  }
0x247: {  	v9 =	vadd.f32 v12, v21;
	v15 =	vshll.u32 v19, $0x10;
	v6 =	vadd.f32 v17, v23  }
0x248: {  	s6 =	sadd.s32 $0x2000, s6;
	s2 =	sadd.s32 $0x800, s2;
	v2 =	vadd.f32 v20, v24;
	v5 =	vadd.f32 v25, v18;
	v12 =	vshll.u32 v3, $0x10  }
0x249: {  	v11 =	vadd.f32 v13, v11  }
0x24a: {  	v3 =	vand.u32 $0xFFFF0000, v3;
	v57 =	vadd.f32 v16, v14;
	v9 =	vadd.f32 v12, v9  }
0x24b: {  	v58 =	vshll.u32 v7, $0x10;
	v1 =	vmax.f32 v1, $0.0e+00;
	v3 =	vadd.f32 v3, v6  }
0x24c: {  	v59 =	vand.u32 $0xFFFF0000, v7;
	[tilespmem:s28+$0x93F0] =	vst v1;
	v5 =	vadd.f32 v58, v5;
	v61 =	vmax.f32 v9, $0.0e+00  }
0x24d: {  	v1 =	vadd.f32 v10, v8;
	v2 =	vadd.f32 v59, v2;
	[tilespmem:s14+$0x9260] =	vst v61;
	v3 =	vmax.f32 v3, $0.0e+00  }
0x24e: {  	v11 =	vadd.f32 v15, v11;
	v62 =	vshll.u32 v4, $0x10;
	v5 =	vmax.f32 v5, $0.0e+00;
	[tilespmem:s14+$0x9270] =	vst v3  }
0x24f: {  	v63 =	vand.u32 $0xFFFF0000, v4;
	v6 =	vadd.f32 v62, v57;
	v2 =	vmax.f32 v2, $0.0e+00;
	[tilespmem:s14+$0x92E0] =	vst v5  }
0x250: {  	v1 =	vadd.f32 v63, v1;
	v60 =	vmax.f32 v11, $0.0e+00;
	[tilespmem:s14+$0x92F0] =	vst v2  }
0x251: {  	[tilespmem:s14+$0x9360] =	vst v60;
	v3 =	vmax.f32 v6, $0.0e+00  }
0x252: {  	s0 =	sshll.u32 @!p1 s26, $0x9;
	s2 =	simm.s32 @!p1 $0x0;
	v1 =	vmax.f32 v1, $0.0e+00;
	[tilespmem:s14+$0x93E0] =	vst v3  }
0x253: {  	s5 =	simm.s32 @!p1 $0x8200;
	s25 =	sadd.s32 $0x1, s25;
	s0 =	sadd.s32 @!p1 s0, s21;
	[tilespmem:s14+$0x93F0] =	vst v1  }
0x254: {  	[tilespmem:s5], [sflag:$0x5] =	stream.linear.gather @!p1 [hbm4b:s0+s2], $0x1000, $0x38;
	[tilespmem:$0x1EE80] =	vst v63  }
0x255: {  	p1 =	sne.s32 s25, $0x4E  }
.Ltmp5:
0x256: {  	_ = 	snop;
	(pc) =	sbr.rel @p1 .LBB2_4-.Ltmp5, $4  }
0x257: {  	[spmem:s4] =	stream.indirect.scatter.add.f32 [tilespmem:s30], [sflag:$0x6], $0x80, s15, s7, $0xb8;
	[tilespmem:$0x1EE80] =	vst v63  }
0x258: {  	_ =	swait.ge [sflag:s31], $0x2000  }
0x259: {  	[sflag:s31] =	ssyncset.done $0x0  }
0x25a: {  	[sflag:s31] =	ssyncadd.s32 $0xFFFFE000  }
.Ltmp6:
0x25b: {  	(pc) =	sbr.rel @p0 .LBB2_13-.Ltmp6, $2  }
0x25c: {  	_ =	sdelay $0x2  }
0x25d: {  	s6 =	rddreg [dreg:$0x1a]  }
0x25e: {  	s0 =	simm.s32 $0x0;
	s2 =	rddreg [dreg:$0x13];
	s5 =	simm.s32 $0x4000  }
0x25f: {  	[tilespmem:s5], [sflag:$0x1] =	stream.linear.gather [hbm4b:s2+s0], $0x40, $0x38;
	[tilespmem:$0x1EE80] =	vst v63  }
0x260: {  	s28 =	rddreg [dreg:$0x14];
	s6 =	simm.s32 $0x4080;
	s29 =	simm.s32 $0x1  }
0x261: {  	[tilespmem:s6], [sflag:$0x1] =	stream.linear.gather [hbm4b:s28+s0], $0x40, $0x38;
	[tilespmem:$0x1EE80] =	vst v63  }
0x262: {  	_ =	swait.ge [sflag:s29], $0x40  }
0x263: {  	[sflag:s29] =	ssyncset.done $0x0  }
0x264: {  	[sflag:s29] =	ssyncadd.s32 $0xFFFFFFC0  }
0x265: {  	_ =	swait.ge [sflag:s29], $0x40  }
0x266: {  	[sflag:s29] =	ssyncset.done $0x0  }
0x267: {  	[sflag:s29] =	ssyncadd.s32 $0xFFFFFFC0  }
0x268: {  	[tilespmem:s0], [sflag:$0x2] =	stream.indirect.gather [hbm4b:s1+s7], $0x80, s6, s7, $0xb8;
	[tilespmem:$0x1EE80] =	vst v63  }
0x269: {  	s6 =	simm.s32 $0x2000  }
0x26a: {  	[tilespmem:s6], [sflag:$0x2] =	stream.indirect.gather [hbm4b:s1+s7], $0x80, s5, s7, $0xb8;
	[tilespmem:$0x1EE80] =	vst v63  }
0x26b: {  	s12 =	rddreg [dreg:$0x10]  }
0x26c: {  	[tilespmem:s8], [sflag:$0x5] =	stream.linear.gather [hbm4b:s12+s0], $0x1000, $0x38;
	[tilespmem:$0x1EE80] =	vst v63  }
0x26d: {  	_ =	swait.ge [sflag:s9], $0x2000  }
0x26e: {  	[sflag:s9] =	ssyncset.done $0x0  }
0x26f: {  	[sflag:s9] =	ssyncadd.s32 $0xFFFFE000  }
0x270: {  	_ =	swait.ge [sflag:s9], $0x2000  }
0x271: {  	[sflag:s9] =	ssyncset.done $0x0  }
0x272: {  	[sflag:s9] =	ssyncadd.s32 $0xFFFFE000  }
0x273: {  	_ =	swait.ge [sflag:s10], $0x1000  }
0x274: {  	[sflag:s10] =	ssyncset.done $0x0  }
0x275: {  	[sflag:s10] =	ssyncadd.s32 $0xFFFFF000  }
0x276: {  	v1 =	vld [tilespmem:$0x4080]  }
0x277: {  	v2 =	vld [tilespmem:$0x4090]  }
0x278: {  	v3 =	vld [tilespmem:$0x40A0]  }
0x279: {  	v4 =	vld [tilespmem:$0x40B0];
	_ =	sdelay $0x1  }
0x27a: {  	[tilespmem:$0xB200] =	vst v1  }
0x27b: {  	[tilespmem:$0xB210] =	vst v2  }
0x27c: {  	s13 =	simm.s32 $0x1000;
	[tilespmem:$0xB220] =	vst v3  }
0x27d: {  	s24 =	simm.s32 $0x0;
	s2 =	sand.u32 $0x3000, s13;
	[tilespmem:$0xB230] =	vst v4  }
0x27e: {  	s14 =	sand.u32 $0x380, s0;
	s2 =	sshrl.u32 s2, $0x2;
	v1 =	vld [tilespmem:s24+$0x100]  }
0x27f: {  	s17 =	sor.u32 s14, s2;
	v2 =	vld [tilespmem:s24+$0x2140]  }
0x280: {  	v3 =	vld [tilespmem:s17+$0x8200]  }
0x281: {  	s18 =	sand.u32 $0x2000, s0;
	v4 =	vld [tilespmem:s24+$0x0]  }
0x282: {  	s2 =	sshrl.u32 s18, $0x2;
	v7 =	vld [tilespmem:s24+$0x2040]  }
0x283: {  	s2 =	sor.u32 s14, s2;
	s12 =	simm.s32 $0x600;
	v9 =	vld [tilespmem:s24+$0x20C0]  }
0x284: {  	s13 =	sand.u32 $0x800, s0;
	s12 =	sand.u32 $0xC00, s12;
	v14 =	vld [tilespmem:s2+$0x8200]  }
0x285: {  	s5 =	sor.u32 s14, s13;
	s19 =	sor.u32 s14, s12;
	s14 =	simm.s32 $0x200;
	v19 =	vld [tilespmem:s24+$0x2050]  }
0x286: {  	v29 =	vld [tilespmem:s14+$0x180];
	v5 =	vshll.u32 v1, $0x10  }
0x287: {  	v27 =	vld [tilespmem:s14+$0x2050];
	v6 =	vshll.u32 v2, $0x10;
	v1 =	vand.u32 $0xFFFF0000, v1;
	v2 =	vand.u32 $0xFFFF0000, v2  }
0x288: {  	v46 =	vld [tilespmem:s14+$0x130];
	v8 =	vshll.u32 v3, $0x10;
	v3 =	vand.u32 $0xFFFF0000, v3;
	v11 =	vshll.u32 v7, $0x10  }
0x289: {  	v10 =	vld [tilespmem:s24+$0x2150];
	v7 =	vand.u32 $0xFFFF0000, v7;
	v12 =	vshll.u32 v9, $0x10;
	v5 =	vadd.f32 v6, v5  }
0x28a: {  	v9 =	vand.u32 $0xFFFF0000, v9;
	v18 =	vshll.u32 v14, $0x10;
	v6 =	vld [tilespmem:s24+$0x80];
	v1 =	vadd.f32 v2, v1  }
0x28b: {  	v20 =	vshll.u32 v19, $0x10;
	v19 =	vand.u32 $0xFFFF0000, v19;
	v2 =	vadd.f32 v8, v5;
	v5 =	vld [tilespmem:s24+$0x180]  }
0x28c: {  	v31 =	vshll.u32 v29, $0x10;
	v42 =	vshll.u32 v27, $0x10;
	v1 =	vadd.f32 v3, v1;
	v3 =	vld [tilespmem:s24+$0x110]  }
0x28d: {  	v27 =	vand.u32 $0xFFFF0000, v27;
	v53 =	vand.u32 $0xFFFF0000, v46;
	v8 =	vld [tilespmem:s24+$0x21C0];
	v2 =	vmax.f32 v2, $0.0e+00  }
0x28e: {  	v1 =	vmax.f32 v1, $0.0e+00;
	[tilespmem:s24+$0x9300] =	vst v2;
	v2 =	vshll.u32 v4, $0x10;
	v4 =	vand.u32 $0xFFFF0000, v4  }
0x28f: {  	[tilespmem:s24+$0x9310] =	vst v1;
	v1 =	vshll.u32 v6, $0x10;
	v6 =	vand.u32 $0xFFFF0000, v6;
	v2 =	vadd.f32 v11, v2  }
0x290: {  	v13 =	vld [tilespmem:s17+$0x8210];
	v4 =	vadd.f32 v7, v4;
	v1 =	vadd.f32 v12, v1;
	v12 =	vshll.u32 v10, $0x10  }
0x291: {  	v6 =	vadd.f32 v9, v6;
	v10 =	vand.u32 $0xFFFF0000, v10;
	v15 =	vshll.u32 v5, $0x10  }
0x292: {  	v17 =	vld [tilespmem:s5+$0x8240];
	v5 =	vand.u32 $0xFFFF0000, v5;
	v16 =	vshll.u32 v8, $0x10;
	v11 =	vshll.u32 v3, $0x10  }
0x293: {  	v7 =	vld [tilespmem:s19+$0x8240];
	v8 =	vand.u32 $0xFFFF0000, v8;
	v3 =	vand.u32 $0xFFFF0000, v3;
	v9 =	vadd.f32 v12, v11  }
0x294: {  	v3 =	vadd.f32 v10, v3;
	v10 =	vand.u32 $0xFFFF0000, v14;
	v14 =	vld [tilespmem:s24+$0x90];
	v2 =	vadd.f32 v18, v2  }
0x295: {  	v5 =	vadd.f32 v8, v5;
	v4 =	vadd.f32 v10, v4;
	v10 =	vld [tilespmem:s24+$0x2160];
	v12 =	vshll.u32 v13, $0x10  }
0x296: {  	v28 =	vld [tilespmem:s14+$0x20C0];
	v2 =	vmax.f32 v2, $0.0e+00;
	v13 =	vand.u32 $0xFFFF0000, v13;
	v9 =	vadd.f32 v12, v9  }
0x297: {  	v11 =	vld [tilespmem:s24+$0x10];
	v4 =	vmax.f32 v4, $0.0e+00;
	v12 =	vadd.f32 v16, v15;
	v3 =	vadd.f32 v13, v3  }
0x298: {  	v13 =	vshll.u32 v7, $0x10;
	v15 =	vld [tilespmem:s24+$0x20D0];
	v16 =	vshll.u32 v17, $0x10;
	v7 =	vand.u32 $0xFFFF0000, v7  }
0x299: {  	[tilespmem:s24+$0x9210] =	vst v4;
	v4 =	vld [tilespmem:s24+$0xA0];
	v1 =	vadd.f32 v16, v1;
	v5 =	vadd.f32 v7, v5;
	v8 =	vmax.f32 v9, $0.0e+00  }
0x29a: {  	v21 =	vshll.u32 v14, $0x10;
	v9 =	vld [tilespmem:s24+$0x120];
	v3 =	vmax.f32 v3, $0.0e+00;
	v18 =	vshll.u32 v10, $0x10;
	[tilespmem:s24+$0x9320] =	vst v8  }
0x29b: {  	v8 =	vand.u32 $0xFFFF0000, v17;
	[tilespmem:s24+$0x9330] =	vst v3;
	v3 =	vadd.f32 v13, v12;
	v1 =	vmax.f32 v1, $0.0e+00  }
0x29c: {  	v13 =	vshll.u32 v11, $0x10;
	v11 =	vand.u32 $0xFFFF0000, v11;
	v6 =	vadd.f32 v8, v6;
	v8 =	vld [tilespmem:s17+$0x8220]  }
0x29d: {  	[tilespmem:s24+$0x9200] =	vst v2;
	v2 =	vmax.f32 v5, $0.0e+00;
	v13 =	vadd.f32 v20, v13;
	v11 =	vadd.f32 v19, v11  }
0x29e: {  	v17 =	vld [tilespmem:s24+$0x190];
	[tilespmem:s24+$0x9390] =	vst v2;
	v20 =	vand.u32 $0xFFFF0000, v28;
	v3 =	vmax.f32 v3, $0.0e+00;
	v2 =	vand.u32 $0xFFFF0000, v15  }
0x29f: {  	v16 =	vld [tilespmem:s24+$0x21D0];
	[tilespmem:s24+$0x9280] =	vst v1;
	v22 =	vshll.u32 v4, $0x10;
	v6 =	vmax.f32 v6, $0.0e+00;
	v5 =	vshll.u32 v9, $0x10  }
0x2a0: {  	[tilespmem:s24+$0x9380] =	vst v3;
	v1 =	vand.u32 $0xFFFF0000, v9;
	v9 =	vand.u32 $0xFFFF0000, v10;
	v5 =	vadd.f32 v18, v5  }
0x2a1: {  	v3 =	vshll.u32 v15, $0x10;
	[tilespmem:s24+$0x9290] =	vst v6;
	v18 =	vld [tilespmem:s2+$0x8210];
	v1 =	vadd.f32 v9, v1;
	v10 =	vshll.u32 v8, $0x10  }
0x2a2: {  	v6 =	vand.u32 $0xFFFF0000, v14;
	v9 =	vld [tilespmem:s5+$0x8250];
	v8 =	vand.u32 $0xFFFF0000, v8;
	v5 =	vadd.f32 v10, v5  }
0x2a3: {  	v3 =	vadd.f32 v3, v21;
	v14 =	vshll.u32 v17, $0x10;
	v1 =	vadd.f32 v8, v1  }
0x2a4: {  	v15 =	vand.u32 $0xFFFF0000, v17;
	v17 =	vshll.u32 v16, $0x10;
	v10 =	vld [tilespmem:s19+$0x8250];
	v5 =	vmax.f32 v5, $0.0e+00  }
0x2a5: {  	v21 =	vand.u32 $0xFFFF0000, v29;
	v14 =	vadd.f32 v17, v14;
	v8 =	vld [tilespmem:s24+$0x130];
	v1 =	vmax.f32 v1, $0.0e+00;
	[tilespmem:s24+$0x9340] =	vst v5  }
0x2a6: {  	v5 =	vand.u32 $0xFFFF0000, v16;
	v19 =	vshll.u32 v18, $0x10;
	[tilespmem:s24+$0x9350] =	vst v1;
	v1 =	vadd.f32 v2, v6  }
0x2a7: {  	v7 =	vld [tilespmem:s24+$0x2060];
	v2 =	vand.u32 $0xFFFF0000, v18;
	v5 =	vadd.f32 v5, v15;
	v15 =	vshll.u32 v9, $0x10  }
0x2a8: {  	v16 =	vld [tilespmem:s24+$0x2170];
	v9 =	vand.u32 $0xFFFF0000, v9;
	v13 =	vadd.f32 v19, v13;
	v2 =	vadd.f32 v2, v11  }
0x2a9: {  	v12 =	vld [tilespmem:s24+$0x20];
	v59 =	vshll.u32 v10, $0x10;
	v10 =	vand.u32 $0xFFFF0000, v10;
	v3 =	vadd.f32 v15, v3  }
0x2aa: {  	v6 =	vld [tilespmem:s17+$0x8230];
	v15 =	vand.u32 $0xFFFF0000, v8;
	v1 =	vadd.f32 v9, v1;
	v8 =	vshll.u32 v8, $0x10  }
0x2ab: {  	v17 =	vld [tilespmem:s24+$0x20E0];
	v14 =	vadd.f32 v59, v14;
	v5 =	vadd.f32 v10, v5;
	v2 =	vmax.f32 v2, $0.0e+00  }
0x2ac: {  	v18 =	vld [tilespmem:s24+$0x1A0];
	v13 =	vmax.f32 v13, $0.0e+00;
	v3 =	vmax.f32 v3, $0.0e+00;
	[tilespmem:s24+$0x9230] =	vst v2;
	v1 =	vmax.f32 v1, $0.0e+00  }
0x2ad: {  	v11 =	vld [tilespmem:s24+$0x21E0];
	v60 =	vand.u32 $0xFFFF0000, v16;
	v2 =	vmax.f32 v14, $0.0e+00;
	v5 =	vmax.f32 v5, $0.0e+00;
	[tilespmem:s24+$0x92A0] =	vst v3  }
0x2ae: {  	v23 =	vld [tilespmem:s24+$0x21F0];
	v14 =	vshll.u32 v12, $0x10;
	v12 =	vand.u32 $0xFFFF0000, v12;
	[tilespmem:s24+$0x92B0] =	vst v1;
	v15 =	vadd.f32 v60, v15  }
0x2af: {  	[tilespmem:s24+$0x9220] =	vst v13;
	v3 =	vshll.u32 v7, $0x10;
	v7 =	vand.u32 $0xFFFF0000, v7;
	v61 =	vand.u32 $0xFFFF0000, v6;
	v24 =	vld [tilespmem:s5+$0x8260]  }
0x2b0: {  	v1 =	vand.u32 $0xFFFF0000, v4;
	v4 =	vshll.u32 v17, $0x10;
	v13 =	vadd.f32 v61, v15;
	v15 =	vld [tilespmem:s2+$0x8220]  }
0x2b1: {  	v17 =	vand.u32 $0xFFFF0000, v17;
	[tilespmem:s24+$0x93A0] =	vst v2;
	v2 =	vshll.u32 v18, $0x10;
	v18 =	vand.u32 $0xFFFF0000, v18  }
0x2b2: {  	v25 =	vshll.u32 v11, $0x10;
	v3 =	vadd.f32 v3, v14;
	v7 =	vadd.f32 v7, v12  }
0x2b3: {  	v19 =	vld [tilespmem:s24+$0x30];
	[tilespmem:s24+$0x93B0] =	vst v5;
	v5 =	vand.u32 $0xFFFF0000, v11;
	v4 =	vadd.f32 v4, v22;
	v1 =	vadd.f32 v17, v1  }
0x2b4: {  	v6 =	vshll.u32 v6, $0x10;
	v12 =	vld [tilespmem:s19+$0x8260];
	v5 =	vadd.f32 v5, v18;
	v17 =	vand.u32 $0xFFFF0000, v24  }
0x2b5: {  	v62 =	vld [tilespmem:s24+$0xB0];
	v1 =	vadd.f32 v17, v1;
	v17 =	vshll.u32 v23, $0x10;
	v11 =	vshll.u32 v15, $0x10  }
0x2b6: {  	v10 =	vld [tilespmem:s24+$0x20F0];
	v14 =	vand.u32 $0xFFFF0000, v15;
	v15 =	vadd.f32 v25, v2;
	v3 =	vadd.f32 v11, v3  }
0x2b7: {  	v2 =	vmax.f32 v13, $0.0e+00;
	v7 =	vadd.f32 v14, v7;
	v14 =	vshll.u32 v24, $0x10  }
0x2b8: {  	v9 =	vld [tilespmem:s24+$0x2070];
	v13 =	vand.u32 $0xFFFF0000, v19;
	v4 =	vadd.f32 v14, v4;
	v3 =	vmax.f32 v3, $0.0e+00  }
0x2b9: {  	v1 =	vmax.f32 v1, $0.0e+00;
	[tilespmem:s24+$0x9240] =	vst v3;
	v3 =	vmax.f32 v7, $0.0e+00;
	v7 =	vshll.u32 v12, $0x10  }
0x2ba: {  	v63 =	vld [tilespmem:s24+$0x1B0];
	v12 =	vand.u32 $0xFFFF0000, v12;
	[tilespmem:s24+$0x9250] =	vst v3;
	v3 =	vmax.f32 v4, $0.0e+00;
	v4 =	vadd.f32 v7, v15  }
0x2bb: {  	[tilespmem:s24+$0x92D0] =	vst v1;
	v1 =	vshll.u32 v62, $0x10;
	v14 =	vshll.u32 v10, $0x10;
	v5 =	vadd.f32 v12, v5  }
0x2bc: {  	v11 =	vshll.u32 v19, $0x10;
	v1 =	vadd.f32 v14, v1;
	v14 =	vld [tilespmem:s14+$0x2140];
	[tilespmem:s24+$0x92C0] =	vst v3;
	v4 =	vmax.f32 v4, $0.0e+00  }
0x2bd: {  	v7 =	vshll.u32 v9, $0x10;
	v3 =	vand.u32 $0xFFFF0000, v9;
	v9 =	vld [tilespmem:s2+$0x8230];
	v5 =	vmax.f32 v5, $0.0e+00;
	[tilespmem:s24+$0x93C0] =	vst v4  }
0x2be: {  	v19 =	vand.u32 $0xFFFF0000, v23;
	v15 =	vshll.u32 v16, $0x10;
	v4 =	vand.u32 $0xFFFF0000, v10;
	v10 =	vld [tilespmem:s5+$0x8270];
	[tilespmem:s24+$0x93D0] =	vst v5  }
0x2bf: {  	v16 =	vand.u32 $0xFFFF0000, v63;
	v7 =	vadd.f32 v7, v11;
	v8 =	vadd.f32 v15, v8;
	v18 =	vld [tilespmem:s19+$0x8270]  }
0x2c0: {  	s22 =	simm.s32 $0x3000;
	v12 =	vand.u32 $0xFFFF0000, v62;
	v11 =	vld [tilespmem:s14+$0x100];
	v16 =	vadd.f32 v19, v16;
	v3 =	vadd.f32 v3, v13  }
0x2c1: {  	s0 =	sand.u32 $0x3000, s22;
	v5 =	vshll.u32 v63, $0x10;
	v6 =	vadd.f32 v6, v8;
	s19 =	simm.s32 $0x40;
	v4 =	vadd.f32 v4, v12  }
0x2c2: {  	s29 =	simm.s32 $0x800;
	s0 =	sshrl.u32 s0, $0x2;
	v12 =	vadd.f32 v17, v5;
	s23 =	sand.u32 $0x380, s19;
	v13 =	vshll.u32 v9, $0x10;
	v9 =	vand.u32 $0xFFFF0000, v9  }
0x2c3: {  	s12 =	sand.u32 $0x800, s29;
	s25 =	sor.u32 s23, s0;
	v7 =	vadd.f32 v13, v7;
	v3 =	vadd.f32 v9, v3;
	v5 =	vshll.u32 v10, $0x10  }
0x2c4: {  	s5 =	sor.u32 s23, s12;
	v15 =	vld [tilespmem:s25+$0x8200];
	v10 =	vand.u32 $0xFFFF0000, v10;
	v8 =	vshll.u32 v18, $0x10;
	v17 =	vand.u32 $0xFFFF0000, v18  }
0x2c5: {  	v33 =	vld [tilespmem:s5+$0x8240];
	v9 =	vadd.f32 v5, v1;
	v1 =	vshll.u32 v11, $0x10;
	v5 =	vshll.u32 v14, $0x10  }
0x2c6: {  	v13 =	vld [tilespmem:s14+$0x2040];
	v10 =	vadd.f32 v10, v4;
	v4 =	vmax.f32 v6, $0.0e+00;
	v6 =	vand.u32 $0xFFFF0000, v11  }
0x2c7: {  	v18 =	vld [tilespmem:s14+$0x0];
	v11 =	vand.u32 $0xFFFF0000, v14;
	v1 =	vadd.f32 v5, v1;
	v12 =	vadd.f32 v8, v12  }
0x2c8: {  	v19 =	vld [tilespmem:s14+$0x80];
	v5 =	vmax.f32 v7, $0.0e+00;
	v6 =	vadd.f32 v11, v6;
	v7 =	vmax.f32 v3, $0.0e+00  }
0x2c9: {  	v14 =	vshll.u32 v15, $0x10;
	v8 =	vand.u32 $0xFFFF0000, v15;
	v3 =	vmax.f32 v12, $0.0e+00;
	v12 =	vld [tilespmem:s14+$0x2150]  }
0x2ca: {  	s26 =	simm.s32 $0x2000;
	v25 =	vand.u32 $0xFFFF0000, v33;
	v11 =	vadd.f32 v14, v1;
	v1 =	vadd.f32 v17, v16;
	v14 =	vld [tilespmem:s14+$0x21C0]  }
0x2cb: {  	s0 =	sand.u32 $0x2000, s26;
	v15 =	vadd.f32 v8, v6;
	v16 =	vld [tilespmem:s14+$0x110];
	v8 =	vmax.f32 v9, $0.0e+00;
	v6 =	vmax.f32 v10, $0.0e+00  }
0x2cc: {  	s0 =	sshrl.u32 s0, $0x2;
	v17 =	vshll.u32 v13, $0x10;
	v13 =	vand.u32 $0xFFFF0000, v13;
	v9 =	vshll.u32 v18, $0x10  }
0x2cd: {  	s0 =	sor.u32 s23, s0;
	v10 =	vand.u32 $0xFFFF0000, v18;
	v18 =	vshll.u32 v19, $0x10;
	v11 =	vmax.f32 v11, $0.0e+00  }
0x2ce: {  	v9 =	vadd.f32 v17, v9;
	v10 =	vadd.f32 v13, v10;
	[tilespmem:s14+$0x9300] =	vst v11;
	v11 =	vmax.f32 v15, $0.0e+00;
	v15 =	vld [tilespmem:s0+$0x8200]  }
0x2cf: {  	s28 =	simm.s32 $0xE00;
	v35 =	vld [tilespmem:s14+$0x90];
	[tilespmem:s14+$0x9310] =	vst v11;
	v11 =	vand.u32 $0xFFFF0000, v19;
	v19 =	vshll.u32 v28, $0x10;
	v32 =	vshll.u32 v14, $0x10  }
0x2d0: {  	s2 =	sand.u32 $0xC00, s28;
	v30 =	vld [tilespmem:s25+$0x8210];
	v17 =	vadd.f32 v19, v18;
	v18 =	vshll.u32 v16, $0x10;
	v19 =	vshll.u32 v12, $0x10  }
0x2d1: {  	v38 =	vld [tilespmem:s14+$0x120];
	s2 =	sor.u32 s23, s2;
	v11 =	vadd.f32 v20, v11;
	v16 =	vand.u32 $0xFFFF0000, v16;
	v12 =	vand.u32 $0xFFFF0000, v12  }
0x2d2: {  	v13 =	vand.u32 $0xFFFF0000, v14;
	v14 =	vld [tilespmem:s2+$0x8240];
	v18 =	vadd.f32 v19, v18;
	v12 =	vadd.f32 v12, v16  }
0x2d3: {  	v41 =	vld [tilespmem:s14+$0x190];
	v11 =	vadd.f32 v25, v11;
	v26 =	vshll.u32 v15, $0x10;
	v15 =	vand.u32 $0xFFFF0000, v15  }
0x2d4: {  	v44 =	vld [tilespmem:s14+$0x21D0];
	v39 =	vshll.u32 v33, $0x10;
	v9 =	vadd.f32 v26, v9;
	v10 =	vadd.f32 v15, v10  }
0x2d5: {  	v52 =	vld [tilespmem:s14+$0x1A0];
	[tilespmem:s24+$0x9370] =	vst v2;
	v15 =	vadd.f32 v39, v17;
	v11 =	vmax.f32 v11, $0.0e+00;
	v34 =	vshll.u32 v30, $0x10  }
0x2d6: {  	v58 =	vld [tilespmem:s14+$0x20F0];
	[tilespmem:s14+$0x9290] =	vst v11;
	v16 =	vadd.f32 v34, v18;
	v18 =	vadd.f32 v32, v31;
	v9 =	vmax.f32 v9, $0.0e+00  }
0x2d7: {  	v19 =	vld [tilespmem:s14+$0x10];
	v36 =	vand.u32 $0xFFFF0000, v30;
	v37 =	vshll.u32 v14, $0x10;
	v10 =	vmax.f32 v10, $0.0e+00;
	[tilespmem:s14+$0x9200] =	vst v9  }
0x2d8: {  	v12 =	vadd.f32 v36, v12;
	v9 =	vmax.f32 v15, $0.0e+00;
	[tilespmem:s14+$0x9210] =	vst v10;
	v17 =	vadd.f32 v37, v18;
	v18 =	vld [tilespmem:s14+$0x2060]  }
0x2d9: {  	v29 =	vshll.u32 v44, $0x10;
	v13 =	vadd.f32 v13, v21;
	v16 =	vmax.f32 v16, $0.0e+00;
	[tilespmem:s14+$0x9280] =	vst v9;
	v11 =	vld [tilespmem:s0+$0x8210]  }
0x2da: {  	v22 =	vand.u32 $0xFFFF0000, v41;
	v14 =	vand.u32 $0xFFFF0000, v14;
	v12 =	vmax.f32 v12, $0.0e+00;
	[tilespmem:s14+$0x9320] =	vst v16;
	v16 =	vld [tilespmem:s14+$0x2160]  }
0x2db: {  	v2 =	vand.u32 $0xFFFF0000, v52;
	v63 =	vshll.u32 v58, $0x10;
	[tilespmem:s14+$0x9330] =	vst v12;
	v12 =	vadd.f32 v14, v13;
	v14 =	vld [tilespmem:s14+$0x20D0]  }
0x2dc: {  	v28 =	vshll.u32 v35, $0x10;
	v20 =	vand.u32 $0xFFFF0000, v35;
	v21 =	vand.u32 $0xFFFF0000, v38;
	v45 =	vld [tilespmem:s5+$0x8250]  }
0x2dd: {  	v26 =	vand.u32 $0xFFFF0000, v44;
	v10 =	vshll.u32 v19, $0x10;
	v9 =	vshll.u32 v38, $0x10;
	v13 =	vld [tilespmem:s25+$0x8220]  }
0x2de: {  	v15 =	vmax.f32 v17, $0.0e+00;
	v17 =	vand.u32 $0xFFFF0000, v19;
	v12 =	vmax.f32 v12, $0.0e+00  }
0x2df: {  	v47 =	vshll.u32 v11, $0x10;
	v11 =	vand.u32 $0xFFFF0000, v11;
	v60 =	vshll.u32 v18, $0x10  }
0x2e0: {  	v18 =	vand.u32 $0xFFFF0000, v18;
	v43 =	vshll.u32 v16, $0x10;
	v16 =	vand.u32 $0xFFFF0000, v16  }
0x2e1: {  	[tilespmem:s14+$0x9390] =	vst v12;
	v12 =	vshll.u32 v14, $0x10;
	v14 =	vand.u32 $0xFFFF0000, v14;
	v9 =	vadd.f32 v43, v9  }
0x2e2: {  	[tilespmem:s14+$0x9380] =	vst v15;
	v50 =	vshll.u32 v45, $0x10;
	v15 =	vshll.u32 v13, $0x10;
	v16 =	vadd.f32 v16, v21  }
0x2e3: {  	v13 =	vand.u32 $0xFFFF0000, v13;
	v12 =	vadd.f32 v12, v28;
	v9 =	vadd.f32 v15, v9  }
0x2e4: {  	v25 =	vand.u32 $0xFFFF0000, v45;
	v14 =	vadd.f32 v14, v20;
	v15 =	vld [tilespmem:s2+$0x8250];
	v13 =	vadd.f32 v13, v16  }
0x2e5: {  	v40 =	vld [tilespmem:s14+$0x20];
	v16 =	vshll.u32 v41, $0x10;
	v12 =	vadd.f32 v50, v12;
	v9 =	vmax.f32 v9, $0.0e+00  }
0x2e6: {  	v13 =	vmax.f32 v13, $0.0e+00;
	[tilespmem:s14+$0x9340] =	vst v9;
	v9 =	vadd.f32 v42, v10;
	v10 =	vadd.f32 v27, v17;
	v17 =	vld [tilespmem:s14+$0x2170]  }
0x2e7: {  	v49 =	vld [tilespmem:s14+$0x20E0];
	v14 =	vadd.f32 v25, v14;
	v12 =	vmax.f32 v12, $0.0e+00;
	[tilespmem:s14+$0x9350] =	vst v13;
	v13 =	vadd.f32 v29, v16  }
0x2e8: {  	v16 =	vadd.f32 v26, v22;
	v26 =	vand.u32 $0xFFFF0000, v58;
	v48 =	vld [tilespmem:s25+$0x8230];
	v9 =	vadd.f32 v47, v9  }
0x2e9: {  	v19 =	vld [tilespmem:s14+$0xA0];
	v51 =	vshll.u32 v15, $0x10;
	v10 =	vadd.f32 v11, v10;
	v11 =	vand.u32 $0xFFFF0000, v15  }
0x2ea: {  	[tilespmem:s24+$0x9360] =	vst v4;
	v13 =	vadd.f32 v51, v13;
	v11 =	vadd.f32 v11, v16;
	v9 =	vmax.f32 v9, $0.0e+00  }
0x2eb: {  	v15 =	vld [tilespmem:s14+$0x21E0];
	v10 =	vmax.f32 v10, $0.0e+00;
	v54 =	vand.u32 $0xFFFF0000, v17;
	[tilespmem:s14+$0x9220] =	vst v9;
	v9 =	vmax.f32 v14, $0.0e+00  }
0x2ec: {  	v55 =	vld [tilespmem:s14+$0x30];
	v13 =	vmax.f32 v13, $0.0e+00;
	v11 =	vmax.f32 v11, $0.0e+00;
	[tilespmem:s14+$0x9230] =	vst v10;
	v10 =	vshll.u32 v40, $0x10  }
0x2ed: {  	[tilespmem:s14+$0x92A0] =	vst v12;
	v14 =	vand.u32 $0xFFFF0000, v40;
	v23 =	vadd.f32 v54, v53;
	v57 =	vand.u32 $0xFFFF0000, v48;
	v12 =	vld [tilespmem:s0+$0x8220]  }
0x2ee: {  	v16 =	vld [tilespmem:s14+$0xB0];
	[tilespmem:s14+$0x92B0] =	vst v9;
	v9 =	vshll.u32 v19, $0x10;
	v14 =	vadd.f32 v18, v14;
	v18 =	vshll.u32 v49, $0x10  }
0x2ef: {  	[tilespmem:s14+$0x93A0] =	vst v13;
	v13 =	vand.u32 $0xFFFF0000, v19;
	v19 =	vand.u32 $0xFFFF0000, v49;
	v9 =	vadd.f32 v18, v9;
	v18 =	vld [tilespmem:s5+$0x8260]  }
0x2f0: {  	[tilespmem:s14+$0x93B0] =	vst v11;
	v11 =	vshll.u32 v52, $0x10;
	v13 =	vadd.f32 v19, v13;
	v19 =	vshll.u32 v15, $0x10  }
0x2f1: {  	[tilespmem:s24+$0x9260] =	vst v5;
	v10 =	vadd.f32 v60, v10;
	v15 =	vand.u32 $0xFFFF0000, v15;
	v11 =	vadd.f32 v19, v11;
	v19 =	vld [tilespmem:s2+$0x8260]  }
0x2f2: {  	[tilespmem:s24+$0x9270] =	vst v7;
	v23 =	vadd.f32 v57, v23;
	v2 =	vadd.f32 v15, v2;
	v4 =	vshll.u32 v12, $0x10  }
0x2f3: {  	[tilespmem:s24+$0x93E0] =	vst v3;
	v15 =	vand.u32 $0xFFFF0000, v55;
	v12 =	vand.u32 $0xFFFF0000, v12;
	v4 =	vadd.f32 v4, v10  }
0x2f4: {  	v56 =	vld [tilespmem:s14+$0x2070];
	[tilespmem:s24+$0x92E0] =	vst v8;
	v62 =	vand.u32 $0xFFFF0000, v16;
	v5 =	vadd.f32 v12, v14;
	v7 =	vshll.u32 v18, $0x10  }
0x2f5: {  	v59 =	vld [tilespmem:s14+$0x1B0];
	[tilespmem:s24+$0x92F0] =	vst v6;
	v10 =	vand.u32 $0xFFFF0000, v18;
	v7 =	vadd.f32 v7, v9;
	v4 =	vmax.f32 v4, $0.0e+00  }
0x2f6: {  	v61 =	vld [tilespmem:s14+$0x21F0];
	v8 =	vadd.f32 v10, v13;
	v6 =	vshll.u32 v19, $0x10;
	v5 =	vmax.f32 v5, $0.0e+00;
	[tilespmem:s14+$0x9240] =	vst v4  }
0x2f7: {  	v9 =	vand.u32 $0xFFFF0000, v19;
	v6 =	vadd.f32 v6, v11;
	v4 =	vmax.f32 v7, $0.0e+00;
	[tilespmem:s14+$0x9250] =	vst v5  }
0x2f8: {  	v23 =	vmax.f32 v23, $0.0e+00;
	v2 =	vadd.f32 v9, v2;
	v7 =	vmax.f32 v8, $0.0e+00;
	[tilespmem:s14+$0x92C0] =	vst v4  }
0x2f9: {  	v12 =	vshll.u32 v55, $0x10;
	v18 =	vand.u32 $0xFFFF0000, v56;
	v3 =	vld [tilespmem:s0+$0x8230];
	v6 =	vmax.f32 v6, $0.0e+00;
	[tilespmem:s14+$0x92D0] =	vst v7  }
0x2fa: {  	v14 =	vshll.u32 v59, $0x10;
	v19 =	vshll.u32 v16, $0x10;
	v2 =	vmax.f32 v2, $0.0e+00;
	[tilespmem:s14+$0x93C0] =	vst v6  }
0x2fb: {  	v13 =	vshll.u32 v17, $0x10;
	v16 =	vshll.u32 v61, $0x10;
	v5 =	vshll.u32 v56, $0x10;
	v7 =	vld [tilespmem:s5+$0x8270];
	[tilespmem:s14+$0x93D0] =	vst v2  }
0x2fc: {  	v10 =	vand.u32 $0xFFFF0000, v61;
	v11 =	vshll.u32 v46, $0x10;
	v9 =	vadd.f32 v5, v12;
	v4 =	vld [tilespmem:s2+$0x8270]  }
0x2fd: {  	v8 =	vand.u32 $0xFFFF0000, v59;
	v5 =	vadd.f32 v63, v19;
	v6 =	vadd.f32 v18, v15  }
0x2fe: {  	s6 =	simm.s32 $0x4000;
	[tilespmem:s14+$0x9370] =	vst v23;
	s0 =	simm.s32 $0x4;
	v15 =	vshll.u32 v48, $0x10;
	v2 =	vadd.f32 v26, v62;
	s2 =	simm.s32 $0x1000;
	v12 =	vshll.u32 v3, $0x10  }
.LBB2_11:
0x2ff: {  	s13 =	sshra.s32 s2, $0x2;
	s5 =	sadd.s32 $0x1000, s6;
	s17 =	sadd.s32 $0x600, s2;
	v3 =	vand.u32 $0xFFFF0000, v3;
	v11 =	vadd.f32 v13, v11;
	v13 =	vadd.f32 v16, v14  }
0x300: {  	s12 =	sand.u32 $0x2000, s6;
	v16 =	vshll.u32 v7, $0x10;
	v7 =	vand.u32 $0xFFFF0000, v7;
	v8 =	vadd.f32 v10, v8;
	s19 =	sadd.s32 $0x40, s19;
	s5 =	sand.u32 $0x3000, s5;
	v14 =	vld [tilespmem:s13+$0x100]  }
0x301: {  	s22 =	sand.u32 $0x380, s19;
	s18 =	sshrl.u32 s12, $0x2;
	v10 =	vld [tilespmem:s13+$0x2140];
	s5 =	sshrl.u32 s5, $0x2;
	v11 =	vadd.f32 v15, v11;
	v15 =	vshll.u32 v4, $0x10;
	v4 =	vand.u32 $0xFFFF0000, v4  }
0x302: {  	s0 =	sadd.s32 $0x4, s0;
	v9 =	vadd.f32 v12, v9;
	v1 =	vmax.f32 v1, $0.0e+00;
	s17 =	sand.u32 $0xC00, s17;
	v3 =	vadd.f32 v3, v6;
	v17 =	vld [tilespmem:s13+$0x0];
	s12 =	sor.u32 s22, s5  }
0x303: {  	p1 =	slt.u32 s0, $0x3C;
	v5 =	vadd.f32 v16, v5;
	v2 =	vadd.f32 v7, v2;
	s5 =	sor.u32 s22, s18;
	s18 =	sand.u32 $0x800, s2;
	v6 =	vld [tilespmem:s12+$0x8200];
	v7 =	vmax.f32 v11, $0.0e+00;
	[tilespmem:s24+$0x93F0] =	vst v1  }
0x304: {  	s23 =	sor.u32 s22, s17;
	v9 =	vmax.f32 v9, $0.0e+00;
	s18 =	sor.u32 s22, s18;
	v1 =	vadd.f32 v4, v8;
	s24 =	smov.u32 s14;
	v11 =	vld [tilespmem:s13+$0x2040];
	[tilespmem:s14+$0x9360] =	vst v7;
	v7 =	vadd.f32 v15, v13  }
0x305: {  	v3 =	vmax.f32 v3, $0.0e+00;
	v5 =	vmax.f32 v5, $0.0e+00;
	v2 =	vmax.f32 v2, $0.0e+00;
	s14 =	smov.u32 s13;
	v4 =	vld [tilespmem:s13+$0x80];
	[tilespmem:s24+$0x9260] =	vst v9  }
0x306: {  	v9 =	vshll.u32 v14, $0x10;
	v8 =	vld [tilespmem:s14+$0x20C0];
	v12 =	vshll.u32 v10, $0x10;
	[tilespmem:s24+$0x9270] =	vst v3;
	v3 =	vmax.f32 v7, $0.0e+00  }
0x307: {  	v7 =	vand.u32 $0xFFFF0000, v14;
	v10 =	vand.u32 $0xFFFF0000, v10;
	v9 =	vadd.f32 v12, v9;
	v12 =	vld [tilespmem:s14+$0x180];
	[tilespmem:s24+$0x92E0] =	vst v5  }
0x308: {  	v5 =	vshll.u32 v17, $0x10;
	v7 =	vadd.f32 v10, v7;
	v13 =	vshll.u32 v6, $0x10;
	v10 =	vld [tilespmem:s14+$0x21C0];
	[tilespmem:s24+$0x92F0] =	vst v2  }
0x309: {  	v2 =	vand.u32 $0xFFFF0000, v17;
	v6 =	vand.u32 $0xFFFF0000, v6;
	v14 =	vld [tilespmem:s5+$0x8200];
	v9 =	vadd.f32 v13, v9;
	[tilespmem:s24+$0x93E0] =	vst v3  }
0x30a: {  	v3 =	vshll.u32 v11, $0x10;
	v11 =	vand.u32 $0xFFFF0000, v11;
	v6 =	vadd.f32 v6, v7;
	v7 =	vld [tilespmem:s23+$0x8240]  }
0x30b: {  	v13 =	vshll.u32 v4, $0x10;
	v4 =	vand.u32 $0xFFFF0000, v4;
	v9 =	vmax.f32 v9, $0.0e+00;
	v15 =	vld [tilespmem:s14+$0x110]  }
0x30c: {  	v16 =	vshll.u32 v8, $0x10;
	v8 =	vand.u32 $0xFFFF0000, v8;
	v6 =	vmax.f32 v6, $0.0e+00;
	[tilespmem:s14+$0x9300] =	vst v9;
	v9 =	vld [tilespmem:s14+$0x2150]  }
0x30d: {  	v17 =	vld [tilespmem:s18+$0x8240];
	[tilespmem:s14+$0x9310] =	vst v6;
	v6 =	vshll.u32 v12, $0x10;
	v12 =	vand.u32 $0xFFFF0000, v12;
	v18 =	vshll.u32 v10, $0x10  }
0x30e: {  	v3 =	vadd.f32 v3, v5;
	v2 =	vadd.f32 v11, v2;
	v10 =	vand.u32 $0xFFFF0000, v10;
	v5 =	vld [tilespmem:s12+$0x8210]  }
0x30f: {  	v13 =	vadd.f32 v16, v13;
	v4 =	vadd.f32 v8, v4;
	v11 =	vshll.u32 v14, $0x10;
	v19 =	vld [tilespmem:s14+$0x10]  }
0x310: {  	v8 =	vand.u32 $0xFFFF0000, v14;
	v6 =	vadd.f32 v18, v6;
	v10 =	vadd.f32 v10, v12;
	v14 =	vld [tilespmem:s14+$0x2050]  }
0x311: {  	v20 =	vshll.u32 v7, $0x10;
	v16 =	vshll.u32 v15, $0x10;
	v12 =	vld [tilespmem:s14+$0x90];
	v18 =	vshll.u32 v9, $0x10  }
0x312: {  	v15 =	vand.u32 $0xFFFF0000, v15;
	v9 =	vand.u32 $0xFFFF0000, v9;
	v21 =	vld [tilespmem:s14+$0x20D0];
	v16 =	vadd.f32 v18, v16  }
0x313: {  	v7 =	vand.u32 $0xFFFF0000, v7;
	v9 =	vadd.f32 v9, v15;
	v18 =	vshll.u32 v5, $0x10;
	v15 =	vld [tilespmem:s14+$0x190]  }
0x314: {  	v22 =	vshll.u32 v17, $0x10;
	v5 =	vand.u32 $0xFFFF0000, v5;
	v16 =	vadd.f32 v18, v16;
	v18 =	vld [tilespmem:s14+$0x21D0]  }
0x315: {  	v3 =	vadd.f32 v11, v3;
	v17 =	vand.u32 $0xFFFF0000, v17;
	v5 =	vadd.f32 v5, v9;
	v11 =	vld [tilespmem:s14+$0x20]  }
0x316: {  	v2 =	vadd.f32 v8, v2;
	v8 =	vadd.f32 v22, v13;
	v9 =	vmax.f32 v16, $0.0e+00;
	v13 =	vld [tilespmem:s14+$0x120]  }
0x317: {  	v6 =	vadd.f32 v20, v6;
	v4 =	vadd.f32 v17, v4;
	v5 =	vmax.f32 v5, $0.0e+00;
	[tilespmem:s14+$0x9320] =	vst v9;
	v9 =	vld [tilespmem:s14+$0x2160]  }
0x318: {  	v3 =	vmax.f32 v3, $0.0e+00;
	v2 =	vmax.f32 v2, $0.0e+00;
	v16 =	vld [tilespmem:s14+$0x2060];
	[tilespmem:s14+$0x9330] =	vst v5;
	v5 =	vadd.f32 v7, v10  }
0x319: {  	v6 =	vmax.f32 v6, $0.0e+00;
	v4 =	vmax.f32 v4, $0.0e+00;
	[tilespmem:s14+$0x9200] =	vst v3;
	v3 =	vmax.f32 v8, $0.0e+00;
	v7 =	vld [tilespmem:s12+$0x8220]  }
0x31a: {  	v10 =	vand.u32 $0xFFFF0000, v19;
	v8 =	vshll.u32 v19, $0x10;
	[tilespmem:s14+$0x9210] =	vst v2;
	v17 =	vld [tilespmem:s14+$0xA0];
	v2 =	vmax.f32 v5, $0.0e+00  }
0x31b: {  	v5 =	vshll.u32 v14, $0x10;
	v14 =	vand.u32 $0xFFFF0000, v14;
	v19 =	vld [tilespmem:s5+$0x8210];
	[tilespmem:s14+$0x9280] =	vst v3;
	v3 =	vshll.u32 v12, $0x10  }
0x31c: {  	v20 =	vshll.u32 v13, $0x10;
	[tilespmem:s14+$0x9290] =	vst v4;
	v4 =	vand.u32 $0xFFFF0000, v12;
	v12 =	vld [tilespmem:s14+$0x20E0];
	v22 =	vshll.u32 v9, $0x10  }
0x31d: {  	v13 =	vand.u32 $0xFFFF0000, v13;
	v9 =	vand.u32 $0xFFFF0000, v9;
	v23 =	vld [tilespmem:s18+$0x8250];
	v20 =	vadd.f32 v22, v20;
	[tilespmem:s14+$0x9380] =	vst v6  }
0x31e: {  	v6 =	vshll.u32 v21, $0x10;
	v9 =	vadd.f32 v9, v13;
	v22 =	vshll.u32 v7, $0x10;
	[tilespmem:s14+$0x9390] =	vst v2;
	v13 =	vld [tilespmem:s14+$0x1A0]  }
0x31f: {  	v21 =	vand.u32 $0xFFFF0000, v21;
	v2 =	vand.u32 $0xFFFF0000, v7;
	v7 =	vadd.f32 v22, v20;
	v20 =	vld [tilespmem:s23+$0x8250]  }
0x320: {  	v9 =	vadd.f32 v2, v9;
	v22 =	vshll.u32 v15, $0x10;
	v15 =	vand.u32 $0xFFFF0000, v15;
	v24 =	vld [tilespmem:s14+$0x21E0]  }
0x321: {  	v25 =	vshll.u32 v18, $0x10;
	v18 =	vand.u32 $0xFFFF0000, v18;
	v7 =	vmax.f32 v7, $0.0e+00;
	v2 =	vld [tilespmem:s14+$0x130]  }
0x322: {  	v5 =	vadd.f32 v5, v8;
	v8 =	vadd.f32 v14, v10;
	[tilespmem:s14+$0x9340] =	vst v7;
	v7 =	vmax.f32 v9, $0.0e+00;
	v9 =	vld [tilespmem:s14+$0x2170]  }
0x323: {  	v3 =	vadd.f32 v6, v3;
	v4 =	vadd.f32 v21, v4;
	v10 =	vshll.u32 v19, $0x10;
	v14 =	vld [tilespmem:s14+$0x30];
	[tilespmem:s14+$0x9350] =	vst v7  }
0x324: {  	v6 =	vand.u32 $0xFFFF0000, v19;
	v15 =	vadd.f32 v18, v15;
	v7 =	vadd.f32 v25, v22;
	v19 =	vld [tilespmem:s12+$0x8230]  }
0x325: {  	v21 =	vshll.u32 v23, $0x10;
	v22 =	vand.u32 $0xFFFF0000, v23;
	v23 =	vshll.u32 v20, $0x10;
	v18 =	vld [tilespmem:s14+$0x2070]  }
0x326: {  	v5 =	vadd.f32 v10, v5;
	v6 =	vadd.f32 v6, v8;
	v10 =	vand.u32 $0xFFFF0000, v20;
	v8 =	vld [tilespmem:s14+$0xB0]  }
0x327: {  	v3 =	vadd.f32 v21, v3;
	v21 =	vand.u32 $0xFFFF0000, v2;
	v20 =	vld [tilespmem:s14+$0x20F0];
	v25 =	vand.u32 $0xFFFF0000, v9  }
0x328: {  	v5 =	vmax.f32 v5, $0.0e+00;
	v4 =	vadd.f32 v22, v4;
	v21 =	vadd.f32 v25, v21;
	v22 =	vld [tilespmem:s14+$0x1B0]  }
0x329: {  	v7 =	vadd.f32 v23, v7;
	v10 =	vadd.f32 v10, v15;
	[tilespmem:s14+$0x9220] =	vst v5;
	v5 =	vand.u32 $0xFFFF0000, v19;
	v15 =	vld [tilespmem:s14+$0x21F0]  }
0x32a: {  	v6 =	vmax.f32 v6, $0.0e+00;
	v3 =	vmax.f32 v3, $0.0e+00;
	v5 =	vadd.f32 v5, v21  }
0x32b: {  	v4 =	vmax.f32 v4, $0.0e+00;
	[tilespmem:s14+$0x9230] =	vst v6;
	v6 =	vmax.f32 v7, $0.0e+00;
	v7 =	vmax.f32 v10, $0.0e+00  }
0x32c: {  	v10 =	vshll.u32 v11, $0x10;
	v11 =	vand.u32 $0xFFFF0000, v11;
	v21 =	vld [tilespmem:s5+$0x8220];
	[tilespmem:s14+$0x92A0] =	vst v3;
	v3 =	vmax.f32 v5, $0.0e+00  }
0x32d: {  	v23 =	vshll.u32 v17, $0x10;
	v5 =	vshll.u32 v16, $0x10;
	v16 =	vand.u32 $0xFFFF0000, v16;
	[tilespmem:s14+$0x9370] =	vst v3  }
0x32e: {  	v3 =	vand.u32 $0xFFFF0000, v17;
	[tilespmem:s14+$0x92B0] =	vst v4;
	v4 =	vshll.u32 v12, $0x10;
	v12 =	vand.u32 $0xFFFF0000, v12  }
0x32f: {  	v25 =	vshll.u32 v24, $0x10;
	v17 =	vld [tilespmem:s18+$0x8260];
	[tilespmem:s14+$0x93A0] =	vst v6;
	v6 =	vshll.u32 v13, $0x10;
	v13 =	vand.u32 $0xFFFF0000, v13  }
0x330: {  	v5 =	vadd.f32 v5, v10;
	v10 =	vadd.f32 v16, v11;
	[tilespmem:s14+$0x93B0] =	vst v7;
	v7 =	vand.u32 $0xFFFF0000, v24  }
0x331: {  	v4 =	vadd.f32 v4, v23;
	v3 =	vadd.f32 v12, v3;
	v11 =	vshll.u32 v21, $0x10;
	v12 =	vld [tilespmem:s23+$0x8260]  }
0x332: {  	v6 =	vadd.f32 v25, v6;
	v16 =	vand.u32 $0xFFFF0000, v21;
	v7 =	vadd.f32 v7, v13  }
0x333: {  	v21 =	vshll.u32 v14, $0x10;
	v5 =	vadd.f32 v11, v5;
	v10 =	vadd.f32 v16, v10  }
0x334: {  	v23 =	vand.u32 $0xFFFF0000, v14;
	v11 =	vshll.u32 v17, $0x10;
	v13 =	vand.u32 $0xFFFF0000, v17  }
0x335: {  	v5 =	vmax.f32 v5, $0.0e+00;
	v4 =	vadd.f32 v11, v4;
	v11 =	vadd.f32 v13, v3  }
0x336: {  	v3 =	vmax.f32 v10, $0.0e+00;
	[tilespmem:s14+$0x9240] =	vst v5;
	v5 =	vshll.u32 v12, $0x10;
	v10 =	vand.u32 $0xFFFF0000, v12  }
0x337: {  	[tilespmem:s14+$0x9250] =	vst v3;
	v4 =	vmax.f32 v4, $0.0e+00;
	v5 =	vadd.f32 v5, v6;
	v6 =	vadd.f32 v10, v7  }
0x338: {  	v17 =	vand.u32 $0xFFFF0000, v18;
	v12 =	vshll.u32 v18, $0x10;
	v3 =	vld [tilespmem:s5+$0x8230];
	[tilespmem:s14+$0x92C0] =	vst v4;
	v4 =	vmax.f32 v11, $0.0e+00  }
0x339: {  	v18 =	vshll.u32 v8, $0x10;
	[tilespmem:s14+$0x92D0] =	vst v4;
	v4 =	vmax.f32 v5, $0.0e+00;
	v5 =	vmax.f32 v6, $0.0e+00  }
.Ltmp7:
0x33a: {  	v24 =	vand.u32 $0xFFFF0000, v8;
	v25 =	vshll.u32 v20, $0x10;
	v20 =	vand.u32 $0xFFFF0000, v20;
	v7 =	vld [tilespmem:s18+$0x8270];
	[tilespmem:s14+$0x93C0] =	vst v4;
	(pc) =	sbr.rel @p1 .LBB2_11-.Ltmp7, $4  }
0x33b: {  	v14 =	vshll.u32 v22, $0x10;
	v13 =	vshll.u32 v9, $0x10;
	v11 =	vshll.u32 v2, $0x10;
	[tilespmem:s14+$0x93D0] =	vst v5  }
0x33c: {  	v16 =	vshll.u32 v15, $0x10;
	v8 =	vand.u32 $0xFFFF0000, v22;
	v10 =	vand.u32 $0xFFFF0000, v15;
	v4 =	vld [tilespmem:s23+$0x8270]  }
0x33d: {  	v9 =	vadd.f32 v12, v21;
	v15 =	vshll.u32 v19, $0x10;
	v6 =	vadd.f32 v17, v23  }
0x33e: {  	s6 =	sadd.s32 $0x2000, s6;
	s2 =	sadd.s32 $0x800, s2;
	v2 =	vadd.f32 v20, v24;
	v5 =	vadd.f32 v25, v18;
	v12 =	vshll.u32 v3, $0x10  }
0x33f: {  	v11 =	vadd.f32 v13, v11  }
0x340: {  	v3 =	vand.u32 $0xFFFF0000, v3;
	v57 =	vadd.f32 v16, v14;
	v9 =	vadd.f32 v12, v9  }
0x341: {  	v58 =	vshll.u32 v7, $0x10;
	v1 =	vmax.f32 v1, $0.0e+00;
	v3 =	vadd.f32 v3, v6  }
0x342: {  	v59 =	vand.u32 $0xFFFF0000, v7;
	[tilespmem:s24+$0x93F0] =	vst v1;
	v5 =	vadd.f32 v58, v5;
	v61 =	vmax.f32 v9, $0.0e+00  }
0x343: {  	v1 =	vadd.f32 v10, v8;
	v2 =	vadd.f32 v59, v2;
	[tilespmem:s14+$0x9260] =	vst v61;
	v3 =	vmax.f32 v3, $0.0e+00  }
0x344: {  	v11 =	vadd.f32 v15, v11;
	v62 =	vshll.u32 v4, $0x10;
	v5 =	vmax.f32 v5, $0.0e+00;
	[tilespmem:s14+$0x9270] =	vst v3  }
0x345: {  	v63 =	vand.u32 $0xFFFF0000, v4;
	v6 =	vadd.f32 v62, v57;
	v2 =	vmax.f32 v2, $0.0e+00;
	[tilespmem:s14+$0x92E0] =	vst v5  }
0x346: {  	v1 =	vadd.f32 v63, v1;
	v60 =	vmax.f32 v11, $0.0e+00;
	[tilespmem:s14+$0x92F0] =	vst v2  }
0x347: {  	[tilespmem:s14+$0x9360] =	vst v60;
	v3 =	vmax.f32 v6, $0.0e+00  }
0x348: {  	v1 =	vmax.f32 v1, $0.0e+00;
	[tilespmem:s14+$0x93E0] =	vst v3  }
.Ltmp8:
0x349: {  	[tilespmem:s14+$0x93F0] =	vst v1;
	(pc) =	sbr.rel .LBB2_13-.Ltmp8, $4  }
0x34a: {  	[spmem:s4] =	stream.indirect.scatter.add.f32 [tilespmem:s30], [sflag:$0x6], $0x80, s15, s7, $0xb8;
	[tilespmem:$0x1EE80] =	vst v63  }
0x34b: {  	_ =	swait.ge [sflag:s31], $0x2000  }
0x34c: {  	[sflag:s31] =	ssyncset.done $0x0  }
0x34d: {  	s6 =	rddreg [dreg:$0x1a];
	[sflag:s31] =	ssyncadd.s32 $0xFFFFE000  }
.LBB2_14:
0x34e: {  	_ =	sfence.sel $0x180000  }
0x34f: {  	[bflag:$0x0] =	sbarrier.arrive $0xFFFF  }
0x350: {  	_ =	strace $0x90000047  }
0x351: {  	s0 =	stileid.u32;
	[bflag:$0x2] =	sbarrier.arrive $0xFFFF  }
0x352: {  	p0 =	sne.s32 s0, $0x0;
	s0 =	rddreg [dreg:$0x4]  }
0x353: {  	s0 =	sadd.s32 @!p0 $0x100000, s0  }
0x354: {  	[sflag:s0] =	ssyncadd.tile.s32 @!p0 $0x1;
	_ =	shalt  }
.Lfunc_end2:
_tile_overlayer_lowered:
.L_overlay_start_2:
0x355: {  	(tag) =	ssettag $0x2  }
0x356: {  	s0 =	rddreg [dreg:$0x0];
	s2 =	stileid.u32  }
0x357: {  	s1 =	rddreg [dreg:$0x1];
	p0 =	sne.s32 s2, $0x0  }
0x358: {  	s3 =	rddreg [dreg:$0x2];
	[bflag:$0x3] =	sbarrier.arrive $0xFFFF;
	s2 =	simm.s32 @!p0 $0x1C06  }
0x359: {  	[timem:s3], [sflag:s2] =	dma.local @!p0 [hbm:s0], s1  }
0x35a: {  	s0 =	simm.s32 @!p0 $0x6  }
0x35b: {  	_ =	swait.ge @!p0 [sflag:s0], s1  }
0x35c: {  	s1 =	ssub.s32 @!p0 $0x0, s1;
	[sflag:s0] =	ssyncset.done @!p0 $0x0  }
0x35d: {  	[sflag:s0] =	ssyncadd.s32 @!p0 s1  }
0x35e: {  	[bflag:$0x3] =	sbarrier.arrive $0xFFFF  }
0x35f: {  	_ =	shalt  }

</sc_bundles>
